<compile_context>
chip_gen: v7x
topology: tpu7x:2x2x1
jax: 0.10.2.dev20260603
libtpu: 0.0.44.dev20260713+nightly
codegen_flags: <defaults>
</compile_context>

<pallas_src>
import functools

import jax
import jax.numpy as jnp
from jax import lax
from jax.experimental import pallas as pl
from jax.experimental.pallas import tpu as pltpu
from jax.experimental.pallas import tpu_sc as plsc

NC = 2
NS = 16
NW = NC * NS
LANES = 16
KP = 16
CH = 2048
G = 128
NG = CH // G


def _project_table(emb_table, fc_wp):
    V, D = emb_table.shape
    grid = 1
    for cand in (8, 4, 2):
        if (V // 8) % cand == 0:
            grid = cand
            break
    rows = V // 8 // grid
    e8 = emb_table.astype(jnp.bfloat16).reshape(grid, rows, 8 * D)
    wb = jnp.kron(jnp.eye(8, dtype=jnp.float32), fc_wp).astype(jnp.bfloat16)

    def mm_body(x_ref, w_ref, o_ref):
        y = jnp.dot(x_ref[0], w_ref[...], preferred_element_type=jnp.float32)
        o_ref[...] = y.reshape(1, rows, 8 * KP)

    p3 = pl.pallas_call(
        mm_body,
        grid=(grid,),
        in_specs=[
            pl.BlockSpec((1, rows, 8 * D), lambda i: (i, 0, 0)),
            pl.BlockSpec((8 * D, 8 * KP), lambda i: (0, 0)),
        ],
        out_specs=pl.BlockSpec((1, rows, 8 * KP), lambda i: (i, 0, 0)),
        out_shape=jax.ShapeDtypeStruct((grid, rows, 8 * KP), jnp.float32),
    )(e8, wb)
    return p3.reshape(V, KP)


def _bag_body(bpw, offw, n_tok, text_hbm, offs_hbm, p_hbm, bias_hbm, out_hbm,
              off_v, idx0, idx1, rows0, rows1, out_v, bias_v, sem_a, sem_b):
    wid = lax.axis_index("s") * NC + lax.axis_index("c")
    base_bag = wid * bpw
    pltpu.sync_copy(offs_hbm.at[pl.ds(base_bag, offw)], off_v)
    pltpu.sync_copy(bias_hbm, bias_v)
    bias = bias_v[...]
    zero = jnp.zeros((LANES,), jnp.float32)

    s0 = off_v[pl.ds(0, LANES)][0]
    s1 = off_v[pl.ds(bpw, LANES)][0]
    a = jnp.bitwise_and(s0, jnp.int32(-8))
    nch = (s1 - a + (CH - 1)) // CH
    nch2 = ((nch + 1) // 2) * 2

    nvec = offw // LANES
    lane_iota = lax.iota(jnp.int32, LANES)

    def count_le(hi):
        m = jnp.int32(0)
        for k in range(nvec):
            valid = bpw + 1 - k * LANES
            if valid <= 0:
                break
            vk = off_v[pl.ds(k * LANES, LANES)]
            sel = (vk <= hi) & (lane_iota < valid)
            m = m + plsc.all_reduce_population_count(sel)[0]
        return m

    def chunk_start(j):
        c0 = jnp.minimum(a + j * CH, n_tok - CH)
        return pl.multiple_of(c0, 8)

    def prefetch(j, idx_b, rows_b, sem):
        c0 = chunk_start(j)
        pltpu.sync_copy(text_hbm.at[pl.ds(c0, CH)], idx_b)
        for g in range(NG):
            pltpu.async_copy(
                p_hbm.at[idx_b.at[pl.ds(g * G, G)]],
                rows_b.at[pl.ds(g * G, G)], sem)

    def drain(rows_b, sem):
        pltpu.make_async_copy(p_hbm.at[pl.ds(0, CH)], rows_b, sem).wait()

    def make_run_sum(rows_b):
        def run_sum(t0r, t1r, acc):
            n = jnp.maximum(t1r - t0r, 0)

            def tok8(i, st):
                a0, a1, a2, a3 = st
                b = t0r + i * 8
                a0 = a0 + rows_b[b, :]
                a1 = a1 + rows_b[b + 1, :]
                a2 = a2 + rows_b[b + 2, :]
                a3 = a3 + rows_b[b + 3, :]
                a0 = a0 + rows_b[b + 4, :]
                a1 = a1 + rows_b[b + 5, :]
                a2 = a2 + rows_b[b + 6, :]
                a3 = a3 + rows_b[b + 7, :]
                return a0, a1, a2, a3

            a0, a1, a2, a3 = lax.fori_loop(
                0, n // 8, tok8, (acc, zero, zero, zero))
            acc = (a0 + a1) + (a2 + a3)

            def tok1(i, a2_):
                return a2_ + rows_b[i, :]

            n8 = jnp.bitwise_and(n, jnp.int32(-8))
            return lax.fori_loop(t0r + n8, t1r, tok1, acc)

        return run_sum

    def process_chunk(j, rows_b, carry):
        t, lb, acc = carry
        run_sum = make_run_sum(rows_b)
        c0 = chunk_start(j)
        hi = jnp.minimum(c0 + CH, s1)
        nd = count_le(hi) - 1

        def bag_done(k, st):
            t, acc = st
            bv = off_v[pl.ds(k, LANES)]
            b_start, e_true = bv[0], bv[1]
            acc = run_sum(t - c0, e_true - c0, acc)
            cnt = (e_true - b_start).astype(jnp.float32)
            cnt_vec = jnp.full((LANES,), 1.0, jnp.float32) * cnt
            out_v[k, :] = acc / jnp.maximum(cnt_vec, 1.0) + bias
            return e_true, zero

        t, acc = lax.fori_loop(lb, nd, bag_done, (jnp.maximum(t, c0), acc))
        acc = run_sum(jnp.maximum(t, c0) - c0, hi - c0, acc)
        return hi, nd, acc

    prefetch(0, idx0, rows0, sem_a)

    def pair_body(jj, carry):
        j0 = 2 * jj
        prefetch(j0 + 1, idx1, rows1, sem_b)
        drain(rows0, sem_a)
        carry = process_chunk(j0, rows0, carry)
        prefetch(j0 + 2, idx0, rows0, sem_a)
        drain(rows1, sem_b)
        carry = process_chunk(j0 + 1, rows1, carry)
        return carry

    carry = lax.fori_loop(0, nch2 // 2, pair_body, (s0, jnp.int32(0), zero))
    drain(rows0, sem_a)
    lb = carry[1]

    def fill_empty(i, c):
        out_v[i, :] = bias
        return c

    lax.fori_loop(lb, bpw, fill_empty, jnp.int32(0))
    pltpu.sync_copy(out_v, out_hbm.at[pl.ds(base_bag, bpw)])


def _bag_pool(text, offs_ext, p_table, bias_pad, num_bags, n_tok):
    bpw = num_bags // NW
    offw = bpw + LANES
    mesh = plsc.VectorSubcoreMesh(
        core_axis_name="c", subcore_axis_name="s",
        num_cores=NC, num_subcores=NS)
    return pl.kernel(
        functools.partial(_bag_body, bpw, offw, n_tok),
        out_type=jax.ShapeDtypeStruct((num_bags, KP), jnp.float32),
        mesh=mesh,
        scratch_types=[
            pltpu.VMEM((offw,), jnp.int32),
            pltpu.VMEM((CH,), jnp.int32),
            pltpu.VMEM((CH,), jnp.int32),
            pltpu.VMEM((CH, KP), jnp.float32),
            pltpu.VMEM((CH, KP), jnp.float32),
            pltpu.VMEM((bpw, KP), jnp.float32),
            pltpu.VMEM((LANES,), jnp.float32),
            pltpu.SemaphoreType.DMA,
            pltpu.SemaphoreType.DMA,
        ],
        compiler_params=pltpu.CompilerParams(needs_layout_passes=False,
                                             use_tc_tiling_on_sc=False),
    )(text, offs_ext, p_table, bias_pad)


def kernel(text, offsets, emb_table, fc_w, fc_b):
    n_tokens = text.shape[0]
    num_bags = offsets.shape[0]
    k_classes = fc_w.shape[0]

    text = text.astype(jnp.int32)
    offsets = offsets.astype(jnp.int32)
    emb_table = emb_table.astype(jnp.float32)

    fc_wp = jnp.zeros((emb_table.shape[1], KP), jnp.float32)
    fc_wp = fc_wp.at[:, :k_classes].set(fc_w.astype(jnp.float32).T)
    bias_pad = jnp.zeros((KP,), jnp.float32)
    bias_pad = bias_pad.at[:k_classes].set(fc_b.astype(jnp.float32))

    p_table = _project_table(emb_table, fc_wp)

    bpw = num_bags // NW
    offs_ext = jnp.concatenate(
        [offsets, jnp.full((bpw + LANES,), n_tokens, jnp.int32)])

    out16 = _bag_pool(text, offs_ext, p_table, bias_pad, num_bags, n_tokens)
    return out16[:, :k_classes]

# --- scband reference (transcript-rebuilt; emitter-appended) ---
"""Pipeline reference for scband-module-77893526880714 (READ-ONLY COPY).

The authoritative reference and input builder live on the scoring server;
editing this copy changes nothing except your own understanding.
"""

import jax, jax.numpy as jnp
import numpy as np

VOCAB = 100000
EMBED_DIM = 64
BATCH = 4096
TOTAL_TOKENS = 819200
NUM_CLASSES = 5


def setup_inputs(seed: int = 0) -> dict:
    key = jax.random.key(seed)
    k1, k2, k3, k4, k5 = jax.random.split(key, 5)
    text = jax.random.randint(k1, (TOTAL_TOKENS,), 0, VOCAB)
    offsets = jnp.sort(jax.random.randint(k2, (BATCH,), 0, TOTAL_TOKENS))
    offsets = offsets.at[0].set(0)  # EmbeddingBag semantics: first bag starts at 0
    emb_table = jax.random.normal(k3, (VOCAB, EMBED_DIM), dtype=jnp.float32)
    fc_w = jax.random.normal(k4, (NUM_CLASSES, EMBED_DIM), dtype=jnp.float32) * 0.1
    fc_b = jax.random.normal(k5, (NUM_CLASSES,), dtype=jnp.float32) * 0.1
    return {"text": text, "offsets": offsets, "emb_table": emb_table, "fc_w": fc_w, "fc_b": fc_b}


def reference(text, offsets, emb_table, fc_w, fc_b):
    # nn.EmbeddingBag(mode='mean'): gather embeddings, mean-reduce per bag defined by offsets,
    # then nn.Linear(64, 5).
    N = text.shape[0]
    B = offsets.shape[0]
    # segment id of each flat token: index of the bag it belongs to
    seg = jnp.searchsorted(offsets, jnp.arange(N), side='right') - 1
    emb = jnp.take(emb_table, text, axis=0)  # [N, EMBED_DIM] gather
    sums = jax.ops.segment_sum(emb, seg, num_segments=B)  # [B, EMBED_DIM]
    counts = jax.ops.segment_sum(jnp.ones((N,), dtype=jnp.float32), seg, num_segments=B)
    means = sums / jnp.maximum(counts, 1.0)[:, None]  # empty bags -> zeros, matching torch
    return means @ fc_w.T + fc_b  # [B, 5]

if __name__ == "__main__":
    import jax
    _d = setup_inputs()
    print(jax.jit(kernel)(*tuple(_d.values())))

</pallas_src>

<mosaic_0001>
#map = affine_map<(d0, d1) -> (0)>
#map1 = affine_map<(d0, d1) -> (0, 0)>
module attributes {stable_mosaic.version = 14 : i64} {
  func.func @_bag_body(%arg0: i32, %arg1: i32, %arg2: memref<819200xi32, #tpu.memory_space<hbm>>, %arg3: memref<4240xi32, #tpu.memory_space<hbm>>, %arg4: memref<100000x16xf32, #tpu.memory_space<hbm>>, %arg5: memref<16xf32, #tpu.memory_space<hbm>>, %arg6: memref<4096x16xf32, #tpu.memory_space<hbm>>, %arg7: memref<144xi32, #tpu.memory_space<vmem>>, %arg8: memref<2048xi32, #tpu.memory_space<vmem>>, %arg9: memref<2048xi32, #tpu.memory_space<vmem>>, %arg10: memref<2048x16xf32, #tpu.memory_space<vmem>>, %arg11: memref<2048x16xf32, #tpu.memory_space<vmem>>, %arg12: memref<128x16xf32, #tpu.memory_space<vmem>>, %arg13: memref<16xf32, #tpu.memory_space<vmem>>, %arg14: memref<!tpu.dma_semaphore, #tpu.memory_space<semaphore_mem>>, %arg15: memref<!tpu.dma_semaphore, #tpu.memory_space<semaphore_mem>>) attributes {dimension_semantics = [#tpu.dimension_semantics<core_parallel>, #tpu.dimension_semantics<subcore_parallel>], iteration_bounds = array<i64: 2, 16>, scalar_prefetch = 0 : i64, scratch_operands = 9 : i64, tpu.core_type = #tpu.core_type<sc_vector_subcore>, window_params = [{transform_indices = #map}, {transform_indices = #map}, {transform_indices = #map1}, {transform_indices = #map}, {transform_indices = #map1}]} {
    %mul3A = arith.constant 2 : i32
    %mul3A_0 = arith.muli %arg1, %mul3A : i32
    %add3A = arith.addi %mul3A_0, %arg0 : i32
    %mul3A_1 = arith.constant 128 : i32
    %mul3A_2 = arith.muli %add3A, %mul3A_1 : i32
    "tpu.region"() ({
      %run_scoped3A = tpu.sem_alloc : memref<!tpu.dma_semaphore, #tpu.memory_space<semaphore_mem>>
      %dma_start3A_240 = tpu.memref_slice %arg3[%mul3A_2] : memref<4240xi32, #tpu.memory_space<hbm>> -> memref<144xi32, #tpu.memory_space<hbm>>
      %dma_start3A_241 = tpu.memref_slice %arg3[%mul3A_2] : memref<4240xi32, #tpu.memory_space<hbm>> -> memref<144xi32, #tpu.memory_space<hbm>>
      tpu.enqueue_dma source(%dma_start3A_241 : memref<144xi32, #tpu.memory_space<hbm>>) target(%arg7 : memref<144xi32, #tpu.memory_space<vmem>>) target_semaphore(%run_scoped3A : memref<!tpu.dma_semaphore, #tpu.memory_space<semaphore_mem>>)
      %dma_wait3A_242 = tpu.memref_slice %arg3[%mul3A_2] : memref<4240xi32, #tpu.memory_space<hbm>> -> memref<144xi32, #tpu.memory_space<hbm>>
      %dma_wait3A_243 = tpu.memref_slice %arg3[%mul3A_2] : memref<4240xi32, #tpu.memory_space<hbm>> -> memref<144xi32, #tpu.memory_space<hbm>>
      tpu.wait_dma2 semaphore(%run_scoped3A : memref<!tpu.dma_semaphore, #tpu.memory_space<semaphore_mem>>) src(%dma_wait3A_243 : memref<144xi32, #tpu.memory_space<hbm>>) dst(%arg7 : memref<144xi32, #tpu.memory_space<vmem>>)
      tpu.yield
    }) : () -> ()
    "tpu.region"() ({
      %run_scoped3A = tpu.sem_alloc : memref<!tpu.dma_semaphore, #tpu.memory_space<semaphore_mem>>
      tpu.enqueue_dma source(%arg5 : memref<16xf32, #tpu.memory_space<hbm>>) target(%arg13 : memref<16xf32, #tpu.memory_space<vmem>>) target_semaphore(%run_scoped3A : memref<!tpu.dma_semaphore, #tpu.memory_space<semaphore_mem>>)
      tpu.wait_dma2 semaphore(%run_scoped3A : memref<!tpu.dma_semaphore, #tpu.memory_space<semaphore_mem>>) src(%arg5 : memref<16xf32, #tpu.memory_space<hbm>>) dst(%arg13 : memref<16xf32, #tpu.memory_space<vmem>>)
      tpu.yield
    }) : () -> ()
    %get3A = arith.constant 0 : index
    %get3A_3 = tpu.vector_load %arg13[%get3A] {strides = array<i32>} : memref<16xf32, #tpu.memory_space<vmem>>, vector<16xf32>,
    %broadcast_in_dim3A = arith.constant 0.000000e+00 : f32
    %broadcast_in_dim3A_4 = vector.broadcast %broadcast_in_dim3A : f32 to vector<16xf32>
    %get3A_5 = arith.constant 0 : index
    %get3A_6 = tpu.vector_load %arg7[%get3A_5] {strides = array<i32>} : memref<144xi32, #tpu.memory_space<vmem>>, vector<16xi32>,
    %slice3A = vector.extract_strided_slice %get3A_6 {offsets = [0], sizes = [1], strides = [1]} : vector<16xi32> to vector<1xi32>
    %squeeze3A = vector.extract %slice3A[0] : i32 from vector<1xi32>
    %get3A_7 = arith.constant 128 : index
    %get3A_8 = tpu.vector_load %arg7[%get3A_7] {strides = array<i32>} : memref<144xi32, #tpu.memory_space<vmem>>, vector<16xi32>,
    %slice3A_9 = vector.extract_strided_slice %get3A_8 {offsets = [0], sizes = [1], strides = [1]} : vector<16xi32> to vector<1xi32>
    %squeeze3A_10 = vector.extract %slice3A_9[0] : i32 from vector<1xi32>
    %and3A = arith.constant -8 : i32
    %and3A_11 = arith.andi %squeeze3A, %and3A : i32
    %sub3A = arith.subi %squeeze3A_10, %and3A_11 : i32
    %add3A_12 = arith.constant 2047 : i32
    %add3A_13 = arith.addi %sub3A, %add3A_12 : i32
    %jit3A = arith.constant 2048 : i32
    %div3A = arith.divsi %add3A_13, %jit3A : i32
    %sign3A = arith.constant 0 : i32
    %sign3A_14 = arith.cmpi sgt, %add3A_13, %sign3A : i32
    %sign3A_15 = arith.extui %sign3A_14 : i1 to i32
    %sign3A_16 = arith.constant 0 : i32
    %sign3A_17 = arith.cmpi slt, %add3A_13, %sign3A_16 : i32
    %sign3A_18 = arith.extui %sign3A_17 : i1 to i32
    %sign3A_19 = arith.subi %sign3A_15, %sign3A_18 : i32
    %sign3A_20 = arith.constant 0 : i32
    %sign3A_21 = arith.cmpi sgt, %jit3A, %sign3A_20 : i32
    %sign3A_22 = arith.extui %sign3A_21 : i1 to i32
    %sign3A_23 = arith.constant 0 : i32
    %sign3A_24 = arith.cmpi slt, %jit3A, %sign3A_23 : i32
    %sign3A_25 = arith.extui %sign3A_24 : i1 to i32
    %sign3A_26 = arith.subi %sign3A_22, %sign3A_25 : i32
    %ne3A = arith.cmpi ne, %sign3A_19, %sign3A_26 : i32
    %rem3A = arith.remsi %add3A_13, %jit3A : i32
    %ne3A_27 = arith.constant 0 : i32
    %ne3A_28 = arith.cmpi ne, %rem3A, %ne3A_27 : i32
    %and3A_29 = arith.andi %ne3A, %ne3A_28 : i1
    %sub3A_30 = arith.constant 1 : i32
    %sub3A_31 = arith.subi %div3A, %sub3A_30 : i32
    %select_n3A = arith.select %and3A_29, %sub3A_31, %div3A : i32
    %add3A_32 = arith.constant 1 : i32
    %add3A_33 = arith.addi %select_n3A, %add3A_32 : i32
    %jit3A_34 = arith.constant 2 : i32
    %div3A_35 = arith.divsi %add3A_33, %jit3A_34 : i32
    %sign3A_36 = arith.constant 0 : i32
    %sign3A_37 = arith.cmpi sgt, %add3A_33, %sign3A_36 : i32
    %sign3A_38 = arith.extui %sign3A_37 : i1 to i32
    %sign3A_39 = arith.constant 0 : i32
    %sign3A_40 = arith.cmpi slt, %add3A_33, %sign3A_39 : i32
    %sign3A_41 = arith.extui %sign3A_40 : i1 to i32
    %sign3A_42 = arith.subi %sign3A_38, %sign3A_41 : i32
    %sign3A_43 = arith.constant 0 : i32
    %sign3A_44 = arith.cmpi sgt, %jit3A_34, %sign3A_43 : i32
    %sign3A_45 = arith.extui %sign3A_44 : i1 to i32
    %sign3A_46 = arith.constant 0 : i32
    %sign3A_47 = arith.cmpi slt, %jit3A_34, %sign3A_46 : i32
    %sign3A_48 = arith.extui %sign3A_47 : i1 to i32
    %sign3A_49 = arith.subi %sign3A_45, %sign3A_48 : i32
    %ne3A_50 = arith.cmpi ne, %sign3A_42, %sign3A_49 : i32
    %rem3A_51 = arith.remsi %add3A_33, %jit3A_34 : i32
    %ne3A_52 = arith.constant 0 : i32
    %ne3A_53 = arith.cmpi ne, %rem3A_51, %ne3A_52 : i32
    %and3A_54 = arith.andi %ne3A_50, %ne3A_53 : i1
    %sub3A_55 = arith.constant 1 : i32
    %sub3A_56 = arith.subi %div3A_35, %sub3A_55 : i32
    %select_n3A_57 = arith.select %and3A_54, %sub3A_56, %div3A_35 : i32
    %mul3A_58 = arith.constant 2 : i32
    %mul3A_59 = arith.muli %select_n3A_57, %mul3A_58 : i32
    %iota3A = tpu.iota {dimensions = array<i32: 0>} : vector<16xi32>
    %add3A_60 = arith.constant 0 : i32
    %add3A_61 = arith.addi %and3A_11, %add3A_60 : i32
    %min3A = arith.constant 817152 : i32
    %min3A_62 = arith.minsi %add3A_61, %min3A : i32
    %multiple_of3A = tpu.assume_multiple %min3A_62, 8 : i32
    "tpu.region"() ({
      %run_scoped3A = tpu.sem_alloc : memref<!tpu.dma_semaphore, #tpu.memory_space<semaphore_mem>>
      %dma_start3A_240 = tpu.memref_slice %arg2[%multiple_of3A] : memref<819200xi32, #tpu.memory_space<hbm>> -> memref<2048xi32, #tpu.memory_space<hbm>>
      %dma_start3A_241 = tpu.memref_slice %arg2[%multiple_of3A] : memref<819200xi32, #tpu.memory_space<hbm>> -> memref<2048xi32, #tpu.memory_space<hbm>>
      tpu.enqueue_dma source(%dma_start3A_241 : memref<2048xi32, #tpu.memory_space<hbm>>) target(%arg8 : memref<2048xi32, #tpu.memory_space<vmem>>) target_semaphore(%run_scoped3A : memref<!tpu.dma_semaphore, #tpu.memory_space<semaphore_mem>>)
      %dma_wait3A_242 = tpu.memref_slice %arg2[%multiple_of3A] : memref<819200xi32, #tpu.memory_space<hbm>> -> memref<2048xi32, #tpu.memory_space<hbm>>
      %dma_wait3A_243 = tpu.memref_slice %arg2[%multiple_of3A] : memref<819200xi32, #tpu.memory_space<hbm>> -> memref<2048xi32, #tpu.memory_space<hbm>>
      tpu.wait_dma2 semaphore(%run_scoped3A : memref<!tpu.dma_semaphore, #tpu.memory_space<semaphore_mem>>) src(%dma_wait3A_243 : memref<2048xi32, #tpu.memory_space<hbm>>) dst(%arg8 : memref<2048xi32, #tpu.memory_space<vmem>>)
      tpu.yield
    }) : () -> ()
    %dma_start3A = arith.constant 0 : i32
    %dma_start3A_63 = arith.constant 0 : i32
    %dma_start3A_64 = tpu.memref_slice %arg10[%dma_start3A, %dma_start3A_63] : memref<2048x16xf32, #tpu.memory_space<vmem>> -> memref<128x16xf32, #tpu.memory_space<vmem>>
    %dma_start3A_65 = arith.constant 0 : i32
    %dma_start3A_66 = tpu.memref_slice %arg8[%dma_start3A_65] : memref<2048xi32, #tpu.memory_space<vmem>> -> memref<128xi32, #tpu.memory_space<vmem>>
    %dma_start3A_67 = arith.constant 0 : i32
    %dma_start3A_68 = arith.constant 0 : i32
    %dma_start3A_69 = tpu.memref_slice %arg4[%dma_start3A_67, %dma_start3A_68] : memref<100000x16xf32, #tpu.memory_space<hbm>> -> memref<100000x16xf32, #tpu.memory_space<hbm>>
    tpu.enqueue_indirect_dma source(%dma_start3A_69 : memref<100000x16xf32, #tpu.memory_space<hbm>>) target(%dma_start3A_64 : memref<128x16xf32, #tpu.memory_space<vmem>>) offsets(%dma_start3A_66 : memref<128xi32, #tpu.memory_space<vmem>>) semaphore(%arg14 : memref<!tpu.dma_semaphore, #tpu.memory_space<semaphore_mem>>)
    %dma_start3A_70 = arith.constant 128 : i32
    %dma_start3A_71 = arith.constant 0 : i32
    %dma_start3A_72 = tpu.memref_slice %arg10[%dma_start3A_70, %dma_start3A_71] : memref<2048x16xf32, #tpu.memory_space<vmem>> -> memref<128x16xf32, #tpu.memory_space<vmem>>
    %dma_start3A_73 = arith.constant 128 : i32
    %dma_start3A_74 = tpu.memref_slice %arg8[%dma_start3A_73] : memref<2048xi32, #tpu.memory_space<vmem>> -> memref<128xi32, #tpu.memory_space<vmem>>
    %dma_start3A_75 = arith.constant 0 : i32
    %dma_start3A_76 = arith.constant 0 : i32
    %dma_start3A_77 = tpu.memref_slice %arg4[%dma_start3A_75, %dma_start3A_76] : memref<100000x16xf32, #tpu.memory_space<hbm>> -> memref<100000x16xf32, #tpu.memory_space<hbm>>
    tpu.enqueue_indirect_dma source(%dma_start3A_77 : memref<100000x16xf32, #tpu.memory_space<hbm>>) target(%dma_start3A_72 : memref<128x16xf32, #tpu.memory_space<vmem>>) offsets(%dma_start3A_74 : memref<128xi32, #tpu.memory_space<vmem>>) semaphore(%arg14 : memref<!tpu.dma_semaphore, #tpu.memory_space<semaphore_mem>>)
    %dma_start3A_78 = arith.constant 256 : i32
    %dma_start3A_79 = arith.constant 0 : i32
    %dma_start3A_80 = tpu.memref_slice %arg10[%dma_start3A_78, %dma_start3A_79] : memref<2048x16xf32, #tpu.memory_space<vmem>> -> memref<128x16xf32, #tpu.memory_space<vmem>>
    %dma_start3A_81 = arith.constant 256 : i32
    %dma_start3A_82 = tpu.memref_slice %arg8[%dma_start3A_81] : memref<2048xi32, #tpu.memory_space<vmem>> -> memref<128xi32, #tpu.memory_space<vmem>>
    %dma_start3A_83 = arith.constant 0 : i32
    %dma_start3A_84 = arith.constant 0 : i32
    %dma_start3A_85 = tpu.memref_slice %arg4[%dma_start3A_83, %dma_start3A_84] : memref<100000x16xf32, #tpu.memory_space<hbm>> -> memref<100000x16xf32, #tpu.memory_space<hbm>>
    tpu.enqueue_indirect_dma source(%dma_start3A_85 : memref<100000x16xf32, #tpu.memory_space<hbm>>) target(%dma_start3A_80 : memref<128x16xf32, #tpu.memory_space<vmem>>) offsets(%dma_start3A_82 : memref<128xi32, #tpu.memory_space<vmem>>) semaphore(%arg14 : memref<!tpu.dma_semaphore, #tpu.memory_space<semaphore_mem>>)
    %dma_start3A_86 = arith.constant 384 : i32
    %dma_start3A_87 = arith.constant 0 : i32
    %dma_start3A_88 = tpu.memref_slice %arg10[%dma_start3A_86, %dma_start3A_87] : memref<2048x16xf32, #tpu.memory_space<vmem>> -> memref<128x16xf32, #tpu.memory_space<vmem>>
    %dma_start3A_89 = arith.constant 384 : i32
    %dma_start3A_90 = tpu.memref_slice %arg8[%dma_start3A_89] : memref<2048xi32, #tpu.memory_space<vmem>> -> memref<128xi32, #tpu.memory_space<vmem>>
    %dma_start3A_91 = arith.constant 0 : i32
    %dma_start3A_92 = arith.constant 0 : i32
    %dma_start3A_93 = tpu.memref_slice %arg4[%dma_start3A_91, %dma_start3A_92] : memref<100000x16xf32, #tpu.memory_space<hbm>> -> memref<100000x16xf32, #tpu.memory_space<hbm>>
    tpu.enqueue_indirect_dma source(%dma_start3A_93 : memref<100000x16xf32, #tpu.memory_space<hbm>>) target(%dma_start3A_88 : memref<128x16xf32, #tpu.memory_space<vmem>>) offsets(%dma_start3A_90 : memref<128xi32, #tpu.memory_space<vmem>>) semaphore(%arg14 : memref<!tpu.dma_semaphore, #tpu.memory_space<semaphore_mem>>)
    %dma_start3A_94 = arith.constant 512 : i32
    %dma_start3A_95 = arith.constant 0 : i32
    %dma_start3A_96 = tpu.memref_slice %arg10[%dma_start3A_94, %dma_start3A_95] : memref<2048x16xf32, #tpu.memory_space<vmem>> -> memref<128x16xf32, #tpu.memory_space<vmem>>
    %dma_start3A_97 = arith.constant 512 : i32
    %dma_start3A_98 = tpu.memref_slice %arg8[%dma_start3A_97] : memref<2048xi32, #tpu.memory_space<vmem>> -> memref<128xi32, #tpu.memory_space<vmem>>
    %dma_start3A_99 = arith.constant 0 : i32
    %dma_start3A_100 = arith.constant 0 : i32
    %dma_start3A_101 = tpu.memref_slice %arg4[%dma_start3A_99, %dma_start3A_100] : memref<100000x16xf32, #tpu.memory_space<hbm>> -> memref<100000x16xf32, #tpu.memory_space<hbm>>
    tpu.enqueue_indirect_dma source(%dma_start3A_101 : memref<100000x16xf32, #tpu.memory_space<hbm>>) target(%dma_start3A_96 : memref<128x16xf32, #tpu.memory_space<vmem>>) offsets(%dma_start3A_98 : memref<128xi32, #tpu.memory_space<vmem>>) semaphore(%arg14 : memref<!tpu.dma_semaphore, #tpu.memory_space<semaphore_mem>>)
    %dma_start3A_102 = arith.constant 640 : i32
    %dma_start3A_103 = arith.constant 0 : i32
    %dma_start3A_104 = tpu.memref_slice %arg10[%dma_start3A_102, %dma_start3A_103] : memref<2048x16xf32, #tpu.memory_space<vmem>> -> memref<128x16xf32, #tpu.memory_space<vmem>>
    %dma_start3A_105 = arith.constant 640 : i32
    %dma_start3A_106 = tpu.memref_slice %arg8[%dma_start3A_105] : memref<2048xi32, #tpu.memory_space<vmem>> -> memref<128xi32, #tpu.memory_space<vmem>>
    %dma_start3A_107 = arith.constant 0 : i32
    %dma_start3A_108 = arith.constant 0 : i32
    %dma_start3A_109 = tpu.memref_slice %arg4[%dma_start3A_107, %dma_start3A_108] : memref<100000x16xf32, #tpu.memory_space<hbm>> -> memref<100000x16xf32, #tpu.memory_space<hbm>>
    tpu.enqueue_indirect_dma source(%dma_start3A_109 : memref<100000x16xf32, #tpu.memory_space<hbm>>) target(%dma_start3A_104 : memref<128x16xf32, #tpu.memory_space<vmem>>) offsets(%dma_start3A_106 : memref<128xi32, #tpu.memory_space<vmem>>) semaphore(%arg14 : memref<!tpu.dma_semaphore, #tpu.memory_space<semaphore_mem>>)
    %dma_start3A_110 = arith.constant 768 : i32
    %dma_start3A_111 = arith.constant 0 : i32
    %dma_start3A_112 = tpu.memref_slice %arg10[%dma_start3A_110, %dma_start3A_111] : memref<2048x16xf32, #tpu.memory_space<vmem>> -> memref<128x16xf32, #tpu.memory_space<vmem>>
    %dma_start3A_113 = arith.constant 768 : i32
    %dma_start3A_114 = tpu.memref_slice %arg8[%dma_start3A_113] : memref<2048xi32, #tpu.memory_space<vmem>> -> memref<128xi32, #tpu.memory_space<vmem>>
    %dma_start3A_115 = arith.constant 0 : i32
    %dma_start3A_116 = arith.constant 0 : i32
    %dma_start3A_117 = tpu.memref_slice %arg4[%dma_start3A_115, %dma_start3A_116] : memref<100000x16xf32, #tpu.memory_space<hbm>> -> memref<100000x16xf32, #tpu.memory_space<hbm>>
    tpu.enqueue_indirect_dma source(%dma_start3A_117 : memref<100000x16xf32, #tpu.memory_space<hbm>>) target(%dma_start3A_112 : memref<128x16xf32, #tpu.memory_space<vmem>>) offsets(%dma_start3A_114 : memref<128xi32, #tpu.memory_space<vmem>>) semaphore(%arg14 : memref<!tpu.dma_semaphore, #tpu.memory_space<semaphore_mem>>)
    %dma_start3A_118 = arith.constant 896 : i32
    %dma_start3A_119 = arith.constant 0 : i32
    %dma_start3A_120 = tpu.memref_slice %arg10[%dma_start3A_118, %dma_start3A_119] : memref<2048x16xf32, #tpu.memory_space<vmem>> -> memref<128x16xf32, #tpu.memory_space<vmem>>
    %dma_start3A_121 = arith.constant 896 : i32
    %dma_start3A_122 = tpu.memref_slice %arg8[%dma_start3A_121] : memref<2048xi32, #tpu.memory_space<vmem>> -> memref<128xi32, #tpu.memory_space<vmem>>
    %dma_start3A_123 = arith.constant 0 : i32
    %dma_start3A_124 = arith.constant 0 : i32
    %dma_start3A_125 = tpu.memref_slice %arg4[%dma_start3A_123, %dma_start3A_124] : memref<100000x16xf32, #tpu.memory_space<hbm>> -> memref<100000x16xf32, #tpu.memory_space<hbm>>
    tpu.enqueue_indirect_dma source(%dma_start3A_125 : memref<100000x16xf32, #tpu.memory_space<hbm>>) target(%dma_start3A_120 : memref<128x16xf32, #tpu.memory_space<vmem>>) offsets(%dma_start3A_122 : memref<128xi32, #tpu.memory_space<vmem>>) semaphore(%arg14 : memref<!tpu.dma_semaphore, #tpu.memory_space<semaphore_mem>>)
    %dma_start3A_126 = arith.constant 1024 : i32
    %dma_start3A_127 = arith.constant 0 : i32
    %dma_start3A_128 = tpu.memref_slice %arg10[%dma_start3A_126, %dma_start3A_127] : memref<2048x16xf32, #tpu.memory_space<vmem>> -> memref<128x16xf32, #tpu.memory_space<vmem>>
    %dma_start3A_129 = arith.constant 1024 : i32
    %dma_start3A_130 = tpu.memref_slice %arg8[%dma_start3A_129] : memref<2048xi32, #tpu.memory_space<vmem>> -> memref<128xi32, #tpu.memory_space<vmem>>
    %dma_start3A_131 = arith.constant 0 : i32
    %dma_start3A_132 = arith.constant 0 : i32
    %dma_start3A_133 = tpu.memref_slice %arg4[%dma_start3A_131, %dma_start3A_132] : memref<100000x16xf32, #tpu.memory_space<hbm>> -> memref<100000x16xf32, #tpu.memory_space<hbm>>
    tpu.enqueue_indirect_dma source(%dma_start3A_133 : memref<100000x16xf32, #tpu.memory_space<hbm>>) target(%dma_start3A_128 : memref<128x16xf32, #tpu.memory_space<vmem>>) offsets(%dma_start3A_130 : memref<128xi32, #tpu.memory_space<vmem>>) semaphore(%arg14 : memref<!tpu.dma_semaphore, #tpu.memory_space<semaphore_mem>>)
    %dma_start3A_134 = arith.constant 1152 : i32
    %dma_start3A_135 = arith.constant 0 : i32
    %dma_start3A_136 = tpu.memref_slice %arg10[%dma_start3A_134, %dma_start3A_135] : memref<2048x16xf32, #tpu.memory_space<vmem>> -> memref<128x16xf32, #tpu.memory_space<vmem>>
    %dma_start3A_137 = arith.constant 1152 : i32
    %dma_start3A_138 = tpu.memref_slice %arg8[%dma_start3A_137] : memref<2048xi32, #tpu.memory_space<vmem>> -> memref<128xi32, #tpu.memory_space<vmem>>
    %dma_start3A_139 = arith.constant 0 : i32
    %dma_start3A_140 = arith.constant 0 : i32
    %dma_start3A_141 = tpu.memref_slice %arg4[%dma_start3A_139, %dma_start3A_140] : memref<100000x16xf32, #tpu.memory_space<hbm>> -> memref<100000x16xf32, #tpu.memory_space<hbm>>
    tpu.enqueue_indirect_dma source(%dma_start3A_141 : memref<100000x16xf32, #tpu.memory_space<hbm>>) target(%dma_start3A_136 : memref<128x16xf32, #tpu.memory_space<vmem>>) offsets(%dma_start3A_138 : memref<128xi32, #tpu.memory_space<vmem>>) semaphore(%arg14 : memref<!tpu.dma_semaphore, #tpu.memory_space<semaphore_mem>>)
    %dma_start3A_142 = arith.constant 1280 : i32
    %dma_start3A_143 = arith.constant 0 : i32
    %dma_start3A_144 = tpu.memref_slice %arg10[%dma_start3A_142, %dma_start3A_143] : memref<2048x16xf32, #tpu.memory_space<vmem>> -> memref<128x16xf32, #tpu.memory_space<vmem>>
    %dma_start3A_145 = arith.constant 1280 : i32
    %dma_start3A_146 = tpu.memref_slice %arg8[%dma_start3A_145] : memref<2048xi32, #tpu.memory_space<vmem>> -> memref<128xi32, #tpu.memory_space<vmem>>
    %dma_start3A_147 = arith.constant 0 : i32
    %dma_start3A_148 = arith.constant 0 : i32
    %dma_start3A_149 = tpu.memref_slice %arg4[%dma_start3A_147, %dma_start3A_148] : memref<100000x16xf32, #tpu.memory_space<hbm>> -> memref<100000x16xf32, #tpu.memory_space<hbm>>
    tpu.enqueue_indirect_dma source(%dma_start3A_149 : memref<100000x16xf32, #tpu.memory_space<hbm>>) target(%dma_start3A_144 : memref<128x16xf32, #tpu.memory_space<vmem>>) offsets(%dma_start3A_146 : memref<128xi32, #tpu.memory_space<vmem>>) semaphore(%arg14 : memref<!tpu.dma_semaphore, #tpu.memory_space<semaphore_mem>>)
    %dma_start3A_150 = arith.constant 1408 : i32
    %dma_start3A_151 = arith.constant 0 : i32
    %dma_start3A_152 = tpu.memref_slice %arg10[%dma_start3A_150, %dma_start3A_151] : memref<2048x16xf32, #tpu.memory_space<vmem>> -> memref<128x16xf32, #tpu.memory_space<vmem>>
    %dma_start3A_153 = arith.constant 1408 : i32
    %dma_start3A_154 = tpu.memref_slice %arg8[%dma_start3A_153] : memref<2048xi32, #tpu.memory_space<vmem>> -> memref<128xi32, #tpu.memory_space<vmem>>
    %dma_start3A_155 = arith.constant 0 : i32
    %dma_start3A_156 = arith.constant 0 : i32
    %dma_start3A_157 = tpu.memref_slice %arg4[%dma_start3A_155, %dma_start3A_156] : memref<100000x16xf32, #tpu.memory_space<hbm>> -> memref<100000x16xf32, #tpu.memory_space<hbm>>
    tpu.enqueue_indirect_dma source(%dma_start3A_157 : memref<100000x16xf32, #tpu.memory_space<hbm>>) target(%dma_start3A_152 : memref<128x16xf32, #tpu.memory_space<vmem>>) offsets(%dma_start3A_154 : memref<128xi32, #tpu.memory_space<vmem>>) semaphore(%arg14 : memref<!tpu.dma_semaphore, #tpu.memory_space<semaphore_mem>>)
    %dma_start3A_158 = arith.constant 1536 : i32
    %dma_start3A_159 = arith.constant 0 : i32
    %dma_start3A_160 = tpu.memref_slice %arg10[%dma_start3A_158, %dma_start3A_159] : memref<2048x16xf32, #tpu.memory_space<vmem>> -> memref<128x16xf32, #tpu.memory_space<vmem>>
    %dma_start3A_161 = arith.constant 1536 : i32
    %dma_start3A_162 = tpu.memref_slice %arg8[%dma_start3A_161] : memref<2048xi32, #tpu.memory_space<vmem>> -> memref<128xi32, #tpu.memory_space<vmem>>
    %dma_start3A_163 = arith.constant 0 : i32
    %dma_start3A_164 = arith.constant 0 : i32
    %dma_start3A_165 = tpu.memref_slice %arg4[%dma_start3A_163, %dma_start3A_164] : memref<100000x16xf32, #tpu.memory_space<hbm>> -> memref<100000x16xf32, #tpu.memory_space<hbm>>
    tpu.enqueue_indirect_dma source(%dma_start3A_165 : memref<100000x16xf32, #tpu.memory_space<hbm>>) target(%dma_start3A_160 : memref<128x16xf32, #tpu.memory_space<vmem>>) offsets(%dma_start3A_162 : memref<128xi32, #tpu.memory_space<vmem>>) semaphore(%arg14 : memref<!tpu.dma_semaphore, #tpu.memory_space<semaphore_mem>>)
    %dma_start3A_166 = arith.constant 1664 : i32
    %dma_start3A_167 = arith.constant 0 : i32
    %dma_start3A_168 = tpu.memref_slice %arg10[%dma_start3A_166, %dma_start3A_167] : memref<2048x16xf32, #tpu.memory_space<vmem>> -> memref<128x16xf32, #tpu.memory_space<vmem>>
    %dma_start3A_169 = arith.constant 1664 : i32
    %dma_start3A_170 = tpu.memref_slice %arg8[%dma_start3A_169] : memref<2048xi32, #tpu.memory_space<vmem>> -> memref<128xi32, #tpu.memory_space<vmem>>
    %dma_start3A_171 = arith.constant 0 : i32
    %dma_start3A_172 = arith.constant 0 : i32
    %dma_start3A_173 = tpu.memref_slice %arg4[%dma_start3A_171, %dma_start3A_172] : memref<100000x16xf32, #tpu.memory_space<hbm>> -> memref<100000x16xf32, #tpu.memory_space<hbm>>
    tpu.enqueue_indirect_dma source(%dma_start3A_173 : memref<100000x16xf32, #tpu.memory_space<hbm>>) target(%dma_start3A_168 : memref<128x16xf32, #tpu.memory_space<vmem>>) offsets(%dma_start3A_170 : memref<128xi32, #tpu.memory_space<vmem>>) semaphore(%arg14 : memref<!tpu.dma_semaphore, #tpu.memory_space<semaphore_mem>>)
    %dma_start3A_174 = arith.constant 1792 : i32
    %dma_start3A_175 = arith.constant 0 : i32
    %dma_start3A_176 = tpu.memref_slice %arg10[%dma_start3A_174, %dma_start3A_175] : memref<2048x16xf32, #tpu.memory_space<vmem>> -> memref<128x16xf32, #tpu.memory_space<vmem>>
    %dma_start3A_177 = arith.constant 1792 : i32
    %dma_start3A_178 = tpu.memref_slice %arg8[%dma_start3A_177] : memref<2048xi32, #tpu.memory_space<vmem>> -> memref<128xi32, #tpu.memory_space<vmem>>
    %dma_start3A_179 = arith.constant 0 : i32
    %dma_start3A_180 = arith.constant 0 : i32
    %dma_start3A_181 = tpu.memref_slice %arg4[%dma_start3A_179, %dma_start3A_180] : memref<100000x16xf32, #tpu.memory_space<hbm>> -> memref<100000x16xf32, #tpu.memory_space<hbm>>
    tpu.enqueue_indirect_dma source(%dma_start3A_181 : memref<100000x16xf32, #tpu.memory_space<hbm>>) target(%dma_start3A_176 : memref<128x16xf32, #tpu.memory_space<vmem>>) offsets(%dma_start3A_178 : memref<128xi32, #tpu.memory_space<vmem>>) semaphore(%arg14 : memref<!tpu.dma_semaphore, #tpu.memory_space<semaphore_mem>>)
    %dma_start3A_182 = arith.constant 1920 : i32
    %dma_start3A_183 = arith.constant 0 : i32
    %dma_start3A_184 = tpu.memref_slice %arg10[%dma_start3A_182, %dma_start3A_183] : memref<2048x16xf32, #tpu.memory_space<vmem>> -> memref<128x16xf32, #tpu.memory_space<vmem>>
    %dma_start3A_185 = arith.constant 1920 : i32
    %dma_start3A_186 = tpu.memref_slice %arg8[%dma_start3A_185] : memref<2048xi32, #tpu.memory_space<vmem>> -> memref<128xi32, #tpu.memory_space<vmem>>
    %dma_start3A_187 = arith.constant 0 : i32
    %dma_start3A_188 = arith.constant 0 : i32
    %dma_start3A_189 = tpu.memref_slice %arg4[%dma_start3A_187, %dma_start3A_188] : memref<100000x16xf32, #tpu.memory_space<hbm>> -> memref<100000x16xf32, #tpu.memory_space<hbm>>
    tpu.enqueue_indirect_dma source(%dma_start3A_189 : memref<100000x16xf32, #tpu.memory_space<hbm>>) target(%dma_start3A_184 : memref<128x16xf32, #tpu.memory_space<vmem>>) offsets(%dma_start3A_186 : memref<128xi32, #tpu.memory_space<vmem>>) semaphore(%arg14 : memref<!tpu.dma_semaphore, #tpu.memory_space<semaphore_mem>>)
    %jit3A_190 = arith.constant 2 : i32
    %div3A_191 = arith.divsi %mul3A_59, %jit3A_190 : i32
    %sign3A_192 = arith.constant 0 : i32
    %sign3A_193 = arith.cmpi sgt, %mul3A_59, %sign3A_192 : i32
    %sign3A_194 = arith.extui %sign3A_193 : i1 to i32
    %sign3A_195 = arith.constant 0 : i32
    %sign3A_196 = arith.cmpi slt, %mul3A_59, %sign3A_195 : i32
    %sign3A_197 = arith.extui %sign3A_196 : i1 to i32
    %sign3A_198 = arith.subi %sign3A_194, %sign3A_197 : i32
    %sign3A_199 = arith.constant 0 : i32
    %sign3A_200 = arith.cmpi sgt, %jit3A_190, %sign3A_199 : i32
    %sign3A_201 = arith.extui %sign3A_200 : i1 to i32
    %sign3A_202 = arith.constant 0 : i32
    %sign3A_203 = arith.cmpi slt, %jit3A_190, %sign3A_202 : i32
    %sign3A_204 = arith.extui %sign3A_203 : i1 to i32
    %sign3A_205 = arith.subi %sign3A_201, %sign3A_204 : i32
    %ne3A_206 = arith.cmpi ne, %sign3A_198, %sign3A_205 : i32
    %rem3A_207 = arith.remsi %mul3A_59, %jit3A_190 : i32
    %ne3A_208 = arith.constant 0 : i32
    %ne3A_209 = arith.cmpi ne, %rem3A_207, %ne3A_208 : i32
    %and3A_210 = arith.andi %ne3A_206, %ne3A_209 : i1
    %sub3A_211 = arith.constant 1 : i32
    %sub3A_212 = arith.subi %div3A_191, %sub3A_211 : i32
    %select_n3A_213 = arith.select %and3A_210, %sub3A_212, %div3A_191 : i32
    %while3A = arith.constant 0 : i32
    %while3A_214 = arith.constant 0 : i32
    %while3A_215 = arith.subi %select_n3A_213, %while3A : i32
    %while3A_216 = arith.addi %while3A, %while3A_215 : i32
    %while3A_217 = arith.constant 1 : i32
    %while3A_218 = arith.divsi %while3A_215, %while3A_217 : i32
    %while3A_219 = arith.muli %while3A_218, %while3A_217 : i32
    %while3A_220 = arith.addi %while3A, %while3A_219 : i32
    %while3A_221 = arith.constant 1 : i32
    %while3A_222:3 = scf.for %while3A_240 = %while3A to %while3A_220 step %while3A_221 iter_args(%while3A_241 = %squeeze3A, %while3A_242 = %while3A_214, %while3A_243 = %broadcast_in_dim3A_4) -> (i32, i32, vector<16xf32>)  : i32 {
      %mul3A_244 = arith.constant 2 : i32
      %mul3A_245 = arith.muli %mul3A_244, %while3A_240 : i32
      %add3A_246 = arith.constant 1 : i32
      %add3A_247 = arith.addi %mul3A_245, %add3A_246 : i32
      %mul3A_248 = arith.constant 2048 : i32
      %mul3A_249 = arith.muli %add3A_247, %mul3A_248 : i32
      %add3A_250 = arith.addi %and3A_11, %mul3A_249 : i32
      %min3A_251 = arith.constant 817152 : i32
      %min3A_252 = arith.minsi %add3A_250, %min3A_251 : i32
      %multiple_of3A_253 = tpu.assume_multiple %min3A_252, 8 : i32
      "tpu.region"() ({
        %run_scoped3A = tpu.sem_alloc : memref<!tpu.dma_semaphore, #tpu.memory_space<semaphore_mem>>
        %dma_start3A_904 = tpu.memref_slice %arg2[%multiple_of3A_253] : memref<819200xi32, #tpu.memory_space<hbm>> -> memref<2048xi32, #tpu.memory_space<hbm>>
        %dma_start3A_905 = tpu.memref_slice %arg2[%multiple_of3A_253] : memref<819200xi32, #tpu.memory_space<hbm>> -> memref<2048xi32, #tpu.memory_space<hbm>>
        tpu.enqueue_dma source(%dma_start3A_905 : memref<2048xi32, #tpu.memory_space<hbm>>) target(%arg9 : memref<2048xi32, #tpu.memory_space<vmem>>) target_semaphore(%run_scoped3A : memref<!tpu.dma_semaphore, #tpu.memory_space<semaphore_mem>>)
        %dma_wait3A_906 = tpu.memref_slice %arg2[%multiple_of3A_253] : memref<819200xi32, #tpu.memory_space<hbm>> -> memref<2048xi32, #tpu.memory_space<hbm>>
        %dma_wait3A_907 = tpu.memref_slice %arg2[%multiple_of3A_253] : memref<819200xi32, #tpu.memory_space<hbm>> -> memref<2048xi32, #tpu.memory_space<hbm>>
        tpu.wait_dma2 semaphore(%run_scoped3A : memref<!tpu.dma_semaphore, #tpu.memory_space<semaphore_mem>>) src(%dma_wait3A_907 : memref<2048xi32, #tpu.memory_space<hbm>>) dst(%arg9 : memref<2048xi32, #tpu.memory_space<vmem>>)
        tpu.yield
      }) : () -> ()
      %dma_start3A_254 = arith.constant 0 : i32
      %dma_start3A_255 = arith.constant 0 : i32
      %dma_start3A_256 = tpu.memref_slice %arg11[%dma_start3A_254, %dma_start3A_255] : memref<2048x16xf32, #tpu.memory_space<vmem>> -> memref<128x16xf32, #tpu.memory_space<vmem>>
      %dma_start3A_257 = arith.constant 0 : i32
      %dma_start3A_258 = tpu.memref_slice %arg9[%dma_start3A_257] : memref<2048xi32, #tpu.memory_space<vmem>> -> memref<128xi32, #tpu.memory_space<vmem>>
      %dma_start3A_259 = arith.constant 0 : i32
      %dma_start3A_260 = arith.constant 0 : i32
      %dma_start3A_261 = tpu.memref_slice %arg4[%dma_start3A_259, %dma_start3A_260] : memref<100000x16xf32, #tpu.memory_space<hbm>> -> memref<100000x16xf32, #tpu.memory_space<hbm>>
      tpu.enqueue_indirect_dma source(%dma_start3A_261 : memref<100000x16xf32, #tpu.memory_space<hbm>>) target(%dma_start3A_256 : memref<128x16xf32, #tpu.memory_space<vmem>>) offsets(%dma_start3A_258 : memref<128xi32, #tpu.memory_space<vmem>>) semaphore(%arg15 : memref<!tpu.dma_semaphore, #tpu.memory_space<semaphore_mem>>)
      %dma_start3A_262 = arith.constant 128 : i32
      %dma_start3A_263 = arith.constant 0 : i32
      %dma_start3A_264 = tpu.memref_slice %arg11[%dma_start3A_262, %dma_start3A_263] : memref<2048x16xf32, #tpu.memory_space<vmem>> -> memref<128x16xf32, #tpu.memory_space<vmem>>
      %dma_start3A_265 = arith.constant 128 : i32
      %dma_start3A_266 = tpu.memref_slice %arg9[%dma_start3A_265] : memref<2048xi32, #tpu.memory_space<vmem>> -> memref<128xi32, #tpu.memory_space<vmem>>
      %dma_start3A_267 = arith.constant 0 : i32
      %dma_start3A_268 = arith.constant 0 : i32
      %dma_start3A_269 = tpu.memref_slice %arg4[%dma_start3A_267, %dma_start3A_268] : memref<100000x16xf32, #tpu.memory_space<hbm>> -> memref<100000x16xf32, #tpu.memory_space<hbm>>
      tpu.enqueue_indirect_dma source(%dma_start3A_269 : memref<100000x16xf32, #tpu.memory_space<hbm>>) target(%dma_start3A_264 : memref<128x16xf32, #tpu.memory_space<vmem>>) offsets(%dma_start3A_266 : memref<128xi32, #tpu.memory_space<vmem>>) semaphore(%arg15 : memref<!tpu.dma_semaphore, #tpu.memory_space<semaphore_mem>>)
      %dma_start3A_270 = arith.constant 256 : i32
      %dma_start3A_271 = arith.constant 0 : i32
      %dma_start3A_272 = tpu.memref_slice %arg11[%dma_start3A_270, %dma_start3A_271] : memref<2048x16xf32, #tpu.memory_space<vmem>> -> memref<128x16xf32, #tpu.memory_space<vmem>>
      %dma_start3A_273 = arith.constant 256 : i32
      %dma_start3A_274 = tpu.memref_slice %arg9[%dma_start3A_273] : memref<2048xi32, #tpu.memory_space<vmem>> -> memref<128xi32, #tpu.memory_space<vmem>>
      %dma_start3A_275 = arith.constant 0 : i32
      %dma_start3A_276 = arith.constant 0 : i32
      %dma_start3A_277 = tpu.memref_slice %arg4[%dma_start3A_275, %dma_start3A_276] : memref<100000x16xf32, #tpu.memory_space<hbm>> -> memref<100000x16xf32, #tpu.memory_space<hbm>>
      tpu.enqueue_indirect_dma source(%dma_start3A_277 : memref<100000x16xf32, #tpu.memory_space<hbm>>) target(%dma_start3A_272 : memref<128x16xf32, #tpu.memory_space<vmem>>) offsets(%dma_start3A_274 : memref<128xi32, #tpu.memory_space<vmem>>) semaphore(%arg15 : memref<!tpu.dma_semaphore, #tpu.memory_space<semaphore_mem>>)
      %dma_start3A_278 = arith.constant 384 : i32
      %dma_start3A_279 = arith.constant 0 : i32
      %dma_start3A_280 = tpu.memref_slice %arg11[%dma_start3A_278, %dma_start3A_279] : memref<2048x16xf32, #tpu.memory_space<vmem>> -> memref<128x16xf32, #tpu.memory_space<vmem>>
      %dma_start3A_281 = arith.constant 384 : i32
      %dma_start3A_282 = tpu.memref_slice %arg9[%dma_start3A_281] : memref<2048xi32, #tpu.memory_space<vmem>> -> memref<128xi32, #tpu.memory_space<vmem>>
      %dma_start3A_283 = arith.constant 0 : i32
      %dma_start3A_284 = arith.constant 0 : i32
      %dma_start3A_285 = tpu.memref_slice %arg4[%dma_start3A_283, %dma_start3A_284] : memref<100000x16xf32, #tpu.memory_space<hbm>> -> memref<100000x16xf32, #tpu.memory_space<hbm>>
      tpu.enqueue_indirect_dma source(%dma_start3A_285 : memref<100000x16xf32, #tpu.memory_space<hbm>>) target(%dma_start3A_280 : memref<128x16xf32, #tpu.memory_space<vmem>>) offsets(%dma_start3A_282 : memref<128xi32, #tpu.memory_space<vmem>>) semaphore(%arg15 : memref<!tpu.dma_semaphore, #tpu.memory_space<semaphore_mem>>)
      %dma_start3A_286 = arith.constant 512 : i32
      %dma_start3A_287 = arith.constant 0 : i32
      %dma_start3A_288 = tpu.memref_slice %arg11[%dma_start3A_286, %dma_start3A_287] : memref<2048x16xf32, #tpu.memory_space<vmem>> -> memref<128x16xf32, #tpu.memory_space<vmem>>
      %dma_start3A_289 = arith.constant 512 : i32
      %dma_start3A_290 = tpu.memref_slice %arg9[%dma_start3A_289] : memref<2048xi32, #tpu.memory_space<vmem>> -> memref<128xi32, #tpu.memory_space<vmem>>
      %dma_start3A_291 = arith.constant 0 : i32
      %dma_start3A_292 = arith.constant 0 : i32
      %dma_start3A_293 = tpu.memref_slice %arg4[%dma_start3A_291, %dma_start3A_292] : memref<100000x16xf32, #tpu.memory_space<hbm>> -> memref<100000x16xf32, #tpu.memory_space<hbm>>
      tpu.enqueue_indirect_dma source(%dma_start3A_293 : memref<100000x16xf32, #tpu.memory_space<hbm>>) target(%dma_start3A_288 : memref<128x16xf32, #tpu.memory_space<vmem>>) offsets(%dma_start3A_290 : memref<128xi32, #tpu.memory_space<vmem>>) semaphore(%arg15 : memref<!tpu.dma_semaphore, #tpu.memory_space<semaphore_mem>>)
      %dma_start3A_294 = arith.constant 640 : i32
      %dma_start3A_295 = arith.constant 0 : i32
      %dma_start3A_296 = tpu.memref_slice %arg11[%dma_start3A_294, %dma_start3A_295] : memref<2048x16xf32, #tpu.memory_space<vmem>> -> memref<128x16xf32, #tpu.memory_space<vmem>>
      %dma_start3A_297 = arith.constant 640 : i32
      %dma_start3A_298 = tpu.memref_slice %arg9[%dma_start3A_297] : memref<2048xi32, #tpu.memory_space<vmem>> -> memref<128xi32, #tpu.memory_space<vmem>>
      %dma_start3A_299 = arith.constant 0 : i32
      %dma_start3A_300 = arith.constant 0 : i32
      %dma_start3A_301 = tpu.memref_slice %arg4[%dma_start3A_299, %dma_start3A_300] : memref<100000x16xf32, #tpu.memory_space<hbm>> -> memref<100000x16xf32, #tpu.memory_space<hbm>>
      tpu.enqueue_indirect_dma source(%dma_start3A_301 : memref<100000x16xf32, #tpu.memory_space<hbm>>) target(%dma_start3A_296 : memref<128x16xf32, #tpu.memory_space<vmem>>) offsets(%dma_start3A_298 : memref<128xi32, #tpu.memory_space<vmem>>) semaphore(%arg15 : memref<!tpu.dma_semaphore, #tpu.memory_space<semaphore_mem>>)
      %dma_start3A_302 = arith.constant 768 : i32
      %dma_start3A_303 = arith.constant 0 : i32
      %dma_start3A_304 = tpu.memref_slice %arg11[%dma_start3A_302, %dma_start3A_303] : memref<2048x16xf32, #tpu.memory_space<vmem>> -> memref<128x16xf32, #tpu.memory_space<vmem>>
      %dma_start3A_305 = arith.constant 768 : i32
      %dma_start3A_306 = tpu.memref_slice %arg9[%dma_start3A_305] : memref<2048xi32, #tpu.memory_space<vmem>> -> memref<128xi32, #tpu.memory_space<vmem>>
      %dma_start3A_307 = arith.constant 0 : i32
      %dma_start3A_308 = arith.constant 0 : i32
      %dma_start3A_309 = tpu.memref_slice %arg4[%dma_start3A_307, %dma_start3A_308] : memref<100000x16xf32, #tpu.memory_space<hbm>> -> memref<100000x16xf32, #tpu.memory_space<hbm>>
      tpu.enqueue_indirect_dma source(%dma_start3A_309 : memref<100000x16xf32, #tpu.memory_space<hbm>>) target(%dma_start3A_304 : memref<128x16xf32, #tpu.memory_space<vmem>>) offsets(%dma_start3A_306 : memref<128xi32, #tpu.memory_space<vmem>>) semaphore(%arg15 : memref<!tpu.dma_semaphore, #tpu.memory_space<semaphore_mem>>)
      %dma_start3A_310 = arith.constant 896 : i32
      %dma_start3A_311 = arith.constant 0 : i32
      %dma_start3A_312 = tpu.memref_slice %arg11[%dma_start3A_310, %dma_start3A_311] : memref<2048x16xf32, #tpu.memory_space<vmem>> -> memref<128x16xf32, #tpu.memory_space<vmem>>
      %dma_start3A_313 = arith.constant 896 : i32
      %dma_start3A_314 = tpu.memref_slice %arg9[%dma_start3A_313] : memref<2048xi32, #tpu.memory_space<vmem>> -> memref<128xi32, #tpu.memory_space<vmem>>
      %dma_start3A_315 = arith.constant 0 : i32
      %dma_start3A_316 = arith.constant 0 : i32
      %dma_start3A_317 = tpu.memref_slice %arg4[%dma_start3A_315, %dma_start3A_316] : memref<100000x16xf32, #tpu.memory_space<hbm>> -> memref<100000x16xf32, #tpu.memory_space<hbm>>
      tpu.enqueue_indirect_dma source(%dma_start3A_317 : memref<100000x16xf32, #tpu.memory_space<hbm>>) target(%dma_start3A_312 : memref<128x16xf32, #tpu.memory_space<vmem>>) offsets(%dma_start3A_314 : memref<128xi32, #tpu.memory_space<vmem>>) semaphore(%arg15 : memref<!tpu.dma_semaphore, #tpu.memory_space<semaphore_mem>>)
      %dma_start3A_318 = arith.constant 1024 : i32
      %dma_start3A_319 = arith.constant 0 : i32
      %dma_start3A_320 = tpu.memref_slice %arg11[%dma_start3A_318, %dma_start3A_319] : memref<2048x16xf32, #tpu.memory_space<vmem>> -> memref<128x16xf32, #tpu.memory_space<vmem>>
      %dma_start3A_321 = arith.constant 1024 : i32
      %dma_start3A_322 = tpu.memref_slice %arg9[%dma_start3A_321] : memref<2048xi32, #tpu.memory_space<vmem>> -> memref<128xi32, #tpu.memory_space<vmem>>
      %dma_start3A_323 = arith.constant 0 : i32
      %dma_start3A_324 = arith.constant 0 : i32
      %dma_start3A_325 = tpu.memref_slice %arg4[%dma_start3A_323, %dma_start3A_324] : memref<100000x16xf32, #tpu.memory_space<hbm>> -> memref<100000x16xf32, #tpu.memory_space<hbm>>
      tpu.enqueue_indirect_dma source(%dma_start3A_325 : memref<100000x16xf32, #tpu.memory_space<hbm>>) target(%dma_start3A_320 : memref<128x16xf32, #tpu.memory_space<vmem>>) offsets(%dma_start3A_322 : memref<128xi32, #tpu.memory_space<vmem>>) semaphore(%arg15 : memref<!tpu.dma_semaphore, #tpu.memory_space<semaphore_mem>>)
      %dma_start3A_326 = arith.constant 1152 : i32
      %dma_start3A_327 = arith.constant 0 : i32
      %dma_start3A_328 = tpu.memref_slice %arg11[%dma_start3A_326, %dma_start3A_327] : memref<2048x16xf32, #tpu.memory_space<vmem>> -> memref<128x16xf32, #tpu.memory_space<vmem>>
      %dma_start3A_329 = arith.constant 1152 : i32
      %dma_start3A_330 = tpu.memref_slice %arg9[%dma_start3A_329] : memref<2048xi32, #tpu.memory_space<vmem>> -> memref<128xi32, #tpu.memory_space<vmem>>
      %dma_start3A_331 = arith.constant 0 : i32
      %dma_start3A_332 = arith.constant 0 : i32
      %dma_start3A_333 = tpu.memref_slice %arg4[%dma_start3A_331, %dma_start3A_332] : memref<100000x16xf32, #tpu.memory_space<hbm>> -> memref<100000x16xf32, #tpu.memory_space<hbm>>
      tpu.enqueue_indirect_dma source(%dma_start3A_333 : memref<100000x16xf32, #tpu.memory_space<hbm>>) target(%dma_start3A_328 : memref<128x16xf32, #tpu.memory_space<vmem>>) offsets(%dma_start3A_330 : memref<128xi32, #tpu.memory_space<vmem>>) semaphore(%arg15 : memref<!tpu.dma_semaphore, #tpu.memory_space<semaphore_mem>>)
      %dma_start3A_334 = arith.constant 1280 : i32
      %dma_start3A_335 = arith.constant 0 : i32
      %dma_start3A_336 = tpu.memref_slice %arg11[%dma_start3A_334, %dma_start3A_335] : memref<2048x16xf32, #tpu.memory_space<vmem>> -> memref<128x16xf32, #tpu.memory_space<vmem>>
      %dma_start3A_337 = arith.constant 1280 : i32
      %dma_start3A_338 = tpu.memref_slice %arg9[%dma_start3A_337] : memref<2048xi32, #tpu.memory_space<vmem>> -> memref<128xi32, #tpu.memory_space<vmem>>
      %dma_start3A_339 = arith.constant 0 : i32
      %dma_start3A_340 = arith.constant 0 : i32
      %dma_start3A_341 = tpu.memref_slice %arg4[%dma_start3A_339, %dma_start3A_340] : memref<100000x16xf32, #tpu.memory_space<hbm>> -> memref<100000x16xf32, #tpu.memory_space<hbm>>
      tpu.enqueue_indirect_dma source(%dma_start3A_341 : memref<100000x16xf32, #tpu.memory_space<hbm>>) target(%dma_start3A_336 : memref<128x16xf32, #tpu.memory_space<vmem>>) offsets(%dma_start3A_338 : memref<128xi32, #tpu.memory_space<vmem>>) semaphore(%arg15 : memref<!tpu.dma_semaphore, #tpu.memory_space<semaphore_mem>>)
      %dma_start3A_342 = arith.constant 1408 : i32
      %dma_start3A_343 = arith.constant 0 : i32
      %dma_start3A_344 = tpu.memref_slice %arg11[%dma_start3A_342, %dma_start3A_343] : memref<2048x16xf32, #tpu.memory_space<vmem>> -> memref<128x16xf32, #tpu.memory_space<vmem>>
      %dma_start3A_345 = arith.constant 1408 : i32
      %dma_start3A_346 = tpu.memref_slice %arg9[%dma_start3A_345] : memref<2048xi32, #tpu.memory_space<vmem>> -> memref<128xi32, #tpu.memory_space<vmem>>
      %dma_start3A_347 = arith.constant 0 : i32
      %dma_start3A_348 = arith.constant 0 : i32
      %dma_start3A_349 = tpu.memref_slice %arg4[%dma_start3A_347, %dma_start3A_348] : memref<100000x16xf32, #tpu.memory_space<hbm>> -> memref<100000x16xf32, #tpu.memory_space<hbm>>
      tpu.enqueue_indirect_dma source(%dma_start3A_349 : memref<100000x16xf32, #tpu.memory_space<hbm>>) target(%dma_start3A_344 : memref<128x16xf32, #tpu.memory_space<vmem>>) offsets(%dma_start3A_346 : memref<128xi32, #tpu.memory_space<vmem>>) semaphore(%arg15 : memref<!tpu.dma_semaphore, #tpu.memory_space<semaphore_mem>>)
      %dma_start3A_350 = arith.constant 1536 : i32
      %dma_start3A_351 = arith.constant 0 : i32
      %dma_start3A_352 = tpu.memref_slice %arg11[%dma_start3A_350, %dma_start3A_351] : memref<2048x16xf32, #tpu.memory_space<vmem>> -> memref<128x16xf32, #tpu.memory_space<vmem>>
      %dma_start3A_353 = arith.constant 1536 : i32
      %dma_start3A_354 = tpu.memref_slice %arg9[%dma_start3A_353] : memref<2048xi32, #tpu.memory_space<vmem>> -> memref<128xi32, #tpu.memory_space<vmem>>
      %dma_start3A_355 = arith.constant 0 : i32
      %dma_start3A_356 = arith.constant 0 : i32
      %dma_start3A_357 = tpu.memref_slice %arg4[%dma_start3A_355, %dma_start3A_356] : memref<100000x16xf32, #tpu.memory_space<hbm>> -> memref<100000x16xf32, #tpu.memory_space<hbm>>
      tpu.enqueue_indirect_dma source(%dma_start3A_357 : memref<100000x16xf32, #tpu.memory_space<hbm>>) target(%dma_start3A_352 : memref<128x16xf32, #tpu.memory_space<vmem>>) offsets(%dma_start3A_354 : memref<128xi32, #tpu.memory_space<vmem>>) semaphore(%arg15 : memref<!tpu.dma_semaphore, #tpu.memory_space<semaphore_mem>>)
      %dma_start3A_358 = arith.constant 1664 : i32
      %dma_start3A_359 = arith.constant 0 : i32
      %dma_start3A_360 = tpu.memref_slice %arg11[%dma_start3A_358, %dma_start3A_359] : memref<2048x16xf32, #tpu.memory_space<vmem>> -> memref<128x16xf32, #tpu.memory_space<vmem>>
      %dma_start3A_361 = arith.constant 1664 : i32
      %dma_start3A_362 = tpu.memref_slice %arg9[%dma_start3A_361] : memref<2048xi32, #tpu.memory_space<vmem>> -> memref<128xi32, #tpu.memory_space<vmem>>
      %dma_start3A_363 = arith.constant 0 : i32
      %dma_start3A_364 = arith.constant 0 : i32
      %dma_start3A_365 = tpu.memref_slice %arg4[%dma_start3A_363, %dma_start3A_364] : memref<100000x16xf32, #tpu.memory_space<hbm>> -> memref<100000x16xf32, #tpu.memory_space<hbm>>
      tpu.enqueue_indirect_dma source(%dma_start3A_365 : memref<100000x16xf32, #tpu.memory_space<hbm>>) target(%dma_start3A_360 : memref<128x16xf32, #tpu.memory_space<vmem>>) offsets(%dma_start3A_362 : memref<128xi32, #tpu.memory_space<vmem>>) semaphore(%arg15 : memref<!tpu.dma_semaphore, #tpu.memory_space<semaphore_mem>>)
      %dma_start3A_366 = arith.constant 1792 : i32
      %dma_start3A_367 = arith.constant 0 : i32
      %dma_start3A_368 = tpu.memref_slice %arg11[%dma_start3A_366, %dma_start3A_367] : memref<2048x16xf32, #tpu.memory_space<vmem>> -> memref<128x16xf32, #tpu.memory_space<vmem>>
      %dma_start3A_369 = arith.constant 1792 : i32
      %dma_start3A_370 = tpu.memref_slice %arg9[%dma_start3A_369] : memref<2048xi32, #tpu.memory_space<vmem>> -> memref<128xi32, #tpu.memory_space<vmem>>
      %dma_start3A_371 = arith.constant 0 : i32
      %dma_start3A_372 = arith.constant 0 : i32
      %dma_start3A_373 = tpu.memref_slice %arg4[%dma_start3A_371, %dma_start3A_372] : memref<100000x16xf32, #tpu.memory_space<hbm>> -> memref<100000x16xf32, #tpu.memory_space<hbm>>
      tpu.enqueue_indirect_dma source(%dma_start3A_373 : memref<100000x16xf32, #tpu.memory_space<hbm>>) target(%dma_start3A_368 : memref<128x16xf32, #tpu.memory_space<vmem>>) offsets(%dma_start3A_370 : memref<128xi32, #tpu.memory_space<vmem>>) semaphore(%arg15 : memref<!tpu.dma_semaphore, #tpu.memory_space<semaphore_mem>>)
      %dma_start3A_374 = arith.constant 1920 : i32
      %dma_start3A_375 = arith.constant 0 : i32
      %dma_start3A_376 = tpu.memref_slice %arg11[%dma_start3A_374, %dma_start3A_375] : memref<2048x16xf32, #tpu.memory_space<vmem>> -> memref<128x16xf32, #tpu.memory_space<vmem>>
      %dma_start3A_377 = arith.constant 1920 : i32
      %dma_start3A_378 = tpu.memref_slice %arg9[%dma_start3A_377] : memref<2048xi32, #tpu.memory_space<vmem>> -> memref<128xi32, #tpu.memory_space<vmem>>
      %dma_start3A_379 = arith.constant 0 : i32
      %dma_start3A_380 = arith.constant 0 : i32
      %dma_start3A_381 = tpu.memref_slice %arg4[%dma_start3A_379, %dma_start3A_380] : memref<100000x16xf32, #tpu.memory_space<hbm>> -> memref<100000x16xf32, #tpu.memory_space<hbm>>
      tpu.enqueue_indirect_dma source(%dma_start3A_381 : memref<100000x16xf32, #tpu.memory_space<hbm>>) target(%dma_start3A_376 : memref<128x16xf32, #tpu.memory_space<vmem>>) offsets(%dma_start3A_378 : memref<128xi32, #tpu.memory_space<vmem>>) semaphore(%arg15 : memref<!tpu.dma_semaphore, #tpu.memory_space<semaphore_mem>>)
      %dma_wait3A_382 = arith.constant 0 : i32
      %dma_wait3A_383 = arith.constant 0 : i32
      %dma_wait3A_384 = tpu.memref_slice %arg4[%dma_wait3A_382, %dma_wait3A_383] : memref<100000x16xf32, #tpu.memory_space<hbm>> -> memref<2048x16xf32, #tpu.memory_space<hbm>>
      %dma_wait3A_385 = arith.constant 0 : i32
      %dma_wait3A_386 = arith.constant 0 : i32
      %dma_wait3A_387 = tpu.memref_slice %arg4[%dma_wait3A_385, %dma_wait3A_386] : memref<100000x16xf32, #tpu.memory_space<hbm>> -> memref<2048x16xf32, #tpu.memory_space<hbm>>
      tpu.wait_dma2 semaphore(%arg14 : memref<!tpu.dma_semaphore, #tpu.memory_space<semaphore_mem>>) src(%dma_wait3A_387 : memref<2048x16xf32, #tpu.memory_space<hbm>>) dst(%arg10 : memref<2048x16xf32, #tpu.memory_space<vmem>>)
      %mul3A_388 = arith.constant 2048 : i32
      %mul3A_389 = arith.muli %mul3A_245, %mul3A_388 : i32
      %add3A_390 = arith.addi %and3A_11, %mul3A_389 : i32
      %min3A_391 = arith.constant 817152 : i32
      %min3A_392 = arith.minsi %add3A_390, %min3A_391 : i32
      %multiple_of3A_393 = tpu.assume_multiple %min3A_392, 8 : i32
      %add3A_394 = arith.constant 2048 : i32
      %add3A_395 = arith.addi %multiple_of3A_393, %add3A_394 : i32
      %min3A_396 = arith.minsi %add3A_395, %squeeze3A_10 : i32
      %get3A_397 = arith.constant 0 : index
      %get3A_398 = tpu.vector_load %arg7[%get3A_397] {strides = array<i32>} : memref<144xi32, #tpu.memory_space<vmem>>, vector<16xi32>,
      %le3A = vector.broadcast %min3A_396 : i32 to vector<16xi32>
      %le3A_399 = arith.cmpi sle, %get3A_398, %le3A : vector<16xi32>
      %lt3A = arith.constant 129 : i32
      %lt3A_400 = vector.broadcast %lt3A : i32 to vector<16xi32>
      %lt3A_401 = arith.cmpi slt, %iota3A, %lt3A_400 : vector<16xi32>
      %and3A_402 = arith.andi %le3A_399, %lt3A_401 : vector<16xi1>
      %all_reduce_population_count3A = tpu.all_reduce %and3A_402 {dim = 0 : i64, kind = #tpu.reduction_kind<sum>} : vector<16xi1> -> vector<16xi32>
      %slice3A_403 = vector.extract_strided_slice %all_reduce_population_count3A {offsets = [0], sizes = [1], strides = [1]} : vector<16xi32> to vector<1xi32>
      %squeeze3A_404 = vector.extract %slice3A_403[0] : i32 from vector<1xi32>
      %add3A_405 = arith.constant 0 : i32
      %add3A_406 = arith.addi %add3A_405, %squeeze3A_404 : i32
      %get3A_407 = arith.constant 16 : index
      %get3A_408 = tpu.vector_load %arg7[%get3A_407] {strides = array<i32>} : memref<144xi32, #tpu.memory_space<vmem>>, vector<16xi32>,
      %le3A_409 = vector.broadcast %min3A_396 : i32 to vector<16xi32>
      %le3A_410 = arith.cmpi sle, %get3A_408, %le3A_409 : vector<16xi32>
      %lt3A_411 = arith.constant 113 : i32
      %lt3A_412 = vector.broadcast %lt3A_411 : i32 to vector<16xi32>
      %lt3A_413 = arith.cmpi slt, %iota3A, %lt3A_412 : vector<16xi32>
      %and3A_414 = arith.andi %le3A_410, %lt3A_413 : vector<16xi1>
      %all_reduce_population_count3A_415 = tpu.all_reduce %and3A_414 {dim = 0 : i64, kind = #tpu.reduction_kind<sum>} : vector<16xi1> -> vector<16xi32>
      %slice3A_416 = vector.extract_strided_slice %all_reduce_population_count3A_415 {offsets = [0], sizes = [1], strides = [1]} : vector<16xi32> to vector<1xi32>
      %squeeze3A_417 = vector.extract %slice3A_416[0] : i32 from vector<1xi32>
      %add3A_418 = arith.addi %add3A_406, %squeeze3A_417 : i32
      %get3A_419 = arith.constant 32 : index
      %get3A_420 = tpu.vector_load %arg7[%get3A_419] {strides = array<i32>} : memref<144xi32, #tpu.memory_space<vmem>>, vector<16xi32>,
      %le3A_421 = vector.broadcast %min3A_396 : i32 to vector<16xi32>
      %le3A_422 = arith.cmpi sle, %get3A_420, %le3A_421 : vector<16xi32>
      %lt3A_423 = arith.constant 97 : i32
      %lt3A_424 = vector.broadcast %lt3A_423 : i32 to vector<16xi32>
      %lt3A_425 = arith.cmpi slt, %iota3A, %lt3A_424 : vector<16xi32>
      %and3A_426 = arith.andi %le3A_422, %lt3A_425 : vector<16xi1>
      %all_reduce_population_count3A_427 = tpu.all_reduce %and3A_426 {dim = 0 : i64, kind = #tpu.reduction_kind<sum>} : vector<16xi1> -> vector<16xi32>
      %slice3A_428 = vector.extract_strided_slice %all_reduce_population_count3A_427 {offsets = [0], sizes = [1], strides = [1]} : vector<16xi32> to vector<1xi32>
      %squeeze3A_429 = vector.extract %slice3A_428[0] : i32 from vector<1xi32>
      %add3A_430 = arith.addi %add3A_418, %squeeze3A_429 : i32
      %get3A_431 = arith.constant 48 : index
      %get3A_432 = tpu.vector_load %arg7[%get3A_431] {strides = array<i32>} : memref<144xi32, #tpu.memory_space<vmem>>, vector<16xi32>,
      %le3A_433 = vector.broadcast %min3A_396 : i32 to vector<16xi32>
      %le3A_434 = arith.cmpi sle, %get3A_432, %le3A_433 : vector<16xi32>
      %lt3A_435 = arith.constant 81 : i32
      %lt3A_436 = vector.broadcast %lt3A_435 : i32 to vector<16xi32>
      %lt3A_437 = arith.cmpi slt, %iota3A, %lt3A_436 : vector<16xi32>
      %and3A_438 = arith.andi %le3A_434, %lt3A_437 : vector<16xi1>
      %all_reduce_population_count3A_439 = tpu.all_reduce %and3A_438 {dim = 0 : i64, kind = #tpu.reduction_kind<sum>} : vector<16xi1> -> vector<16xi32>
      %slice3A_440 = vector.extract_strided_slice %all_reduce_population_count3A_439 {offsets = [0], sizes = [1], strides = [1]} : vector<16xi32> to vector<1xi32>
      %squeeze3A_441 = vector.extract %slice3A_440[0] : i32 from vector<1xi32>
      %add3A_442 = arith.addi %add3A_430, %squeeze3A_441 : i32
      %get3A_443 = arith.constant 64 : index
      %get3A_444 = tpu.vector_load %arg7[%get3A_443] {strides = array<i32>} : memref<144xi32, #tpu.memory_space<vmem>>, vector<16xi32>,
      %le3A_445 = vector.broadcast %min3A_396 : i32 to vector<16xi32>
      %le3A_446 = arith.cmpi sle, %get3A_444, %le3A_445 : vector<16xi32>
      %lt3A_447 = arith.constant 65 : i32
      %lt3A_448 = vector.broadcast %lt3A_447 : i32 to vector<16xi32>
      %lt3A_449 = arith.cmpi slt, %iota3A, %lt3A_448 : vector<16xi32>
      %and3A_450 = arith.andi %le3A_446, %lt3A_449 : vector<16xi1>
      %all_reduce_population_count3A_451 = tpu.all_reduce %and3A_450 {dim = 0 : i64, kind = #tpu.reduction_kind<sum>} : vector<16xi1> -> vector<16xi32>
      %slice3A_452 = vector.extract_strided_slice %all_reduce_population_count3A_451 {offsets = [0], sizes = [1], strides = [1]} : vector<16xi32> to vector<1xi32>
      %squeeze3A_453 = vector.extract %slice3A_452[0] : i32 from vector<1xi32>
      %add3A_454 = arith.addi %add3A_442, %squeeze3A_453 : i32
      %get3A_455 = arith.constant 80 : index
      %get3A_456 = tpu.vector_load %arg7[%get3A_455] {strides = array<i32>} : memref<144xi32, #tpu.memory_space<vmem>>, vector<16xi32>,
      %le3A_457 = vector.broadcast %min3A_396 : i32 to vector<16xi32>
      %le3A_458 = arith.cmpi sle, %get3A_456, %le3A_457 : vector<16xi32>
      %lt3A_459 = arith.constant 49 : i32
      %lt3A_460 = vector.broadcast %lt3A_459 : i32 to vector<16xi32>
      %lt3A_461 = arith.cmpi slt, %iota3A, %lt3A_460 : vector<16xi32>
      %and3A_462 = arith.andi %le3A_458, %lt3A_461 : vector<16xi1>
      %all_reduce_population_count3A_463 = tpu.all_reduce %and3A_462 {dim = 0 : i64, kind = #tpu.reduction_kind<sum>} : vector<16xi1> -> vector<16xi32>
      %slice3A_464 = vector.extract_strided_slice %all_reduce_population_count3A_463 {offsets = [0], sizes = [1], strides = [1]} : vector<16xi32> to vector<1xi32>
      %squeeze3A_465 = vector.extract %slice3A_464[0] : i32 from vector<1xi32>
      %add3A_466 = arith.addi %add3A_454, %squeeze3A_465 : i32
      %get3A_467 = arith.constant 96 : index
      %get3A_468 = tpu.vector_load %arg7[%get3A_467] {strides = array<i32>} : memref<144xi32, #tpu.memory_space<vmem>>, vector<16xi32>,
      %le3A_469 = vector.broadcast %min3A_396 : i32 to vector<16xi32>
      %le3A_470 = arith.cmpi sle, %get3A_468, %le3A_469 : vector<16xi32>
      %lt3A_471 = arith.constant 33 : i32
      %lt3A_472 = vector.broadcast %lt3A_471 : i32 to vector<16xi32>
      %lt3A_473 = arith.cmpi slt, %iota3A, %lt3A_472 : vector<16xi32>
      %and3A_474 = arith.andi %le3A_470, %lt3A_473 : vector<16xi1>
      %all_reduce_population_count3A_475 = tpu.all_reduce %and3A_474 {dim = 0 : i64, kind = #tpu.reduction_kind<sum>} : vector<16xi1> -> vector<16xi32>
      %slice3A_476 = vector.extract_strided_slice %all_reduce_population_count3A_475 {offsets = [0], sizes = [1], strides = [1]} : vector<16xi32> to vector<1xi32>
      %squeeze3A_477 = vector.extract %slice3A_476[0] : i32 from vector<1xi32>
      %add3A_478 = arith.addi %add3A_466, %squeeze3A_477 : i32
      %get3A_479 = arith.constant 112 : index
      %get3A_480 = tpu.vector_load %arg7[%get3A_479] {strides = array<i32>} : memref<144xi32, #tpu.memory_space<vmem>>, vector<16xi32>,
      %le3A_481 = vector.broadcast %min3A_396 : i32 to vector<16xi32>
      %le3A_482 = arith.cmpi sle, %get3A_480, %le3A_481 : vector<16xi32>
      %lt3A_483 = arith.constant 17 : i32
      %lt3A_484 = vector.broadcast %lt3A_483 : i32 to vector<16xi32>
      %lt3A_485 = arith.cmpi slt, %iota3A, %lt3A_484 : vector<16xi32>
      %and3A_486 = arith.andi %le3A_482, %lt3A_485 : vector<16xi1>
      %all_reduce_population_count3A_487 = tpu.all_reduce %and3A_486 {dim = 0 : i64, kind = #tpu.reduction_kind<sum>} : vector<16xi1> -> vector<16xi32>
      %slice3A_488 = vector.extract_strided_slice %all_reduce_population_count3A_487 {offsets = [0], sizes = [1], strides = [1]} : vector<16xi32> to vector<1xi32>
      %squeeze3A_489 = vector.extract %slice3A_488[0] : i32 from vector<1xi32>
      %add3A_490 = arith.addi %add3A_478, %squeeze3A_489 : i32
      %get3A_491 = arith.constant 128 : index
      %get3A_492 = tpu.vector_load %arg7[%get3A_491] {strides = array<i32>} : memref<144xi32, #tpu.memory_space<vmem>>, vector<16xi32>,
      %le3A_493 = vector.broadcast %min3A_396 : i32 to vector<16xi32>
      %le3A_494 = arith.cmpi sle, %get3A_492, %le3A_493 : vector<16xi32>
      %lt3A_495 = arith.constant 1 : i32
      %lt3A_496 = vector.broadcast %lt3A_495 : i32 to vector<16xi32>
      %lt3A_497 = arith.cmpi slt, %iota3A, %lt3A_496 : vector<16xi32>
      %and3A_498 = arith.andi %le3A_494, %lt3A_497 : vector<16xi1>
      %all_reduce_population_count3A_499 = tpu.all_reduce %and3A_498 {dim = 0 : i64, kind = #tpu.reduction_kind<sum>} : vector<16xi1> -> vector<16xi32>
      %slice3A_500 = vector.extract_strided_slice %all_reduce_population_count3A_499 {offsets = [0], sizes = [1], strides = [1]} : vector<16xi32> to vector<1xi32>
      %squeeze3A_501 = vector.extract %slice3A_500[0] : i32 from vector<1xi32>
      %add3A_502 = arith.addi %add3A_490, %squeeze3A_501 : i32
      %sub3A_503 = arith.constant 1 : i32
      %sub3A_504 = arith.subi %add3A_502, %sub3A_503 : i32
      %max3A = arith.maxsi %while3A_241, %multiple_of3A_393 : i32
      %while3A_505 = arith.subi %sub3A_504, %while3A_242 : i32
      %while3A_506 = arith.addi %while3A_242, %while3A_505 : i32
      %while3A_507 = arith.constant 1 : i32
      %while3A_508 = arith.divsi %while3A_505, %while3A_507 : i32
      %while3A_509 = arith.muli %while3A_508, %while3A_507 : i32
      %while3A_510 = arith.addi %while3A_242, %while3A_509 : i32
      %while3A_511 = arith.constant 1 : i32
      %while3A_512:2 = scf.for %while3A_904 = %while3A_242 to %while3A_510 step %while3A_511 iter_args(%while3A_905 = %max3A, %while3A_906 = %while3A_243) -> (i32, vector<16xf32>)  : i32 {
        %get3A_907 = arith.index_cast %while3A_904 : i32 to index
        %get3A_908 = tpu.vector_load %arg7[%get3A_907] {strides = array<i32>} : memref<144xi32, #tpu.memory_space<vmem>>, vector<16xi32>,
        %slice3A_909 = vector.extract_strided_slice %get3A_908 {offsets = [0], sizes = [1], strides = [1]} : vector<16xi32> to vector<1xi32>
        %squeeze3A_910 = vector.extract %slice3A_909[0] : i32 from vector<1xi32>
        %slice3A_911 = vector.extract_strided_slice %get3A_908 {offsets = [1], sizes = [1], strides = [1]} : vector<16xi32> to vector<1xi32>
        %squeeze3A_912 = vector.extract %slice3A_911[0] : i32 from vector<1xi32>
        %sub3A_913 = arith.subi %while3A_905, %multiple_of3A_393 : i32
        %sub3A_914 = arith.subi %squeeze3A_912, %multiple_of3A_393 : i32
        %sub3A_915 = arith.subi %sub3A_914, %sub3A_913 : i32
        %max3A_916 = arith.constant 0 : i32
        %max3A_917 = arith.maxsi %sub3A_915, %max3A_916 : i32
        %jit3A_918 = arith.constant 8 : i32
        %div3A_919 = arith.divsi %max3A_917, %jit3A_918 : i32
        %sign3A_920 = arith.constant 0 : i32
        %sign3A_921 = arith.cmpi sgt, %max3A_917, %sign3A_920 : i32
        %sign3A_922 = arith.extui %sign3A_921 : i1 to i32
        %sign3A_923 = arith.constant 0 : i32
        %sign3A_924 = arith.cmpi slt, %max3A_917, %sign3A_923 : i32
        %sign3A_925 = arith.extui %sign3A_924 : i1 to i32
        %sign3A_926 = arith.subi %sign3A_922, %sign3A_925 : i32
        %sign3A_927 = arith.constant 0 : i32
        %sign3A_928 = arith.cmpi sgt, %jit3A_918, %sign3A_927 : i32
        %sign3A_929 = arith.extui %sign3A_928 : i1 to i32
        %sign3A_930 = arith.constant 0 : i32
        %sign3A_931 = arith.cmpi slt, %jit3A_918, %sign3A_930 : i32
        %sign3A_932 = arith.extui %sign3A_931 : i1 to i32
        %sign3A_933 = arith.subi %sign3A_929, %sign3A_932 : i32
        %ne3A_934 = arith.cmpi ne, %sign3A_926, %sign3A_933 : i32
        %rem3A_935 = arith.remsi %max3A_917, %jit3A_918 : i32
        %ne3A_936 = arith.constant 0 : i32
        %ne3A_937 = arith.cmpi ne, %rem3A_935, %ne3A_936 : i32
        %and3A_938 = arith.andi %ne3A_934, %ne3A_937 : i1
        %sub3A_939 = arith.constant 1 : i32
        %sub3A_940 = arith.subi %div3A_919, %sub3A_939 : i32
        %select_n3A_941 = arith.select %and3A_938, %sub3A_940, %div3A_919 : i32
        %while3A_942 = arith.constant 0 : i32
        %while3A_943 = arith.subi %select_n3A_941, %while3A_942 : i32
        %while3A_944 = arith.addi %while3A_942, %while3A_943 : i32
        %while3A_945 = arith.constant 1 : i32
        %while3A_946 = arith.divsi %while3A_943, %while3A_945 : i32
        %while3A_947 = arith.muli %while3A_946, %while3A_945 : i32
        %while3A_948 = arith.addi %while3A_942, %while3A_947 : i32
        %while3A_949 = arith.constant 1 : i32
        %while3A_950:4 = scf.for %while3A_981 = %while3A_942 to %while3A_948 step %while3A_949 iter_args(%while3A_982 = %while3A_906, %while3A_983 = %broadcast_in_dim3A_4, %while3A_984 = %broadcast_in_dim3A_4, %while3A_985 = %broadcast_in_dim3A_4) -> (vector<16xf32>, vector<16xf32>, vector<16xf32>, vector<16xf32>)  : i32 {
          %mul3A_986 = arith.constant 8 : i32
          %mul3A_987 = arith.muli %while3A_981, %mul3A_986 : i32
          %add3A_988 = arith.addi %sub3A_913, %mul3A_987 : i32
          %get3A_989 = arith.index_cast %add3A_988 : i32 to index
          %get3A_990 = arith.constant 0 : index
          %get3A_991 = tpu.vector_load %arg10[%get3A_989, %get3A_990] {strides = array<i32>} : memref<2048x16xf32, #tpu.memory_space<vmem>>, vector<16xf32>,
          %add3A_992 = arith.addf %while3A_982, %get3A_991 : vector<16xf32>
          %add3A_993 = arith.constant 1 : i32
          %add3A_994 = arith.addi %add3A_988, %add3A_993 : i32
          %get3A_995 = arith.index_cast %add3A_994 : i32 to index
          %get3A_996 = arith.constant 0 : index
          %get3A_997 = tpu.vector_load %arg10[%get3A_995, %get3A_996] {strides = array<i32>} : memref<2048x16xf32, #tpu.memory_space<vmem>>, vector<16xf32>,
          %add3A_998 = arith.addf %while3A_983, %get3A_997 : vector<16xf32>
          %add3A_999 = arith.constant 2 : i32
          %add3A_1000 = arith.addi %add3A_988, %add3A_999 : i32
          %get3A_1001 = arith.index_cast %add3A_1000 : i32 to index
          %get3A_1002 = arith.constant 0 : index
          %get3A_1003 = tpu.vector_load %arg10[%get3A_1001, %get3A_1002] {strides = array<i32>} : memref<2048x16xf32, #tpu.memory_space<vmem>>, vector<16xf32>,
          %add3A_1004 = arith.addf %while3A_984, %get3A_1003 : vector<16xf32>
          %add3A_1005 = arith.constant 3 : i32
          %add3A_1006 = arith.addi %add3A_988, %add3A_1005 : i32
          %get3A_1007 = arith.index_cast %add3A_1006 : i32 to index
          %get3A_1008 = arith.constant 0 : index
          %get3A_1009 = tpu.vector_load %arg10[%get3A_1007, %get3A_1008] {strides = array<i32>} : memref<2048x16xf32, #tpu.memory_space<vmem>>, vector<16xf32>,
          %add3A_1010 = arith.addf %while3A_985, %get3A_1009 : vector<16xf32>
          %add3A_1011 = arith.constant 4 : i32
          %add3A_1012 = arith.addi %add3A_988, %add3A_1011 : i32
          %get3A_1013 = arith.index_cast %add3A_1012 : i32 to index
          %get3A_1014 = arith.constant 0 : index
          %get3A_1015 = tpu.vector_load %arg10[%get3A_1013, %get3A_1014] {strides = array<i32>} : memref<2048x16xf32, #tpu.memory_space<vmem>>, vector<16xf32>,
          %add3A_1016 = arith.addf %add3A_992, %get3A_1015 : vector<16xf32>
          %add3A_1017 = arith.constant 5 : i32
          %add3A_1018 = arith.addi %add3A_988, %add3A_1017 : i32
          %get3A_1019 = arith.index_cast %add3A_1018 : i32 to index
          %get3A_1020 = arith.constant 0 : index
          %get3A_1021 = tpu.vector_load %arg10[%get3A_1019, %get3A_1020] {strides = array<i32>} : memref<2048x16xf32, #tpu.memory_space<vmem>>, vector<16xf32>,
          %add3A_1022 = arith.addf %add3A_998, %get3A_1021 : vector<16xf32>
          %add3A_1023 = arith.constant 6 : i32
          %add3A_1024 = arith.addi %add3A_988, %add3A_1023 : i32
          %get3A_1025 = arith.index_cast %add3A_1024 : i32 to index
          %get3A_1026 = arith.constant 0 : index
          %get3A_1027 = tpu.vector_load %arg10[%get3A_1025, %get3A_1026] {strides = array<i32>} : memref<2048x16xf32, #tpu.memory_space<vmem>>, vector<16xf32>,
          %add3A_1028 = arith.addf %add3A_1004, %get3A_1027 : vector<16xf32>
          %add3A_1029 = arith.constant 7 : i32
          %add3A_1030 = arith.addi %add3A_988, %add3A_1029 : i32
          %get3A_1031 = arith.index_cast %add3A_1030 : i32 to index
          %get3A_1032 = arith.constant 0 : index
          %get3A_1033 = tpu.vector_load %arg10[%get3A_1031, %get3A_1032] {strides = array<i32>} : memref<2048x16xf32, #tpu.memory_space<vmem>>, vector<16xf32>,
          %add3A_1034 = arith.addf %add3A_1010, %get3A_1033 : vector<16xf32>
          scf.yield %add3A_1016, %add3A_1022, %add3A_1028, %add3A_1034 : vector<16xf32>, vector<16xf32>, vector<16xf32>, vector<16xf32>
        }
        %while3A_951 = arith.constant 1 : i32
        %while3A_952:4 = scf.for %while3A_981 = %while3A_948 to %while3A_944 step %while3A_951 iter_args(%while3A_982 = %while3A_950#0, %while3A_983 = %while3A_950#1, %while3A_984 = %while3A_950#2, %while3A_985 = %while3A_950#3) -> (vector<16xf32>, vector<16xf32>, vector<16xf32>, vector<16xf32>)  : i32 {
          %mul3A_986 = arith.constant 8 : i32
          %mul3A_987 = arith.muli %while3A_981, %mul3A_986 : i32
          %add3A_988 = arith.addi %sub3A_913, %mul3A_987 : i32
          %get3A_989 = arith.index_cast %add3A_988 : i32 to index
          %get3A_990 = arith.constant 0 : index
          %get3A_991 = tpu.vector_load %arg10[%get3A_989, %get3A_990] {strides = array<i32>} : memref<2048x16xf32, #tpu.memory_space<vmem>>, vector<16xf32>,
          %add3A_992 = arith.addf %while3A_982, %get3A_991 : vector<16xf32>
          %add3A_993 = arith.constant 1 : i32
          %add3A_994 = arith.addi %add3A_988, %add3A_993 : i32
          %get3A_995 = arith.index_cast %add3A_994 : i32 to index
          %get3A_996 = arith.constant 0 : index
          %get3A_997 = tpu.vector_load %arg10[%get3A_995, %get3A_996] {strides = array<i32>} : memref<2048x16xf32, #tpu.memory_space<vmem>>, vector<16xf32>,
          %add3A_998 = arith.addf %while3A_983, %get3A_997 : vector<16xf32>
          %add3A_999 = arith.constant 2 : i32
          %add3A_1000 = arith.addi %add3A_988, %add3A_999 : i32
          %get3A_1001 = arith.index_cast %add3A_1000 : i32 to index
          %get3A_1002 = arith.constant 0 : index
          %get3A_1003 = tpu.vector_load %arg10[%get3A_1001, %get3A_1002] {strides = array<i32>} : memref<2048x16xf32, #tpu.memory_space<vmem>>, vector<16xf32>,
          %add3A_1004 = arith.addf %while3A_984, %get3A_1003 : vector<16xf32>
          %add3A_1005 = arith.constant 3 : i32
          %add3A_1006 = arith.addi %add3A_988, %add3A_1005 : i32
          %get3A_1007 = arith.index_cast %add3A_1006 : i32 to index
          %get3A_1008 = arith.constant 0 : index
          %get3A_1009 = tpu.vector_load %arg10[%get3A_1007, %get3A_1008] {strides = array<i32>} : memref<2048x16xf32, #tpu.memory_space<vmem>>, vector<16xf32>,
          %add3A_1010 = arith.addf %while3A_985, %get3A_1009 : vector<16xf32>
          %add3A_1011 = arith.constant 4 : i32
          %add3A_1012 = arith.addi %add3A_988, %add3A_1011 : i32
          %get3A_1013 = arith.index_cast %add3A_1012 : i32 to index
          %get3A_1014 = arith.constant 0 : index
          %get3A_1015 = tpu.vector_load %arg10[%get3A_1013, %get3A_1014] {strides = array<i32>} : memref<2048x16xf32, #tpu.memory_space<vmem>>, vector<16xf32>,
          %add3A_1016 = arith.addf %add3A_992, %get3A_1015 : vector<16xf32>
          %add3A_1017 = arith.constant 5 : i32
          %add3A_1018 = arith.addi %add3A_988, %add3A_1017 : i32
          %get3A_1019 = arith.index_cast %add3A_1018 : i32 to index
          %get3A_1020 = arith.constant 0 : index
          %get3A_1021 = tpu.vector_load %arg10[%get3A_1019, %get3A_1020] {strides = array<i32>} : memref<2048x16xf32, #tpu.memory_space<vmem>>, vector<16xf32>,
          %add3A_1022 = arith.addf %add3A_998, %get3A_1021 : vector<16xf32>
          %add3A_1023 = arith.constant 6 : i32
          %add3A_1024 = arith.addi %add3A_988, %add3A_1023 : i32
          %get3A_1025 = arith.index_cast %add3A_1024 : i32 to index
          %get3A_1026 = arith.constant 0 : index
          %get3A_1027 = tpu.vector_load %arg10[%get3A_1025, %get3A_1026] {strides = array<i32>} : memref<2048x16xf32, #tpu.memory_space<vmem>>, vector<16xf32>,
          %add3A_1028 = arith.addf %add3A_1004, %get3A_1027 : vector<16xf32>
          %add3A_1029 = arith.constant 7 : i32
          %add3A_1030 = arith.addi %add3A_988, %add3A_1029 : i32
          %get3A_1031 = arith.index_cast %add3A_1030 : i32 to index
          %get3A_1032 = arith.constant 0 : index
          %get3A_1033 = tpu.vector_load %arg10[%get3A_1031, %get3A_1032] {strides = array<i32>} : memref<2048x16xf32, #tpu.memory_space<vmem>>, vector<16xf32>,
          %add3A_1034 = arith.addf %add3A_1010, %get3A_1033 : vector<16xf32>
          scf.yield %add3A_1016, %add3A_1022, %add3A_1028, %add3A_1034 : vector<16xf32>, vector<16xf32>, vector<16xf32>, vector<16xf32>
        }
        %add3A_953 = arith.addf %while3A_952#0, %while3A_952#1 : vector<16xf32>
        %add3A_954 = arith.addf %while3A_952#2, %while3A_952#3 : vector<16xf32>
        %add3A_955 = arith.addf %add3A_953, %add3A_954 : vector<16xf32>
        %and3A_956 = arith.constant -8 : i32
        %and3A_957 = arith.andi %max3A_917, %and3A_956 : i32
        %add3A_958 = arith.addi %sub3A_913, %and3A_957 : i32
        %while3A_959 = arith.subi %sub3A_914, %add3A_958 : i32
        %while3A_960 = arith.addi %add3A_958, %while3A_959 : i32
        %while3A_961 = arith.constant 1 : i32
        %while3A_962 = arith.divsi %while3A_959, %while3A_961 : i32
        %while3A_963 = arith.muli %while3A_962, %while3A_961 : i32
        %while3A_964 = arith.addi %add3A_958, %while3A_963 : i32
        %while3A_965 = arith.constant 1 : i32
        %while3A_966 = scf.for %while3A_981 = %add3A_958 to %while3A_964 step %while3A_965 iter_args(%while3A_982 = %add3A_955) -> (vector<16xf32>)  : i32 {
          %get3A_983 = arith.index_cast %while3A_981 : i32 to index
          %get3A_984 = arith.constant 0 : index
          %get3A_985 = tpu.vector_load %arg10[%get3A_983, %get3A_984] {strides = array<i32>} : memref<2048x16xf32, #tpu.memory_space<vmem>>, vector<16xf32>,
          %add3A_986 = arith.addf %while3A_982, %get3A_985 : vector<16xf32>
          scf.yield %add3A_986 : vector<16xf32>
        }
        %while3A_967 = arith.constant 1 : i32
        %while3A_968 = scf.for %while3A_981 = %while3A_964 to %while3A_960 step %while3A_967 iter_args(%while3A_982 = %while3A_966) -> (vector<16xf32>)  : i32 {
          %get3A_983 = arith.index_cast %while3A_981 : i32 to index
          %get3A_984 = arith.constant 0 : index
          %get3A_985 = tpu.vector_load %arg10[%get3A_983, %get3A_984] {strides = array<i32>} : memref<2048x16xf32, #tpu.memory_space<vmem>>, vector<16xf32>,
          %add3A_986 = arith.addf %while3A_982, %get3A_985 : vector<16xf32>
          scf.yield %add3A_986 : vector<16xf32>
        }
        %sub3A_969 = arith.subi %squeeze3A_912, %squeeze3A_910 : i32
        %convert_element_type3A = arith.sitofp %sub3A_969 : i32 to f32
        %broadcast_in_dim3A_970 = arith.constant 1.000000e+00 : f32
        %broadcast_in_dim3A_971 = vector.broadcast %broadcast_in_dim3A_970 : f32 to vector<16xf32>
        %mul3A_972 = vector.broadcast %convert_element_type3A : f32 to vector<16xf32>
        %mul3A_973 = arith.mulf %broadcast_in_dim3A_971, %mul3A_972 : vector<16xf32>
        %max3A_974 = arith.constant 1.000000e+00 : f32
        %max3A_975 = vector.broadcast %max3A_974 : f32 to vector<16xf32>
        %max3A_976 = arith.maximumf %mul3A_973, %max3A_975 : vector<16xf32>
        %div3A_977 = arith.divf %while3A_968, %max3A_976 : vector<16xf32>
        %add3A_978 = arith.addf %div3A_977, %get3A_3 : vector<16xf32>
        %swap3A = arith.index_cast %while3A_904 : i32 to index
        %swap3A_979 = arith.constant 0 : index
        %swap3A_980 = tpu.vector_load %arg12[%swap3A, %swap3A_979] {strides = array<i32>} : memref<128x16xf32, #tpu.memory_space<vmem>>, vector<16xf32>,
        tpu.vector_store %arg12[%swap3A, %swap3A_979], %add3A_978 {strides = array<i32>} : memref<128x16xf32, #tpu.memory_space<vmem>>, vector<16xf32>,
        scf.yield %squeeze3A_912, %broadcast_in_dim3A_4 : i32, vector<16xf32>
      }
      %while3A_513 = arith.constant 1 : i32
      %while3A_514:2 = scf.for %while3A_904 = %while3A_510 to %while3A_506 step %while3A_513 iter_args(%while3A_905 = %while3A_512#0, %while3A_906 = %while3A_512#1) -> (i32, vector<16xf32>)  : i32 {
        %get3A_907 = arith.index_cast %while3A_904 : i32 to index
        %get3A_908 = tpu.vector_load %arg7[%get3A_907] {strides = array<i32>} : memref<144xi32, #tpu.memory_space<vmem>>, vector<16xi32>,
        %slice3A_909 = vector.extract_strided_slice %get3A_908 {offsets = [0], sizes = [1], strides = [1]} : vector<16xi32> to vector<1xi32>
        %squeeze3A_910 = vector.extract %slice3A_909[0] : i32 from vector<1xi32>
        %slice3A_911 = vector.extract_strided_slice %get3A_908 {offsets = [1], sizes = [1], strides = [1]} : vector<16xi32> to vector<1xi32>
        %squeeze3A_912 = vector.extract %slice3A_911[0] : i32 from vector<1xi32>
        %sub3A_913 = arith.subi %while3A_905, %multiple_of3A_393 : i32
        %sub3A_914 = arith.subi %squeeze3A_912, %multiple_of3A_393 : i32
        %sub3A_915 = arith.subi %sub3A_914, %sub3A_913 : i32
        %max3A_916 = arith.constant 0 : i32
        %max3A_917 = arith.maxsi %sub3A_915, %max3A_916 : i32
        %jit3A_918 = arith.constant 8 : i32
        %div3A_919 = arith.divsi %max3A_917, %jit3A_918 : i32
        %sign3A_920 = arith.constant 0 : i32
        %sign3A_921 = arith.cmpi sgt, %max3A_917, %sign3A_920 : i32
        %sign3A_922 = arith.extui %sign3A_921 : i1 to i32
        %sign3A_923 = arith.constant 0 : i32
        %sign3A_924 = arith.cmpi slt, %max3A_917, %sign3A_923 : i32
        %sign3A_925 = arith.extui %sign3A_924 : i1 to i32
        %sign3A_926 = arith.subi %sign3A_922, %sign3A_925 : i32
        %sign3A_927 = arith.constant 0 : i32
        %sign3A_928 = arith.cmpi sgt, %jit3A_918, %sign3A_927 : i32
        %sign3A_929 = arith.extui %sign3A_928 : i1 to i32
        %sign3A_930 = arith.constant 0 : i32
        %sign3A_931 = arith.cmpi slt, %jit3A_918, %sign3A_930 : i32
        %sign3A_932 = arith.extui %sign3A_931 : i1 to i32
        %sign3A_933 = arith.subi %sign3A_929, %sign3A_932 : i32
        %ne3A_934 = arith.cmpi ne, %sign3A_926, %sign3A_933 : i32
        %rem3A_935 = arith.remsi %max3A_917, %jit3A_918 : i32
        %ne3A_936 = arith.constant 0 : i32
        %ne3A_937 = arith.cmpi ne, %rem3A_935, %ne3A_936 : i32
        %and3A_938 = arith.andi %ne3A_934, %ne3A_937 : i1
        %sub3A_939 = arith.constant 1 : i32
        %sub3A_940 = arith.subi %div3A_919, %sub3A_939 : i32
        %select_n3A_941 = arith.select %and3A_938, %sub3A_940, %div3A_919 : i32
        %while3A_942 = arith.constant 0 : i32
        %while3A_943 = arith.subi %select_n3A_941, %while3A_942 : i32
        %while3A_944 = arith.addi %while3A_942, %while3A_943 : i32
        %while3A_945 = arith.constant 1 : i32
        %while3A_946 = arith.divsi %while3A_943, %while3A_945 : i32
        %while3A_947 = arith.muli %while3A_946, %while3A_945 : i32
        %while3A_948 = arith.addi %while3A_942, %while3A_947 : i32
        %while3A_949 = arith.constant 1 : i32
        %while3A_950:4 = scf.for %while3A_981 = %while3A_942 to %while3A_948 step %while3A_949 iter_args(%while3A_982 = %while3A_906, %while3A_983 = %broadcast_in_dim3A_4, %while3A_984 = %broadcast_in_dim3A_4, %while3A_985 = %broadcast_in_dim3A_4) -> (vector<16xf32>, vector<16xf32>, vector<16xf32>, vector<16xf32>)  : i32 {
          %mul3A_986 = arith.constant 8 : i32
          %mul3A_987 = arith.muli %while3A_981, %mul3A_986 : i32
          %add3A_988 = arith.addi %sub3A_913, %mul3A_987 : i32
          %get3A_989 = arith.index_cast %add3A_988 : i32 to index
          %get3A_990 = arith.constant 0 : index
          %get3A_991 = tpu.vector_load %arg10[%get3A_989, %get3A_990] {strides = array<i32>} : memref<2048x16xf32, #tpu.memory_space<vmem>>, vector<16xf32>,
          %add3A_992 = arith.addf %while3A_982, %get3A_991 : vector<16xf32>
          %add3A_993 = arith.constant 1 : i32
          %add3A_994 = arith.addi %add3A_988, %add3A_993 : i32
          %get3A_995 = arith.index_cast %add3A_994 : i32 to index
          %get3A_996 = arith.constant 0 : index
          %get3A_997 = tpu.vector_load %arg10[%get3A_995, %get3A_996] {strides = array<i32>} : memref<2048x16xf32, #tpu.memory_space<vmem>>, vector<16xf32>,
          %add3A_998 = arith.addf %while3A_983, %get3A_997 : vector<16xf32>
          %add3A_999 = arith.constant 2 : i32
          %add3A_1000 = arith.addi %add3A_988, %add3A_999 : i32
          %get3A_1001 = arith.index_cast %add3A_1000 : i32 to index
          %get3A_1002 = arith.constant 0 : index
          %get3A_1003 = tpu.vector_load %arg10[%get3A_1001, %get3A_1002] {strides = array<i32>} : memref<2048x16xf32, #tpu.memory_space<vmem>>, vector<16xf32>,
          %add3A_1004 = arith.addf %while3A_984, %get3A_1003 : vector<16xf32>
          %add3A_1005 = arith.constant 3 : i32
          %add3A_1006 = arith.addi %add3A_988, %add3A_1005 : i32
          %get3A_1007 = arith.index_cast %add3A_1006 : i32 to index
          %get3A_1008 = arith.constant 0 : index
          %get3A_1009 = tpu.vector_load %arg10[%get3A_1007, %get3A_1008] {strides = array<i32>} : memref<2048x16xf32, #tpu.memory_space<vmem>>, vector<16xf32>,
          %add3A_1010 = arith.addf %while3A_985, %get3A_1009 : vector<16xf32>
          %add3A_1011 = arith.constant 4 : i32
          %add3A_1012 = arith.addi %add3A_988, %add3A_1011 : i32
          %get3A_1013 = arith.index_cast %add3A_1012 : i32 to index
          %get3A_1014 = arith.constant 0 : index
          %get3A_1015 = tpu.vector_load %arg10[%get3A_1013, %get3A_1014] {strides = array<i32>} : memref<2048x16xf32, #tpu.memory_space<vmem>>, vector<16xf32>,
          %add3A_1016 = arith.addf %add3A_992, %get3A_1015 : vector<16xf32>
          %add3A_1017 = arith.constant 5 : i32
          %add3A_1018 = arith.addi %add3A_988, %add3A_1017 : i32
          %get3A_1019 = arith.index_cast %add3A_1018 : i32 to index
          %get3A_1020 = arith.constant 0 : index
          %get3A_1021 = tpu.vector_load %arg10[%get3A_1019, %get3A_1020] {strides = array<i32>} : memref<2048x16xf32, #tpu.memory_space<vmem>>, vector<16xf32>,
          %add3A_1022 = arith.addf %add3A_998, %get3A_1021 : vector<16xf32>
          %add3A_1023 = arith.constant 6 : i32
          %add3A_1024 = arith.addi %add3A_988, %add3A_1023 : i32
          %get3A_1025 = arith.index_cast %add3A_1024 : i32 to index
          %get3A_1026 = arith.constant 0 : index
          %get3A_1027 = tpu.vector_load %arg10[%get3A_1025, %get3A_1026] {strides = array<i32>} : memref<2048x16xf32, #tpu.memory_space<vmem>>, vector<16xf32>,
          %add3A_1028 = arith.addf %add3A_1004, %get3A_1027 : vector<16xf32>
          %add3A_1029 = arith.constant 7 : i32
          %add3A_1030 = arith.addi %add3A_988, %add3A_1029 : i32
          %get3A_1031 = arith.index_cast %add3A_1030 : i32 to index
          %get3A_1032 = arith.constant 0 : index
          %get3A_1033 = tpu.vector_load %arg10[%get3A_1031, %get3A_1032] {strides = array<i32>} : memref<2048x16xf32, #tpu.memory_space<vmem>>, vector<16xf32>,
          %add3A_1034 = arith.addf %add3A_1010, %get3A_1033 : vector<16xf32>
          scf.yield %add3A_1016, %add3A_1022, %add3A_1028, %add3A_1034 : vector<16xf32>, vector<16xf32>, vector<16xf32>, vector<16xf32>
        }
        %while3A_951 = arith.constant 1 : i32
        %while3A_952:4 = scf.for %while3A_981 = %while3A_948 to %while3A_944 step %while3A_951 iter_args(%while3A_982 = %while3A_950#0, %while3A_983 = %while3A_950#1, %while3A_984 = %while3A_950#2, %while3A_985 = %while3A_950#3) -> (vector<16xf32>, vector<16xf32>, vector<16xf32>, vector<16xf32>)  : i32 {
          %mul3A_986 = arith.constant 8 : i32
          %mul3A_987 = arith.muli %while3A_981, %mul3A_986 : i32
          %add3A_988 = arith.addi %sub3A_913, %mul3A_987 : i32
          %get3A_989 = arith.index_cast %add3A_988 : i32 to index
          %get3A_990 = arith.constant 0 : index
          %get3A_991 = tpu.vector_load %arg10[%get3A_989, %get3A_990] {strides = array<i32>} : memref<2048x16xf32, #tpu.memory_space<vmem>>, vector<16xf32>,
          %add3A_992 = arith.addf %while3A_982, %get3A_991 : vector<16xf32>
          %add3A_993 = arith.constant 1 : i32
          %add3A_994 = arith.addi %add3A_988, %add3A_993 : i32
          %get3A_995 = arith.index_cast %add3A_994 : i32 to index
          %get3A_996 = arith.constant 0 : index
          %get3A_997 = tpu.vector_load %arg10[%get3A_995, %get3A_996] {strides = array<i32>} : memref<2048x16xf32, #tpu.memory_space<vmem>>, vector<16xf32>,
          %add3A_998 = arith.addf %while3A_983, %get3A_997 : vector<16xf32>
          %add3A_999 = arith.constant 2 : i32
          %add3A_1000 = arith.addi %add3A_988, %add3A_999 : i32
          %get3A_1001 = arith.index_cast %add3A_1000 : i32 to index
          %get3A_1002 = arith.constant 0 : index
          %get3A_1003 = tpu.vector_load %arg10[%get3A_1001, %get3A_1002] {strides = array<i32>} : memref<2048x16xf32, #tpu.memory_space<vmem>>, vector<16xf32>,
          %add3A_1004 = arith.addf %while3A_984, %get3A_1003 : vector<16xf32>
          %add3A_1005 = arith.constant 3 : i32
          %add3A_1006 = arith.addi %add3A_988, %add3A_1005 : i32
          %get3A_1007 = arith.index_cast %add3A_1006 : i32 to index
          %get3A_1008 = arith.constant 0 : index
          %get3A_1009 = tpu.vector_load %arg10[%get3A_1007, %get3A_1008] {strides = array<i32>} : memref<2048x16xf32, #tpu.memory_space<vmem>>, vector<16xf32>,
          %add3A_1010 = arith.addf %while3A_985, %get3A_1009 : vector<16xf32>
          %add3A_1011 = arith.constant 4 : i32
          %add3A_1012 = arith.addi %add3A_988, %add3A_1011 : i32
          %get3A_1013 = arith.index_cast %add3A_1012 : i32 to index
          %get3A_1014 = arith.constant 0 : index
          %get3A_1015 = tpu.vector_load %arg10[%get3A_1013, %get3A_1014] {strides = array<i32>} : memref<2048x16xf32, #tpu.memory_space<vmem>>, vector<16xf32>,
          %add3A_1016 = arith.addf %add3A_992, %get3A_1015 : vector<16xf32>
          %add3A_1017 = arith.constant 5 : i32
          %add3A_1018 = arith.addi %add3A_988, %add3A_1017 : i32
          %get3A_1019 = arith.index_cast %add3A_1018 : i32 to index
          %get3A_1020 = arith.constant 0 : index
          %get3A_1021 = tpu.vector_load %arg10[%get3A_1019, %get3A_1020] {strides = array<i32>} : memref<2048x16xf32, #tpu.memory_space<vmem>>, vector<16xf32>,
          %add3A_1022 = arith.addf %add3A_998, %get3A_1021 : vector<16xf32>
          %add3A_1023 = arith.constant 6 : i32
          %add3A_1024 = arith.addi %add3A_988, %add3A_1023 : i32
          %get3A_1025 = arith.index_cast %add3A_1024 : i32 to index
          %get3A_1026 = arith.constant 0 : index
          %get3A_1027 = tpu.vector_load %arg10[%get3A_1025, %get3A_1026] {strides = array<i32>} : memref<2048x16xf32, #tpu.memory_space<vmem>>, vector<16xf32>,
          %add3A_1028 = arith.addf %add3A_1004, %get3A_1027 : vector<16xf32>
          %add3A_1029 = arith.constant 7 : i32
          %add3A_1030 = arith.addi %add3A_988, %add3A_1029 : i32
          %get3A_1031 = arith.index_cast %add3A_1030 : i32 to index
          %get3A_1032 = arith.constant 0 : index
          %get3A_1033 = tpu.vector_load %arg10[%get3A_1031, %get3A_1032] {strides = array<i32>} : memref<2048x16xf32, #tpu.memory_space<vmem>>, vector<16xf32>,
          %add3A_1034 = arith.addf %add3A_1010, %get3A_1033 : vector<16xf32>
          scf.yield %add3A_1016, %add3A_1022, %add3A_1028, %add3A_1034 : vector<16xf32>, vector<16xf32>, vector<16xf32>, vector<16xf32>
        }
        %add3A_953 = arith.addf %while3A_952#0, %while3A_952#1 : vector<16xf32>
        %add3A_954 = arith.addf %while3A_952#2, %while3A_952#3 : vector<16xf32>
        %add3A_955 = arith.addf %add3A_953, %add3A_954 : vector<16xf32>
        %and3A_956 = arith.constant -8 : i32
        %and3A_957 = arith.andi %max3A_917, %and3A_956 : i32
        %add3A_958 = arith.addi %sub3A_913, %and3A_957 : i32
        %while3A_959 = arith.subi %sub3A_914, %add3A_958 : i32
        %while3A_960 = arith.addi %add3A_958, %while3A_959 : i32
        %while3A_961 = arith.constant 1 : i32
        %while3A_962 = arith.divsi %while3A_959, %while3A_961 : i32
        %while3A_963 = arith.muli %while3A_962, %while3A_961 : i32
        %while3A_964 = arith.addi %add3A_958, %while3A_963 : i32
        %while3A_965 = arith.constant 1 : i32
        %while3A_966 = scf.for %while3A_981 = %add3A_958 to %while3A_964 step %while3A_965 iter_args(%while3A_982 = %add3A_955) -> (vector<16xf32>)  : i32 {
          %get3A_983 = arith.index_cast %while3A_981 : i32 to index
          %get3A_984 = arith.constant 0 : index
          %get3A_985 = tpu.vector_load %arg10[%get3A_983, %get3A_984] {strides = array<i32>} : memref<2048x16xf32, #tpu.memory_space<vmem>>, vector<16xf32>,
          %add3A_986 = arith.addf %while3A_982, %get3A_985 : vector<16xf32>
          scf.yield %add3A_986 : vector<16xf32>
        }
        %while3A_967 = arith.constant 1 : i32
        %while3A_968 = scf.for %while3A_981 = %while3A_964 to %while3A_960 step %while3A_967 iter_args(%while3A_982 = %while3A_966) -> (vector<16xf32>)  : i32 {
          %get3A_983 = arith.index_cast %while3A_981 : i32 to index
          %get3A_984 = arith.constant 0 : index
          %get3A_985 = tpu.vector_load %arg10[%get3A_983, %get3A_984] {strides = array<i32>} : memref<2048x16xf32, #tpu.memory_space<vmem>>, vector<16xf32>,
          %add3A_986 = arith.addf %while3A_982, %get3A_985 : vector<16xf32>
          scf.yield %add3A_986 : vector<16xf32>
        }
        %sub3A_969 = arith.subi %squeeze3A_912, %squeeze3A_910 : i32
        %convert_element_type3A = arith.sitofp %sub3A_969 : i32 to f32
        %broadcast_in_dim3A_970 = arith.constant 1.000000e+00 : f32
        %broadcast_in_dim3A_971 = vector.broadcast %broadcast_in_dim3A_970 : f32 to vector<16xf32>
        %mul3A_972 = vector.broadcast %convert_element_type3A : f32 to vector<16xf32>
        %mul3A_973 = arith.mulf %broadcast_in_dim3A_971, %mul3A_972 : vector<16xf32>
        %max3A_974 = arith.constant 1.000000e+00 : f32
        %max3A_975 = vector.broadcast %max3A_974 : f32 to vector<16xf32>
        %max3A_976 = arith.maximumf %mul3A_973, %max3A_975 : vector<16xf32>
        %div3A_977 = arith.divf %while3A_968, %max3A_976 : vector<16xf32>
        %add3A_978 = arith.addf %div3A_977, %get3A_3 : vector<16xf32>
        %swap3A = arith.index_cast %while3A_904 : i32 to index
        %swap3A_979 = arith.constant 0 : index
        %swap3A_980 = tpu.vector_load %arg12[%swap3A, %swap3A_979] {strides = array<i32>} : memref<128x16xf32, #tpu.memory_space<vmem>>, vector<16xf32>,
        tpu.vector_store %arg12[%swap3A, %swap3A_979], %add3A_978 {strides = array<i32>} : memref<128x16xf32, #tpu.memory_space<vmem>>, vector<16xf32>,
        scf.yield %squeeze3A_912, %broadcast_in_dim3A_4 : i32, vector<16xf32>
      }
      %max3A_515 = arith.maxsi %while3A_514#0, %multiple_of3A_393 : i32
      %sub3A_516 = arith.subi %max3A_515, %multiple_of3A_393 : i32
      %sub3A_517 = arith.subi %min3A_396, %multiple_of3A_393 : i32
      %sub3A_518 = arith.subi %sub3A_517, %sub3A_516 : i32
      %max3A_519 = arith.constant 0 : i32
      %max3A_520 = arith.maxsi %sub3A_518, %max3A_519 : i32
      %jit3A_521 = arith.constant 8 : i32
      %div3A_522 = arith.divsi %max3A_520, %jit3A_521 : i32
      %sign3A_523 = arith.constant 0 : i32
      %sign3A_524 = arith.cmpi sgt, %max3A_520, %sign3A_523 : i32
      %sign3A_525 = arith.extui %sign3A_524 : i1 to i32
      %sign3A_526 = arith.constant 0 : i32
      %sign3A_527 = arith.cmpi slt, %max3A_520, %sign3A_526 : i32
      %sign3A_528 = arith.extui %sign3A_527 : i1 to i32
      %sign3A_529 = arith.subi %sign3A_525, %sign3A_528 : i32
      %sign3A_530 = arith.constant 0 : i32
      %sign3A_531 = arith.cmpi sgt, %jit3A_521, %sign3A_530 : i32
      %sign3A_532 = arith.extui %sign3A_531 : i1 to i32
      %sign3A_533 = arith.constant 0 : i32
      %sign3A_534 = arith.cmpi slt, %jit3A_521, %sign3A_533 : i32
      %sign3A_535 = arith.extui %sign3A_534 : i1 to i32
      %sign3A_536 = arith.subi %sign3A_532, %sign3A_535 : i32
      %ne3A_537 = arith.cmpi ne, %sign3A_529, %sign3A_536 : i32
      %rem3A_538 = arith.remsi %max3A_520, %jit3A_521 : i32
      %ne3A_539 = arith.constant 0 : i32
      %ne3A_540 = arith.cmpi ne, %rem3A_538, %ne3A_539 : i32
      %and3A_541 = arith.andi %ne3A_537, %ne3A_540 : i1
      %sub3A_542 = arith.constant 1 : i32
      %sub3A_543 = arith.subi %div3A_522, %sub3A_542 : i32
      %select_n3A_544 = arith.select %and3A_541, %sub3A_543, %div3A_522 : i32
      %while3A_545 = arith.constant 0 : i32
      %while3A_546 = arith.subi %select_n3A_544, %while3A_545 : i32
      %while3A_547 = arith.addi %while3A_545, %while3A_546 : i32
      %while3A_548 = arith.constant 1 : i32
      %while3A_549 = arith.divsi %while3A_546, %while3A_548 : i32
      %while3A_550 = arith.muli %while3A_549, %while3A_548 : i32
      %while3A_551 = arith.addi %while3A_545, %while3A_550 : i32
      %while3A_552 = arith.constant 1 : i32
      %while3A_553:4 = scf.for %while3A_904 = %while3A_545 to %while3A_551 step %while3A_552 iter_args(%while3A_905 = %while3A_514#1, %while3A_906 = %broadcast_in_dim3A_4, %while3A_907 = %broadcast_in_dim3A_4, %while3A_908 = %broadcast_in_dim3A_4) -> (vector<16xf32>, vector<16xf32>, vector<16xf32>, vector<16xf32>)  : i32 {
        %mul3A_909 = arith.constant 8 : i32
        %mul3A_910 = arith.muli %while3A_904, %mul3A_909 : i32
        %add3A_911 = arith.addi %sub3A_516, %mul3A_910 : i32
        %get3A_912 = arith.index_cast %add3A_911 : i32 to index
        %get3A_913 = arith.constant 0 : index
        %get3A_914 = tpu.vector_load %arg10[%get3A_912, %get3A_913] {strides = array<i32>} : memref<2048x16xf32, #tpu.memory_space<vmem>>, vector<16xf32>,
        %add3A_915 = arith.addf %while3A_905, %get3A_914 : vector<16xf32>
        %add3A_916 = arith.constant 1 : i32
        %add3A_917 = arith.addi %add3A_911, %add3A_916 : i32
        %get3A_918 = arith.index_cast %add3A_917 : i32 to index
        %get3A_919 = arith.constant 0 : index
        %get3A_920 = tpu.vector_load %arg10[%get3A_918, %get3A_919] {strides = array<i32>} : memref<2048x16xf32, #tpu.memory_space<vmem>>, vector<16xf32>,
        %add3A_921 = arith.addf %while3A_906, %get3A_920 : vector<16xf32>
        %add3A_922 = arith.constant 2 : i32
        %add3A_923 = arith.addi %add3A_911, %add3A_922 : i32
        %get3A_924 = arith.index_cast %add3A_923 : i32 to index
        %get3A_925 = arith.constant 0 : index
        %get3A_926 = tpu.vector_load %arg10[%get3A_924, %get3A_925] {strides = array<i32>} : memref<2048x16xf32, #tpu.memory_space<vmem>>, vector<16xf32>,
        %add3A_927 = arith.addf %while3A_907, %get3A_926 : vector<16xf32>
        %add3A_928 = arith.constant 3 : i32
        %add3A_929 = arith.addi %add3A_911, %add3A_928 : i32
        %get3A_930 = arith.index_cast %add3A_929 : i32 to index
        %get3A_931 = arith.constant 0 : index
        %get3A_932 = tpu.vector_load %arg10[%get3A_930, %get3A_931] {strides = array<i32>} : memref<2048x16xf32, #tpu.memory_space<vmem>>, vector<16xf32>,
        %add3A_933 = arith.addf %while3A_908, %get3A_932 : vector<16xf32>
        %add3A_934 = arith.constant 4 : i32
        %add3A_935 = arith.addi %add3A_911, %add3A_934 : i32
        %get3A_936 = arith.index_cast %add3A_935 : i32 to index
        %get3A_937 = arith.constant 0 : index
        %get3A_938 = tpu.vector_load %arg10[%get3A_936, %get3A_937] {strides = array<i32>} : memref<2048x16xf32, #tpu.memory_space<vmem>>, vector<16xf32>,
        %add3A_939 = arith.addf %add3A_915, %get3A_938 : vector<16xf32>
        %add3A_940 = arith.constant 5 : i32
        %add3A_941 = arith.addi %add3A_911, %add3A_940 : i32
        %get3A_942 = arith.index_cast %add3A_941 : i32 to index
        %get3A_943 = arith.constant 0 : index
        %get3A_944 = tpu.vector_load %arg10[%get3A_942, %get3A_943] {strides = array<i32>} : memref<2048x16xf32, #tpu.memory_space<vmem>>, vector<16xf32>,
        %add3A_945 = arith.addf %add3A_921, %get3A_944 : vector<16xf32>
        %add3A_946 = arith.constant 6 : i32
        %add3A_947 = arith.addi %add3A_911, %add3A_946 : i32
        %get3A_948 = arith.index_cast %add3A_947 : i32 to index
        %get3A_949 = arith.constant 0 : index
        %get3A_950 = tpu.vector_load %arg10[%get3A_948, %get3A_949] {strides = array<i32>} : memref<2048x16xf32, #tpu.memory_space<vmem>>, vector<16xf32>,
        %add3A_951 = arith.addf %add3A_927, %get3A_950 : vector<16xf32>
        %add3A_952 = arith.constant 7 : i32
        %add3A_953 = arith.addi %add3A_911, %add3A_952 : i32
        %get3A_954 = arith.index_cast %add3A_953 : i32 to index
        %get3A_955 = arith.constant 0 : index
        %get3A_956 = tpu.vector_load %arg10[%get3A_954, %get3A_955] {strides = array<i32>} : memref<2048x16xf32, #tpu.memory_space<vmem>>, vector<16xf32>,
        %add3A_957 = arith.addf %add3A_933, %get3A_956 : vector<16xf32>
        scf.yield %add3A_939, %add3A_945, %add3A_951, %add3A_957 : vector<16xf32>, vector<16xf32>, vector<16xf32>, vector<16xf32>
      }
      %while3A_554 = arith.constant 1 : i32
      %while3A_555:4 = scf.for %while3A_904 = %while3A_551 to %while3A_547 step %while3A_554 iter_args(%while3A_905 = %while3A_553#0, %while3A_906 = %while3A_553#1, %while3A_907 = %while3A_553#2, %while3A_908 = %while3A_553#3) -> (vector<16xf32>, vector<16xf32>, vector<16xf32>, vector<16xf32>)  : i32 {
        %mul3A_909 = arith.constant 8 : i32
        %mul3A_910 = arith.muli %while3A_904, %mul3A_909 : i32
        %add3A_911 = arith.addi %sub3A_516, %mul3A_910 : i32
        %get3A_912 = arith.index_cast %add3A_911 : i32 to index
        %get3A_913 = arith.constant 0 : index
        %get3A_914 = tpu.vector_load %arg10[%get3A_912, %get3A_913] {strides = array<i32>} : memref<2048x16xf32, #tpu.memory_space<vmem>>, vector<16xf32>,
        %add3A_915 = arith.addf %while3A_905, %get3A_914 : vector<16xf32>
        %add3A_916 = arith.constant 1 : i32
        %add3A_917 = arith.addi %add3A_911, %add3A_916 : i32
        %get3A_918 = arith.index_cast %add3A_917 : i32 to index
        %get3A_919 = arith.constant 0 : index
        %get3A_920 = tpu.vector_load %arg10[%get3A_918, %get3A_919] {strides = array<i32>} : memref<2048x16xf32, #tpu.memory_space<vmem>>, vector<16xf32>,
        %add3A_921 = arith.addf %while3A_906, %get3A_920 : vector<16xf32>
        %add3A_922 = arith.constant 2 : i32
        %add3A_923 = arith.addi %add3A_911, %add3A_922 : i32
        %get3A_924 = arith.index_cast %add3A_923 : i32 to index
        %get3A_925 = arith.constant 0 : index
        %get3A_926 = tpu.vector_load %arg10[%get3A_924, %get3A_925] {strides = array<i32>} : memref<2048x16xf32, #tpu.memory_space<vmem>>, vector<16xf32>,
        %add3A_927 = arith.addf %while3A_907, %get3A_926 : vector<16xf32>
        %add3A_928 = arith.constant 3 : i32
        %add3A_929 = arith.addi %add3A_911, %add3A_928 : i32
        %get3A_930 = arith.index_cast %add3A_929 : i32 to index
        %get3A_931 = arith.constant 0 : index
        %get3A_932 = tpu.vector_load %arg10[%get3A_930, %get3A_931] {strides = array<i32>} : memref<2048x16xf32, #tpu.memory_space<vmem>>, vector<16xf32>,
        %add3A_933 = arith.addf %while3A_908, %get3A_932 : vector<16xf32>
        %add3A_934 = arith.constant 4 : i32
        %add3A_935 = arith.addi %add3A_911, %add3A_934 : i32
        %get3A_936 = arith.index_cast %add3A_935 : i32 to index
        %get3A_937 = arith.constant 0 : index
        %get3A_938 = tpu.vector_load %arg10[%get3A_936, %get3A_937] {strides = array<i32>} : memref<2048x16xf32, #tpu.memory_space<vmem>>, vector<16xf32>,
        %add3A_939 = arith.addf %add3A_915, %get3A_938 : vector<16xf32>
        %add3A_940 = arith.constant 5 : i32
        %add3A_941 = arith.addi %add3A_911, %add3A_940 : i32
        %get3A_942 = arith.index_cast %add3A_941 : i32 to index
        %get3A_943 = arith.constant 0 : index
        %get3A_944 = tpu.vector_load %arg10[%get3A_942, %get3A_943] {strides = array<i32>} : memref<2048x16xf32, #tpu.memory_space<vmem>>, vector<16xf32>,
        %add3A_945 = arith.addf %add3A_921, %get3A_944 : vector<16xf32>
        %add3A_946 = arith.constant 6 : i32
        %add3A_947 = arith.addi %add3A_911, %add3A_946 : i32
        %get3A_948 = arith.index_cast %add3A_947 : i32 to index
        %get3A_949 = arith.constant 0 : index
        %get3A_950 = tpu.vector_load %arg10[%get3A_948, %get3A_949] {strides = array<i32>} : memref<2048x16xf32, #tpu.memory_space<vmem>>, vector<16xf32>,
        %add3A_951 = arith.addf %add3A_927, %get3A_950 : vector<16xf32>
        %add3A_952 = arith.constant 7 : i32
        %add3A_953 = arith.addi %add3A_911, %add3A_952 : i32
        %get3A_954 = arith.index_cast %add3A_953 : i32 to index
        %get3A_955 = arith.constant 0 : index
        %get3A_956 = tpu.vector_load %arg10[%get3A_954, %get3A_955] {strides = array<i32>} : memref<2048x16xf32, #tpu.memory_space<vmem>>, vector<16xf32>,
        %add3A_957 = arith.addf %add3A_933, %get3A_956 : vector<16xf32>
        scf.yield %add3A_939, %add3A_945, %add3A_951, %add3A_957 : vector<16xf32>, vector<16xf32>, vector<16xf32>, vector<16xf32>
      }
      %add3A_556 = arith.addf %while3A_555#0, %while3A_555#1 : vector<16xf32>
      %add3A_557 = arith.addf %while3A_555#2, %while3A_555#3 : vector<16xf32>
      %add3A_558 = arith.addf %add3A_556, %add3A_557 : vector<16xf32>
      %and3A_559 = arith.constant -8 : i32
      %and3A_560 = arith.andi %max3A_520, %and3A_559 : i32
      %add3A_561 = arith.addi %sub3A_516, %and3A_560 : i32
      %while3A_562 = arith.subi %sub3A_517, %add3A_561 : i32
      %while3A_563 = arith.addi %add3A_561, %while3A_562 : i32
      %while3A_564 = arith.constant 1 : i32
      %while3A_565 = arith.divsi %while3A_562, %while3A_564 : i32
      %while3A_566 = arith.muli %while3A_565, %while3A_564 : i32
      %while3A_567 = arith.addi %add3A_561, %while3A_566 : i32
      %while3A_568 = arith.constant 1 : i32
      %while3A_569 = scf.for %while3A_904 = %add3A_561 to %while3A_567 step %while3A_568 iter_args(%while3A_905 = %add3A_558) -> (vector<16xf32>)  : i32 {
        %get3A_906 = arith.index_cast %while3A_904 : i32 to index
        %get3A_907 = arith.constant 0 : index
        %get3A_908 = tpu.vector_load %arg10[%get3A_906, %get3A_907] {strides = array<i32>} : memref<2048x16xf32, #tpu.memory_space<vmem>>, vector<16xf32>,
        %add3A_909 = arith.addf %while3A_905, %get3A_908 : vector<16xf32>
        scf.yield %add3A_909 : vector<16xf32>
      }
      %while3A_570 = arith.constant 1 : i32
      %while3A_571 = scf.for %while3A_904 = %while3A_567 to %while3A_563 step %while3A_570 iter_args(%while3A_905 = %while3A_569) -> (vector<16xf32>)  : i32 {
        %get3A_906 = arith.index_cast %while3A_904 : i32 to index
        %get3A_907 = arith.constant 0 : index
        %get3A_908 = tpu.vector_load %arg10[%get3A_906, %get3A_907] {strides = array<i32>} : memref<2048x16xf32, #tpu.memory_space<vmem>>, vector<16xf32>,
        %add3A_909 = arith.addf %while3A_905, %get3A_908 : vector<16xf32>
        scf.yield %add3A_909 : vector<16xf32>
      }
      %add3A_572 = arith.constant 2 : i32
      %add3A_573 = arith.addi %mul3A_245, %add3A_572 : i32
      %mul3A_574 = arith.constant 2048 : i32
      %mul3A_575 = arith.muli %add3A_573, %mul3A_574 : i32
      %add3A_576 = arith.addi %and3A_11, %mul3A_575 : i32
      %min3A_577 = arith.constant 817152 : i32
      %min3A_578 = arith.minsi %add3A_576, %min3A_577 : i32
      %multiple_of3A_579 = tpu.assume_multiple %min3A_578, 8 : i32
      "tpu.region"() ({
        %run_scoped3A = tpu.sem_alloc : memref<!tpu.dma_semaphore, #tpu.memory_space<semaphore_mem>>
        %dma_start3A_904 = tpu.memref_slice %arg2[%multiple_of3A_579] : memref<819200xi32, #tpu.memory_space<hbm>> -> memref<2048xi32, #tpu.memory_space<hbm>>
        %dma_start3A_905 = tpu.memref_slice %arg2[%multiple_of3A_579] : memref<819200xi32, #tpu.memory_space<hbm>> -> memref<2048xi32, #tpu.memory_space<hbm>>
        tpu.enqueue_dma source(%dma_start3A_905 : memref<2048xi32, #tpu.memory_space<hbm>>) target(%arg8 : memref<2048xi32, #tpu.memory_space<vmem>>) target_semaphore(%run_scoped3A : memref<!tpu.dma_semaphore, #tpu.memory_space<semaphore_mem>>)
        %dma_wait3A_906 = tpu.memref_slice %arg2[%multiple_of3A_579] : memref<819200xi32, #tpu.memory_space<hbm>> -> memref<2048xi32, #tpu.memory_space<hbm>>
        %dma_wait3A_907 = tpu.memref_slice %arg2[%multiple_of3A_579] : memref<819200xi32, #tpu.memory_space<hbm>> -> memref<2048xi32, #tpu.memory_space<hbm>>
        tpu.wait_dma2 semaphore(%run_scoped3A : memref<!tpu.dma_semaphore, #tpu.memory_space<semaphore_mem>>) src(%dma_wait3A_907 : memref<2048xi32, #tpu.memory_space<hbm>>) dst(%arg8 : memref<2048xi32, #tpu.memory_space<vmem>>)
        tpu.yield
      }) : () -> ()
      %dma_start3A_580 = arith.constant 0 : i32
      %dma_start3A_581 = arith.constant 0 : i32
      %dma_start3A_582 = tpu.memref_slice %arg10[%dma_start3A_580, %dma_start3A_581] : memref<2048x16xf32, #tpu.memory_space<vmem>> -> memref<128x16xf32, #tpu.memory_space<vmem>>
      %dma_start3A_583 = arith.constant 0 : i32
      %dma_start3A_584 = tpu.memref_slice %arg8[%dma_start3A_583] : memref<2048xi32, #tpu.memory_space<vmem>> -> memref<128xi32, #tpu.memory_space<vmem>>
      %dma_start3A_585 = arith.constant 0 : i32
      %dma_start3A_586 = arith.constant 0 : i32
      %dma_start3A_587 = tpu.memref_slice %arg4[%dma_start3A_585, %dma_start3A_586] : memref<100000x16xf32, #tpu.memory_space<hbm>> -> memref<100000x16xf32, #tpu.memory_space<hbm>>
      tpu.enqueue_indirect_dma source(%dma_start3A_587 : memref<100000x16xf32, #tpu.memory_space<hbm>>) target(%dma_start3A_582 : memref<128x16xf32, #tpu.memory_space<vmem>>) offsets(%dma_start3A_584 : memref<128xi32, #tpu.memory_space<vmem>>) semaphore(%arg14 : memref<!tpu.dma_semaphore, #tpu.memory_space<semaphore_mem>>)
      %dma_start3A_588 = arith.constant 128 : i32
      %dma_start3A_589 = arith.constant 0 : i32
      %dma_start3A_590 = tpu.memref_slice %arg10[%dma_start3A_588, %dma_start3A_589] : memref<2048x16xf32, #tpu.memory_space<vmem>> -> memref<128x16xf32, #tpu.memory_space<vmem>>
      %dma_start3A_591 = arith.constant 128 : i32
      %dma_start3A_592 = tpu.memref_slice %arg8[%dma_start3A_591] : memref<2048xi32, #tpu.memory_space<vmem>> -> memref<128xi32, #tpu.memory_space<vmem>>
      %dma_start3A_593 = arith.constant 0 : i32
      %dma_start3A_594 = arith.constant 0 : i32
      %dma_start3A_595 = tpu.memref_slice %arg4[%dma_start3A_593, %dma_start3A_594] : memref<100000x16xf32, #tpu.memory_space<hbm>> -> memref<100000x16xf32, #tpu.memory_space<hbm>>
      tpu.enqueue_indirect_dma source(%dma_start3A_595 : memref<100000x16xf32, #tpu.memory_space<hbm>>) target(%dma_start3A_590 : memref<128x16xf32, #tpu.memory_space<vmem>>) offsets(%dma_start3A_592 : memref<128xi32, #tpu.memory_space<vmem>>) semaphore(%arg14 : memref<!tpu.dma_semaphore, #tpu.memory_space<semaphore_mem>>)
      %dma_start3A_596 = arith.constant 256 : i32
      %dma_start3A_597 = arith.constant 0 : i32
      %dma_start3A_598 = tpu.memref_slice %arg10[%dma_start3A_596, %dma_start3A_597] : memref<2048x16xf32, #tpu.memory_space<vmem>> -> memref<128x16xf32, #tpu.memory_space<vmem>>
      %dma_start3A_599 = arith.constant 256 : i32
      %dma_start3A_600 = tpu.memref_slice %arg8[%dma_start3A_599] : memref<2048xi32, #tpu.memory_space<vmem>> -> memref<128xi32, #tpu.memory_space<vmem>>
      %dma_start3A_601 = arith.constant 0 : i32
      %dma_start3A_602 = arith.constant 0 : i32
      %dma_start3A_603 = tpu.memref_slice %arg4[%dma_start3A_601, %dma_start3A_602] : memref<100000x16xf32, #tpu.memory_space<hbm>> -> memref<100000x16xf32, #tpu.memory_space<hbm>>
      tpu.enqueue_indirect_dma source(%dma_start3A_603 : memref<100000x16xf32, #tpu.memory_space<hbm>>) target(%dma_start3A_598 : memref<128x16xf32, #tpu.memory_space<vmem>>) offsets(%dma_start3A_600 : memref<128xi32, #tpu.memory_space<vmem>>) semaphore(%arg14 : memref<!tpu.dma_semaphore, #tpu.memory_space<semaphore_mem>>)
      %dma_start3A_604 = arith.constant 384 : i32
      %dma_start3A_605 = arith.constant 0 : i32
      %dma_start3A_606 = tpu.memref_slice %arg10[%dma_start3A_604, %dma_start3A_605] : memref<2048x16xf32, #tpu.memory_space<vmem>> -> memref<128x16xf32, #tpu.memory_space<vmem>>
      %dma_start3A_607 = arith.constant 384 : i32
      %dma_start3A_608 = tpu.memref_slice %arg8[%dma_start3A_607] : memref<2048xi32, #tpu.memory_space<vmem>> -> memref<128xi32, #tpu.memory_space<vmem>>
      %dma_start3A_609 = arith.constant 0 : i32
      %dma_start3A_610 = arith.constant 0 : i32
      %dma_start3A_611 = tpu.memref_slice %arg4[%dma_start3A_609, %dma_start3A_610] : memref<100000x16xf32, #tpu.memory_space<hbm>> -> memref<100000x16xf32, #tpu.memory_space<hbm>>
      tpu.enqueue_indirect_dma source(%dma_start3A_611 : memref<100000x16xf32, #tpu.memory_space<hbm>>) target(%dma_start3A_606 : memref<128x16xf32, #tpu.memory_space<vmem>>) offsets(%dma_start3A_608 : memref<128xi32, #tpu.memory_space<vmem>>) semaphore(%arg14 : memref<!tpu.dma_semaphore, #tpu.memory_space<semaphore_mem>>)
      %dma_start3A_612 = arith.constant 512 : i32
      %dma_start3A_613 = arith.constant 0 : i32
      %dma_start3A_614 = tpu.memref_slice %arg10[%dma_start3A_612, %dma_start3A_613] : memref<2048x16xf32, #tpu.memory_space<vmem>> -> memref<128x16xf32, #tpu.memory_space<vmem>>
      %dma_start3A_615 = arith.constant 512 : i32
      %dma_start3A_616 = tpu.memref_slice %arg8[%dma_start3A_615] : memref<2048xi32, #tpu.memory_space<vmem>> -> memref<128xi32, #tpu.memory_space<vmem>>
      %dma_start3A_617 = arith.constant 0 : i32
      %dma_start3A_618 = arith.constant 0 : i32
      %dma_start3A_619 = tpu.memref_slice %arg4[%dma_start3A_617, %dma_start3A_618] : memref<100000x16xf32, #tpu.memory_space<hbm>> -> memref<100000x16xf32, #tpu.memory_space<hbm>>
      tpu.enqueue_indirect_dma source(%dma_start3A_619 : memref<100000x16xf32, #tpu.memory_space<hbm>>) target(%dma_start3A_614 : memref<128x16xf32, #tpu.memory_space<vmem>>) offsets(%dma_start3A_616 : memref<128xi32, #tpu.memory_space<vmem>>) semaphore(%arg14 : memref<!tpu.dma_semaphore, #tpu.memory_space<semaphore_mem>>)
      %dma_start3A_620 = arith.constant 640 : i32
      %dma_start3A_621 = arith.constant 0 : i32
      %dma_start3A_622 = tpu.memref_slice %arg10[%dma_start3A_620, %dma_start3A_621] : memref<2048x16xf32, #tpu.memory_space<vmem>> -> memref<128x16xf32, #tpu.memory_space<vmem>>
      %dma_start3A_623 = arith.constant 640 : i32
      %dma_start3A_624 = tpu.memref_slice %arg8[%dma_start3A_623] : memref<2048xi32, #tpu.memory_space<vmem>> -> memref<128xi32, #tpu.memory_space<vmem>>
      %dma_start3A_625 = arith.constant 0 : i32
      %dma_start3A_626 = arith.constant 0 : i32
      %dma_start3A_627 = tpu.memref_slice %arg4[%dma_start3A_625, %dma_start3A_626] : memref<100000x16xf32, #tpu.memory_space<hbm>> -> memref<100000x16xf32, #tpu.memory_space<hbm>>
      tpu.enqueue_indirect_dma source(%dma_start3A_627 : memref<100000x16xf32, #tpu.memory_space<hbm>>) target(%dma_start3A_622 : memref<128x16xf32, #tpu.memory_space<vmem>>) offsets(%dma_start3A_624 : memref<128xi32, #tpu.memory_space<vmem>>) semaphore(%arg14 : memref<!tpu.dma_semaphore, #tpu.memory_space<semaphore_mem>>)
      %dma_start3A_628 = arith.constant 768 : i32
      %dma_start3A_629 = arith.constant 0 : i32
      %dma_start3A_630 = tpu.memref_slice %arg10[%dma_start3A_628, %dma_start3A_629] : memref<2048x16xf32, #tpu.memory_space<vmem>> -> memref<128x16xf32, #tpu.memory_space<vmem>>
      %dma_start3A_631 = arith.constant 768 : i32
      %dma_start3A_632 = tpu.memref_slice %arg8[%dma_start3A_631] : memref<2048xi32, #tpu.memory_space<vmem>> -> memref<128xi32, #tpu.memory_space<vmem>>
      %dma_start3A_633 = arith.constant 0 : i32
      %dma_start3A_634 = arith.constant 0 : i32
      %dma_start3A_635 = tpu.memref_slice %arg4[%dma_start3A_633, %dma_start3A_634] : memref<100000x16xf32, #tpu.memory_space<hbm>> -> memref<100000x16xf32, #tpu.memory_space<hbm>>
      tpu.enqueue_indirect_dma source(%dma_start3A_635 : memref<100000x16xf32, #tpu.memory_space<hbm>>) target(%dma_start3A_630 : memref<128x16xf32, #tpu.memory_space<vmem>>) offsets(%dma_start3A_632 : memref<128xi32, #tpu.memory_space<vmem>>) semaphore(%arg14 : memref<!tpu.dma_semaphore, #tpu.memory_space<semaphore_mem>>)
      %dma_start3A_636 = arith.constant 896 : i32
      %dma_start3A_637 = arith.constant 0 : i32
      %dma_start3A_638 = tpu.memref_slice %arg10[%dma_start3A_636, %dma_start3A_637] : memref<2048x16xf32, #tpu.memory_space<vmem>> -> memref<128x16xf32, #tpu.memory_space<vmem>>
      %dma_start3A_639 = arith.constant 896 : i32
      %dma_start3A_640 = tpu.memref_slice %arg8[%dma_start3A_639] : memref<2048xi32, #tpu.memory_space<vmem>> -> memref<128xi32, #tpu.memory_space<vmem>>
      %dma_start3A_641 = arith.constant 0 : i32
      %dma_start3A_642 = arith.constant 0 : i32
      %dma_start3A_643 = tpu.memref_slice %arg4[%dma_start3A_641, %dma_start3A_642] : memref<100000x16xf32, #tpu.memory_space<hbm>> -> memref<100000x16xf32, #tpu.memory_space<hbm>>
      tpu.enqueue_indirect_dma source(%dma_start3A_643 : memref<100000x16xf32, #tpu.memory_space<hbm>>) target(%dma_start3A_638 : memref<128x16xf32, #tpu.memory_space<vmem>>) offsets(%dma_start3A_640 : memref<128xi32, #tpu.memory_space<vmem>>) semaphore(%arg14 : memref<!tpu.dma_semaphore, #tpu.memory_space<semaphore_mem>>)
      %dma_start3A_644 = arith.constant 1024 : i32
      %dma_start3A_645 = arith.constant 0 : i32
      %dma_start3A_646 = tpu.memref_slice %arg10[%dma_start3A_644, %dma_start3A_645] : memref<2048x16xf32, #tpu.memory_space<vmem>> -> memref<128x16xf32, #tpu.memory_space<vmem>>
      %dma_start3A_647 = arith.constant 1024 : i32
      %dma_start3A_648 = tpu.memref_slice %arg8[%dma_start3A_647] : memref<2048xi32, #tpu.memory_space<vmem>> -> memref<128xi32, #tpu.memory_space<vmem>>
      %dma_start3A_649 = arith.constant 0 : i32
      %dma_start3A_650 = arith.constant 0 : i32
      %dma_start3A_651 = tpu.memref_slice %arg4[%dma_start3A_649, %dma_start3A_650] : memref<100000x16xf32, #tpu.memory_space<hbm>> -> memref<100000x16xf32, #tpu.memory_space<hbm>>
      tpu.enqueue_indirect_dma source(%dma_start3A_651 : memref<100000x16xf32, #tpu.memory_space<hbm>>) target(%dma_start3A_646 : memref<128x16xf32, #tpu.memory_space<vmem>>) offsets(%dma_start3A_648 : memref<128xi32, #tpu.memory_space<vmem>>) semaphore(%arg14 : memref<!tpu.dma_semaphore, #tpu.memory_space<semaphore_mem>>)
      %dma_start3A_652 = arith.constant 1152 : i32
      %dma_start3A_653 = arith.constant 0 : i32
      %dma_start3A_654 = tpu.memref_slice %arg10[%dma_start3A_652, %dma_start3A_653] : memref<2048x16xf32, #tpu.memory_space<vmem>> -> memref<128x16xf32, #tpu.memory_space<vmem>>
      %dma_start3A_655 = arith.constant 1152 : i32
      %dma_start3A_656 = tpu.memref_slice %arg8[%dma_start3A_655] : memref<2048xi32, #tpu.memory_space<vmem>> -> memref<128xi32, #tpu.memory_space<vmem>>
      %dma_start3A_657 = arith.constant 0 : i32
      %dma_start3A_658 = arith.constant 0 : i32
      %dma_start3A_659 = tpu.memref_slice %arg4[%dma_start3A_657, %dma_start3A_658] : memref<100000x16xf32, #tpu.memory_space<hbm>> -> memref<100000x16xf32, #tpu.memory_space<hbm>>
      tpu.enqueue_indirect_dma source(%dma_start3A_659 : memref<100000x16xf32, #tpu.memory_space<hbm>>) target(%dma_start3A_654 : memref<128x16xf32, #tpu.memory_space<vmem>>) offsets(%dma_start3A_656 : memref<128xi32, #tpu.memory_space<vmem>>) semaphore(%arg14 : memref<!tpu.dma_semaphore, #tpu.memory_space<semaphore_mem>>)
      %dma_start3A_660 = arith.constant 1280 : i32
      %dma_start3A_661 = arith.constant 0 : i32
      %dma_start3A_662 = tpu.memref_slice %arg10[%dma_start3A_660, %dma_start3A_661] : memref<2048x16xf32, #tpu.memory_space<vmem>> -> memref<128x16xf32, #tpu.memory_space<vmem>>
      %dma_start3A_663 = arith.constant 1280 : i32
      %dma_start3A_664 = tpu.memref_slice %arg8[%dma_start3A_663] : memref<2048xi32, #tpu.memory_space<vmem>> -> memref<128xi32, #tpu.memory_space<vmem>>
      %dma_start3A_665 = arith.constant 0 : i32
      %dma_start3A_666 = arith.constant 0 : i32
      %dma_start3A_667 = tpu.memref_slice %arg4[%dma_start3A_665, %dma_start3A_666] : memref<100000x16xf32, #tpu.memory_space<hbm>> -> memref<100000x16xf32, #tpu.memory_space<hbm>>
      tpu.enqueue_indirect_dma source(%dma_start3A_667 : memref<100000x16xf32, #tpu.memory_space<hbm>>) target(%dma_start3A_662 : memref<128x16xf32, #tpu.memory_space<vmem>>) offsets(%dma_start3A_664 : memref<128xi32, #tpu.memory_space<vmem>>) semaphore(%arg14 : memref<!tpu.dma_semaphore, #tpu.memory_space<semaphore_mem>>)
      %dma_start3A_668 = arith.constant 1408 : i32
      %dma_start3A_669 = arith.constant 0 : i32
      %dma_start3A_670 = tpu.memref_slice %arg10[%dma_start3A_668, %dma_start3A_669] : memref<2048x16xf32, #tpu.memory_space<vmem>> -> memref<128x16xf32, #tpu.memory_space<vmem>>
      %dma_start3A_671 = arith.constant 1408 : i32
      %dma_start3A_672 = tpu.memref_slice %arg8[%dma_start3A_671] : memref<2048xi32, #tpu.memory_space<vmem>> -> memref<128xi32, #tpu.memory_space<vmem>>
      %dma_start3A_673 = arith.constant 0 : i32
      %dma_start3A_674 = arith.constant 0 : i32
      %dma_start3A_675 = tpu.memref_slice %arg4[%dma_start3A_673, %dma_start3A_674] : memref<100000x16xf32, #tpu.memory_space<hbm>> -> memref<100000x16xf32, #tpu.memory_space<hbm>>
      tpu.enqueue_indirect_dma source(%dma_start3A_675 : memref<100000x16xf32, #tpu.memory_space<hbm>>) target(%dma_start3A_670 : memref<128x16xf32, #tpu.memory_space<vmem>>) offsets(%dma_start3A_672 : memref<128xi32, #tpu.memory_space<vmem>>) semaphore(%arg14 : memref<!tpu.dma_semaphore, #tpu.memory_space<semaphore_mem>>)
      %dma_start3A_676 = arith.constant 1536 : i32
      %dma_start3A_677 = arith.constant 0 : i32
      %dma_start3A_678 = tpu.memref_slice %arg10[%dma_start3A_676, %dma_start3A_677] : memref<2048x16xf32, #tpu.memory_space<vmem>> -> memref<128x16xf32, #tpu.memory_space<vmem>>
      %dma_start3A_679 = arith.constant 1536 : i32
      %dma_start3A_680 = tpu.memref_slice %arg8[%dma_start3A_679] : memref<2048xi32, #tpu.memory_space<vmem>> -> memref<128xi32, #tpu.memory_space<vmem>>
      %dma_start3A_681 = arith.constant 0 : i32
      %dma_start3A_682 = arith.constant 0 : i32
      %dma_start3A_683 = tpu.memref_slice %arg4[%dma_start3A_681, %dma_start3A_682] : memref<100000x16xf32, #tpu.memory_space<hbm>> -> memref<100000x16xf32, #tpu.memory_space<hbm>>
      tpu.enqueue_indirect_dma source(%dma_start3A_683 : memref<100000x16xf32, #tpu.memory_space<hbm>>) target(%dma_start3A_678 : memref<128x16xf32, #tpu.memory_space<vmem>>) offsets(%dma_start3A_680 : memref<128xi32, #tpu.memory_space<vmem>>) semaphore(%arg14 : memref<!tpu.dma_semaphore, #tpu.memory_space<semaphore_mem>>)
      %dma_start3A_684 = arith.constant 1664 : i32
      %dma_start3A_685 = arith.constant 0 : i32
      %dma_start3A_686 = tpu.memref_slice %arg10[%dma_start3A_684, %dma_start3A_685] : memref<2048x16xf32, #tpu.memory_space<vmem>> -> memref<128x16xf32, #tpu.memory_space<vmem>>
      %dma_start3A_687 = arith.constant 1664 : i32
      %dma_start3A_688 = tpu.memref_slice %arg8[%dma_start3A_687] : memref<2048xi32, #tpu.memory_space<vmem>> -> memref<128xi32, #tpu.memory_space<vmem>>
      %dma_start3A_689 = arith.constant 0 : i32
      %dma_start3A_690 = arith.constant 0 : i32
      %dma_start3A_691 = tpu.memref_slice %arg4[%dma_start3A_689, %dma_start3A_690] : memref<100000x16xf32, #tpu.memory_space<hbm>> -> memref<100000x16xf32, #tpu.memory_space<hbm>>
      tpu.enqueue_indirect_dma source(%dma_start3A_691 : memref<100000x16xf32, #tpu.memory_space<hbm>>) target(%dma_start3A_686 : memref<128x16xf32, #tpu.memory_space<vmem>>) offsets(%dma_start3A_688 : memref<128xi32, #tpu.memory_space<vmem>>) semaphore(%arg14 : memref<!tpu.dma_semaphore, #tpu.memory_space<semaphore_mem>>)
      %dma_start3A_692 = arith.constant 1792 : i32
      %dma_start3A_693 = arith.constant 0 : i32
      %dma_start3A_694 = tpu.memref_slice %arg10[%dma_start3A_692, %dma_start3A_693] : memref<2048x16xf32, #tpu.memory_space<vmem>> -> memref<128x16xf32, #tpu.memory_space<vmem>>
      %dma_start3A_695 = arith.constant 1792 : i32
      %dma_start3A_696 = tpu.memref_slice %arg8[%dma_start3A_695] : memref<2048xi32, #tpu.memory_space<vmem>> -> memref<128xi32, #tpu.memory_space<vmem>>
      %dma_start3A_697 = arith.constant 0 : i32
      %dma_start3A_698 = arith.constant 0 : i32
      %dma_start3A_699 = tpu.memref_slice %arg4[%dma_start3A_697, %dma_start3A_698] : memref<100000x16xf32, #tpu.memory_space<hbm>> -> memref<100000x16xf32, #tpu.memory_space<hbm>>
      tpu.enqueue_indirect_dma source(%dma_start3A_699 : memref<100000x16xf32, #tpu.memory_space<hbm>>) target(%dma_start3A_694 : memref<128x16xf32, #tpu.memory_space<vmem>>) offsets(%dma_start3A_696 : memref<128xi32, #tpu.memory_space<vmem>>) semaphore(%arg14 : memref<!tpu.dma_semaphore, #tpu.memory_space<semaphore_mem>>)
      %dma_start3A_700 = arith.constant 1920 : i32
      %dma_start3A_701 = arith.constant 0 : i32
      %dma_start3A_702 = tpu.memref_slice %arg10[%dma_start3A_700, %dma_start3A_701] : memref<2048x16xf32, #tpu.memory_space<vmem>> -> memref<128x16xf32, #tpu.memory_space<vmem>>
      %dma_start3A_703 = arith.constant 1920 : i32
      %dma_start3A_704 = tpu.memref_slice %arg8[%dma_start3A_703] : memref<2048xi32, #tpu.memory_space<vmem>> -> memref<128xi32, #tpu.memory_space<vmem>>
      %dma_start3A_705 = arith.constant 0 : i32
      %dma_start3A_706 = arith.constant 0 : i32
      %dma_start3A_707 = tpu.memref_slice %arg4[%dma_start3A_705, %dma_start3A_706] : memref<100000x16xf32, #tpu.memory_space<hbm>> -> memref<100000x16xf32, #tpu.memory_space<hbm>>
      tpu.enqueue_indirect_dma source(%dma_start3A_707 : memref<100000x16xf32, #tpu.memory_space<hbm>>) target(%dma_start3A_702 : memref<128x16xf32, #tpu.memory_space<vmem>>) offsets(%dma_start3A_704 : memref<128xi32, #tpu.memory_space<vmem>>) semaphore(%arg14 : memref<!tpu.dma_semaphore, #tpu.memory_space<semaphore_mem>>)
      %dma_wait3A_708 = arith.constant 0 : i32
      %dma_wait3A_709 = arith.constant 0 : i32
      %dma_wait3A_710 = tpu.memref_slice %arg4[%dma_wait3A_708, %dma_wait3A_709] : memref<100000x16xf32, #tpu.memory_space<hbm>> -> memref<2048x16xf32, #tpu.memory_space<hbm>>
      %dma_wait3A_711 = arith.constant 0 : i32
      %dma_wait3A_712 = arith.constant 0 : i32
      %dma_wait3A_713 = tpu.memref_slice %arg4[%dma_wait3A_711, %dma_wait3A_712] : memref<100000x16xf32, #tpu.memory_space<hbm>> -> memref<2048x16xf32, #tpu.memory_space<hbm>>
      tpu.wait_dma2 semaphore(%arg15 : memref<!tpu.dma_semaphore, #tpu.memory_space<semaphore_mem>>) src(%dma_wait3A_713 : memref<2048x16xf32, #tpu.memory_space<hbm>>) dst(%arg11 : memref<2048x16xf32, #tpu.memory_space<vmem>>)
      %add3A_714 = arith.constant 1 : i32
      %add3A_715 = arith.addi %mul3A_245, %add3A_714 : i32
      %mul3A_716 = arith.constant 2048 : i32
      %mul3A_717 = arith.muli %add3A_715, %mul3A_716 : i32
      %add3A_718 = arith.addi %and3A_11, %mul3A_717 : i32
      %min3A_719 = arith.constant 817152 : i32
      %min3A_720 = arith.minsi %add3A_718, %min3A_719 : i32
      %multiple_of3A_721 = tpu.assume_multiple %min3A_720, 8 : i32
      %add3A_722 = arith.constant 2048 : i32
      %add3A_723 = arith.addi %multiple_of3A_721, %add3A_722 : i32
      %min3A_724 = arith.minsi %add3A_723, %squeeze3A_10 : i32
      %get3A_725 = arith.constant 0 : index
      %get3A_726 = tpu.vector_load %arg7[%get3A_725] {strides = array<i32>} : memref<144xi32, #tpu.memory_space<vmem>>, vector<16xi32>,
      %le3A_727 = vector.broadcast %min3A_724 : i32 to vector<16xi32>
      %le3A_728 = arith.cmpi sle, %get3A_726, %le3A_727 : vector<16xi32>
      %lt3A_729 = arith.constant 129 : i32
      %lt3A_730 = vector.broadcast %lt3A_729 : i32 to vector<16xi32>
      %lt3A_731 = arith.cmpi slt, %iota3A, %lt3A_730 : vector<16xi32>
      %and3A_732 = arith.andi %le3A_728, %lt3A_731 : vector<16xi1>
      %all_reduce_population_count3A_733 = tpu.all_reduce %and3A_732 {dim = 0 : i64, kind = #tpu.reduction_kind<sum>} : vector<16xi1> -> vector<16xi32>
      %slice3A_734 = vector.extract_strided_slice %all_reduce_population_count3A_733 {offsets = [0], sizes = [1], strides = [1]} : vector<16xi32> to vector<1xi32>
      %squeeze3A_735 = vector.extract %slice3A_734[0] : i32 from vector<1xi32>
      %add3A_736 = arith.constant 0 : i32
      %add3A_737 = arith.addi %add3A_736, %squeeze3A_735 : i32
      %get3A_738 = arith.constant 16 : index
      %get3A_739 = tpu.vector_load %arg7[%get3A_738] {strides = array<i32>} : memref<144xi32, #tpu.memory_space<vmem>>, vector<16xi32>,
      %le3A_740 = vector.broadcast %min3A_724 : i32 to vector<16xi32>
      %le3A_741 = arith.cmpi sle, %get3A_739, %le3A_740 : vector<16xi32>
      %lt3A_742 = arith.constant 113 : i32
      %lt3A_743 = vector.broadcast %lt3A_742 : i32 to vector<16xi32>
      %lt3A_744 = arith.cmpi slt, %iota3A, %lt3A_743 : vector<16xi32>
      %and3A_745 = arith.andi %le3A_741, %lt3A_744 : vector<16xi1>
      %all_reduce_population_count3A_746 = tpu.all_reduce %and3A_745 {dim = 0 : i64, kind = #tpu.reduction_kind<sum>} : vector<16xi1> -> vector<16xi32>
      %slice3A_747 = vector.extract_strided_slice %all_reduce_population_count3A_746 {offsets = [0], sizes = [1], strides = [1]} : vector<16xi32> to vector<1xi32>
      %squeeze3A_748 = vector.extract %slice3A_747[0] : i32 from vector<1xi32>
      %add3A_749 = arith.addi %add3A_737, %squeeze3A_748 : i32
      %get3A_750 = arith.constant 32 : index
      %get3A_751 = tpu.vector_load %arg7[%get3A_750] {strides = array<i32>} : memref<144xi32, #tpu.memory_space<vmem>>, vector<16xi32>,
      %le3A_752 = vector.broadcast %min3A_724 : i32 to vector<16xi32>
      %le3A_753 = arith.cmpi sle, %get3A_751, %le3A_752 : vector<16xi32>
      %lt3A_754 = arith.constant 97 : i32
      %lt3A_755 = vector.broadcast %lt3A_754 : i32 to vector<16xi32>
      %lt3A_756 = arith.cmpi slt, %iota3A, %lt3A_755 : vector<16xi32>
      %and3A_757 = arith.andi %le3A_753, %lt3A_756 : vector<16xi1>
      %all_reduce_population_count3A_758 = tpu.all_reduce %and3A_757 {dim = 0 : i64, kind = #tpu.reduction_kind<sum>} : vector<16xi1> -> vector<16xi32>
      %slice3A_759 = vector.extract_strided_slice %all_reduce_population_count3A_758 {offsets = [0], sizes = [1], strides = [1]} : vector<16xi32> to vector<1xi32>
      %squeeze3A_760 = vector.extract %slice3A_759[0] : i32 from vector<1xi32>
      %add3A_761 = arith.addi %add3A_749, %squeeze3A_760 : i32
      %get3A_762 = arith.constant 48 : index
      %get3A_763 = tpu.vector_load %arg7[%get3A_762] {strides = array<i32>} : memref<144xi32, #tpu.memory_space<vmem>>, vector<16xi32>,
      %le3A_764 = vector.broadcast %min3A_724 : i32 to vector<16xi32>
      %le3A_765 = arith.cmpi sle, %get3A_763, %le3A_764 : vector<16xi32>
      %lt3A_766 = arith.constant 81 : i32
      %lt3A_767 = vector.broadcast %lt3A_766 : i32 to vector<16xi32>
      %lt3A_768 = arith.cmpi slt, %iota3A, %lt3A_767 : vector<16xi32>
      %and3A_769 = arith.andi %le3A_765, %lt3A_768 : vector<16xi1>
      %all_reduce_population_count3A_770 = tpu.all_reduce %and3A_769 {dim = 0 : i64, kind = #tpu.reduction_kind<sum>} : vector<16xi1> -> vector<16xi32>
      %slice3A_771 = vector.extract_strided_slice %all_reduce_population_count3A_770 {offsets = [0], sizes = [1], strides = [1]} : vector<16xi32> to vector<1xi32>
      %squeeze3A_772 = vector.extract %slice3A_771[0] : i32 from vector<1xi32>
      %add3A_773 = arith.addi %add3A_761, %squeeze3A_772 : i32
      %get3A_774 = arith.constant 64 : index
      %get3A_775 = tpu.vector_load %arg7[%get3A_774] {strides = array<i32>} : memref<144xi32, #tpu.memory_space<vmem>>, vector<16xi32>,
      %le3A_776 = vector.broadcast %min3A_724 : i32 to vector<16xi32>
      %le3A_777 = arith.cmpi sle, %get3A_775, %le3A_776 : vector<16xi32>
      %lt3A_778 = arith.constant 65 : i32
      %lt3A_779 = vector.broadcast %lt3A_778 : i32 to vector<16xi32>
      %lt3A_780 = arith.cmpi slt, %iota3A, %lt3A_779 : vector<16xi32>
      %and3A_781 = arith.andi %le3A_777, %lt3A_780 : vector<16xi1>
      %all_reduce_population_count3A_782 = tpu.all_reduce %and3A_781 {dim = 0 : i64, kind = #tpu.reduction_kind<sum>} : vector<16xi1> -> vector<16xi32>
      %slice3A_783 = vector.extract_strided_slice %all_reduce_population_count3A_782 {offsets = [0], sizes = [1], strides = [1]} : vector<16xi32> to vector<1xi32>
      %squeeze3A_784 = vector.extract %slice3A_783[0] : i32 from vector<1xi32>
      %add3A_785 = arith.addi %add3A_773, %squeeze3A_784 : i32
      %get3A_786 = arith.constant 80 : index
      %get3A_787 = tpu.vector_load %arg7[%get3A_786] {strides = array<i32>} : memref<144xi32, #tpu.memory_space<vmem>>, vector<16xi32>,
      %le3A_788 = vector.broadcast %min3A_724 : i32 to vector<16xi32>
      %le3A_789 = arith.cmpi sle, %get3A_787, %le3A_788 : vector<16xi32>
      %lt3A_790 = arith.constant 49 : i32
      %lt3A_791 = vector.broadcast %lt3A_790 : i32 to vector<16xi32>
      %lt3A_792 = arith.cmpi slt, %iota3A, %lt3A_791 : vector<16xi32>
      %and3A_793 = arith.andi %le3A_789, %lt3A_792 : vector<16xi1>
      %all_reduce_population_count3A_794 = tpu.all_reduce %and3A_793 {dim = 0 : i64, kind = #tpu.reduction_kind<sum>} : vector<16xi1> -> vector<16xi32>
      %slice3A_795 = vector.extract_strided_slice %all_reduce_population_count3A_794 {offsets = [0], sizes = [1], strides = [1]} : vector<16xi32> to vector<1xi32>
      %squeeze3A_796 = vector.extract %slice3A_795[0] : i32 from vector<1xi32>
      %add3A_797 = arith.addi %add3A_785, %squeeze3A_796 : i32
      %get3A_798 = arith.constant 96 : index
      %get3A_799 = tpu.vector_load %arg7[%get3A_798] {strides = array<i32>} : memref<144xi32, #tpu.memory_space<vmem>>, vector<16xi32>,
      %le3A_800 = vector.broadcast %min3A_724 : i32 to vector<16xi32>
      %le3A_801 = arith.cmpi sle, %get3A_799, %le3A_800 : vector<16xi32>
      %lt3A_802 = arith.constant 33 : i32
      %lt3A_803 = vector.broadcast %lt3A_802 : i32 to vector<16xi32>
      %lt3A_804 = arith.cmpi slt, %iota3A, %lt3A_803 : vector<16xi32>
      %and3A_805 = arith.andi %le3A_801, %lt3A_804 : vector<16xi1>
      %all_reduce_population_count3A_806 = tpu.all_reduce %and3A_805 {dim = 0 : i64, kind = #tpu.reduction_kind<sum>} : vector<16xi1> -> vector<16xi32>
      %slice3A_807 = vector.extract_strided_slice %all_reduce_population_count3A_806 {offsets = [0], sizes = [1], strides = [1]} : vector<16xi32> to vector<1xi32>
      %squeeze3A_808 = vector.extract %slice3A_807[0] : i32 from vector<1xi32>
      %add3A_809 = arith.addi %add3A_797, %squeeze3A_808 : i32
      %get3A_810 = arith.constant 112 : index
      %get3A_811 = tpu.vector_load %arg7[%get3A_810] {strides = array<i32>} : memref<144xi32, #tpu.memory_space<vmem>>, vector<16xi32>,
      %le3A_812 = vector.broadcast %min3A_724 : i32 to vector<16xi32>
      %le3A_813 = arith.cmpi sle, %get3A_811, %le3A_812 : vector<16xi32>
      %lt3A_814 = arith.constant 17 : i32
      %lt3A_815 = vector.broadcast %lt3A_814 : i32 to vector<16xi32>
      %lt3A_816 = arith.cmpi slt, %iota3A, %lt3A_815 : vector<16xi32>
      %and3A_817 = arith.andi %le3A_813, %lt3A_816 : vector<16xi1>
      %all_reduce_population_count3A_818 = tpu.all_reduce %and3A_817 {dim = 0 : i64, kind = #tpu.reduction_kind<sum>} : vector<16xi1> -> vector<16xi32>
      %slice3A_819 = vector.extract_strided_slice %all_reduce_population_count3A_818 {offsets = [0], sizes = [1], strides = [1]} : vector<16xi32> to vector<1xi32>
      %squeeze3A_820 = vector.extract %slice3A_819[0] : i32 from vector<1xi32>
      %add3A_821 = arith.addi %add3A_809, %squeeze3A_820 : i32
      %get3A_822 = arith.constant 128 : index
      %get3A_823 = tpu.vector_load %arg7[%get3A_822] {strides = array<i32>} : memref<144xi32, #tpu.memory_space<vmem>>, vector<16xi32>,
      %le3A_824 = vector.broadcast %min3A_724 : i32 to vector<16xi32>
      %le3A_825 = arith.cmpi sle, %get3A_823, %le3A_824 : vector<16xi32>
      %lt3A_826 = arith.constant 1 : i32
      %lt3A_827 = vector.broadcast %lt3A_826 : i32 to vector<16xi32>
      %lt3A_828 = arith.cmpi slt, %iota3A, %lt3A_827 : vector<16xi32>
      %and3A_829 = arith.andi %le3A_825, %lt3A_828 : vector<16xi1>
      %all_reduce_population_count3A_830 = tpu.all_reduce %and3A_829 {dim = 0 : i64, kind = #tpu.reduction_kind<sum>} : vector<16xi1> -> vector<16xi32>
      %slice3A_831 = vector.extract_strided_slice %all_reduce_population_count3A_830 {offsets = [0], sizes = [1], strides = [1]} : vector<16xi32> to vector<1xi32>
      %squeeze3A_832 = vector.extract %slice3A_831[0] : i32 from vector<1xi32>
      %add3A_833 = arith.addi %add3A_821, %squeeze3A_832 : i32
      %sub3A_834 = arith.constant 1 : i32
      %sub3A_835 = arith.subi %add3A_833, %sub3A_834 : i32
      %max3A_836 = arith.maxsi %min3A_396, %multiple_of3A_721 : i32
      %while3A_837 = arith.subi %sub3A_835, %sub3A_504 : i32
      %while3A_838 = arith.addi %sub3A_504, %while3A_837 : i32
      %while3A_839 = arith.constant 1 : i32
      %while3A_840 = arith.divsi %while3A_837, %while3A_839 : i32
      %while3A_841 = arith.muli %while3A_840, %while3A_839 : i32
      %while3A_842 = arith.addi %sub3A_504, %while3A_841 : i32
      %while3A_843 = arith.constant 1 : i32
      %while3A_844:2 = scf.for %while3A_904 = %sub3A_504 to %while3A_842 step %while3A_843 iter_args(%while3A_905 = %max3A_836, %while3A_906 = %while3A_571) -> (i32, vector<16xf32>)  : i32 {
        %get3A_907 = arith.index_cast %while3A_904 : i32 to index
        %get3A_908 = tpu.vector_load %arg7[%get3A_907] {strides = array<i32>} : memref<144xi32, #tpu.memory_space<vmem>>, vector<16xi32>,
        %slice3A_909 = vector.extract_strided_slice %get3A_908 {offsets = [0], sizes = [1], strides = [1]} : vector<16xi32> to vector<1xi32>
        %squeeze3A_910 = vector.extract %slice3A_909[0] : i32 from vector<1xi32>
        %slice3A_911 = vector.extract_strided_slice %get3A_908 {offsets = [1], sizes = [1], strides = [1]} : vector<16xi32> to vector<1xi32>
        %squeeze3A_912 = vector.extract %slice3A_911[0] : i32 from vector<1xi32>
        %sub3A_913 = arith.subi %while3A_905, %multiple_of3A_721 : i32
        %sub3A_914 = arith.subi %squeeze3A_912, %multiple_of3A_721 : i32
        %sub3A_915 = arith.subi %sub3A_914, %sub3A_913 : i32
        %max3A_916 = arith.constant 0 : i32
        %max3A_917 = arith.maxsi %sub3A_915, %max3A_916 : i32
        %jit3A_918 = arith.constant 8 : i32
        %div3A_919 = arith.divsi %max3A_917, %jit3A_918 : i32
        %sign3A_920 = arith.constant 0 : i32
        %sign3A_921 = arith.cmpi sgt, %max3A_917, %sign3A_920 : i32
        %sign3A_922 = arith.extui %sign3A_921 : i1 to i32
        %sign3A_923 = arith.constant 0 : i32
        %sign3A_924 = arith.cmpi slt, %max3A_917, %sign3A_923 : i32
        %sign3A_925 = arith.extui %sign3A_924 : i1 to i32
        %sign3A_926 = arith.subi %sign3A_922, %sign3A_925 : i32
        %sign3A_927 = arith.constant 0 : i32
        %sign3A_928 = arith.cmpi sgt, %jit3A_918, %sign3A_927 : i32
        %sign3A_929 = arith.extui %sign3A_928 : i1 to i32
        %sign3A_930 = arith.constant 0 : i32
        %sign3A_931 = arith.cmpi slt, %jit3A_918, %sign3A_930 : i32
        %sign3A_932 = arith.extui %sign3A_931 : i1 to i32
        %sign3A_933 = arith.subi %sign3A_929, %sign3A_932 : i32
        %ne3A_934 = arith.cmpi ne, %sign3A_926, %sign3A_933 : i32
        %rem3A_935 = arith.remsi %max3A_917, %jit3A_918 : i32
        %ne3A_936 = arith.constant 0 : i32
        %ne3A_937 = arith.cmpi ne, %rem3A_935, %ne3A_936 : i32
        %and3A_938 = arith.andi %ne3A_934, %ne3A_937 : i1
        %sub3A_939 = arith.constant 1 : i32
        %sub3A_940 = arith.subi %div3A_919, %sub3A_939 : i32
        %select_n3A_941 = arith.select %and3A_938, %sub3A_940, %div3A_919 : i32
        %while3A_942 = arith.constant 0 : i32
        %while3A_943 = arith.subi %select_n3A_941, %while3A_942 : i32
        %while3A_944 = arith.addi %while3A_942, %while3A_943 : i32
        %while3A_945 = arith.constant 1 : i32
        %while3A_946 = arith.divsi %while3A_943, %while3A_945 : i32
        %while3A_947 = arith.muli %while3A_946, %while3A_945 : i32
        %while3A_948 = arith.addi %while3A_942, %while3A_947 : i32
        %while3A_949 = arith.constant 1 : i32
        %while3A_950:4 = scf.for %while3A_981 = %while3A_942 to %while3A_948 step %while3A_949 iter_args(%while3A_982 = %while3A_906, %while3A_983 = %broadcast_in_dim3A_4, %while3A_984 = %broadcast_in_dim3A_4, %while3A_985 = %broadcast_in_dim3A_4) -> (vector<16xf32>, vector<16xf32>, vector<16xf32>, vector<16xf32>)  : i32 {
          %mul3A_986 = arith.constant 8 : i32
          %mul3A_987 = arith.muli %while3A_981, %mul3A_986 : i32
          %add3A_988 = arith.addi %sub3A_913, %mul3A_987 : i32
          %get3A_989 = arith.index_cast %add3A_988 : i32 to index
          %get3A_990 = arith.constant 0 : index
          %get3A_991 = tpu.vector_load %arg11[%get3A_989, %get3A_990] {strides = array<i32>} : memref<2048x16xf32, #tpu.memory_space<vmem>>, vector<16xf32>,
          %add3A_992 = arith.addf %while3A_982, %get3A_991 : vector<16xf32>
          %add3A_993 = arith.constant 1 : i32
          %add3A_994 = arith.addi %add3A_988, %add3A_993 : i32
          %get3A_995 = arith.index_cast %add3A_994 : i32 to index
          %get3A_996 = arith.constant 0 : index
          %get3A_997 = tpu.vector_load %arg11[%get3A_995, %get3A_996] {strides = array<i32>} : memref<2048x16xf32, #tpu.memory_space<vmem>>, vector<16xf32>,
          %add3A_998 = arith.addf %while3A_983, %get3A_997 : vector<16xf32>
          %add3A_999 = arith.constant 2 : i32
          %add3A_1000 = arith.addi %add3A_988, %add3A_999 : i32
          %get3A_1001 = arith.index_cast %add3A_1000 : i32 to index
          %get3A_1002 = arith.constant 0 : index
          %get3A_1003 = tpu.vector_load %arg11[%get3A_1001, %get3A_1002] {strides = array<i32>} : memref<2048x16xf32, #tpu.memory_space<vmem>>, vector<16xf32>,
          %add3A_1004 = arith.addf %while3A_984, %get3A_1003 : vector<16xf32>
          %add3A_1005 = arith.constant 3 : i32
          %add3A_1006 = arith.addi %add3A_988, %add3A_1005 : i32
          %get3A_1007 = arith.index_cast %add3A_1006 : i32 to index
          %get3A_1008 = arith.constant 0 : index
          %get3A_1009 = tpu.vector_load %arg11[%get3A_1007, %get3A_1008] {strides = array<i32>} : memref<2048x16xf32, #tpu.memory_space<vmem>>, vector<16xf32>,
          %add3A_1010 = arith.addf %while3A_985, %get3A_1009 : vector<16xf32>
          %add3A_1011 = arith.constant 4 : i32
          %add3A_1012 = arith.addi %add3A_988, %add3A_1011 : i32
          %get3A_1013 = arith.index_cast %add3A_1012 : i32 to index
          %get3A_1014 = arith.constant 0 : index
          %get3A_1015 = tpu.vector_load %arg11[%get3A_1013, %get3A_1014] {strides = array<i32>} : memref<2048x16xf32, #tpu.memory_space<vmem>>, vector<16xf32>,
          %add3A_1016 = arith.addf %add3A_992, %get3A_1015 : vector<16xf32>
          %add3A_1017 = arith.constant 5 : i32
          %add3A_1018 = arith.addi %add3A_988, %add3A_1017 : i32
          %get3A_1019 = arith.index_cast %add3A_1018 : i32 to index
          %get3A_1020 = arith.constant 0 : index
          %get3A_1021 = tpu.vector_load %arg11[%get3A_1019, %get3A_1020] {strides = array<i32>} : memref<2048x16xf32, #tpu.memory_space<vmem>>, vector<16xf32>,
          %add3A_1022 = arith.addf %add3A_998, %get3A_1021 : vector<16xf32>
          %add3A_1023 = arith.constant 6 : i32
          %add3A_1024 = arith.addi %add3A_988, %add3A_1023 : i32
          %get3A_1025 = arith.index_cast %add3A_1024 : i32 to index
          %get3A_1026 = arith.constant 0 : index
          %get3A_1027 = tpu.vector_load %arg11[%get3A_1025, %get3A_1026] {strides = array<i32>} : memref<2048x16xf32, #tpu.memory_space<vmem>>, vector<16xf32>,
          %add3A_1028 = arith.addf %add3A_1004, %get3A_1027 : vector<16xf32>
          %add3A_1029 = arith.constant 7 : i32
          %add3A_1030 = arith.addi %add3A_988, %add3A_1029 : i32
          %get3A_1031 = arith.index_cast %add3A_1030 : i32 to index
          %get3A_1032 = arith.constant 0 : index
          %get3A_1033 = tpu.vector_load %arg11[%get3A_1031, %get3A_1032] {strides = array<i32>} : memref<2048x16xf32, #tpu.memory_space<vmem>>, vector<16xf32>,
          %add3A_1034 = arith.addf %add3A_1010, %get3A_1033 : vector<16xf32>
          scf.yield %add3A_1016, %add3A_1022, %add3A_1028, %add3A_1034 : vector<16xf32>, vector<16xf32>, vector<16xf32>, vector<16xf32>
        }
        %while3A_951 = arith.constant 1 : i32
        %while3A_952:4 = scf.for %while3A_981 = %while3A_948 to %while3A_944 step %while3A_951 iter_args(%while3A_982 = %while3A_950#0, %while3A_983 = %while3A_950#1, %while3A_984 = %while3A_950#2, %while3A_985 = %while3A_950#3) -> (vector<16xf32>, vector<16xf32>, vector<16xf32>, vector<16xf32>)  : i32 {
          %mul3A_986 = arith.constant 8 : i32
          %mul3A_987 = arith.muli %while3A_981, %mul3A_986 : i32
          %add3A_988 = arith.addi %sub3A_913, %mul3A_987 : i32
          %get3A_989 = arith.index_cast %add3A_988 : i32 to index
          %get3A_990 = arith.constant 0 : index
          %get3A_991 = tpu.vector_load %arg11[%get3A_989, %get3A_990] {strides = array<i32>} : memref<2048x16xf32, #tpu.memory_space<vmem>>, vector<16xf32>,
          %add3A_992 = arith.addf %while3A_982, %get3A_991 : vector<16xf32>
          %add3A_993 = arith.constant 1 : i32
          %add3A_994 = arith.addi %add3A_988, %add3A_993 : i32
          %get3A_995 = arith.index_cast %add3A_994 : i32 to index
          %get3A_996 = arith.constant 0 : index
          %get3A_997 = tpu.vector_load %arg11[%get3A_995, %get3A_996] {strides = array<i32>} : memref<2048x16xf32, #tpu.memory_space<vmem>>, vector<16xf32>,
          %add3A_998 = arith.addf %while3A_983, %get3A_997 : vector<16xf32>
          %add3A_999 = arith.constant 2 : i32
          %add3A_1000 = arith.addi %add3A_988, %add3A_999 : i32
          %get3A_1001 = arith.index_cast %add3A_1000 : i32 to index
          %get3A_1002 = arith.constant 0 : index
          %get3A_1003 = tpu.vector_load %arg11[%get3A_1001, %get3A_1002] {strides = array<i32>} : memref<2048x16xf32, #tpu.memory_space<vmem>>, vector<16xf32>,
          %add3A_1004 = arith.addf %while3A_984, %get3A_1003 : vector<16xf32>
          %add3A_1005 = arith.constant 3 : i32
          %add3A_1006 = arith.addi %add3A_988, %add3A_1005 : i32
          %get3A_1007 = arith.index_cast %add3A_1006 : i32 to index
          %get3A_1008 = arith.constant 0 : index
          %get3A_1009 = tpu.vector_load %arg11[%get3A_1007, %get3A_1008] {strides = array<i32>} : memref<2048x16xf32, #tpu.memory_space<vmem>>, vector<16xf32>,
          %add3A_1010 = arith.addf %while3A_985, %get3A_1009 : vector<16xf32>
          %add3A_1011 = arith.constant 4 : i32
          %add3A_1012 = arith.addi %add3A_988, %add3A_1011 : i32
          %get3A_1013 = arith.index_cast %add3A_1012 : i32 to index
          %get3A_1014 = arith.constant 0 : index
          %get3A_1015 = tpu.vector_load %arg11[%get3A_1013, %get3A_1014] {strides = array<i32>} : memref<2048x16xf32, #tpu.memory_space<vmem>>, vector<16xf32>,
          %add3A_1016 = arith.addf %add3A_992, %get3A_1015 : vector<16xf32>
          %add3A_1017 = arith.constant 5 : i32
          %add3A_1018 = arith.addi %add3A_988, %add3A_1017 : i32
          %get3A_1019 = arith.index_cast %add3A_1018 : i32 to index
          %get3A_1020 = arith.constant 0 : index
          %get3A_1021 = tpu.vector_load %arg11[%get3A_1019, %get3A_1020] {strides = array<i32>} : memref<2048x16xf32, #tpu.memory_space<vmem>>, vector<16xf32>,
          %add3A_1022 = arith.addf %add3A_998, %get3A_1021 : vector<16xf32>
          %add3A_1023 = arith.constant 6 : i32
          %add3A_1024 = arith.addi %add3A_988, %add3A_1023 : i32
          %get3A_1025 = arith.index_cast %add3A_1024 : i32 to index
          %get3A_1026 = arith.constant 0 : index
          %get3A_1027 = tpu.vector_load %arg11[%get3A_1025, %get3A_1026] {strides = array<i32>} : memref<2048x16xf32, #tpu.memory_space<vmem>>, vector<16xf32>,
          %add3A_1028 = arith.addf %add3A_1004, %get3A_1027 : vector<16xf32>
          %add3A_1029 = arith.constant 7 : i32
          %add3A_1030 = arith.addi %add3A_988, %add3A_1029 : i32
          %get3A_1031 = arith.index_cast %add3A_1030 : i32 to index
          %get3A_1032 = arith.constant 0 : index
          %get3A_1033 = tpu.vector_load %arg11[%get3A_1031, %get3A_1032] {strides = array<i32>} : memref<2048x16xf32, #tpu.memory_space<vmem>>, vector<16xf32>,
          %add3A_1034 = arith.addf %add3A_1010, %get3A_1033 : vector<16xf32>
          scf.yield %add3A_1016, %add3A_1022, %add3A_1028, %add3A_1034 : vector<16xf32>, vector<16xf32>, vector<16xf32>, vector<16xf32>
        }
        %add3A_953 = arith.addf %while3A_952#0, %while3A_952#1 : vector<16xf32>
        %add3A_954 = arith.addf %while3A_952#2, %while3A_952#3 : vector<16xf32>
        %add3A_955 = arith.addf %add3A_953, %add3A_954 : vector<16xf32>
        %and3A_956 = arith.constant -8 : i32
        %and3A_957 = arith.andi %max3A_917, %and3A_956 : i32
        %add3A_958 = arith.addi %sub3A_913, %and3A_957 : i32
        %while3A_959 = arith.subi %sub3A_914, %add3A_958 : i32
        %while3A_960 = arith.addi %add3A_958, %while3A_959 : i32
        %while3A_961 = arith.constant 1 : i32
        %while3A_962 = arith.divsi %while3A_959, %while3A_961 : i32
        %while3A_963 = arith.muli %while3A_962, %while3A_961 : i32
        %while3A_964 = arith.addi %add3A_958, %while3A_963 : i32
        %while3A_965 = arith.constant 1 : i32
        %while3A_966 = scf.for %while3A_981 = %add3A_958 to %while3A_964 step %while3A_965 iter_args(%while3A_982 = %add3A_955) -> (vector<16xf32>)  : i32 {
          %get3A_983 = arith.index_cast %while3A_981 : i32 to index
          %get3A_984 = arith.constant 0 : index
          %get3A_985 = tpu.vector_load %arg11[%get3A_983, %get3A_984] {strides = array<i32>} : memref<2048x16xf32, #tpu.memory_space<vmem>>, vector<16xf32>,
          %add3A_986 = arith.addf %while3A_982, %get3A_985 : vector<16xf32>
          scf.yield %add3A_986 : vector<16xf32>
        }
        %while3A_967 = arith.constant 1 : i32
        %while3A_968 = scf.for %while3A_981 = %while3A_964 to %while3A_960 step %while3A_967 iter_args(%while3A_982 = %while3A_966) -> (vector<16xf32>)  : i32 {
          %get3A_983 = arith.index_cast %while3A_981 : i32 to index
          %get3A_984 = arith.constant 0 : index
          %get3A_985 = tpu.vector_load %arg11[%get3A_983, %get3A_984] {strides = array<i32>} : memref<2048x16xf32, #tpu.memory_space<vmem>>, vector<16xf32>,
          %add3A_986 = arith.addf %while3A_982, %get3A_985 : vector<16xf32>
          scf.yield %add3A_986 : vector<16xf32>
        }
        %sub3A_969 = arith.subi %squeeze3A_912, %squeeze3A_910 : i32
        %convert_element_type3A = arith.sitofp %sub3A_969 : i32 to f32
        %broadcast_in_dim3A_970 = arith.constant 1.000000e+00 : f32
        %broadcast_in_dim3A_971 = vector.broadcast %broadcast_in_dim3A_970 : f32 to vector<16xf32>
        %mul3A_972 = vector.broadcast %convert_element_type3A : f32 to vector<16xf32>
        %mul3A_973 = arith.mulf %broadcast_in_dim3A_971, %mul3A_972 : vector<16xf32>
        %max3A_974 = arith.constant 1.000000e+00 : f32
        %max3A_975 = vector.broadcast %max3A_974 : f32 to vector<16xf32>
        %max3A_976 = arith.maximumf %mul3A_973, %max3A_975 : vector<16xf32>
        %div3A_977 = arith.divf %while3A_968, %max3A_976 : vector<16xf32>
        %add3A_978 = arith.addf %div3A_977, %get3A_3 : vector<16xf32>
        %swap3A = arith.index_cast %while3A_904 : i32 to index
        %swap3A_979 = arith.constant 0 : index
        %swap3A_980 = tpu.vector_load %arg12[%swap3A, %swap3A_979] {strides = array<i32>} : memref<128x16xf32, #tpu.memory_space<vmem>>, vector<16xf32>,
        tpu.vector_store %arg12[%swap3A, %swap3A_979], %add3A_978 {strides = array<i32>} : memref<128x16xf32, #tpu.memory_space<vmem>>, vector<16xf32>,
        scf.yield %squeeze3A_912, %broadcast_in_dim3A_4 : i32, vector<16xf32>
      }
      %while3A_845 = arith.constant 1 : i32
      %while3A_846:2 = scf.for %while3A_904 = %while3A_842 to %while3A_838 step %while3A_845 iter_args(%while3A_905 = %while3A_844#0, %while3A_906 = %while3A_844#1) -> (i32, vector<16xf32>)  : i32 {
        %get3A_907 = arith.index_cast %while3A_904 : i32 to index
        %get3A_908 = tpu.vector_load %arg7[%get3A_907] {strides = array<i32>} : memref<144xi32, #tpu.memory_space<vmem>>, vector<16xi32>,
        %slice3A_909 = vector.extract_strided_slice %get3A_908 {offsets = [0], sizes = [1], strides = [1]} : vector<16xi32> to vector<1xi32>
        %squeeze3A_910 = vector.extract %slice3A_909[0] : i32 from vector<1xi32>
        %slice3A_911 = vector.extract_strided_slice %get3A_908 {offsets = [1], sizes = [1], strides = [1]} : vector<16xi32> to vector<1xi32>
        %squeeze3A_912 = vector.extract %slice3A_911[0] : i32 from vector<1xi32>
        %sub3A_913 = arith.subi %while3A_905, %multiple_of3A_721 : i32
        %sub3A_914 = arith.subi %squeeze3A_912, %multiple_of3A_721 : i32
        %sub3A_915 = arith.subi %sub3A_914, %sub3A_913 : i32
        %max3A_916 = arith.constant 0 : i32
        %max3A_917 = arith.maxsi %sub3A_915, %max3A_916 : i32
        %jit3A_918 = arith.constant 8 : i32
        %div3A_919 = arith.divsi %max3A_917, %jit3A_918 : i32
        %sign3A_920 = arith.constant 0 : i32
        %sign3A_921 = arith.cmpi sgt, %max3A_917, %sign3A_920 : i32
        %sign3A_922 = arith.extui %sign3A_921 : i1 to i32
        %sign3A_923 = arith.constant 0 : i32
        %sign3A_924 = arith.cmpi slt, %max3A_917, %sign3A_923 : i32
        %sign3A_925 = arith.extui %sign3A_924 : i1 to i32
        %sign3A_926 = arith.subi %sign3A_922, %sign3A_925 : i32
        %sign3A_927 = arith.constant 0 : i32
        %sign3A_928 = arith.cmpi sgt, %jit3A_918, %sign3A_927 : i32
        %sign3A_929 = arith.extui %sign3A_928 : i1 to i32
        %sign3A_930 = arith.constant 0 : i32
        %sign3A_931 = arith.cmpi slt, %jit3A_918, %sign3A_930 : i32
        %sign3A_932 = arith.extui %sign3A_931 : i1 to i32
        %sign3A_933 = arith.subi %sign3A_929, %sign3A_932 : i32
        %ne3A_934 = arith.cmpi ne, %sign3A_926, %sign3A_933 : i32
        %rem3A_935 = arith.remsi %max3A_917, %jit3A_918 : i32
        %ne3A_936 = arith.constant 0 : i32
        %ne3A_937 = arith.cmpi ne, %rem3A_935, %ne3A_936 : i32
        %and3A_938 = arith.andi %ne3A_934, %ne3A_937 : i1
        %sub3A_939 = arith.constant 1 : i32
        %sub3A_940 = arith.subi %div3A_919, %sub3A_939 : i32
        %select_n3A_941 = arith.select %and3A_938, %sub3A_940, %div3A_919 : i32
        %while3A_942 = arith.constant 0 : i32
        %while3A_943 = arith.subi %select_n3A_941, %while3A_942 : i32
        %while3A_944 = arith.addi %while3A_942, %while3A_943 : i32
        %while3A_945 = arith.constant 1 : i32
        %while3A_946 = arith.divsi %while3A_943, %while3A_945 : i32
        %while3A_947 = arith.muli %while3A_946, %while3A_945 : i32
        %while3A_948 = arith.addi %while3A_942, %while3A_947 : i32
        %while3A_949 = arith.constant 1 : i32
        %while3A_950:4 = scf.for %while3A_981 = %while3A_942 to %while3A_948 step %while3A_949 iter_args(%while3A_982 = %while3A_906, %while3A_983 = %broadcast_in_dim3A_4, %while3A_984 = %broadcast_in_dim3A_4, %while3A_985 = %broadcast_in_dim3A_4) -> (vector<16xf32>, vector<16xf32>, vector<16xf32>, vector<16xf32>)  : i32 {
          %mul3A_986 = arith.constant 8 : i32
          %mul3A_987 = arith.muli %while3A_981, %mul3A_986 : i32
          %add3A_988 = arith.addi %sub3A_913, %mul3A_987 : i32
          %get3A_989 = arith.index_cast %add3A_988 : i32 to index
          %get3A_990 = arith.constant 0 : index
          %get3A_991 = tpu.vector_load %arg11[%get3A_989, %get3A_990] {strides = array<i32>} : memref<2048x16xf32, #tpu.memory_space<vmem>>, vector<16xf32>,
          %add3A_992 = arith.addf %while3A_982, %get3A_991 : vector<16xf32>
          %add3A_993 = arith.constant 1 : i32
          %add3A_994 = arith.addi %add3A_988, %add3A_993 : i32
          %get3A_995 = arith.index_cast %add3A_994 : i32 to index
          %get3A_996 = arith.constant 0 : index
          %get3A_997 = tpu.vector_load %arg11[%get3A_995, %get3A_996] {strides = array<i32>} : memref<2048x16xf32, #tpu.memory_space<vmem>>, vector<16xf32>,
          %add3A_998 = arith.addf %while3A_983, %get3A_997 : vector<16xf32>
          %add3A_999 = arith.constant 2 : i32
          %add3A_1000 = arith.addi %add3A_988, %add3A_999 : i32
          %get3A_1001 = arith.index_cast %add3A_1000 : i32 to index
          %get3A_1002 = arith.constant 0 : index
          %get3A_1003 = tpu.vector_load %arg11[%get3A_1001, %get3A_1002] {strides = array<i32>} : memref<2048x16xf32, #tpu.memory_space<vmem>>, vector<16xf32>,
          %add3A_1004 = arith.addf %while3A_984, %get3A_1003 : vector<16xf32>
          %add3A_1005 = arith.constant 3 : i32
          %add3A_1006 = arith.addi %add3A_988, %add3A_1005 : i32
          %get3A_1007 = arith.index_cast %add3A_1006 : i32 to index
          %get3A_1008 = arith.constant 0 : index
          %get3A_1009 = tpu.vector_load %arg11[%get3A_1007, %get3A_1008] {strides = array<i32>} : memref<2048x16xf32, #tpu.memory_space<vmem>>, vector<16xf32>,
          %add3A_1010 = arith.addf %while3A_985, %get3A_1009 : vector<16xf32>
          %add3A_1011 = arith.constant 4 : i32
          %add3A_1012 = arith.addi %add3A_988, %add3A_1011 : i32
          %get3A_1013 = arith.index_cast %add3A_1012 : i32 to index
          %get3A_1014 = arith.constant 0 : index
          %get3A_1015 = tpu.vector_load %arg11[%get3A_1013, %get3A_1014] {strides = array<i32>} : memref<2048x16xf32, #tpu.memory_space<vmem>>, vector<16xf32>,
          %add3A_1016 = arith.addf %add3A_992, %get3A_1015 : vector<16xf32>
          %add3A_1017 = arith.constant 5 : i32
          %add3A_1018 = arith.addi %add3A_988, %add3A_1017 : i32
          %get3A_1019 = arith.index_cast %add3A_1018 : i32 to index
          %get3A_1020 = arith.constant 0 : index
          %get3A_1021 = tpu.vector_load %arg11[%get3A_1019, %get3A_1020] {strides = array<i32>} : memref<2048x16xf32, #tpu.memory_space<vmem>>, vector<16xf32>,
          %add3A_1022 = arith.addf %add3A_998, %get3A_1021 : vector<16xf32>
          %add3A_1023 = arith.constant 6 : i32
          %add3A_1024 = arith.addi %add3A_988, %add3A_1023 : i32
          %get3A_1025 = arith.index_cast %add3A_1024 : i32 to index
          %get3A_1026 = arith.constant 0 : index
          %get3A_1027 = tpu.vector_load %arg11[%get3A_1025, %get3A_1026] {strides = array<i32>} : memref<2048x16xf32, #tpu.memory_space<vmem>>, vector<16xf32>,
          %add3A_1028 = arith.addf %add3A_1004, %get3A_1027 : vector<16xf32>
          %add3A_1029 = arith.constant 7 : i32
          %add3A_1030 = arith.addi %add3A_988, %add3A_1029 : i32
          %get3A_1031 = arith.index_cast %add3A_1030 : i32 to index
          %get3A_1032 = arith.constant 0 : index
          %get3A_1033 = tpu.vector_load %arg11[%get3A_1031, %get3A_1032] {strides = array<i32>} : memref<2048x16xf32, #tpu.memory_space<vmem>>, vector<16xf32>,
          %add3A_1034 = arith.addf %add3A_1010, %get3A_1033 : vector<16xf32>
          scf.yield %add3A_1016, %add3A_1022, %add3A_1028, %add3A_1034 : vector<16xf32>, vector<16xf32>, vector<16xf32>, vector<16xf32>
        }
        %while3A_951 = arith.constant 1 : i32
        %while3A_952:4 = scf.for %while3A_981 = %while3A_948 to %while3A_944 step %while3A_951 iter_args(%while3A_982 = %while3A_950#0, %while3A_983 = %while3A_950#1, %while3A_984 = %while3A_950#2, %while3A_985 = %while3A_950#3) -> (vector<16xf32>, vector<16xf32>, vector<16xf32>, vector<16xf32>)  : i32 {
          %mul3A_986 = arith.constant 8 : i32
          %mul3A_987 = arith.muli %while3A_981, %mul3A_986 : i32
          %add3A_988 = arith.addi %sub3A_913, %mul3A_987 : i32
          %get3A_989 = arith.index_cast %add3A_988 : i32 to index
          %get3A_990 = arith.constant 0 : index
          %get3A_991 = tpu.vector_load %arg11[%get3A_989, %get3A_990] {strides = array<i32>} : memref<2048x16xf32, #tpu.memory_space<vmem>>, vector<16xf32>,
          %add3A_992 = arith.addf %while3A_982, %get3A_991 : vector<16xf32>
          %add3A_993 = arith.constant 1 : i32
          %add3A_994 = arith.addi %add3A_988, %add3A_993 : i32
          %get3A_995 = arith.index_cast %add3A_994 : i32 to index
          %get3A_996 = arith.constant 0 : index
          %get3A_997 = tpu.vector_load %arg11[%get3A_995, %get3A_996] {strides = array<i32>} : memref<2048x16xf32, #tpu.memory_space<vmem>>, vector<16xf32>,
          %add3A_998 = arith.addf %while3A_983, %get3A_997 : vector<16xf32>
          %add3A_999 = arith.constant 2 : i32
          %add3A_1000 = arith.addi %add3A_988, %add3A_999 : i32
          %get3A_1001 = arith.index_cast %add3A_1000 : i32 to index
          %get3A_1002 = arith.constant 0 : index
          %get3A_1003 = tpu.vector_load %arg11[%get3A_1001, %get3A_1002] {strides = array<i32>} : memref<2048x16xf32, #tpu.memory_space<vmem>>, vector<16xf32>,
          %add3A_1004 = arith.addf %while3A_984, %get3A_1003 : vector<16xf32>
          %add3A_1005 = arith.constant 3 : i32
          %add3A_1006 = arith.addi %add3A_988, %add3A_1005 : i32
          %get3A_1007 = arith.index_cast %add3A_1006 : i32 to index
          %get3A_1008 = arith.constant 0 : index
          %get3A_1009 = tpu.vector_load %arg11[%get3A_1007, %get3A_1008] {strides = array<i32>} : memref<2048x16xf32, #tpu.memory_space<vmem>>, vector<16xf32>,
          %add3A_1010 = arith.addf %while3A_985, %get3A_1009 : vector<16xf32>
          %add3A_1011 = arith.constant 4 : i32
          %add3A_1012 = arith.addi %add3A_988, %add3A_1011 : i32
          %get3A_1013 = arith.index_cast %add3A_1012 : i32 to index
          %get3A_1014 = arith.constant 0 : index
          %get3A_1015 = tpu.vector_load %arg11[%get3A_1013, %get3A_1014] {strides = array<i32>} : memref<2048x16xf32, #tpu.memory_space<vmem>>, vector<16xf32>,
          %add3A_1016 = arith.addf %add3A_992, %get3A_1015 : vector<16xf32>
          %add3A_1017 = arith.constant 5 : i32
          %add3A_1018 = arith.addi %add3A_988, %add3A_1017 : i32
          %get3A_1019 = arith.index_cast %add3A_1018 : i32 to index
          %get3A_1020 = arith.constant 0 : index
          %get3A_1021 = tpu.vector_load %arg11[%get3A_1019, %get3A_1020] {strides = array<i32>} : memref<2048x16xf32, #tpu.memory_space<vmem>>, vector<16xf32>,
          %add3A_1022 = arith.addf %add3A_998, %get3A_1021 : vector<16xf32>
          %add3A_1023 = arith.constant 6 : i32
          %add3A_1024 = arith.addi %add3A_988, %add3A_1023 : i32
          %get3A_1025 = arith.index_cast %add3A_1024 : i32 to index
          %get3A_1026 = arith.constant 0 : index
          %get3A_1027 = tpu.vector_load %arg11[%get3A_1025, %get3A_1026] {strides = array<i32>} : memref<2048x16xf32, #tpu.memory_space<vmem>>, vector<16xf32>,
          %add3A_1028 = arith.addf %add3A_1004, %get3A_1027 : vector<16xf32>
          %add3A_1029 = arith.constant 7 : i32
          %add3A_1030 = arith.addi %add3A_988, %add3A_1029 : i32
          %get3A_1031 = arith.index_cast %add3A_1030 : i32 to index
          %get3A_1032 = arith.constant 0 : index
          %get3A_1033 = tpu.vector_load %arg11[%get3A_1031, %get3A_1032] {strides = array<i32>} : memref<2048x16xf32, #tpu.memory_space<vmem>>, vector<16xf32>,
          %add3A_1034 = arith.addf %add3A_1010, %get3A_1033 : vector<16xf32>
          scf.yield %add3A_1016, %add3A_1022, %add3A_1028, %add3A_1034 : vector<16xf32>, vector<16xf32>, vector<16xf32>, vector<16xf32>
        }
        %add3A_953 = arith.addf %while3A_952#0, %while3A_952#1 : vector<16xf32>
        %add3A_954 = arith.addf %while3A_952#2, %while3A_952#3 : vector<16xf32>
        %add3A_955 = arith.addf %add3A_953, %add3A_954 : vector<16xf32>
        %and3A_956 = arith.constant -8 : i32
        %and3A_957 = arith.andi %max3A_917, %and3A_956 : i32
        %add3A_958 = arith.addi %sub3A_913, %and3A_957 : i32
        %while3A_959 = arith.subi %sub3A_914, %add3A_958 : i32
        %while3A_960 = arith.addi %add3A_958, %while3A_959 : i32
        %while3A_961 = arith.constant 1 : i32
        %while3A_962 = arith.divsi %while3A_959, %while3A_961 : i32
        %while3A_963 = arith.muli %while3A_962, %while3A_961 : i32
        %while3A_964 = arith.addi %add3A_958, %while3A_963 : i32
        %while3A_965 = arith.constant 1 : i32
        %while3A_966 = scf.for %while3A_981 = %add3A_958 to %while3A_964 step %while3A_965 iter_args(%while3A_982 = %add3A_955) -> (vector<16xf32>)  : i32 {
          %get3A_983 = arith.index_cast %while3A_981 : i32 to index
          %get3A_984 = arith.constant 0 : index
          %get3A_985 = tpu.vector_load %arg11[%get3A_983, %get3A_984] {strides = array<i32>} : memref<2048x16xf32, #tpu.memory_space<vmem>>, vector<16xf32>,
          %add3A_986 = arith.addf %while3A_982, %get3A_985 : vector<16xf32>
          scf.yield %add3A_986 : vector<16xf32>
        }
        %while3A_967 = arith.constant 1 : i32
        %while3A_968 = scf.for %while3A_981 = %while3A_964 to %while3A_960 step %while3A_967 iter_args(%while3A_982 = %while3A_966) -> (vector<16xf32>)  : i32 {
          %get3A_983 = arith.index_cast %while3A_981 : i32 to index
          %get3A_984 = arith.constant 0 : index
          %get3A_985 = tpu.vector_load %arg11[%get3A_983, %get3A_984] {strides = array<i32>} : memref<2048x16xf32, #tpu.memory_space<vmem>>, vector<16xf32>,
          %add3A_986 = arith.addf %while3A_982, %get3A_985 : vector<16xf32>
          scf.yield %add3A_986 : vector<16xf32>
        }
        %sub3A_969 = arith.subi %squeeze3A_912, %squeeze3A_910 : i32
        %convert_element_type3A = arith.sitofp %sub3A_969 : i32 to f32
        %broadcast_in_dim3A_970 = arith.constant 1.000000e+00 : f32
        %broadcast_in_dim3A_971 = vector.broadcast %broadcast_in_dim3A_970 : f32 to vector<16xf32>
        %mul3A_972 = vector.broadcast %convert_element_type3A : f32 to vector<16xf32>
        %mul3A_973 = arith.mulf %broadcast_in_dim3A_971, %mul3A_972 : vector<16xf32>
        %max3A_974 = arith.constant 1.000000e+00 : f32
        %max3A_975 = vector.broadcast %max3A_974 : f32 to vector<16xf32>
        %max3A_976 = arith.maximumf %mul3A_973, %max3A_975 : vector<16xf32>
        %div3A_977 = arith.divf %while3A_968, %max3A_976 : vector<16xf32>
        %add3A_978 = arith.addf %div3A_977, %get3A_3 : vector<16xf32>
        %swap3A = arith.index_cast %while3A_904 : i32 to index
        %swap3A_979 = arith.constant 0 : index
        %swap3A_980 = tpu.vector_load %arg12[%swap3A, %swap3A_979] {strides = array<i32>} : memref<128x16xf32, #tpu.memory_space<vmem>>, vector<16xf32>,
        tpu.vector_store %arg12[%swap3A, %swap3A_979], %add3A_978 {strides = array<i32>} : memref<128x16xf32, #tpu.memory_space<vmem>>, vector<16xf32>,
        scf.yield %squeeze3A_912, %broadcast_in_dim3A_4 : i32, vector<16xf32>
      }
      %max3A_847 = arith.maxsi %while3A_846#0, %multiple_of3A_721 : i32
      %sub3A_848 = arith.subi %max3A_847, %multiple_of3A_721 : i32
      %sub3A_849 = arith.subi %min3A_724, %multiple_of3A_721 : i32
      %sub3A_850 = arith.subi %sub3A_849, %sub3A_848 : i32
      %max3A_851 = arith.constant 0 : i32
      %max3A_852 = arith.maxsi %sub3A_850, %max3A_851 : i32
      %jit3A_853 = arith.constant 8 : i32
      %div3A_854 = arith.divsi %max3A_852, %jit3A_853 : i32
      %sign3A_855 = arith.constant 0 : i32
      %sign3A_856 = arith.cmpi sgt, %max3A_852, %sign3A_855 : i32
      %sign3A_857 = arith.extui %sign3A_856 : i1 to i32
      %sign3A_858 = arith.constant 0 : i32
      %sign3A_859 = arith.cmpi slt, %max3A_852, %sign3A_858 : i32
      %sign3A_860 = arith.extui %sign3A_859 : i1 to i32
      %sign3A_861 = arith.subi %sign3A_857, %sign3A_860 : i32
      %sign3A_862 = arith.constant 0 : i32
      %sign3A_863 = arith.cmpi sgt, %jit3A_853, %sign3A_862 : i32
      %sign3A_864 = arith.extui %sign3A_863 : i1 to i32
      %sign3A_865 = arith.constant 0 : i32
      %sign3A_866 = arith.cmpi slt, %jit3A_853, %sign3A_865 : i32
      %sign3A_867 = arith.extui %sign3A_866 : i1 to i32
      %sign3A_868 = arith.subi %sign3A_864, %sign3A_867 : i32
      %ne3A_869 = arith.cmpi ne, %sign3A_861, %sign3A_868 : i32
      %rem3A_870 = arith.remsi %max3A_852, %jit3A_853 : i32
      %ne3A_871 = arith.constant 0 : i32
      %ne3A_872 = arith.cmpi ne, %rem3A_870, %ne3A_871 : i32
      %and3A_873 = arith.andi %ne3A_869, %ne3A_872 : i1
      %sub3A_874 = arith.constant 1 : i32
      %sub3A_875 = arith.subi %div3A_854, %sub3A_874 : i32
      %select_n3A_876 = arith.select %and3A_873, %sub3A_875, %div3A_854 : i32
      %while3A_877 = arith.constant 0 : i32
      %while3A_878 = arith.subi %select_n3A_876, %while3A_877 : i32
      %while3A_879 = arith.addi %while3A_877, %while3A_878 : i32
      %while3A_880 = arith.constant 1 : i32
      %while3A_881 = arith.divsi %while3A_878, %while3A_880 : i32
      %while3A_882 = arith.muli %while3A_881, %while3A_880 : i32
      %while3A_883 = arith.addi %while3A_877, %while3A_882 : i32
      %while3A_884 = arith.constant 1 : i32
      %while3A_885:4 = scf.for %while3A_904 = %while3A_877 to %while3A_883 step %while3A_884 iter_args(%while3A_905 = %while3A_846#1, %while3A_906 = %broadcast_in_dim3A_4, %while3A_907 = %broadcast_in_dim3A_4, %while3A_908 = %broadcast_in_dim3A_4) -> (vector<16xf32>, vector<16xf32>, vector<16xf32>, vector<16xf32>)  : i32 {
        %mul3A_909 = arith.constant 8 : i32
        %mul3A_910 = arith.muli %while3A_904, %mul3A_909 : i32
        %add3A_911 = arith.addi %sub3A_848, %mul3A_910 : i32
        %get3A_912 = arith.index_cast %add3A_911 : i32 to index
        %get3A_913 = arith.constant 0 : index
        %get3A_914 = tpu.vector_load %arg11[%get3A_912, %get3A_913] {strides = array<i32>} : memref<2048x16xf32, #tpu.memory_space<vmem>>, vector<16xf32>,
        %add3A_915 = arith.addf %while3A_905, %get3A_914 : vector<16xf32>
        %add3A_916 = arith.constant 1 : i32
        %add3A_917 = arith.addi %add3A_911, %add3A_916 : i32
        %get3A_918 = arith.index_cast %add3A_917 : i32 to index
        %get3A_919 = arith.constant 0 : index
        %get3A_920 = tpu.vector_load %arg11[%get3A_918, %get3A_919] {strides = array<i32>} : memref<2048x16xf32, #tpu.memory_space<vmem>>, vector<16xf32>,
        %add3A_921 = arith.addf %while3A_906, %get3A_920 : vector<16xf32>
        %add3A_922 = arith.constant 2 : i32
        %add3A_923 = arith.addi %add3A_911, %add3A_922 : i32
        %get3A_924 = arith.index_cast %add3A_923 : i32 to index
        %get3A_925 = arith.constant 0 : index
        %get3A_926 = tpu.vector_load %arg11[%get3A_924, %get3A_925] {strides = array<i32>} : memref<2048x16xf32, #tpu.memory_space<vmem>>, vector<16xf32>,
        %add3A_927 = arith.addf %while3A_907, %get3A_926 : vector<16xf32>
        %add3A_928 = arith.constant 3 : i32
        %add3A_929 = arith.addi %add3A_911, %add3A_928 : i32
        %get3A_930 = arith.index_cast %add3A_929 : i32 to index
        %get3A_931 = arith.constant 0 : index
        %get3A_932 = tpu.vector_load %arg11[%get3A_930, %get3A_931] {strides = array<i32>} : memref<2048x16xf32, #tpu.memory_space<vmem>>, vector<16xf32>,
        %add3A_933 = arith.addf %while3A_908, %get3A_932 : vector<16xf32>
        %add3A_934 = arith.constant 4 : i32
        %add3A_935 = arith.addi %add3A_911, %add3A_934 : i32
        %get3A_936 = arith.index_cast %add3A_935 : i32 to index
        %get3A_937 = arith.constant 0 : index
        %get3A_938 = tpu.vector_load %arg11[%get3A_936, %get3A_937] {strides = array<i32>} : memref<2048x16xf32, #tpu.memory_space<vmem>>, vector<16xf32>,
        %add3A_939 = arith.addf %add3A_915, %get3A_938 : vector<16xf32>
        %add3A_940 = arith.constant 5 : i32
        %add3A_941 = arith.addi %add3A_911, %add3A_940 : i32
        %get3A_942 = arith.index_cast %add3A_941 : i32 to index
        %get3A_943 = arith.constant 0 : index
        %get3A_944 = tpu.vector_load %arg11[%get3A_942, %get3A_943] {strides = array<i32>} : memref<2048x16xf32, #tpu.memory_space<vmem>>, vector<16xf32>,
        %add3A_945 = arith.addf %add3A_921, %get3A_944 : vector<16xf32>
        %add3A_946 = arith.constant 6 : i32
        %add3A_947 = arith.addi %add3A_911, %add3A_946 : i32
        %get3A_948 = arith.index_cast %add3A_947 : i32 to index
        %get3A_949 = arith.constant 0 : index
        %get3A_950 = tpu.vector_load %arg11[%get3A_948, %get3A_949] {strides = array<i32>} : memref<2048x16xf32, #tpu.memory_space<vmem>>, vector<16xf32>,
        %add3A_951 = arith.addf %add3A_927, %get3A_950 : vector<16xf32>
        %add3A_952 = arith.constant 7 : i32
        %add3A_953 = arith.addi %add3A_911, %add3A_952 : i32
        %get3A_954 = arith.index_cast %add3A_953 : i32 to index
        %get3A_955 = arith.constant 0 : index
        %get3A_956 = tpu.vector_load %arg11[%get3A_954, %get3A_955] {strides = array<i32>} : memref<2048x16xf32, #tpu.memory_space<vmem>>, vector<16xf32>,
        %add3A_957 = arith.addf %add3A_933, %get3A_956 : vector<16xf32>
        scf.yield %add3A_939, %add3A_945, %add3A_951, %add3A_957 : vector<16xf32>, vector<16xf32>, vector<16xf32>, vector<16xf32>
      }
      %while3A_886 = arith.constant 1 : i32
      %while3A_887:4 = scf.for %while3A_904 = %while3A_883 to %while3A_879 step %while3A_886 iter_args(%while3A_905 = %while3A_885#0, %while3A_906 = %while3A_885#1, %while3A_907 = %while3A_885#2, %while3A_908 = %while3A_885#3) -> (vector<16xf32>, vector<16xf32>, vector<16xf32>, vector<16xf32>)  : i32 {
        %mul3A_909 = arith.constant 8 : i32
        %mul3A_910 = arith.muli %while3A_904, %mul3A_909 : i32
        %add3A_911 = arith.addi %sub3A_848, %mul3A_910 : i32
        %get3A_912 = arith.index_cast %add3A_911 : i32 to index
        %get3A_913 = arith.constant 0 : index
        %get3A_914 = tpu.vector_load %arg11[%get3A_912, %get3A_913] {strides = array<i32>} : memref<2048x16xf32, #tpu.memory_space<vmem>>, vector<16xf32>,
        %add3A_915 = arith.addf %while3A_905, %get3A_914 : vector<16xf32>
        %add3A_916 = arith.constant 1 : i32
        %add3A_917 = arith.addi %add3A_911, %add3A_916 : i32
        %get3A_918 = arith.index_cast %add3A_917 : i32 to index
        %get3A_919 = arith.constant 0 : index
        %get3A_920 = tpu.vector_load %arg11[%get3A_918, %get3A_919] {strides = array<i32>} : memref<2048x16xf32, #tpu.memory_space<vmem>>, vector<16xf32>,
        %add3A_921 = arith.addf %while3A_906, %get3A_920 : vector<16xf32>
        %add3A_922 = arith.constant 2 : i32
        %add3A_923 = arith.addi %add3A_911, %add3A_922 : i32
        %get3A_924 = arith.index_cast %add3A_923 : i32 to index
        %get3A_925 = arith.constant 0 : index
        %get3A_926 = tpu.vector_load %arg11[%get3A_924, %get3A_925] {strides = array<i32>} : memref<2048x16xf32, #tpu.memory_space<vmem>>, vector<16xf32>,
        %add3A_927 = arith.addf %while3A_907, %get3A_926 : vector<16xf32>
        %add3A_928 = arith.constant 3 : i32
        %add3A_929 = arith.addi %add3A_911, %add3A_928 : i32
        %get3A_930 = arith.index_cast %add3A_929 : i32 to index
        %get3A_931 = arith.constant 0 : index
        %get3A_932 = tpu.vector_load %arg11[%get3A_930, %get3A_931] {strides = array<i32>} : memref<2048x16xf32, #tpu.memory_space<vmem>>, vector<16xf32>,
        %add3A_933 = arith.addf %while3A_908, %get3A_932 : vector<16xf32>
        %add3A_934 = arith.constant 4 : i32
        %add3A_935 = arith.addi %add3A_911, %add3A_934 : i32
        %get3A_936 = arith.index_cast %add3A_935 : i32 to index
        %get3A_937 = arith.constant 0 : index
        %get3A_938 = tpu.vector_load %arg11[%get3A_936, %get3A_937] {strides = array<i32>} : memref<2048x16xf32, #tpu.memory_space<vmem>>, vector<16xf32>,
        %add3A_939 = arith.addf %add3A_915, %get3A_938 : vector<16xf32>
        %add3A_940 = arith.constant 5 : i32
        %add3A_941 = arith.addi %add3A_911, %add3A_940 : i32
        %get3A_942 = arith.index_cast %add3A_941 : i32 to index
        %get3A_943 = arith.constant 0 : index
        %get3A_944 = tpu.vector_load %arg11[%get3A_942, %get3A_943] {strides = array<i32>} : memref<2048x16xf32, #tpu.memory_space<vmem>>, vector<16xf32>,
        %add3A_945 = arith.addf %add3A_921, %get3A_944 : vector<16xf32>
        %add3A_946 = arith.constant 6 : i32
        %add3A_947 = arith.addi %add3A_911, %add3A_946 : i32
        %get3A_948 = arith.index_cast %add3A_947 : i32 to index
        %get3A_949 = arith.constant 0 : index
        %get3A_950 = tpu.vector_load %arg11[%get3A_948, %get3A_949] {strides = array<i32>} : memref<2048x16xf32, #tpu.memory_space<vmem>>, vector<16xf32>,
        %add3A_951 = arith.addf %add3A_927, %get3A_950 : vector<16xf32>
        %add3A_952 = arith.constant 7 : i32
        %add3A_953 = arith.addi %add3A_911, %add3A_952 : i32
        %get3A_954 = arith.index_cast %add3A_953 : i32 to index
        %get3A_955 = arith.constant 0 : index
        %get3A_956 = tpu.vector_load %arg11[%get3A_954, %get3A_955] {strides = array<i32>} : memref<2048x16xf32, #tpu.memory_space<vmem>>, vector<16xf32>,
        %add3A_957 = arith.addf %add3A_933, %get3A_956 : vector<16xf32>
        scf.yield %add3A_939, %add3A_945, %add3A_951, %add3A_957 : vector<16xf32>, vector<16xf32>, vector<16xf32>, vector<16xf32>
      }
      %add3A_888 = arith.addf %while3A_887#0, %while3A_887#1 : vector<16xf32>
      %add3A_889 = arith.addf %while3A_887#2, %while3A_887#3 : vector<16xf32>
      %add3A_890 = arith.addf %add3A_888, %add3A_889 : vector<16xf32>
      %and3A_891 = arith.constant -8 : i32
      %and3A_892 = arith.andi %max3A_852, %and3A_891 : i32
      %add3A_893 = arith.addi %sub3A_848, %and3A_892 : i32
      %while3A_894 = arith.subi %sub3A_849, %add3A_893 : i32
      %while3A_895 = arith.addi %add3A_893, %while3A_894 : i32
      %while3A_896 = arith.constant 1 : i32
      %while3A_897 = arith.divsi %while3A_894, %while3A_896 : i32
      %while3A_898 = arith.muli %while3A_897, %while3A_896 : i32
      %while3A_899 = arith.addi %add3A_893, %while3A_898 : i32
      %while3A_900 = arith.constant 1 : i32
      %while3A_901 = scf.for %while3A_904 = %add3A_893 to %while3A_899 step %while3A_900 iter_args(%while3A_905 = %add3A_890) -> (vector<16xf32>)  : i32 {
        %get3A_906 = arith.index_cast %while3A_904 : i32 to index
        %get3A_907 = arith.constant 0 : index
        %get3A_908 = tpu.vector_load %arg11[%get3A_906, %get3A_907] {strides = array<i32>} : memref<2048x16xf32, #tpu.memory_space<vmem>>, vector<16xf32>,
        %add3A_909 = arith.addf %while3A_905, %get3A_908 : vector<16xf32>
        scf.yield %add3A_909 : vector<16xf32>
      }
      %while3A_902 = arith.constant 1 : i32
      %while3A_903 = scf.for %while3A_904 = %while3A_899 to %while3A_895 step %while3A_902 iter_args(%while3A_905 = %while3A_901) -> (vector<16xf32>)  : i32 {
        %get3A_906 = arith.index_cast %while3A_904 : i32 to index
        %get3A_907 = arith.constant 0 : index
        %get3A_908 = tpu.vector_load %arg11[%get3A_906, %get3A_907] {strides = array<i32>} : memref<2048x16xf32, #tpu.memory_space<vmem>>, vector<16xf32>,
        %add3A_909 = arith.addf %while3A_905, %get3A_908 : vector<16xf32>
        scf.yield %add3A_909 : vector<16xf32>
      }
      scf.yield %min3A_724, %sub3A_835, %while3A_903 : i32, i32, vector<16xf32>
    }
    %while3A_223 = arith.constant 1 : i32
    %while3A_224:3 = scf.for %while3A_240 = %while3A_220 to %while3A_216 step %while3A_223 iter_args(%while3A_241 = %while3A_222#0, %while3A_242 = %while3A_222#1, %while3A_243 = %while3A_222#2) -> (i32, i32, vector<16xf32>)  : i32 {
      %mul3A_244 = arith.constant 2 : i32
      %mul3A_245 = arith.muli %mul3A_244, %while3A_240 : i32
      %add3A_246 = arith.constant 1 : i32
      %add3A_247 = arith.addi %mul3A_245, %add3A_246 : i32
      %mul3A_248 = arith.constant 2048 : i32
      %mul3A_249 = arith.muli %add3A_247, %mul3A_248 : i32
      %add3A_250 = arith.addi %and3A_11, %mul3A_249 : i32
      %min3A_251 = arith.constant 817152 : i32
      %min3A_252 = arith.minsi %add3A_250, %min3A_251 : i32
      %multiple_of3A_253 = tpu.assume_multiple %min3A_252, 8 : i32
      "tpu.region"() ({
        %run_scoped3A = tpu.sem_alloc : memref<!tpu.dma_semaphore, #tpu.memory_space<semaphore_mem>>
        %dma_start3A_904 = tpu.memref_slice %arg2[%multiple_of3A_253] : memref<819200xi32, #tpu.memory_space<hbm>> -> memref<2048xi32, #tpu.memory_space<hbm>>
        %dma_start3A_905 = tpu.memref_slice %arg2[%multiple_of3A_253] : memref<819200xi32, #tpu.memory_space<hbm>> -> memref<2048xi32, #tpu.memory_space<hbm>>
        tpu.enqueue_dma source(%dma_start3A_905 : memref<2048xi32, #tpu.memory_space<hbm>>) target(%arg9 : memref<2048xi32, #tpu.memory_space<vmem>>) target_semaphore(%run_scoped3A : memref<!tpu.dma_semaphore, #tpu.memory_space<semaphore_mem>>)
        %dma_wait3A_906 = tpu.memref_slice %arg2[%multiple_of3A_253] : memref<819200xi32, #tpu.memory_space<hbm>> -> memref<2048xi32, #tpu.memory_space<hbm>>
        %dma_wait3A_907 = tpu.memref_slice %arg2[%multiple_of3A_253] : memref<819200xi32, #tpu.memory_space<hbm>> -> memref<2048xi32, #tpu.memory_space<hbm>>
        tpu.wait_dma2 semaphore(%run_scoped3A : memref<!tpu.dma_semaphore, #tpu.memory_space<semaphore_mem>>) src(%dma_wait3A_907 : memref<2048xi32, #tpu.memory_space<hbm>>) dst(%arg9 : memref<2048xi32, #tpu.memory_space<vmem>>)
        tpu.yield
      }) : () -> ()
      %dma_start3A_254 = arith.constant 0 : i32
      %dma_start3A_255 = arith.constant 0 : i32
      %dma_start3A_256 = tpu.memref_slice %arg11[%dma_start3A_254, %dma_start3A_255] : memref<2048x16xf32, #tpu.memory_space<vmem>> -> memref<128x16xf32, #tpu.memory_space<vmem>>
      %dma_start3A_257 = arith.constant 0 : i32
      %dma_start3A_258 = tpu.memref_slice %arg9[%dma_start3A_257] : memref<2048xi32, #tpu.memory_space<vmem>> -> memref<128xi32, #tpu.memory_space<vmem>>
      %dma_start3A_259 = arith.constant 0 : i32
      %dma_start3A_260 = arith.constant 0 : i32
      %dma_start3A_261 = tpu.memref_slice %arg4[%dma_start3A_259, %dma_start3A_260] : memref<100000x16xf32, #tpu.memory_space<hbm>> -> memref<100000x16xf32, #tpu.memory_space<hbm>>
      tpu.enqueue_indirect_dma source(%dma_start3A_261 : memref<100000x16xf32, #tpu.memory_space<hbm>>) target(%dma_start3A_256 : memref<128x16xf32, #tpu.memory_space<vmem>>) offsets(%dma_start3A_258 : memref<128xi32, #tpu.memory_space<vmem>>) semaphore(%arg15 : memref<!tpu.dma_semaphore, #tpu.memory_space<semaphore_mem>>)
      %dma_start3A_262 = arith.constant 128 : i32
      %dma_start3A_263 = arith.constant 0 : i32
      %dma_start3A_264 = tpu.memref_slice %arg11[%dma_start3A_262, %dma_start3A_263] : memref<2048x16xf32, #tpu.memory_space<vmem>> -> memref<128x16xf32, #tpu.memory_space<vmem>>
      %dma_start3A_265 = arith.constant 128 : i32
      %dma_start3A_266 = tpu.memref_slice %arg9[%dma_start3A_265] : memref<2048xi32, #tpu.memory_space<vmem>> -> memref<128xi32, #tpu.memory_space<vmem>>
      %dma_start3A_267 = arith.constant 0 : i32
      %dma_start3A_268 = arith.constant 0 : i32
      %dma_start3A_269 = tpu.memref_slice %arg4[%dma_start3A_267, %dma_start3A_268] : memref<100000x16xf32, #tpu.memory_space<hbm>> -> memref<100000x16xf32, #tpu.memory_space<hbm>>
      tpu.enqueue_indirect_dma source(%dma_start3A_269 : memref<100000x16xf32, #tpu.memory_space<hbm>>) target(%dma_start3A_264 : memref<128x16xf32, #tpu.memory_space<vmem>>) offsets(%dma_start3A_266 : memref<128xi32, #tpu.memory_space<vmem>>) semaphore(%arg15 : memref<!tpu.dma_semaphore, #tpu.memory_space<semaphore_mem>>)
      %dma_start3A_270 = arith.constant 256 : i32
      %dma_start3A_271 = arith.constant 0 : i32
      %dma_start3A_272 = tpu.memref_slice %arg11[%dma_start3A_270, %dma_start3A_271] : memref<2048x16xf32, #tpu.memory_space<vmem>> -> memref<128x16xf32, #tpu.memory_space<vmem>>
      %dma_start3A_273 = arith.constant 256 : i32
      %dma_start3A_274 = tpu.memref_slice %arg9[%dma_start3A_273] : memref<2048xi32, #tpu.memory_space<vmem>> -> memref<128xi32, #tpu.memory_space<vmem>>
      %dma_start3A_275 = arith.constant 0 : i32
      %dma_start3A_276 = arith.constant 0 : i32
      %dma_start3A_277 = tpu.memref_slice %arg4[%dma_start3A_275, %dma_start3A_276] : memref<100000x16xf32, #tpu.memory_space<hbm>> -> memref<100000x16xf32, #tpu.memory_space<hbm>>
      tpu.enqueue_indirect_dma source(%dma_start3A_277 : memref<100000x16xf32, #tpu.memory_space<hbm>>) target(%dma_start3A_272 : memref<128x16xf32, #tpu.memory_space<vmem>>) offsets(%dma_start3A_274 : memref<128xi32, #tpu.memory_space<vmem>>) semaphore(%arg15 : memref<!tpu.dma_semaphore, #tpu.memory_space<semaphore_mem>>)
      %dma_start3A_278 = arith.constant 384 : i32
      %dma_start3A_279 = arith.constant 0 : i32
      %dma_start3A_280 = tpu.memref_slice %arg11[%dma_start3A_278, %dma_start3A_279] : memref<2048x16xf32, #tpu.memory_space<vmem>> -> memref<128x16xf32, #tpu.memory_space<vmem>>
      %dma_start3A_281 = arith.constant 384 : i32
      %dma_start3A_282 = tpu.memref_slice %arg9[%dma_start3A_281] : memref<2048xi32, #tpu.memory_space<vmem>> -> memref<128xi32, #tpu.memory_space<vmem>>
      %dma_start3A_283 = arith.constant 0 : i32
      %dma_start3A_284 = arith.constant 0 : i32
      %dma_start3A_285 = tpu.memref_slice %arg4[%dma_start3A_283, %dma_start3A_284] : memref<100000x16xf32, #tpu.memory_space<hbm>> -> memref<100000x16xf32, #tpu.memory_space<hbm>>
      tpu.enqueue_indirect_dma source(%dma_start3A_285 : memref<100000x16xf32, #tpu.memory_space<hbm>>) target(%dma_start3A_280 : memref<128x16xf32, #tpu.memory_space<vmem>>) offsets(%dma_start3A_282 : memref<128xi32, #tpu.memory_space<vmem>>) semaphore(%arg15 : memref<!tpu.dma_semaphore, #tpu.memory_space<semaphore_mem>>)
      %dma_start3A_286 = arith.constant 512 : i32
      %dma_start3A_287 = arith.constant 0 : i32
      %dma_start3A_288 = tpu.memref_slice %arg11[%dma_start3A_286, %dma_start3A_287] : memref<2048x16xf32, #tpu.memory_space<vmem>> -> memref<128x16xf32, #tpu.memory_space<vmem>>
      %dma_start3A_289 = arith.constant 512 : i32
      %dma_start3A_290 = tpu.memref_slice %arg9[%dma_start3A_289] : memref<2048xi32, #tpu.memory_space<vmem>> -> memref<128xi32, #tpu.memory_space<vmem>>
      %dma_start3A_291 = arith.constant 0 : i32
      %dma_start3A_292 = arith.constant 0 : i32
      %dma_start3A_293 = tpu.memref_slice %arg4[%dma_start3A_291, %dma_start3A_292] : memref<100000x16xf32, #tpu.memory_space<hbm>> -> memref<100000x16xf32, #tpu.memory_space<hbm>>
      tpu.enqueue_indirect_dma source(%dma_start3A_293 : memref<100000x16xf32, #tpu.memory_space<hbm>>) target(%dma_start3A_288 : memref<128x16xf32, #tpu.memory_space<vmem>>) offsets(%dma_start3A_290 : memref<128xi32, #tpu.memory_space<vmem>>) semaphore(%arg15 : memref<!tpu.dma_semaphore, #tpu.memory_space<semaphore_mem>>)
      %dma_start3A_294 = arith.constant 640 : i32
      %dma_start3A_295 = arith.constant 0 : i32
      %dma_start3A_296 = tpu.memref_slice %arg11[%dma_start3A_294, %dma_start3A_295] : memref<2048x16xf32, #tpu.memory_space<vmem>> -> memref<128x16xf32, #tpu.memory_space<vmem>>
      %dma_start3A_297 = arith.constant 640 : i32
      %dma_start3A_298 = tpu.memref_slice %arg9[%dma_start3A_297] : memref<2048xi32, #tpu.memory_space<vmem>> -> memref<128xi32, #tpu.memory_space<vmem>>
      %dma_start3A_299 = arith.constant 0 : i32
      %dma_start3A_300 = arith.constant 0 : i32
      %dma_start3A_301 = tpu.memref_slice %arg4[%dma_start3A_299, %dma_start3A_300] : memref<100000x16xf32, #tpu.memory_space<hbm>> -> memref<100000x16xf32, #tpu.memory_space<hbm>>
      tpu.enqueue_indirect_dma source(%dma_start3A_301 : memref<100000x16xf32, #tpu.memory_space<hbm>>) target(%dma_start3A_296 : memref<128x16xf32, #tpu.memory_space<vmem>>) offsets(%dma_start3A_298 : memref<128xi32, #tpu.memory_space<vmem>>) semaphore(%arg15 : memref<!tpu.dma_semaphore, #tpu.memory_space<semaphore_mem>>)
      %dma_start3A_302 = arith.constant 768 : i32
      %dma_start3A_303 = arith.constant 0 : i32
      %dma_start3A_304 = tpu.memref_slice %arg11[%dma_start3A_302, %dma_start3A_303] : memref<2048x16xf32, #tpu.memory_space<vmem>> -> memref<128x16xf32, #tpu.memory_space<vmem>>
      %dma_start3A_305 = arith.constant 768 : i32
      %dma_start3A_306 = tpu.memref_slice %arg9[%dma_start3A_305] : memref<2048xi32, #tpu.memory_space<vmem>> -> memref<128xi32, #tpu.memory_space<vmem>>
      %dma_start3A_307 = arith.constant 0 : i32
      %dma_start3A_308 = arith.constant 0 : i32
      %dma_start3A_309 = tpu.memref_slice %arg4[%dma_start3A_307, %dma_start3A_308] : memref<100000x16xf32, #tpu.memory_space<hbm>> -> memref<100000x16xf32, #tpu.memory_space<hbm>>
      tpu.enqueue_indirect_dma source(%dma_start3A_309 : memref<100000x16xf32, #tpu.memory_space<hbm>>) target(%dma_start3A_304 : memref<128x16xf32, #tpu.memory_space<vmem>>) offsets(%dma_start3A_306 : memref<128xi32, #tpu.memory_space<vmem>>) semaphore(%arg15 : memref<!tpu.dma_semaphore, #tpu.memory_space<semaphore_mem>>)
      %dma_start3A_310 = arith.constant 896 : i32
      %dma_start3A_311 = arith.constant 0 : i32
      %dma_start3A_312 = tpu.memref_slice %arg11[%dma_start3A_310, %dma_start3A_311] : memref<2048x16xf32, #tpu.memory_space<vmem>> -> memref<128x16xf32, #tpu.memory_space<vmem>>
      %dma_start3A_313 = arith.constant 896 : i32
      %dma_start3A_314 = tpu.memref_slice %arg9[%dma_start3A_313] : memref<2048xi32, #tpu.memory_space<vmem>> -> memref<128xi32, #tpu.memory_space<vmem>>
      %dma_start3A_315 = arith.constant 0 : i32
      %dma_start3A_316 = arith.constant 0 : i32
      %dma_start3A_317 = tpu.memref_slice %arg4[%dma_start3A_315, %dma_start3A_316] : memref<100000x16xf32, #tpu.memory_space<hbm>> -> memref<100000x16xf32, #tpu.memory_space<hbm>>
      tpu.enqueue_indirect_dma source(%dma_start3A_317 : memref<100000x16xf32, #tpu.memory_space<hbm>>) target(%dma_start3A_312 : memref<128x16xf32, #tpu.memory_space<vmem>>) offsets(%dma_start3A_314 : memref<128xi32, #tpu.memory_space<vmem>>) semaphore(%arg15 : memref<!tpu.dma_semaphore, #tpu.memory_space<semaphore_mem>>)
      %dma_start3A_318 = arith.constant 1024 : i32
      %dma_start3A_319 = arith.constant 0 : i32
      %dma_start3A_320 = tpu.memref_slice %arg11[%dma_start3A_318, %dma_start3A_319] : memref<2048x16xf32, #tpu.memory_space<vmem>> -> memref<128x16xf32, #tpu.memory_space<vmem>>
      %dma_start3A_321 = arith.constant 1024 : i32
      %dma_start3A_322 = tpu.memref_slice %arg9[%dma_start3A_321] : memref<2048xi32, #tpu.memory_space<vmem>> -> memref<128xi32, #tpu.memory_space<vmem>>
      %dma_start3A_323 = arith.constant 0 : i32
      %dma_start3A_324 = arith.constant 0 : i32
      %dma_start3A_325 = tpu.memref_slice %arg4[%dma_start3A_323, %dma_start3A_324] : memref<100000x16xf32, #tpu.memory_space<hbm>> -> memref<100000x16xf32, #tpu.memory_space<hbm>>
      tpu.enqueue_indirect_dma source(%dma_start3A_325 : memref<100000x16xf32, #tpu.memory_space<hbm>>) target(%dma_start3A_320 : memref<128x16xf32, #tpu.memory_space<vmem>>) offsets(%dma_start3A_322 : memref<128xi32, #tpu.memory_space<vmem>>) semaphore(%arg15 : memref<!tpu.dma_semaphore, #tpu.memory_space<semaphore_mem>>)
      %dma_start3A_326 = arith.constant 1152 : i32
      %dma_start3A_327 = arith.constant 0 : i32
      %dma_start3A_328 = tpu.memref_slice %arg11[%dma_start3A_326, %dma_start3A_327] : memref<2048x16xf32, #tpu.memory_space<vmem>> -> memref<128x16xf32, #tpu.memory_space<vmem>>
      %dma_start3A_329 = arith.constant 1152 : i32
      %dma_start3A_330 = tpu.memref_slice %arg9[%dma_start3A_329] : memref<2048xi32, #tpu.memory_space<vmem>> -> memref<128xi32, #tpu.memory_space<vmem>>
      %dma_start3A_331 = arith.constant 0 : i32
      %dma_start3A_332 = arith.constant 0 : i32
      %dma_start3A_333 = tpu.memref_slice %arg4[%dma_start3A_331, %dma_start3A_332] : memref<100000x16xf32, #tpu.memory_space<hbm>> -> memref<100000x16xf32, #tpu.memory_space<hbm>>
      tpu.enqueue_indirect_dma source(%dma_start3A_333 : memref<100000x16xf32, #tpu.memory_space<hbm>>) target(%dma_start3A_328 : memref<128x16xf32, #tpu.memory_space<vmem>>) offsets(%dma_start3A_330 : memref<128xi32, #tpu.memory_space<vmem>>) semaphore(%arg15 : memref<!tpu.dma_semaphore, #tpu.memory_space<semaphore_mem>>)
      %dma_start3A_334 = arith.constant 1280 : i32
      %dma_start3A_335 = arith.constant 0 : i32
      %dma_start3A_336 = tpu.memref_slice %arg11[%dma_start3A_334, %dma_start3A_335] : memref<2048x16xf32, #tpu.memory_space<vmem>> -> memref<128x16xf32, #tpu.memory_space<vmem>>
      %dma_start3A_337 = arith.constant 1280 : i32
      %dma_start3A_338 = tpu.memref_slice %arg9[%dma_start3A_337] : memref<2048xi32, #tpu.memory_space<vmem>> -> memref<128xi32, #tpu.memory_space<vmem>>
      %dma_start3A_339 = arith.constant 0 : i32
      %dma_start3A_340 = arith.constant 0 : i32
      %dma_start3A_341 = tpu.memref_slice %arg4[%dma_start3A_339, %dma_start3A_340] : memref<100000x16xf32, #tpu.memory_space<hbm>> -> memref<100000x16xf32, #tpu.memory_space<hbm>>
      tpu.enqueue_indirect_dma source(%dma_start3A_341 : memref<100000x16xf32, #tpu.memory_space<hbm>>) target(%dma_start3A_336 : memref<128x16xf32, #tpu.memory_space<vmem>>) offsets(%dma_start3A_338 : memref<128xi32, #tpu.memory_space<vmem>>) semaphore(%arg15 : memref<!tpu.dma_semaphore, #tpu.memory_space<semaphore_mem>>)
      %dma_start3A_342 = arith.constant 1408 : i32
      %dma_start3A_343 = arith.constant 0 : i32
      %dma_start3A_344 = tpu.memref_slice %arg11[%dma_start3A_342, %dma_start3A_343] : memref<2048x16xf32, #tpu.memory_space<vmem>> -> memref<128x16xf32, #tpu.memory_space<vmem>>
      %dma_start3A_345 = arith.constant 1408 : i32
      %dma_start3A_346 = tpu.memref_slice %arg9[%dma_start3A_345] : memref<2048xi32, #tpu.memory_space<vmem>> -> memref<128xi32, #tpu.memory_space<vmem>>
      %dma_start3A_347 = arith.constant 0 : i32
      %dma_start3A_348 = arith.constant 0 : i32
      %dma_start3A_349 = tpu.memref_slice %arg4[%dma_start3A_347, %dma_start3A_348] : memref<100000x16xf32, #tpu.memory_space<hbm>> -> memref<100000x16xf32, #tpu.memory_space<hbm>>
      tpu.enqueue_indirect_dma source(%dma_start3A_349 : memref<100000x16xf32, #tpu.memory_space<hbm>>) target(%dma_start3A_344 : memref<128x16xf32, #tpu.memory_space<vmem>>) offsets(%dma_start3A_346 : memref<128xi32, #tpu.memory_space<vmem>>) semaphore(%arg15 : memref<!tpu.dma_semaphore, #tpu.memory_space<semaphore_mem>>)
      %dma_start3A_350 = arith.constant 1536 : i32
      %dma_start3A_351 = arith.constant 0 : i32
      %dma_start3A_352 = tpu.memref_slice %arg11[%dma_start3A_350, %dma_start3A_351] : memref<2048x16xf32, #tpu.memory_space<vmem>> -> memref<128x16xf32, #tpu.memory_space<vmem>>
      %dma_start3A_353 = arith.constant 1536 : i32
      %dma_start3A_354 = tpu.memref_slice %arg9[%dma_start3A_353] : memref<2048xi32, #tpu.memory_space<vmem>> -> memref<128xi32, #tpu.memory_space<vmem>>
      %dma_start3A_355 = arith.constant 0 : i32
      %dma_start3A_356 = arith.constant 0 : i32
      %dma_start3A_357 = tpu.memref_slice %arg4[%dma_start3A_355, %dma_start3A_356] : memref<100000x16xf32, #tpu.memory_space<hbm>> -> memref<100000x16xf32, #tpu.memory_space<hbm>>
      tpu.enqueue_indirect_dma source(%dma_start3A_357 : memref<100000x16xf32, #tpu.memory_space<hbm>>) target(%dma_start3A_352 : memref<128x16xf32, #tpu.memory_space<vmem>>) offsets(%dma_start3A_354 : memref<128xi32, #tpu.memory_space<vmem>>) semaphore(%arg15 : memref<!tpu.dma_semaphore, #tpu.memory_space<semaphore_mem>>)
      %dma_start3A_358 = arith.constant 1664 : i32
      %dma_start3A_359 = arith.constant 0 : i32
      %dma_start3A_360 = tpu.memref_slice %arg11[%dma_start3A_358, %dma_start3A_359] : memref<2048x16xf32, #tpu.memory_space<vmem>> -> memref<128x16xf32, #tpu.memory_space<vmem>>
      %dma_start3A_361 = arith.constant 1664 : i32
      %dma_start3A_362 = tpu.memref_slice %arg9[%dma_start3A_361] : memref<2048xi32, #tpu.memory_space<vmem>> -> memref<128xi32, #tpu.memory_space<vmem>>
      %dma_start3A_363 = arith.constant 0 : i32
      %dma_start3A_364 = arith.constant 0 : i32
      %dma_start3A_365 = tpu.memref_slice %arg4[%dma_start3A_363, %dma_start3A_364] : memref<100000x16xf32, #tpu.memory_space<hbm>> -> memref<100000x16xf32, #tpu.memory_space<hbm>>
      tpu.enqueue_indirect_dma source(%dma_start3A_365 : memref<100000x16xf32, #tpu.memory_space<hbm>>) target(%dma_start3A_360 : memref<128x16xf32, #tpu.memory_space<vmem>>) offsets(%dma_start3A_362 : memref<128xi32, #tpu.memory_space<vmem>>) semaphore(%arg15 : memref<!tpu.dma_semaphore, #tpu.memory_space<semaphore_mem>>)
      %dma_start3A_366 = arith.constant 1792 : i32
      %dma_start3A_367 = arith.constant 0 : i32
      %dma_start3A_368 = tpu.memref_slice %arg11[%dma_start3A_366, %dma_start3A_367] : memref<2048x16xf32, #tpu.memory_space<vmem>> -> memref<128x16xf32, #tpu.memory_space<vmem>>
      %dma_start3A_369 = arith.constant 1792 : i32
      %dma_start3A_370 = tpu.memref_slice %arg9[%dma_start3A_369] : memref<2048xi32, #tpu.memory_space<vmem>> -> memref<128xi32, #tpu.memory_space<vmem>>
      %dma_start3A_371 = arith.constant 0 : i32
      %dma_start3A_372 = arith.constant 0 : i32
      %dma_start3A_373 = tpu.memref_slice %arg4[%dma_start3A_371, %dma_start3A_372] : memref<100000x16xf32, #tpu.memory_space<hbm>> -> memref<100000x16xf32, #tpu.memory_space<hbm>>
      tpu.enqueue_indirect_dma source(%dma_start3A_373 : memref<100000x16xf32, #tpu.memory_space<hbm>>) target(%dma_start3A_368 : memref<128x16xf32, #tpu.memory_space<vmem>>) offsets(%dma_start3A_370 : memref<128xi32, #tpu.memory_space<vmem>>) semaphore(%arg15 : memref<!tpu.dma_semaphore, #tpu.memory_space<semaphore_mem>>)
      %dma_start3A_374 = arith.constant 1920 : i32
      %dma_start3A_375 = arith.constant 0 : i32
      %dma_start3A_376 = tpu.memref_slice %arg11[%dma_start3A_374, %dma_start3A_375] : memref<2048x16xf32, #tpu.memory_space<vmem>> -> memref<128x16xf32, #tpu.memory_space<vmem>>
      %dma_start3A_377 = arith.constant 1920 : i32
      %dma_start3A_378 = tpu.memref_slice %arg9[%dma_start3A_377] : memref<2048xi32, #tpu.memory_space<vmem>> -> memref<128xi32, #tpu.memory_space<vmem>>
      %dma_start3A_379 = arith.constant 0 : i32
      %dma_start3A_380 = arith.constant 0 : i32
      %dma_start3A_381 = tpu.memref_slice %arg4[%dma_start3A_379, %dma_start3A_380] : memref<100000x16xf32, #tpu.memory_space<hbm>> -> memref<100000x16xf32, #tpu.memory_space<hbm>>
      tpu.enqueue_indirect_dma source(%dma_start3A_381 : memref<100000x16xf32, #tpu.memory_space<hbm>>) target(%dma_start3A_376 : memref<128x16xf32, #tpu.memory_space<vmem>>) offsets(%dma_start3A_378 : memref<128xi32, #tpu.memory_space<vmem>>) semaphore(%arg15 : memref<!tpu.dma_semaphore, #tpu.memory_space<semaphore_mem>>)
      %dma_wait3A_382 = arith.constant 0 : i32
      %dma_wait3A_383 = arith.constant 0 : i32
      %dma_wait3A_384 = tpu.memref_slice %arg4[%dma_wait3A_382, %dma_wait3A_383] : memref<100000x16xf32, #tpu.memory_space<hbm>> -> memref<2048x16xf32, #tpu.memory_space<hbm>>
      %dma_wait3A_385 = arith.constant 0 : i32
      %dma_wait3A_386 = arith.constant 0 : i32
      %dma_wait3A_387 = tpu.memref_slice %arg4[%dma_wait3A_385, %dma_wait3A_386] : memref<100000x16xf32, #tpu.memory_space<hbm>> -> memref<2048x16xf32, #tpu.memory_space<hbm>>
      tpu.wait_dma2 semaphore(%arg14 : memref<!tpu.dma_semaphore, #tpu.memory_space<semaphore_mem>>) src(%dma_wait3A_387 : memref<2048x16xf32, #tpu.memory_space<hbm>>) dst(%arg10 : memref<2048x16xf32, #tpu.memory_space<vmem>>)
      %mul3A_388 = arith.constant 2048 : i32
      %mul3A_389 = arith.muli %mul3A_245, %mul3A_388 : i32
      %add3A_390 = arith.addi %and3A_11, %mul3A_389 : i32
      %min3A_391 = arith.constant 817152 : i32
      %min3A_392 = arith.minsi %add3A_390, %min3A_391 : i32
      %multiple_of3A_393 = tpu.assume_multiple %min3A_392, 8 : i32
      %add3A_394 = arith.constant 2048 : i32
      %add3A_395 = arith.addi %multiple_of3A_393, %add3A_394 : i32
      %min3A_396 = arith.minsi %add3A_395, %squeeze3A_10 : i32
      %get3A_397 = arith.constant 0 : index
      %get3A_398 = tpu.vector_load %arg7[%get3A_397] {strides = array<i32>} : memref<144xi32, #tpu.memory_space<vmem>>, vector<16xi32>,
      %le3A = vector.broadcast %min3A_396 : i32 to vector<16xi32>
      %le3A_399 = arith.cmpi sle, %get3A_398, %le3A : vector<16xi32>
      %lt3A = arith.constant 129 : i32
      %lt3A_400 = vector.broadcast %lt3A : i32 to vector<16xi32>
      %lt3A_401 = arith.cmpi slt, %iota3A, %lt3A_400 : vector<16xi32>
      %and3A_402 = arith.andi %le3A_399, %lt3A_401 : vector<16xi1>
      %all_reduce_population_count3A = tpu.all_reduce %and3A_402 {dim = 0 : i64, kind = #tpu.reduction_kind<sum>} : vector<16xi1> -> vector<16xi32>
      %slice3A_403 = vector.extract_strided_slice %all_reduce_population_count3A {offsets = [0], sizes = [1], strides = [1]} : vector<16xi32> to vector<1xi32>
      %squeeze3A_404 = vector.extract %slice3A_403[0] : i32 from vector<1xi32>
      %add3A_405 = arith.constant 0 : i32
      %add3A_406 = arith.addi %add3A_405, %squeeze3A_404 : i32
      %get3A_407 = arith.constant 16 : index
      %get3A_408 = tpu.vector_load %arg7[%get3A_407] {strides = array<i32>} : memref<144xi32, #tpu.memory_space<vmem>>, vector<16xi32>,
      %le3A_409 = vector.broadcast %min3A_396 : i32 to vector<16xi32>
      %le3A_410 = arith.cmpi sle, %get3A_408, %le3A_409 : vector<16xi32>
      %lt3A_411 = arith.constant 113 : i32
      %lt3A_412 = vector.broadcast %lt3A_411 : i32 to vector<16xi32>
      %lt3A_413 = arith.cmpi slt, %iota3A, %lt3A_412 : vector<16xi32>
      %and3A_414 = arith.andi %le3A_410, %lt3A_413 : vector<16xi1>
      %all_reduce_population_count3A_415 = tpu.all_reduce %and3A_414 {dim = 0 : i64, kind = #tpu.reduction_kind<sum>} : vector<16xi1> -> vector<16xi32>
      %slice3A_416 = vector.extract_strided_slice %all_reduce_population_count3A_415 {offsets = [0], sizes = [1], strides = [1]} : vector<16xi32> to vector<1xi32>
      %squeeze3A_417 = vector.extract %slice3A_416[0] : i32 from vector<1xi32>
      %add3A_418 = arith.addi %add3A_406, %squeeze3A_417 : i32
      %get3A_419 = arith.constant 32 : index
      %get3A_420 = tpu.vector_load %arg7[%get3A_419] {strides = array<i32>} : memref<144xi32, #tpu.memory_space<vmem>>, vector<16xi32>,
      %le3A_421 = vector.broadcast %min3A_396 : i32 to vector<16xi32>
      %le3A_422 = arith.cmpi sle, %get3A_420, %le3A_421 : vector<16xi32>
      %lt3A_423 = arith.constant 97 : i32
      %lt3A_424 = vector.broadcast %lt3A_423 : i32 to vector<16xi32>
      %lt3A_425 = arith.cmpi slt, %iota3A, %lt3A_424 : vector<16xi32>
      %and3A_426 = arith.andi %le3A_422, %lt3A_425 : vector<16xi1>
      %all_reduce_population_count3A_427 = tpu.all_reduce %and3A_426 {dim = 0 : i64, kind = #tpu.reduction_kind<sum>} : vector<16xi1> -> vector<16xi32>
      %slice3A_428 = vector.extract_strided_slice %all_reduce_population_count3A_427 {offsets = [0], sizes = [1], strides = [1]} : vector<16xi32> to vector<1xi32>
      %squeeze3A_429 = vector.extract %slice3A_428[0] : i32 from vector<1xi32>
      %add3A_430 = arith.addi %add3A_418, %squeeze3A_429 : i32
      %get3A_431 = arith.constant 48 : index
      %get3A_432 = tpu.vector_load %arg7[%get3A_431] {strides = array<i32>} : memref<144xi32, #tpu.memory_space<vmem>>, vector<16xi32>,
      %le3A_433 = vector.broadcast %min3A_396 : i32 to vector<16xi32>
      %le3A_434 = arith.cmpi sle, %get3A_432, %le3A_433 : vector<16xi32>
      %lt3A_435 = arith.constant 81 : i32
      %lt3A_436 = vector.broadcast %lt3A_435 : i32 to vector<16xi32>
      %lt3A_437 = arith.cmpi slt, %iota3A, %lt3A_436 : vector<16xi32>
      %and3A_438 = arith.andi %le3A_434, %lt3A_437 : vector<16xi1>
      %all_reduce_population_count3A_439 = tpu.all_reduce %and3A_438 {dim = 0 : i64, kind = #tpu.reduction_kind<sum>} : vector<16xi1> -> vector<16xi32>
      %slice3A_440 = vector.extract_strided_slice %all_reduce_population_count3A_439 {offsets = [0], sizes = [1], strides = [1]} : vector<16xi32> to vector<1xi32>
      %squeeze3A_441 = vector.extract %slice3A_440[0] : i32 from vector<1xi32>
      %add3A_442 = arith.addi %add3A_430, %squeeze3A_441 : i32
      %get3A_443 = arith.constant 64 : index
      %get3A_444 = tpu.vector_load %arg7[%get3A_443] {strides = array<i32>} : memref<144xi32, #tpu.memory_space<vmem>>, vector<16xi32>,
      %le3A_445 = vector.broadcast %min3A_396 : i32 to vector<16xi32>
      %le3A_446 = arith.cmpi sle, %get3A_444, %le3A_445 : vector<16xi32>
      %lt3A_447 = arith.constant 65 : i32
      %lt3A_448 = vector.broadcast %lt3A_447 : i32 to vector<16xi32>
      %lt3A_449 = arith.cmpi slt, %iota3A, %lt3A_448 : vector<16xi32>
      %and3A_450 = arith.andi %le3A_446, %lt3A_449 : vector<16xi1>
      %all_reduce_population_count3A_451 = tpu.all_reduce %and3A_450 {dim = 0 : i64, kind = #tpu.reduction_kind<sum>} : vector<16xi1> -> vector<16xi32>
      %slice3A_452 = vector.extract_strided_slice %all_reduce_population_count3A_451 {offsets = [0], sizes = [1], strides = [1]} : vector<16xi32> to vector<1xi32>
      %squeeze3A_453 = vector.extract %slice3A_452[0] : i32 from vector<1xi32>
      %add3A_454 = arith.addi %add3A_442, %squeeze3A_453 : i32
      %get3A_455 = arith.constant 80 : index
      %get3A_456 = tpu.vector_load %arg7[%get3A_455] {strides = array<i32>} : memref<144xi32, #tpu.memory_space<vmem>>, vector<16xi32>,
      %le3A_457 = vector.broadcast %min3A_396 : i32 to vector<16xi32>
      %le3A_458 = arith.cmpi sle, %get3A_456, %le3A_457 : vector<16xi32>
      %lt3A_459 = arith.constant 49 : i32
      %lt3A_460 = vector.broadcast %lt3A_459 : i32 to vector<16xi32>
      %lt3A_461 = arith.cmpi slt, %iota3A, %lt3A_460 : vector<16xi32>
      %and3A_462 = arith.andi %le3A_458, %lt3A_461 : vector<16xi1>
      %all_reduce_population_count3A_463 = tpu.all_reduce %and3A_462 {dim = 0 : i64, kind = #tpu.reduction_kind<sum>} : vector<16xi1> -> vector<16xi32>
      %slice3A_464 = vector.extract_strided_slice %all_reduce_population_count3A_463 {offsets = [0], sizes = [1], strides = [1]} : vector<16xi32> to vector<1xi32>
      %squeeze3A_465 = vector.extract %slice3A_464[0] : i32 from vector<1xi32>
      %add3A_466 = arith.addi %add3A_454, %squeeze3A_465 : i32
      %get3A_467 = arith.constant 96 : index
      %get3A_468 = tpu.vector_load %arg7[%get3A_467] {strides = array<i32>} : memref<144xi32, #tpu.memory_space<vmem>>, vector<16xi32>,
      %le3A_469 = vector.broadcast %min3A_396 : i32 to vector<16xi32>
      %le3A_470 = arith.cmpi sle, %get3A_468, %le3A_469 : vector<16xi32>
      %lt3A_471 = arith.constant 33 : i32
      %lt3A_472 = vector.broadcast %lt3A_471 : i32 to vector<16xi32>
      %lt3A_473 = arith.cmpi slt, %iota3A, %lt3A_472 : vector<16xi32>
      %and3A_474 = arith.andi %le3A_470, %lt3A_473 : vector<16xi1>
      %all_reduce_population_count3A_475 = tpu.all_reduce %and3A_474 {dim = 0 : i64, kind = #tpu.reduction_kind<sum>} : vector<16xi1> -> vector<16xi32>
      %slice3A_476 = vector.extract_strided_slice %all_reduce_population_count3A_475 {offsets = [0], sizes = [1], strides = [1]} : vector<16xi32> to vector<1xi32>
      %squeeze3A_477 = vector.extract %slice3A_476[0] : i32 from vector<1xi32>
      %add3A_478 = arith.addi %add3A_466, %squeeze3A_477 : i32
      %get3A_479 = arith.constant 112 : index
      %get3A_480 = tpu.vector_load %arg7[%get3A_479] {strides = array<i32>} : memref<144xi32, #tpu.memory_space<vmem>>, vector<16xi32>,
      %le3A_481 = vector.broadcast %min3A_396 : i32 to vector<16xi32>
      %le3A_482 = arith.cmpi sle, %get3A_480, %le3A_481 : vector<16xi32>
      %lt3A_483 = arith.constant 17 : i32
      %lt3A_484 = vector.broadcast %lt3A_483 : i32 to vector<16xi32>
      %lt3A_485 = arith.cmpi slt, %iota3A, %lt3A_484 : vector<16xi32>
      %and3A_486 = arith.andi %le3A_482, %lt3A_485 : vector<16xi1>
      %all_reduce_population_count3A_487 = tpu.all_reduce %and3A_486 {dim = 0 : i64, kind = #tpu.reduction_kind<sum>} : vector<16xi1> -> vector<16xi32>
      %slice3A_488 = vector.extract_strided_slice %all_reduce_population_count3A_487 {offsets = [0], sizes = [1], strides = [1]} : vector<16xi32> to vector<1xi32>
      %squeeze3A_489 = vector.extract %slice3A_488[0] : i32 from vector<1xi32>
      %add3A_490 = arith.addi %add3A_478, %squeeze3A_489 : i32
      %get3A_491 = arith.constant 128 : index
      %get3A_492 = tpu.vector_load %arg7[%get3A_491] {strides = array<i32>} : memref<144xi32, #tpu.memory_space<vmem>>, vector<16xi32>,
      %le3A_493 = vector.broadcast %min3A_396 : i32 to vector<16xi32>
      %le3A_494 = arith.cmpi sle, %get3A_492, %le3A_493 : vector<16xi32>
      %lt3A_495 = arith.constant 1 : i32
      %lt3A_496 = vector.broadcast %lt3A_495 : i32 to vector<16xi32>
      %lt3A_497 = arith.cmpi slt, %iota3A, %lt3A_496 : vector<16xi32>
      %and3A_498 = arith.andi %le3A_494, %lt3A_497 : vector<16xi1>
      %all_reduce_population_count3A_499 = tpu.all_reduce %and3A_498 {dim = 0 : i64, kind = #tpu.reduction_kind<sum>} : vector<16xi1> -> vector<16xi32>
      %slice3A_500 = vector.extract_strided_slice %all_reduce_population_count3A_499 {offsets = [0], sizes = [1], strides = [1]} : vector<16xi32> to vector<1xi32>
      %squeeze3A_501 = vector.extract %slice3A_500[0] : i32 from vector<1xi32>
      %add3A_502 = arith.addi %add3A_490, %squeeze3A_501 : i32
      %sub3A_503 = arith.constant 1 : i32
      %sub3A_504 = arith.subi %add3A_502, %sub3A_503 : i32
      %max3A = arith.maxsi %while3A_241, %multiple_of3A_393 : i32
      %while3A_505 = arith.subi %sub3A_504, %while3A_242 : i32
      %while3A_506 = arith.addi %while3A_242, %while3A_505 : i32
      %while3A_507 = arith.constant 1 : i32
      %while3A_508 = arith.divsi %while3A_505, %while3A_507 : i32
      %while3A_509 = arith.muli %while3A_508, %while3A_507 : i32
      %while3A_510 = arith.addi %while3A_242, %while3A_509 : i32
      %while3A_511 = arith.constant 1 : i32
      %while3A_512:2 = scf.for %while3A_904 = %while3A_242 to %while3A_510 step %while3A_511 iter_args(%while3A_905 = %max3A, %while3A_906 = %while3A_243) -> (i32, vector<16xf32>)  : i32 {
        %get3A_907 = arith.index_cast %while3A_904 : i32 to index
        %get3A_908 = tpu.vector_load %arg7[%get3A_907] {strides = array<i32>} : memref<144xi32, #tpu.memory_space<vmem>>, vector<16xi32>,
        %slice3A_909 = vector.extract_strided_slice %get3A_908 {offsets = [0], sizes = [1], strides = [1]} : vector<16xi32> to vector<1xi32>
        %squeeze3A_910 = vector.extract %slice3A_909[0] : i32 from vector<1xi32>
        %slice3A_911 = vector.extract_strided_slice %get3A_908 {offsets = [1], sizes = [1], strides = [1]} : vector<16xi32> to vector<1xi32>
        %squeeze3A_912 = vector.extract %slice3A_911[0] : i32 from vector<1xi32>
        %sub3A_913 = arith.subi %while3A_905, %multiple_of3A_393 : i32
        %sub3A_914 = arith.subi %squeeze3A_912, %multiple_of3A_393 : i32
        %sub3A_915 = arith.subi %sub3A_914, %sub3A_913 : i32
        %max3A_916 = arith.constant 0 : i32
        %max3A_917 = arith.maxsi %sub3A_915, %max3A_916 : i32
        %jit3A_918 = arith.constant 8 : i32
        %div3A_919 = arith.divsi %max3A_917, %jit3A_918 : i32
        %sign3A_920 = arith.constant 0 : i32
        %sign3A_921 = arith.cmpi sgt, %max3A_917, %sign3A_920 : i32
        %sign3A_922 = arith.extui %sign3A_921 : i1 to i32
        %sign3A_923 = arith.constant 0 : i32
        %sign3A_924 = arith.cmpi slt, %max3A_917, %sign3A_923 : i32
        %sign3A_925 = arith.extui %sign3A_924 : i1 to i32
        %sign3A_926 = arith.subi %sign3A_922, %sign3A_925 : i32
        %sign3A_927 = arith.constant 0 : i32
        %sign3A_928 = arith.cmpi sgt, %jit3A_918, %sign3A_927 : i32
        %sign3A_929 = arith.extui %sign3A_928 : i1 to i32
        %sign3A_930 = arith.constant 0 : i32
        %sign3A_931 = arith.cmpi slt, %jit3A_918, %sign3A_930 : i32
        %sign3A_932 = arith.extui %sign3A_931 : i1 to i32
        %sign3A_933 = arith.subi %sign3A_929, %sign3A_932 : i32
        %ne3A_934 = arith.cmpi ne, %sign3A_926, %sign3A_933 : i32
        %rem3A_935 = arith.remsi %max3A_917, %jit3A_918 : i32
        %ne3A_936 = arith.constant 0 : i32
        %ne3A_937 = arith.cmpi ne, %rem3A_935, %ne3A_936 : i32
        %and3A_938 = arith.andi %ne3A_934, %ne3A_937 : i1
        %sub3A_939 = arith.constant 1 : i32
        %sub3A_940 = arith.subi %div3A_919, %sub3A_939 : i32
        %select_n3A_941 = arith.select %and3A_938, %sub3A_940, %div3A_919 : i32
        %while3A_942 = arith.constant 0 : i32
        %while3A_943 = arith.subi %select_n3A_941, %while3A_942 : i32
        %while3A_944 = arith.addi %while3A_942, %while3A_943 : i32
        %while3A_945 = arith.constant 1 : i32
        %while3A_946 = arith.divsi %while3A_943, %while3A_945 : i32
        %while3A_947 = arith.muli %while3A_946, %while3A_945 : i32
        %while3A_948 = arith.addi %while3A_942, %while3A_947 : i32
        %while3A_949 = arith.constant 1 : i32
        %while3A_950:4 = scf.for %while3A_981 = %while3A_942 to %while3A_948 step %while3A_949 iter_args(%while3A_982 = %while3A_906, %while3A_983 = %broadcast_in_dim3A_4, %while3A_984 = %broadcast_in_dim3A_4, %while3A_985 = %broadcast_in_dim3A_4) -> (vector<16xf32>, vector<16xf32>, vector<16xf32>, vector<16xf32>)  : i32 {
          %mul3A_986 = arith.constant 8 : i32
          %mul3A_987 = arith.muli %while3A_981, %mul3A_986 : i32
          %add3A_988 = arith.addi %sub3A_913, %mul3A_987 : i32
          %get3A_989 = arith.index_cast %add3A_988 : i32 to index
          %get3A_990 = arith.constant 0 : index
          %get3A_991 = tpu.vector_load %arg10[%get3A_989, %get3A_990] {strides = array<i32>} : memref<2048x16xf32, #tpu.memory_space<vmem>>, vector<16xf32>,
          %add3A_992 = arith.addf %while3A_982, %get3A_991 : vector<16xf32>
          %add3A_993 = arith.constant 1 : i32
          %add3A_994 = arith.addi %add3A_988, %add3A_993 : i32
          %get3A_995 = arith.index_cast %add3A_994 : i32 to index
          %get3A_996 = arith.constant 0 : index
          %get3A_997 = tpu.vector_load %arg10[%get3A_995, %get3A_996] {strides = array<i32>} : memref<2048x16xf32, #tpu.memory_space<vmem>>, vector<16xf32>,
          %add3A_998 = arith.addf %while3A_983, %get3A_997 : vector<16xf32>
          %add3A_999 = arith.constant 2 : i32
          %add3A_1000 = arith.addi %add3A_988, %add3A_999 : i32
          %get3A_1001 = arith.index_cast %add3A_1000 : i32 to index
          %get3A_1002 = arith.constant 0 : index
          %get3A_1003 = tpu.vector_load %arg10[%get3A_1001, %get3A_1002] {strides = array<i32>} : memref<2048x16xf32, #tpu.memory_space<vmem>>, vector<16xf32>,
          %add3A_1004 = arith.addf %while3A_984, %get3A_1003 : vector<16xf32>
          %add3A_1005 = arith.constant 3 : i32
          %add3A_1006 = arith.addi %add3A_988, %add3A_1005 : i32
          %get3A_1007 = arith.index_cast %add3A_1006 : i32 to index
          %get3A_1008 = arith.constant 0 : index
          %get3A_1009 = tpu.vector_load %arg10[%get3A_1007, %get3A_1008] {strides = array<i32>} : memref<2048x16xf32, #tpu.memory_space<vmem>>, vector<16xf32>,
          %add3A_1010 = arith.addf %while3A_985, %get3A_1009 : vector<16xf32>
          %add3A_1011 = arith.constant 4 : i32
          %add3A_1012 = arith.addi %add3A_988, %add3A_1011 : i32
          %get3A_1013 = arith.index_cast %add3A_1012 : i32 to index
          %get3A_1014 = arith.constant 0 : index
          %get3A_1015 = tpu.vector_load %arg10[%get3A_1013, %get3A_1014] {strides = array<i32>} : memref<2048x16xf32, #tpu.memory_space<vmem>>, vector<16xf32>,
          %add3A_1016 = arith.addf %add3A_992, %get3A_1015 : vector<16xf32>
          %add3A_1017 = arith.constant 5 : i32
          %add3A_1018 = arith.addi %add3A_988, %add3A_1017 : i32
          %get3A_1019 = arith.index_cast %add3A_1018 : i32 to index
          %get3A_1020 = arith.constant 0 : index
          %get3A_1021 = tpu.vector_load %arg10[%get3A_1019, %get3A_1020] {strides = array<i32>} : memref<2048x16xf32, #tpu.memory_space<vmem>>, vector<16xf32>,
          %add3A_1022 = arith.addf %add3A_998, %get3A_1021 : vector<16xf32>
          %add3A_1023 = arith.constant 6 : i32
          %add3A_1024 = arith.addi %add3A_988, %add3A_1023 : i32
          %get3A_1025 = arith.index_cast %add3A_1024 : i32 to index
          %get3A_1026 = arith.constant 0 : index
          %get3A_1027 = tpu.vector_load %arg10[%get3A_1025, %get3A_1026] {strides = array<i32>} : memref<2048x16xf32, #tpu.memory_space<vmem>>, vector<16xf32>,
          %add3A_1028 = arith.addf %add3A_1004, %get3A_1027 : vector<16xf32>
          %add3A_1029 = arith.constant 7 : i32
          %add3A_1030 = arith.addi %add3A_988, %add3A_1029 : i32
          %get3A_1031 = arith.index_cast %add3A_1030 : i32 to index
          %get3A_1032 = arith.constant 0 : index
          %get3A_1033 = tpu.vector_load %arg10[%get3A_1031, %get3A_1032] {strides = array<i32>} : memref<2048x16xf32, #tpu.memory_space<vmem>>, vector<16xf32>,
          %add3A_1034 = arith.addf %add3A_1010, %get3A_1033 : vector<16xf32>
          scf.yield %add3A_1016, %add3A_1022, %add3A_1028, %add3A_1034 : vector<16xf32>, vector<16xf32>, vector<16xf32>, vector<16xf32>
        }
        %while3A_951 = arith.constant 1 : i32
        %while3A_952:4 = scf.for %while3A_981 = %while3A_948 to %while3A_944 step %while3A_951 iter_args(%while3A_982 = %while3A_950#0, %while3A_983 = %while3A_950#1, %while3A_984 = %while3A_950#2, %while3A_985 = %while3A_950#3) -> (vector<16xf32>, vector<16xf32>, vector<16xf32>, vector<16xf32>)  : i32 {
          %mul3A_986 = arith.constant 8 : i32
          %mul3A_987 = arith.muli %while3A_981, %mul3A_986 : i32
          %add3A_988 = arith.addi %sub3A_913, %mul3A_987 : i32
          %get3A_989 = arith.index_cast %add3A_988 : i32 to index
          %get3A_990 = arith.constant 0 : index
          %get3A_991 = tpu.vector_load %arg10[%get3A_989, %get3A_990] {strides = array<i32>} : memref<2048x16xf32, #tpu.memory_space<vmem>>, vector<16xf32>,
          %add3A_992 = arith.addf %while3A_982, %get3A_991 : vector<16xf32>
          %add3A_993 = arith.constant 1 : i32
          %add3A_994 = arith.addi %add3A_988, %add3A_993 : i32
          %get3A_995 = arith.index_cast %add3A_994 : i32 to index
          %get3A_996 = arith.constant 0 : index
          %get3A_997 = tpu.vector_load %arg10[%get3A_995, %get3A_996] {strides = array<i32>} : memref<2048x16xf32, #tpu.memory_space<vmem>>, vector<16xf32>,
          %add3A_998 = arith.addf %while3A_983, %get3A_997 : vector<16xf32>
          %add3A_999 = arith.constant 2 : i32
          %add3A_1000 = arith.addi %add3A_988, %add3A_999 : i32
          %get3A_1001 = arith.index_cast %add3A_1000 : i32 to index
          %get3A_1002 = arith.constant 0 : index
          %get3A_1003 = tpu.vector_load %arg10[%get3A_1001, %get3A_1002] {strides = array<i32>} : memref<2048x16xf32, #tpu.memory_space<vmem>>, vector<16xf32>,
          %add3A_1004 = arith.addf %while3A_984, %get3A_1003 : vector<16xf32>
          %add3A_1005 = arith.constant 3 : i32
          %add3A_1006 = arith.addi %add3A_988, %add3A_1005 : i32
          %get3A_1007 = arith.index_cast %add3A_1006 : i32 to index
          %get3A_1008 = arith.constant 0 : index
          %get3A_1009 = tpu.vector_load %arg10[%get3A_1007, %get3A_1008] {strides = array<i32>} : memref<2048x16xf32, #tpu.memory_space<vmem>>, vector<16xf32>,
          %add3A_1010 = arith.addf %while3A_985, %get3A_1009 : vector<16xf32>
          %add3A_1011 = arith.constant 4 : i32
          %add3A_1012 = arith.addi %add3A_988, %add3A_1011 : i32
          %get3A_1013 = arith.index_cast %add3A_1012 : i32 to index
          %get3A_1014 = arith.constant 0 : index
          %get3A_1015 = tpu.vector_load %arg10[%get3A_1013, %get3A_1014] {strides = array<i32>} : memref<2048x16xf32, #tpu.memory_space<vmem>>, vector<16xf32>,
          %add3A_1016 = arith.addf %add3A_992, %get3A_1015 : vector<16xf32>
          %add3A_1017 = arith.constant 5 : i32
          %add3A_1018 = arith.addi %add3A_988, %add3A_1017 : i32
          %get3A_1019 = arith.index_cast %add3A_1018 : i32 to index
          %get3A_1020 = arith.constant 0 : index
          %get3A_1021 = tpu.vector_load %arg10[%get3A_1019, %get3A_1020] {strides = array<i32>} : memref<2048x16xf32, #tpu.memory_space<vmem>>, vector<16xf32>,
          %add3A_1022 = arith.addf %add3A_998, %get3A_1021 : vector<16xf32>
          %add3A_1023 = arith.constant 6 : i32
          %add3A_1024 = arith.addi %add3A_988, %add3A_1023 : i32
          %get3A_1025 = arith.index_cast %add3A_1024 : i32 to index
          %get3A_1026 = arith.constant 0 : index
          %get3A_1027 = tpu.vector_load %arg10[%get3A_1025, %get3A_1026] {strides = array<i32>} : memref<2048x16xf32, #tpu.memory_space<vmem>>, vector<16xf32>,
          %add3A_1028 = arith.addf %add3A_1004, %get3A_1027 : vector<16xf32>
          %add3A_1029 = arith.constant 7 : i32
          %add3A_1030 = arith.addi %add3A_988, %add3A_1029 : i32
          %get3A_1031 = arith.index_cast %add3A_1030 : i32 to index
          %get3A_1032 = arith.constant 0 : index
          %get3A_1033 = tpu.vector_load %arg10[%get3A_1031, %get3A_1032] {strides = array<i32>} : memref<2048x16xf32, #tpu.memory_space<vmem>>, vector<16xf32>,
          %add3A_1034 = arith.addf %add3A_1010, %get3A_1033 : vector<16xf32>
          scf.yield %add3A_1016, %add3A_1022, %add3A_1028, %add3A_1034 : vector<16xf32>, vector<16xf32>, vector<16xf32>, vector<16xf32>
        }
        %add3A_953 = arith.addf %while3A_952#0, %while3A_952#1 : vector<16xf32>
        %add3A_954 = arith.addf %while3A_952#2, %while3A_952#3 : vector<16xf32>
        %add3A_955 = arith.addf %add3A_953, %add3A_954 : vector<16xf32>
        %and3A_956 = arith.constant -8 : i32
        %and3A_957 = arith.andi %max3A_917, %and3A_956 : i32
        %add3A_958 = arith.addi %sub3A_913, %and3A_957 : i32
        %while3A_959 = arith.subi %sub3A_914, %add3A_958 : i32
        %while3A_960 = arith.addi %add3A_958, %while3A_959 : i32
        %while3A_961 = arith.constant 1 : i32
        %while3A_962 = arith.divsi %while3A_959, %while3A_961 : i32
        %while3A_963 = arith.muli %while3A_962, %while3A_961 : i32
        %while3A_964 = arith.addi %add3A_958, %while3A_963 : i32
        %while3A_965 = arith.constant 1 : i32
        %while3A_966 = scf.for %while3A_981 = %add3A_958 to %while3A_964 step %while3A_965 iter_args(%while3A_982 = %add3A_955) -> (vector<16xf32>)  : i32 {
          %get3A_983 = arith.index_cast %while3A_981 : i32 to index
          %get3A_984 = arith.constant 0 : index
          %get3A_985 = tpu.vector_load %arg10[%get3A_983, %get3A_984] {strides = array<i32>} : memref<2048x16xf32, #tpu.memory_space<vmem>>, vector<16xf32>,
          %add3A_986 = arith.addf %while3A_982, %get3A_985 : vector<16xf32>
          scf.yield %add3A_986 : vector<16xf32>
        }
        %while3A_967 = arith.constant 1 : i32
        %while3A_968 = scf.for %while3A_981 = %while3A_964 to %while3A_960 step %while3A_967 iter_args(%while3A_982 = %while3A_966) -> (vector<16xf32>)  : i32 {
          %get3A_983 = arith.index_cast %while3A_981 : i32 to index
          %get3A_984 = arith.constant 0 : index
          %get3A_985 = tpu.vector_load %arg10[%get3A_983, %get3A_984] {strides = array<i32>} : memref<2048x16xf32, #tpu.memory_space<vmem>>, vector<16xf32>,
          %add3A_986 = arith.addf %while3A_982, %get3A_985 : vector<16xf32>
          scf.yield %add3A_986 : vector<16xf32>
        }
        %sub3A_969 = arith.subi %squeeze3A_912, %squeeze3A_910 : i32
        %convert_element_type3A = arith.sitofp %sub3A_969 : i32 to f32
        %broadcast_in_dim3A_970 = arith.constant 1.000000e+00 : f32
        %broadcast_in_dim3A_971 = vector.broadcast %broadcast_in_dim3A_970 : f32 to vector<16xf32>
        %mul3A_972 = vector.broadcast %convert_element_type3A : f32 to vector<16xf32>
        %mul3A_973 = arith.mulf %broadcast_in_dim3A_971, %mul3A_972 : vector<16xf32>
        %max3A_974 = arith.constant 1.000000e+00 : f32
        %max3A_975 = vector.broadcast %max3A_974 : f32 to vector<16xf32>
        %max3A_976 = arith.maximumf %mul3A_973, %max3A_975 : vector<16xf32>
        %div3A_977 = arith.divf %while3A_968, %max3A_976 : vector<16xf32>
        %add3A_978 = arith.addf %div3A_977, %get3A_3 : vector<16xf32>
        %swap3A = arith.index_cast %while3A_904 : i32 to index
        %swap3A_979 = arith.constant 0 : index
        %swap3A_980 = tpu.vector_load %arg12[%swap3A, %swap3A_979] {strides = array<i32>} : memref<128x16xf32, #tpu.memory_space<vmem>>, vector<16xf32>,
        tpu.vector_store %arg12[%swap3A, %swap3A_979], %add3A_978 {strides = array<i32>} : memref<128x16xf32, #tpu.memory_space<vmem>>, vector<16xf32>,
        scf.yield %squeeze3A_912, %broadcast_in_dim3A_4 : i32, vector<16xf32>
      }
      %while3A_513 = arith.constant 1 : i32
      %while3A_514:2 = scf.for %while3A_904 = %while3A_510 to %while3A_506 step %while3A_513 iter_args(%while3A_905 = %while3A_512#0, %while3A_906 = %while3A_512#1) -> (i32, vector<16xf32>)  : i32 {
        %get3A_907 = arith.index_cast %while3A_904 : i32 to index
        %get3A_908 = tpu.vector_load %arg7[%get3A_907] {strides = array<i32>} : memref<144xi32, #tpu.memory_space<vmem>>, vector<16xi32>,
        %slice3A_909 = vector.extract_strided_slice %get3A_908 {offsets = [0], sizes = [1], strides = [1]} : vector<16xi32> to vector<1xi32>
        %squeeze3A_910 = vector.extract %slice3A_909[0] : i32 from vector<1xi32>
        %slice3A_911 = vector.extract_strided_slice %get3A_908 {offsets = [1], sizes = [1], strides = [1]} : vector<16xi32> to vector<1xi32>
        %squeeze3A_912 = vector.extract %slice3A_911[0] : i32 from vector<1xi32>
        %sub3A_913 = arith.subi %while3A_905, %multiple_of3A_393 : i32
        %sub3A_914 = arith.subi %squeeze3A_912, %multiple_of3A_393 : i32
        %sub3A_915 = arith.subi %sub3A_914, %sub3A_913 : i32
        %max3A_916 = arith.constant 0 : i32
        %max3A_917 = arith.maxsi %sub3A_915, %max3A_916 : i32
        %jit3A_918 = arith.constant 8 : i32
        %div3A_919 = arith.divsi %max3A_917, %jit3A_918 : i32
        %sign3A_920 = arith.constant 0 : i32
        %sign3A_921 = arith.cmpi sgt, %max3A_917, %sign3A_920 : i32
        %sign3A_922 = arith.extui %sign3A_921 : i1 to i32
        %sign3A_923 = arith.constant 0 : i32
        %sign3A_924 = arith.cmpi slt, %max3A_917, %sign3A_923 : i32
        %sign3A_925 = arith.extui %sign3A_924 : i1 to i32
        %sign3A_926 = arith.subi %sign3A_922, %sign3A_925 : i32
        %sign3A_927 = arith.constant 0 : i32
        %sign3A_928 = arith.cmpi sgt, %jit3A_918, %sign3A_927 : i32
        %sign3A_929 = arith.extui %sign3A_928 : i1 to i32
        %sign3A_930 = arith.constant 0 : i32
        %sign3A_931 = arith.cmpi slt, %jit3A_918, %sign3A_930 : i32
        %sign3A_932 = arith.extui %sign3A_931 : i1 to i32
        %sign3A_933 = arith.subi %sign3A_929, %sign3A_932 : i32
        %ne3A_934 = arith.cmpi ne, %sign3A_926, %sign3A_933 : i32
        %rem3A_935 = arith.remsi %max3A_917, %jit3A_918 : i32
        %ne3A_936 = arith.constant 0 : i32
        %ne3A_937 = arith.cmpi ne, %rem3A_935, %ne3A_936 : i32
        %and3A_938 = arith.andi %ne3A_934, %ne3A_937 : i1
        %sub3A_939 = arith.constant 1 : i32
        %sub3A_940 = arith.subi %div3A_919, %sub3A_939 : i32
        %select_n3A_941 = arith.select %and3A_938, %sub3A_940, %div3A_919 : i32
        %while3A_942 = arith.constant 0 : i32
        %while3A_943 = arith.subi %select_n3A_941, %while3A_942 : i32
        %while3A_944 = arith.addi %while3A_942, %while3A_943 : i32
        %while3A_945 = arith.constant 1 : i32
        %while3A_946 = arith.divsi %while3A_943, %while3A_945 : i32
        %while3A_947 = arith.muli %while3A_946, %while3A_945 : i32
        %while3A_948 = arith.addi %while3A_942, %while3A_947 : i32
        %while3A_949 = arith.constant 1 : i32
        %while3A_950:4 = scf.for %while3A_981 = %while3A_942 to %while3A_948 step %while3A_949 iter_args(%while3A_982 = %while3A_906, %while3A_983 = %broadcast_in_dim3A_4, %while3A_984 = %broadcast_in_dim3A_4, %while3A_985 = %broadcast_in_dim3A_4) -> (vector<16xf32>, vector<16xf32>, vector<16xf32>, vector<16xf32>)  : i32 {
          %mul3A_986 = arith.constant 8 : i32
          %mul3A_987 = arith.muli %while3A_981, %mul3A_986 : i32
          %add3A_988 = arith.addi %sub3A_913, %mul3A_987 : i32
          %get3A_989 = arith.index_cast %add3A_988 : i32 to index
          %get3A_990 = arith.constant 0 : index
          %get3A_991 = tpu.vector_load %arg10[%get3A_989, %get3A_990] {strides = array<i32>} : memref<2048x16xf32, #tpu.memory_space<vmem>>, vector<16xf32>,
          %add3A_992 = arith.addf %while3A_982, %get3A_991 : vector<16xf32>
          %add3A_993 = arith.constant 1 : i32
          %add3A_994 = arith.addi %add3A_988, %add3A_993 : i32
          %get3A_995 = arith.index_cast %add3A_994 : i32 to index
          %get3A_996 = arith.constant 0 : index
          %get3A_997 = tpu.vector_load %arg10[%get3A_995, %get3A_996] {strides = array<i32>} : memref<2048x16xf32, #tpu.memory_space<vmem>>, vector<16xf32>,
          %add3A_998 = arith.addf %while3A_983, %get3A_997 : vector<16xf32>
          %add3A_999 = arith.constant 2 : i32
          %add3A_1000 = arith.addi %add3A_988, %add3A_999 : i32
          %get3A_1001 = arith.index_cast %add3A_1000 : i32 to index
          %get3A_1002 = arith.constant 0 : index
          %get3A_1003 = tpu.vector_load %arg10[%get3A_1001, %get3A_1002] {strides = array<i32>} : memref<2048x16xf32, #tpu.memory_space<vmem>>, vector<16xf32>,
          %add3A_1004 = arith.addf %while3A_984, %get3A_1003 : vector<16xf32>
          %add3A_1005 = arith.constant 3 : i32
          %add3A_1006 = arith.addi %add3A_988, %add3A_1005 : i32
          %get3A_1007 = arith.index_cast %add3A_1006 : i32 to index
          %get3A_1008 = arith.constant 0 : index
          %get3A_1009 = tpu.vector_load %arg10[%get3A_1007, %get3A_1008] {strides = array<i32>} : memref<2048x16xf32, #tpu.memory_space<vmem>>, vector<16xf32>,
          %add3A_1010 = arith.addf %while3A_985, %get3A_1009 : vector<16xf32>
          %add3A_1011 = arith.constant 4 : i32
          %add3A_1012 = arith.addi %add3A_988, %add3A_1011 : i32
          %get3A_1013 = arith.index_cast %add3A_1012 : i32 to index
          %get3A_1014 = arith.constant 0 : index
          %get3A_1015 = tpu.vector_load %arg10[%get3A_1013, %get3A_1014] {strides = array<i32>} : memref<2048x16xf32, #tpu.memory_space<vmem>>, vector<16xf32>,
          %add3A_1016 = arith.addf %add3A_992, %get3A_1015 : vector<16xf32>
          %add3A_1017 = arith.constant 5 : i32
          %add3A_1018 = arith.addi %add3A_988, %add3A_1017 : i32
          %get3A_1019 = arith.index_cast %add3A_1018 : i32 to index
          %get3A_1020 = arith.constant 0 : index
          %get3A_1021 = tpu.vector_load %arg10[%get3A_1019, %get3A_1020] {strides = array<i32>} : memref<2048x16xf32, #tpu.memory_space<vmem>>, vector<16xf32>,
          %add3A_1022 = arith.addf %add3A_998, %get3A_1021 : vector<16xf32>
          %add3A_1023 = arith.constant 6 : i32
          %add3A_1024 = arith.addi %add3A_988, %add3A_1023 : i32
          %get3A_1025 = arith.index_cast %add3A_1024 : i32 to index
          %get3A_1026 = arith.constant 0 : index
          %get3A_1027 = tpu.vector_load %arg10[%get3A_1025, %get3A_1026] {strides = array<i32>} : memref<2048x16xf32, #tpu.memory_space<vmem>>, vector<16xf32>,
          %add3A_1028 = arith.addf %add3A_1004, %get3A_1027 : vector<16xf32>
          %add3A_1029 = arith.constant 7 : i32
          %add3A_1030 = arith.addi %add3A_988, %add3A_1029 : i32
          %get3A_1031 = arith.index_cast %add3A_1030 : i32 to index
          %get3A_1032 = arith.constant 0 : index
          %get3A_1033 = tpu.vector_load %arg10[%get3A_1031, %get3A_1032] {strides = array<i32>} : memref<2048x16xf32, #tpu.memory_space<vmem>>, vector<16xf32>,
          %add3A_1034 = arith.addf %add3A_1010, %get3A_1033 : vector<16xf32>
          scf.yield %add3A_1016, %add3A_1022, %add3A_1028, %add3A_1034 : vector<16xf32>, vector<16xf32>, vector<16xf32>, vector<16xf32>
        }
        %while3A_951 = arith.constant 1 : i32
        %while3A_952:4 = scf.for %while3A_981 = %while3A_948 to %while3A_944 step %while3A_951 iter_args(%while3A_982 = %while3A_950#0, %while3A_983 = %while3A_950#1, %while3A_984 = %while3A_950#2, %while3A_985 = %while3A_950#3) -> (vector<16xf32>, vector<16xf32>, vector<16xf32>, vector<16xf32>)  : i32 {
          %mul3A_986 = arith.constant 8 : i32
          %mul3A_987 = arith.muli %while3A_981, %mul3A_986 : i32
          %add3A_988 = arith.addi %sub3A_913, %mul3A_987 : i32
          %get3A_989 = arith.index_cast %add3A_988 : i32 to index
          %get3A_990 = arith.constant 0 : index
          %get3A_991 = tpu.vector_load %arg10[%get3A_989, %get3A_990] {strides = array<i32>} : memref<2048x16xf32, #tpu.memory_space<vmem>>, vector<16xf32>,
          %add3A_992 = arith.addf %while3A_982, %get3A_991 : vector<16xf32>
          %add3A_993 = arith.constant 1 : i32
          %add3A_994 = arith.addi %add3A_988, %add3A_993 : i32
          %get3A_995 = arith.index_cast %add3A_994 : i32 to index
          %get3A_996 = arith.constant 0 : index
          %get3A_997 = tpu.vector_load %arg10[%get3A_995, %get3A_996] {strides = array<i32>} : memref<2048x16xf32, #tpu.memory_space<vmem>>, vector<16xf32>,
          %add3A_998 = arith.addf %while3A_983, %get3A_997 : vector<16xf32>
          %add3A_999 = arith.constant 2 : i32
          %add3A_1000 = arith.addi %add3A_988, %add3A_999 : i32
          %get3A_1001 = arith.index_cast %add3A_1000 : i32 to index
          %get3A_1002 = arith.constant 0 : index
          %get3A_1003 = tpu.vector_load %arg10[%get3A_1001, %get3A_1002] {strides = array<i32>} : memref<2048x16xf32, #tpu.memory_space<vmem>>, vector<16xf32>,
          %add3A_1004 = arith.addf %while3A_984, %get3A_1003 : vector<16xf32>
          %add3A_1005 = arith.constant 3 : i32
          %add3A_1006 = arith.addi %add3A_988, %add3A_1005 : i32
          %get3A_1007 = arith.index_cast %add3A_1006 : i32 to index
          %get3A_1008 = arith.constant 0 : index
          %get3A_1009 = tpu.vector_load %arg10[%get3A_1007, %get3A_1008] {strides = array<i32>} : memref<2048x16xf32, #tpu.memory_space<vmem>>, vector<16xf32>,
          %add3A_1010 = arith.addf %while3A_985, %get3A_1009 : vector<16xf32>
          %add3A_1011 = arith.constant 4 : i32
          %add3A_1012 = arith.addi %add3A_988, %add3A_1011 : i32
          %get3A_1013 = arith.index_cast %add3A_1012 : i32 to index
          %get3A_1014 = arith.constant 0 : index
          %get3A_1015 = tpu.vector_load %arg10[%get3A_1013, %get3A_1014] {strides = array<i32>} : memref<2048x16xf32, #tpu.memory_space<vmem>>, vector<16xf32>,
          %add3A_1016 = arith.addf %add3A_992, %get3A_1015 : vector<16xf32>
          %add3A_1017 = arith.constant 5 : i32
          %add3A_1018 = arith.addi %add3A_988, %add3A_1017 : i32
          %get3A_1019 = arith.index_cast %add3A_1018 : i32 to index
          %get3A_1020 = arith.constant 0 : index
          %get3A_1021 = tpu.vector_load %arg10[%get3A_1019, %get3A_1020] {strides = array<i32>} : memref<2048x16xf32, #tpu.memory_space<vmem>>, vector<16xf32>,
          %add3A_1022 = arith.addf %add3A_998, %get3A_1021 : vector<16xf32>
          %add3A_1023 = arith.constant 6 : i32
          %add3A_1024 = arith.addi %add3A_988, %add3A_1023 : i32
          %get3A_1025 = arith.index_cast %add3A_1024 : i32 to index
          %get3A_1026 = arith.constant 0 : index
          %get3A_1027 = tpu.vector_load %arg10[%get3A_1025, %get3A_1026] {strides = array<i32>} : memref<2048x16xf32, #tpu.memory_space<vmem>>, vector<16xf32>,
          %add3A_1028 = arith.addf %add3A_1004, %get3A_1027 : vector<16xf32>
          %add3A_1029 = arith.constant 7 : i32
          %add3A_1030 = arith.addi %add3A_988, %add3A_1029 : i32
          %get3A_1031 = arith.index_cast %add3A_1030 : i32 to index
          %get3A_1032 = arith.constant 0 : index
          %get3A_1033 = tpu.vector_load %arg10[%get3A_1031, %get3A_1032] {strides = array<i32>} : memref<2048x16xf32, #tpu.memory_space<vmem>>, vector<16xf32>,
          %add3A_1034 = arith.addf %add3A_1010, %get3A_1033 : vector<16xf32>
          scf.yield %add3A_1016, %add3A_1022, %add3A_1028, %add3A_1034 : vector<16xf32>, vector<16xf32>, vector<16xf32>, vector<16xf32>
        }
        %add3A_953 = arith.addf %while3A_952#0, %while3A_952#1 : vector<16xf32>
        %add3A_954 = arith.addf %while3A_952#2, %while3A_952#3 : vector<16xf32>
        %add3A_955 = arith.addf %add3A_953, %add3A_954 : vector<16xf32>
        %and3A_956 = arith.constant -8 : i32
        %and3A_957 = arith.andi %max3A_917, %and3A_956 : i32
        %add3A_958 = arith.addi %sub3A_913, %and3A_957 : i32
        %while3A_959 = arith.subi %sub3A_914, %add3A_958 : i32
        %while3A_960 = arith.addi %add3A_958, %while3A_959 : i32
        %while3A_961 = arith.constant 1 : i32
        %while3A_962 = arith.divsi %while3A_959, %while3A_961 : i32
        %while3A_963 = arith.muli %while3A_962, %while3A_961 : i32
        %while3A_964 = arith.addi %add3A_958, %while3A_963 : i32
        %while3A_965 = arith.constant 1 : i32
        %while3A_966 = scf.for %while3A_981 = %add3A_958 to %while3A_964 step %while3A_965 iter_args(%while3A_982 = %add3A_955) -> (vector<16xf32>)  : i32 {
          %get3A_983 = arith.index_cast %while3A_981 : i32 to index
          %get3A_984 = arith.constant 0 : index
          %get3A_985 = tpu.vector_load %arg10[%get3A_983, %get3A_984] {strides = array<i32>} : memref<2048x16xf32, #tpu.memory_space<vmem>>, vector<16xf32>,
          %add3A_986 = arith.addf %while3A_982, %get3A_985 : vector<16xf32>
          scf.yield %add3A_986 : vector<16xf32>
        }
        %while3A_967 = arith.constant 1 : i32
        %while3A_968 = scf.for %while3A_981 = %while3A_964 to %while3A_960 step %while3A_967 iter_args(%while3A_982 = %while3A_966) -> (vector<16xf32>)  : i32 {
          %get3A_983 = arith.index_cast %while3A_981 : i32 to index
          %get3A_984 = arith.constant 0 : index
          %get3A_985 = tpu.vector_load %arg10[%get3A_983, %get3A_984] {strides = array<i32>} : memref<2048x16xf32, #tpu.memory_space<vmem>>, vector<16xf32>,
          %add3A_986 = arith.addf %while3A_982, %get3A_985 : vector<16xf32>
          scf.yield %add3A_986 : vector<16xf32>
        }
        %sub3A_969 = arith.subi %squeeze3A_912, %squeeze3A_910 : i32
        %convert_element_type3A = arith.sitofp %sub3A_969 : i32 to f32
        %broadcast_in_dim3A_970 = arith.constant 1.000000e+00 : f32
        %broadcast_in_dim3A_971 = vector.broadcast %broadcast_in_dim3A_970 : f32 to vector<16xf32>
        %mul3A_972 = vector.broadcast %convert_element_type3A : f32 to vector<16xf32>
        %mul3A_973 = arith.mulf %broadcast_in_dim3A_971, %mul3A_972 : vector<16xf32>
        %max3A_974 = arith.constant 1.000000e+00 : f32
        %max3A_975 = vector.broadcast %max3A_974 : f32 to vector<16xf32>
        %max3A_976 = arith.maximumf %mul3A_973, %max3A_975 : vector<16xf32>
        %div3A_977 = arith.divf %while3A_968, %max3A_976 : vector<16xf32>
        %add3A_978 = arith.addf %div3A_977, %get3A_3 : vector<16xf32>
        %swap3A = arith.index_cast %while3A_904 : i32 to index
        %swap3A_979 = arith.constant 0 : index
        %swap3A_980 = tpu.vector_load %arg12[%swap3A, %swap3A_979] {strides = array<i32>} : memref<128x16xf32, #tpu.memory_space<vmem>>, vector<16xf32>,
        tpu.vector_store %arg12[%swap3A, %swap3A_979], %add3A_978 {strides = array<i32>} : memref<128x16xf32, #tpu.memory_space<vmem>>, vector<16xf32>,
        scf.yield %squeeze3A_912, %broadcast_in_dim3A_4 : i32, vector<16xf32>
      }
      %max3A_515 = arith.maxsi %while3A_514#0, %multiple_of3A_393 : i32
      %sub3A_516 = arith.subi %max3A_515, %multiple_of3A_393 : i32
      %sub3A_517 = arith.subi %min3A_396, %multiple_of3A_393 : i32
      %sub3A_518 = arith.subi %sub3A_517, %sub3A_516 : i32
      %max3A_519 = arith.constant 0 : i32
      %max3A_520 = arith.maxsi %sub3A_518, %max3A_519 : i32
      %jit3A_521 = arith.constant 8 : i32
      %div3A_522 = arith.divsi %max3A_520, %jit3A_521 : i32
      %sign3A_523 = arith.constant 0 : i32
      %sign3A_524 = arith.cmpi sgt, %max3A_520, %sign3A_523 : i32
      %sign3A_525 = arith.extui %sign3A_524 : i1 to i32
      %sign3A_526 = arith.constant 0 : i32
      %sign3A_527 = arith.cmpi slt, %max3A_520, %sign3A_526 : i32
      %sign3A_528 = arith.extui %sign3A_527 : i1 to i32
      %sign3A_529 = arith.subi %sign3A_525, %sign3A_528 : i32
      %sign3A_530 = arith.constant 0 : i32
      %sign3A_531 = arith.cmpi sgt, %jit3A_521, %sign3A_530 : i32
      %sign3A_532 = arith.extui %sign3A_531 : i1 to i32
      %sign3A_533 = arith.constant 0 : i32
      %sign3A_534 = arith.cmpi slt, %jit3A_521, %sign3A_533 : i32
      %sign3A_535 = arith.extui %sign3A_534 : i1 to i32
      %sign3A_536 = arith.subi %sign3A_532, %sign3A_535 : i32
      %ne3A_537 = arith.cmpi ne, %sign3A_529, %sign3A_536 : i32
      %rem3A_538 = arith.remsi %max3A_520, %jit3A_521 : i32
      %ne3A_539 = arith.constant 0 : i32
      %ne3A_540 = arith.cmpi ne, %rem3A_538, %ne3A_539 : i32
      %and3A_541 = arith.andi %ne3A_537, %ne3A_540 : i1
      %sub3A_542 = arith.constant 1 : i32
      %sub3A_543 = arith.subi %div3A_522, %sub3A_542 : i32
      %select_n3A_544 = arith.select %and3A_541, %sub3A_543, %div3A_522 : i32
      %while3A_545 = arith.constant 0 : i32
      %while3A_546 = arith.subi %select_n3A_544, %while3A_545 : i32
      %while3A_547 = arith.addi %while3A_545, %while3A_546 : i32
      %while3A_548 = arith.constant 1 : i32
      %while3A_549 = arith.divsi %while3A_546, %while3A_548 : i32
      %while3A_550 = arith.muli %while3A_549, %while3A_548 : i32
      %while3A_551 = arith.addi %while3A_545, %while3A_550 : i32
      %while3A_552 = arith.constant 1 : i32
      %while3A_553:4 = scf.for %while3A_904 = %while3A_545 to %while3A_551 step %while3A_552 iter_args(%while3A_905 = %while3A_514#1, %while3A_906 = %broadcast_in_dim3A_4, %while3A_907 = %broadcast_in_dim3A_4, %while3A_908 = %broadcast_in_dim3A_4) -> (vector<16xf32>, vector<16xf32>, vector<16xf32>, vector<16xf32>)  : i32 {
        %mul3A_909 = arith.constant 8 : i32
        %mul3A_910 = arith.muli %while3A_904, %mul3A_909 : i32
        %add3A_911 = arith.addi %sub3A_516, %mul3A_910 : i32
        %get3A_912 = arith.index_cast %add3A_911 : i32 to index
        %get3A_913 = arith.constant 0 : index
        %get3A_914 = tpu.vector_load %arg10[%get3A_912, %get3A_913] {strides = array<i32>} : memref<2048x16xf32, #tpu.memory_space<vmem>>, vector<16xf32>,
        %add3A_915 = arith.addf %while3A_905, %get3A_914 : vector<16xf32>
        %add3A_916 = arith.constant 1 : i32
        %add3A_917 = arith.addi %add3A_911, %add3A_916 : i32
        %get3A_918 = arith.index_cast %add3A_917 : i32 to index
        %get3A_919 = arith.constant 0 : index
        %get3A_920 = tpu.vector_load %arg10[%get3A_918, %get3A_919] {strides = array<i32>} : memref<2048x16xf32, #tpu.memory_space<vmem>>, vector<16xf32>,
        %add3A_921 = arith.addf %while3A_906, %get3A_920 : vector<16xf32>
        %add3A_922 = arith.constant 2 : i32
        %add3A_923 = arith.addi %add3A_911, %add3A_922 : i32
        %get3A_924 = arith.index_cast %add3A_923 : i32 to index
        %get3A_925 = arith.constant 0 : index
        %get3A_926 = tpu.vector_load %arg10[%get3A_924, %get3A_925] {strides = array<i32>} : memref<2048x16xf32, #tpu.memory_space<vmem>>, vector<16xf32>,
        %add3A_927 = arith.addf %while3A_907, %get3A_926 : vector<16xf32>
        %add3A_928 = arith.constant 3 : i32
        %add3A_929 = arith.addi %add3A_911, %add3A_928 : i32
        %get3A_930 = arith.index_cast %add3A_929 : i32 to index
        %get3A_931 = arith.constant 0 : index
        %get3A_932 = tpu.vector_load %arg10[%get3A_930, %get3A_931] {strides = array<i32>} : memref<2048x16xf32, #tpu.memory_space<vmem>>, vector<16xf32>,
        %add3A_933 = arith.addf %while3A_908, %get3A_932 : vector<16xf32>
        %add3A_934 = arith.constant 4 : i32
        %add3A_935 = arith.addi %add3A_911, %add3A_934 : i32
        %get3A_936 = arith.index_cast %add3A_935 : i32 to index
        %get3A_937 = arith.constant 0 : index
        %get3A_938 = tpu.vector_load %arg10[%get3A_936, %get3A_937] {strides = array<i32>} : memref<2048x16xf32, #tpu.memory_space<vmem>>, vector<16xf32>,
        %add3A_939 = arith.addf %add3A_915, %get3A_938 : vector<16xf32>
        %add3A_940 = arith.constant 5 : i32
        %add3A_941 = arith.addi %add3A_911, %add3A_940 : i32
        %get3A_942 = arith.index_cast %add3A_941 : i32 to index
        %get3A_943 = arith.constant 0 : index
        %get3A_944 = tpu.vector_load %arg10[%get3A_942, %get3A_943] {strides = array<i32>} : memref<2048x16xf32, #tpu.memory_space<vmem>>, vector<16xf32>,
        %add3A_945 = arith.addf %add3A_921, %get3A_944 : vector<16xf32>
        %add3A_946 = arith.constant 6 : i32
        %add3A_947 = arith.addi %add3A_911, %add3A_946 : i32
        %get3A_948 = arith.index_cast %add3A_947 : i32 to index
        %get3A_949 = arith.constant 0 : index
        %get3A_950 = tpu.vector_load %arg10[%get3A_948, %get3A_949] {strides = array<i32>} : memref<2048x16xf32, #tpu.memory_space<vmem>>, vector<16xf32>,
        %add3A_951 = arith.addf %add3A_927, %get3A_950 : vector<16xf32>
        %add3A_952 = arith.constant 7 : i32
        %add3A_953 = arith.addi %add3A_911, %add3A_952 : i32
        %get3A_954 = arith.index_cast %add3A_953 : i32 to index
        %get3A_955 = arith.constant 0 : index
        %get3A_956 = tpu.vector_load %arg10[%get3A_954, %get3A_955] {strides = array<i32>} : memref<2048x16xf32, #tpu.memory_space<vmem>>, vector<16xf32>,
        %add3A_957 = arith.addf %add3A_933, %get3A_956 : vector<16xf32>
        scf.yield %add3A_939, %add3A_945, %add3A_951, %add3A_957 : vector<16xf32>, vector<16xf32>, vector<16xf32>, vector<16xf32>
      }
      %while3A_554 = arith.constant 1 : i32
      %while3A_555:4 = scf.for %while3A_904 = %while3A_551 to %while3A_547 step %while3A_554 iter_args(%while3A_905 = %while3A_553#0, %while3A_906 = %while3A_553#1, %while3A_907 = %while3A_553#2, %while3A_908 = %while3A_553#3) -> (vector<16xf32>, vector<16xf32>, vector<16xf32>, vector<16xf32>)  : i32 {
        %mul3A_909 = arith.constant 8 : i32
        %mul3A_910 = arith.muli %while3A_904, %mul3A_909 : i32
        %add3A_911 = arith.addi %sub3A_516, %mul3A_910 : i32
        %get3A_912 = arith.index_cast %add3A_911 : i32 to index
        %get3A_913 = arith.constant 0 : index
        %get3A_914 = tpu.vector_load %arg10[%get3A_912, %get3A_913] {strides = array<i32>} : memref<2048x16xf32, #tpu.memory_space<vmem>>, vector<16xf32>,
        %add3A_915 = arith.addf %while3A_905, %get3A_914 : vector<16xf32>
        %add3A_916 = arith.constant 1 : i32
        %add3A_917 = arith.addi %add3A_911, %add3A_916 : i32
        %get3A_918 = arith.index_cast %add3A_917 : i32 to index
        %get3A_919 = arith.constant 0 : index
        %get3A_920 = tpu.vector_load %arg10[%get3A_918, %get3A_919] {strides = array<i32>} : memref<2048x16xf32, #tpu.memory_space<vmem>>, vector<16xf32>,
        %add3A_921 = arith.addf %while3A_906, %get3A_920 : vector<16xf32>
        %add3A_922 = arith.constant 2 : i32
        %add3A_923 = arith.addi %add3A_911, %add3A_922 : i32
        %get3A_924 = arith.index_cast %add3A_923 : i32 to index
        %get3A_925 = arith.constant 0 : index
        %get3A_926 = tpu.vector_load %arg10[%get3A_924, %get3A_925] {strides = array<i32>} : memref<2048x16xf32, #tpu.memory_space<vmem>>, vector<16xf32>,
        %add3A_927 = arith.addf %while3A_907, %get3A_926 : vector<16xf32>
        %add3A_928 = arith.constant 3 : i32
        %add3A_929 = arith.addi %add3A_911, %add3A_928 : i32
        %get3A_930 = arith.index_cast %add3A_929 : i32 to index
        %get3A_931 = arith.constant 0 : index
        %get3A_932 = tpu.vector_load %arg10[%get3A_930, %get3A_931] {strides = array<i32>} : memref<2048x16xf32, #tpu.memory_space<vmem>>, vector<16xf32>,
        %add3A_933 = arith.addf %while3A_908, %get3A_932 : vector<16xf32>
        %add3A_934 = arith.constant 4 : i32
        %add3A_935 = arith.addi %add3A_911, %add3A_934 : i32
        %get3A_936 = arith.index_cast %add3A_935 : i32 to index
        %get3A_937 = arith.constant 0 : index
        %get3A_938 = tpu.vector_load %arg10[%get3A_936, %get3A_937] {strides = array<i32>} : memref<2048x16xf32, #tpu.memory_space<vmem>>, vector<16xf32>,
        %add3A_939 = arith.addf %add3A_915, %get3A_938 : vector<16xf32>
        %add3A_940 = arith.constant 5 : i32
        %add3A_941 = arith.addi %add3A_911, %add3A_940 : i32
        %get3A_942 = arith.index_cast %add3A_941 : i32 to index
        %get3A_943 = arith.constant 0 : index
        %get3A_944 = tpu.vector_load %arg10[%get3A_942, %get3A_943] {strides = array<i32>} : memref<2048x16xf32, #tpu.memory_space<vmem>>, vector<16xf32>,
        %add3A_945 = arith.addf %add3A_921, %get3A_944 : vector<16xf32>
        %add3A_946 = arith.constant 6 : i32
        %add3A_947 = arith.addi %add3A_911, %add3A_946 : i32
        %get3A_948 = arith.index_cast %add3A_947 : i32 to index
        %get3A_949 = arith.constant 0 : index
        %get3A_950 = tpu.vector_load %arg10[%get3A_948, %get3A_949] {strides = array<i32>} : memref<2048x16xf32, #tpu.memory_space<vmem>>, vector<16xf32>,
        %add3A_951 = arith.addf %add3A_927, %get3A_950 : vector<16xf32>
        %add3A_952 = arith.constant 7 : i32
        %add3A_953 = arith.addi %add3A_911, %add3A_952 : i32
        %get3A_954 = arith.index_cast %add3A_953 : i32 to index
        %get3A_955 = arith.constant 0 : index
        %get3A_956 = tpu.vector_load %arg10[%get3A_954, %get3A_955] {strides = array<i32>} : memref<2048x16xf32, #tpu.memory_space<vmem>>, vector<16xf32>,
        %add3A_957 = arith.addf %add3A_933, %get3A_956 : vector<16xf32>
        scf.yield %add3A_939, %add3A_945, %add3A_951, %add3A_957 : vector<16xf32>, vector<16xf32>, vector<16xf32>, vector<16xf32>
      }
      %add3A_556 = arith.addf %while3A_555#0, %while3A_555#1 : vector<16xf32>
      %add3A_557 = arith.addf %while3A_555#2, %while3A_555#3 : vector<16xf32>
      %add3A_558 = arith.addf %add3A_556, %add3A_557 : vector<16xf32>
      %and3A_559 = arith.constant -8 : i32
      %and3A_560 = arith.andi %max3A_520, %and3A_559 : i32
      %add3A_561 = arith.addi %sub3A_516, %and3A_560 : i32
      %while3A_562 = arith.subi %sub3A_517, %add3A_561 : i32
      %while3A_563 = arith.addi %add3A_561, %while3A_562 : i32
      %while3A_564 = arith.constant 1 : i32
      %while3A_565 = arith.divsi %while3A_562, %while3A_564 : i32
      %while3A_566 = arith.muli %while3A_565, %while3A_564 : i32
      %while3A_567 = arith.addi %add3A_561, %while3A_566 : i32
      %while3A_568 = arith.constant 1 : i32
      %while3A_569 = scf.for %while3A_904 = %add3A_561 to %while3A_567 step %while3A_568 iter_args(%while3A_905 = %add3A_558) -> (vector<16xf32>)  : i32 {
        %get3A_906 = arith.index_cast %while3A_904 : i32 to index
        %get3A_907 = arith.constant 0 : index
        %get3A_908 = tpu.vector_load %arg10[%get3A_906, %get3A_907] {strides = array<i32>} : memref<2048x16xf32, #tpu.memory_space<vmem>>, vector<16xf32>,
        %add3A_909 = arith.addf %while3A_905, %get3A_908 : vector<16xf32>
        scf.yield %add3A_909 : vector<16xf32>
      }
      %while3A_570 = arith.constant 1 : i32
      %while3A_571 = scf.for %while3A_904 = %while3A_567 to %while3A_563 step %while3A_570 iter_args(%while3A_905 = %while3A_569) -> (vector<16xf32>)  : i32 {
        %get3A_906 = arith.index_cast %while3A_904 : i32 to index
        %get3A_907 = arith.constant 0 : index
        %get3A_908 = tpu.vector_load %arg10[%get3A_906, %get3A_907] {strides = array<i32>} : memref<2048x16xf32, #tpu.memory_space<vmem>>, vector<16xf32>,
        %add3A_909 = arith.addf %while3A_905, %get3A_908 : vector<16xf32>
        scf.yield %add3A_909 : vector<16xf32>
      }
      %add3A_572 = arith.constant 2 : i32
      %add3A_573 = arith.addi %mul3A_245, %add3A_572 : i32
      %mul3A_574 = arith.constant 2048 : i32
      %mul3A_575 = arith.muli %add3A_573, %mul3A_574 : i32
      %add3A_576 = arith.addi %and3A_11, %mul3A_575 : i32
      %min3A_577 = arith.constant 817152 : i32
      %min3A_578 = arith.minsi %add3A_576, %min3A_577 : i32
      %multiple_of3A_579 = tpu.assume_multiple %min3A_578, 8 : i32
      "tpu.region"() ({
        %run_scoped3A = tpu.sem_alloc : memref<!tpu.dma_semaphore, #tpu.memory_space<semaphore_mem>>
        %dma_start3A_904 = tpu.memref_slice %arg2[%multiple_of3A_579] : memref<819200xi32, #tpu.memory_space<hbm>> -> memref<2048xi32, #tpu.memory_space<hbm>>
        %dma_start3A_905 = tpu.memref_slice %arg2[%multiple_of3A_579] : memref<819200xi32, #tpu.memory_space<hbm>> -> memref<2048xi32, #tpu.memory_space<hbm>>
        tpu.enqueue_dma source(%dma_start3A_905 : memref<2048xi32, #tpu.memory_space<hbm>>) target(%arg8 : memref<2048xi32, #tpu.memory_space<vmem>>) target_semaphore(%run_scoped3A : memref<!tpu.dma_semaphore, #tpu.memory_space<semaphore_mem>>)
        %dma_wait3A_906 = tpu.memref_slice %arg2[%multiple_of3A_579] : memref<819200xi32, #tpu.memory_space<hbm>> -> memref<2048xi32, #tpu.memory_space<hbm>>
        %dma_wait3A_907 = tpu.memref_slice %arg2[%multiple_of3A_579] : memref<819200xi32, #tpu.memory_space<hbm>> -> memref<2048xi32, #tpu.memory_space<hbm>>
        tpu.wait_dma2 semaphore(%run_scoped3A : memref<!tpu.dma_semaphore, #tpu.memory_space<semaphore_mem>>) src(%dma_wait3A_907 : memref<2048xi32, #tpu.memory_space<hbm>>) dst(%arg8 : memref<2048xi32, #tpu.memory_space<vmem>>)
        tpu.yield
      }) : () -> ()
      %dma_start3A_580 = arith.constant 0 : i32
      %dma_start3A_581 = arith.constant 0 : i32
      %dma_start3A_582 = tpu.memref_slice %arg10[%dma_start3A_580, %dma_start3A_581] : memref<2048x16xf32, #tpu.memory_space<vmem>> -> memref<128x16xf32, #tpu.memory_space<vmem>>
      %dma_start3A_583 = arith.constant 0 : i32
      %dma_start3A_584 = tpu.memref_slice %arg8[%dma_start3A_583] : memref<2048xi32, #tpu.memory_space<vmem>> -> memref<128xi32, #tpu.memory_space<vmem>>
      %dma_start3A_585 = arith.constant 0 : i32
      %dma_start3A_586 = arith.constant 0 : i32
      %dma_start3A_587 = tpu.memref_slice %arg4[%dma_start3A_585, %dma_start3A_586] : memref<100000x16xf32, #tpu.memory_space<hbm>> -> memref<100000x16xf32, #tpu.memory_space<hbm>>
      tpu.enqueue_indirect_dma source(%dma_start3A_587 : memref<100000x16xf32, #tpu.memory_space<hbm>>) target(%dma_start3A_582 : memref<128x16xf32, #tpu.memory_space<vmem>>) offsets(%dma_start3A_584 : memref<128xi32, #tpu.memory_space<vmem>>) semaphore(%arg14 : memref<!tpu.dma_semaphore, #tpu.memory_space<semaphore_mem>>)
      %dma_start3A_588 = arith.constant 128 : i32
      %dma_start3A_589 = arith.constant 0 : i32
      %dma_start3A_590 = tpu.memref_slice %arg10[%dma_start3A_588, %dma_start3A_589] : memref<2048x16xf32, #tpu.memory_space<vmem>> -> memref<128x16xf32, #tpu.memory_space<vmem>>
      %dma_start3A_591 = arith.constant 128 : i32
      %dma_start3A_592 = tpu.memref_slice %arg8[%dma_start3A_591] : memref<2048xi32, #tpu.memory_space<vmem>> -> memref<128xi32, #tpu.memory_space<vmem>>
      %dma_start3A_593 = arith.constant 0 : i32
      %dma_start3A_594 = arith.constant 0 : i32
      %dma_start3A_595 = tpu.memref_slice %arg4[%dma_start3A_593, %dma_start3A_594] : memref<100000x16xf32, #tpu.memory_space<hbm>> -> memref<100000x16xf32, #tpu.memory_space<hbm>>
      tpu.enqueue_indirect_dma source(%dma_start3A_595 : memref<100000x16xf32, #tpu.memory_space<hbm>>) target(%dma_start3A_590 : memref<128x16xf32, #tpu.memory_space<vmem>>) offsets(%dma_start3A_592 : memref<128xi32, #tpu.memory_space<vmem>>) semaphore(%arg14 : memref<!tpu.dma_semaphore, #tpu.memory_space<semaphore_mem>>)
      %dma_start3A_596 = arith.constant 256 : i32
      %dma_start3A_597 = arith.constant 0 : i32
      %dma_start3A_598 = tpu.memref_slice %arg10[%dma_start3A_596, %dma_start3A_597] : memref<2048x16xf32, #tpu.memory_space<vmem>> -> memref<128x16xf32, #tpu.memory_space<vmem>>
      %dma_start3A_599 = arith.constant 256 : i32
      %dma_start3A_600 = tpu.memref_slice %arg8[%dma_start3A_599] : memref<2048xi32, #tpu.memory_space<vmem>> -> memref<128xi32, #tpu.memory_space<vmem>>
      %dma_start3A_601 = arith.constant 0 : i32
      %dma_start3A_602 = arith.constant 0 : i32
      %dma_start3A_603 = tpu.memref_slice %arg4[%dma_start3A_601, %dma_start3A_602] : memref<100000x16xf32, #tpu.memory_space<hbm>> -> memref<100000x16xf32, #tpu.memory_space<hbm>>
      tpu.enqueue_indirect_dma source(%dma_start3A_603 : memref<100000x16xf32, #tpu.memory_space<hbm>>) target(%dma_start3A_598 : memref<128x16xf32, #tpu.memory_space<vmem>>) offsets(%dma_start3A_600 : memref<128xi32, #tpu.memory_space<vmem>>) semaphore(%arg14 : memref<!tpu.dma_semaphore, #tpu.memory_space<semaphore_mem>>)
      %dma_start3A_604 = arith.constant 384 : i32
      %dma_start3A_605 = arith.constant 0 : i32
      %dma_start3A_606 = tpu.memref_slice %arg10[%dma_start3A_604, %dma_start3A_605] : memref<2048x16xf32, #tpu.memory_space<vmem>> -> memref<128x16xf32, #tpu.memory_space<vmem>>
      %dma_start3A_607 = arith.constant 384 : i32
      %dma_start3A_608 = tpu.memref_slice %arg8[%dma_start3A_607] : memref<2048xi32, #tpu.memory_space<vmem>> -> memref<128xi32, #tpu.memory_space<vmem>>
      %dma_start3A_609 = arith.constant 0 : i32
      %dma_start3A_610 = arith.constant 0 : i32
      %dma_start3A_611 = tpu.memref_slice %arg4[%dma_start3A_609, %dma_start3A_610] : memref<100000x16xf32, #tpu.memory_space<hbm>> -> memref<100000x16xf32, #tpu.memory_space<hbm>>
      tpu.enqueue_indirect_dma source(%dma_start3A_611 : memref<100000x16xf32, #tpu.memory_space<hbm>>) target(%dma_start3A_606 : memref<128x16xf32, #tpu.memory_space<vmem>>) offsets(%dma_start3A_608 : memref<128xi32, #tpu.memory_space<vmem>>) semaphore(%arg14 : memref<!tpu.dma_semaphore, #tpu.memory_space<semaphore_mem>>)
      %dma_start3A_612 = arith.constant 512 : i32
      %dma_start3A_613 = arith.constant 0 : i32
      %dma_start3A_614 = tpu.memref_slice %arg10[%dma_start3A_612, %dma_start3A_613] : memref<2048x16xf32, #tpu.memory_space<vmem>> -> memref<128x16xf32, #tpu.memory_space<vmem>>
      %dma_start3A_615 = arith.constant 512 : i32
      %dma_start3A_616 = tpu.memref_slice %arg8[%dma_start3A_615] : memref<2048xi32, #tpu.memory_space<vmem>> -> memref<128xi32, #tpu.memory_space<vmem>>
      %dma_start3A_617 = arith.constant 0 : i32
      %dma_start3A_618 = arith.constant 0 : i32
      %dma_start3A_619 = tpu.memref_slice %arg4[%dma_start3A_617, %dma_start3A_618] : memref<100000x16xf32, #tpu.memory_space<hbm>> -> memref<100000x16xf32, #tpu.memory_space<hbm>>
      tpu.enqueue_indirect_dma source(%dma_start3A_619 : memref<100000x16xf32, #tpu.memory_space<hbm>>) target(%dma_start3A_614 : memref<128x16xf32, #tpu.memory_space<vmem>>) offsets(%dma_start3A_616 : memref<128xi32, #tpu.memory_space<vmem>>) semaphore(%arg14 : memref<!tpu.dma_semaphore, #tpu.memory_space<semaphore_mem>>)
      %dma_start3A_620 = arith.constant 640 : i32
      %dma_start3A_621 = arith.constant 0 : i32
      %dma_start3A_622 = tpu.memref_slice %arg10[%dma_start3A_620, %dma_start3A_621] : memref<2048x16xf32, #tpu.memory_space<vmem>> -> memref<128x16xf32, #tpu.memory_space<vmem>>
      %dma_start3A_623 = arith.constant 640 : i32
      %dma_start3A_624 = tpu.memref_slice %arg8[%dma_start3A_623] : memref<2048xi32, #tpu.memory_space<vmem>> -> memref<128xi32, #tpu.memory_space<vmem>>
      %dma_start3A_625 = arith.constant 0 : i32
      %dma_start3A_626 = arith.constant 0 : i32
      %dma_start3A_627 = tpu.memref_slice %arg4[%dma_start3A_625, %dma_start3A_626] : memref<100000x16xf32, #tpu.memory_space<hbm>> -> memref<100000x16xf32, #tpu.memory_space<hbm>>
      tpu.enqueue_indirect_dma source(%dma_start3A_627 : memref<100000x16xf32, #tpu.memory_space<hbm>>) target(%dma_start3A_622 : memref<128x16xf32, #tpu.memory_space<vmem>>) offsets(%dma_start3A_624 : memref<128xi32, #tpu.memory_space<vmem>>) semaphore(%arg14 : memref<!tpu.dma_semaphore, #tpu.memory_space<semaphore_mem>>)
      %dma_start3A_628 = arith.constant 768 : i32
      %dma_start3A_629 = arith.constant 0 : i32
      %dma_start3A_630 = tpu.memref_slice %arg10[%dma_start3A_628, %dma_start3A_629] : memref<2048x16xf32, #tpu.memory_space<vmem>> -> memref<128x16xf32, #tpu.memory_space<vmem>>
      %dma_start3A_631 = arith.constant 768 : i32
      %dma_start3A_632 = tpu.memref_slice %arg8[%dma_start3A_631] : memref<2048xi32, #tpu.memory_space<vmem>> -> memref<128xi32, #tpu.memory_space<vmem>>
      %dma_start3A_633 = arith.constant 0 : i32
      %dma_start3A_634 = arith.constant 0 : i32
      %dma_start3A_635 = tpu.memref_slice %arg4[%dma_start3A_633, %dma_start3A_634] : memref<100000x16xf32, #tpu.memory_space<hbm>> -> memref<100000x16xf32, #tpu.memory_space<hbm>>
      tpu.enqueue_indirect_dma source(%dma_start3A_635 : memref<100000x16xf32, #tpu.memory_space<hbm>>) target(%dma_start3A_630 : memref<128x16xf32, #tpu.memory_space<vmem>>) offsets(%dma_start3A_632 : memref<128xi32, #tpu.memory_space<vmem>>) semaphore(%arg14 : memref<!tpu.dma_semaphore, #tpu.memory_space<semaphore_mem>>)
      %dma_start3A_636 = arith.constant 896 : i32
      %dma_start3A_637 = arith.constant 0 : i32
      %dma_start3A_638 = tpu.memref_slice %arg10[%dma_start3A_636, %dma_start3A_637] : memref<2048x16xf32, #tpu.memory_space<vmem>> -> memref<128x16xf32, #tpu.memory_space<vmem>>
      %dma_start3A_639 = arith.constant 896 : i32
      %dma_start3A_640 = tpu.memref_slice %arg8[%dma_start3A_639] : memref<2048xi32, #tpu.memory_space<vmem>> -> memref<128xi32, #tpu.memory_space<vmem>>
      %dma_start3A_641 = arith.constant 0 : i32
      %dma_start3A_642 = arith.constant 0 : i32
      %dma_start3A_643 = tpu.memref_slice %arg4[%dma_start3A_641, %dma_start3A_642] : memref<100000x16xf32, #tpu.memory_space<hbm>> -> memref<100000x16xf32, #tpu.memory_space<hbm>>
      tpu.enqueue_indirect_dma source(%dma_start3A_643 : memref<100000x16xf32, #tpu.memory_space<hbm>>) target(%dma_start3A_638 : memref<128x16xf32, #tpu.memory_space<vmem>>) offsets(%dma_start3A_640 : memref<128xi32, #tpu.memory_space<vmem>>) semaphore(%arg14 : memref<!tpu.dma_semaphore, #tpu.memory_space<semaphore_mem>>)
      %dma_start3A_644 = arith.constant 1024 : i32
      %dma_start3A_645 = arith.constant 0 : i32
      %dma_start3A_646 = tpu.memref_slice %arg10[%dma_start3A_644, %dma_start3A_645] : memref<2048x16xf32, #tpu.memory_space<vmem>> -> memref<128x16xf32, #tpu.memory_space<vmem>>
      %dma_start3A_647 = arith.constant 1024 : i32
      %dma_start3A_648 = tpu.memref_slice %arg8[%dma_start3A_647] : memref<2048xi32, #tpu.memory_space<vmem>> -> memref<128xi32, #tpu.memory_space<vmem>>
      %dma_start3A_649 = arith.constant 0 : i32
      %dma_start3A_650 = arith.constant 0 : i32
      %dma_start3A_651 = tpu.memref_slice %arg4[%dma_start3A_649, %dma_start3A_650] : memref<100000x16xf32, #tpu.memory_space<hbm>> -> memref<100000x16xf32, #tpu.memory_space<hbm>>
      tpu.enqueue_indirect_dma source(%dma_start3A_651 : memref<100000x16xf32, #tpu.memory_space<hbm>>) target(%dma_start3A_646 : memref<128x16xf32, #tpu.memory_space<vmem>>) offsets(%dma_start3A_648 : memref<128xi32, #tpu.memory_space<vmem>>) semaphore(%arg14 : memref<!tpu.dma_semaphore, #tpu.memory_space<semaphore_mem>>)
      %dma_start3A_652 = arith.constant 1152 : i32
      %dma_start3A_653 = arith.constant 0 : i32
      %dma_start3A_654 = tpu.memref_slice %arg10[%dma_start3A_652, %dma_start3A_653] : memref<2048x16xf32, #tpu.memory_space<vmem>> -> memref<128x16xf32, #tpu.memory_space<vmem>>
      %dma_start3A_655 = arith.constant 1152 : i32
      %dma_start3A_656 = tpu.memref_slice %arg8[%dma_start3A_655] : memref<2048xi32, #tpu.memory_space<vmem>> -> memref<128xi32, #tpu.memory_space<vmem>>
      %dma_start3A_657 = arith.constant 0 : i32
      %dma_start3A_658 = arith.constant 0 : i32
      %dma_start3A_659 = tpu.memref_slice %arg4[%dma_start3A_657, %dma_start3A_658] : memref<100000x16xf32, #tpu.memory_space<hbm>> -> memref<100000x16xf32, #tpu.memory_space<hbm>>
      tpu.enqueue_indirect_dma source(%dma_start3A_659 : memref<100000x16xf32, #tpu.memory_space<hbm>>) target(%dma_start3A_654 : memref<128x16xf32, #tpu.memory_space<vmem>>) offsets(%dma_start3A_656 : memref<128xi32, #tpu.memory_space<vmem>>) semaphore(%arg14 : memref<!tpu.dma_semaphore, #tpu.memory_space<semaphore_mem>>)
      %dma_start3A_660 = arith.constant 1280 : i32
      %dma_start3A_661 = arith.constant 0 : i32
      %dma_start3A_662 = tpu.memref_slice %arg10[%dma_start3A_660, %dma_start3A_661] : memref<2048x16xf32, #tpu.memory_space<vmem>> -> memref<128x16xf32, #tpu.memory_space<vmem>>
      %dma_start3A_663 = arith.constant 1280 : i32
      %dma_start3A_664 = tpu.memref_slice %arg8[%dma_start3A_663] : memref<2048xi32, #tpu.memory_space<vmem>> -> memref<128xi32, #tpu.memory_space<vmem>>
      %dma_start3A_665 = arith.constant 0 : i32
      %dma_start3A_666 = arith.constant 0 : i32
      %dma_start3A_667 = tpu.memref_slice %arg4[%dma_start3A_665, %dma_start3A_666] : memref<100000x16xf32, #tpu.memory_space<hbm>> -> memref<100000x16xf32, #tpu.memory_space<hbm>>
      tpu.enqueue_indirect_dma source(%dma_start3A_667 : memref<100000x16xf32, #tpu.memory_space<hbm>>) target(%dma_start3A_662 : memref<128x16xf32, #tpu.memory_space<vmem>>) offsets(%dma_start3A_664 : memref<128xi32, #tpu.memory_space<vmem>>) semaphore(%arg14 : memref<!tpu.dma_semaphore, #tpu.memory_space<semaphore_mem>>)
      %dma_start3A_668 = arith.constant 1408 : i32
      %dma_start3A_669 = arith.constant 0 : i32
      %dma_start3A_670 = tpu.memref_slice %arg10[%dma_start3A_668, %dma_start3A_669] : memref<2048x16xf32, #tpu.memory_space<vmem>> -> memref<128x16xf32, #tpu.memory_space<vmem>>
      %dma_start3A_671 = arith.constant 1408 : i32
      %dma_start3A_672 = tpu.memref_slice %arg8[%dma_start3A_671] : memref<2048xi32, #tpu.memory_space<vmem>> -> memref<128xi32, #tpu.memory_space<vmem>>
      %dma_start3A_673 = arith.constant 0 : i32
      %dma_start3A_674 = arith.constant 0 : i32
      %dma_start3A_675 = tpu.memref_slice %arg4[%dma_start3A_673, %dma_start3A_674] : memref<100000x16xf32, #tpu.memory_space<hbm>> -> memref<100000x16xf32, #tpu.memory_space<hbm>>
      tpu.enqueue_indirect_dma source(%dma_start3A_675 : memref<100000x16xf32, #tpu.memory_space<hbm>>) target(%dma_start3A_670 : memref<128x16xf32, #tpu.memory_space<vmem>>) offsets(%dma_start3A_672 : memref<128xi32, #tpu.memory_space<vmem>>) semaphore(%arg14 : memref<!tpu.dma_semaphore, #tpu.memory_space<semaphore_mem>>)
      %dma_start3A_676 = arith.constant 1536 : i32
      %dma_start3A_677 = arith.constant 0 : i32
      %dma_start3A_678 = tpu.memref_slice %arg10[%dma_start3A_676, %dma_start3A_677] : memref<2048x16xf32, #tpu.memory_space<vmem>> -> memref<128x16xf32, #tpu.memory_space<vmem>>
      %dma_start3A_679 = arith.constant 1536 : i32
      %dma_start3A_680 = tpu.memref_slice %arg8[%dma_start3A_679] : memref<2048xi32, #tpu.memory_space<vmem>> -> memref<128xi32, #tpu.memory_space<vmem>>
      %dma_start3A_681 = arith.constant 0 : i32
      %dma_start3A_682 = arith.constant 0 : i32
      %dma_start3A_683 = tpu.memref_slice %arg4[%dma_start3A_681, %dma_start3A_682] : memref<100000x16xf32, #tpu.memory_space<hbm>> -> memref<100000x16xf32, #tpu.memory_space<hbm>>
      tpu.enqueue_indirect_dma source(%dma_start3A_683 : memref<100000x16xf32, #tpu.memory_space<hbm>>) target(%dma_start3A_678 : memref<128x16xf32, #tpu.memory_space<vmem>>) offsets(%dma_start3A_680 : memref<128xi32, #tpu.memory_space<vmem>>) semaphore(%arg14 : memref<!tpu.dma_semaphore, #tpu.memory_space<semaphore_mem>>)
      %dma_start3A_684 = arith.constant 1664 : i32
      %dma_start3A_685 = arith.constant 0 : i32
      %dma_start3A_686 = tpu.memref_slice %arg10[%dma_start3A_684, %dma_start3A_685] : memref<2048x16xf32, #tpu.memory_space<vmem>> -> memref<128x16xf32, #tpu.memory_space<vmem>>
      %dma_start3A_687 = arith.constant 1664 : i32
      %dma_start3A_688 = tpu.memref_slice %arg8[%dma_start3A_687] : memref<2048xi32, #tpu.memory_space<vmem>> -> memref<128xi32, #tpu.memory_space<vmem>>
      %dma_start3A_689 = arith.constant 0 : i32
      %dma_start3A_690 = arith.constant 0 : i32
      %dma_start3A_691 = tpu.memref_slice %arg4[%dma_start3A_689, %dma_start3A_690] : memref<100000x16xf32, #tpu.memory_space<hbm>> -> memref<100000x16xf32, #tpu.memory_space<hbm>>
      tpu.enqueue_indirect_dma source(%dma_start3A_691 : memref<100000x16xf32, #tpu.memory_space<hbm>>) target(%dma_start3A_686 : memref<128x16xf32, #tpu.memory_space<vmem>>) offsets(%dma_start3A_688 : memref<128xi32, #tpu.memory_space<vmem>>) semaphore(%arg14 : memref<!tpu.dma_semaphore, #tpu.memory_space<semaphore_mem>>)
      %dma_start3A_692 = arith.constant 1792 : i32
      %dma_start3A_693 = arith.constant 0 : i32
      %dma_start3A_694 = tpu.memref_slice %arg10[%dma_start3A_692, %dma_start3A_693] : memref<2048x16xf32, #tpu.memory_space<vmem>> -> memref<128x16xf32, #tpu.memory_space<vmem>>
      %dma_start3A_695 = arith.constant 1792 : i32
      %dma_start3A_696 = tpu.memref_slice %arg8[%dma_start3A_695] : memref<2048xi32, #tpu.memory_space<vmem>> -> memref<128xi32, #tpu.memory_space<vmem>>
      %dma_start3A_697 = arith.constant 0 : i32
      %dma_start3A_698 = arith.constant 0 : i32
      %dma_start3A_699 = tpu.memref_slice %arg4[%dma_start3A_697, %dma_start3A_698] : memref<100000x16xf32, #tpu.memory_space<hbm>> -> memref<100000x16xf32, #tpu.memory_space<hbm>>
      tpu.enqueue_indirect_dma source(%dma_start3A_699 : memref<100000x16xf32, #tpu.memory_space<hbm>>) target(%dma_start3A_694 : memref<128x16xf32, #tpu.memory_space<vmem>>) offsets(%dma_start3A_696 : memref<128xi32, #tpu.memory_space<vmem>>) semaphore(%arg14 : memref<!tpu.dma_semaphore, #tpu.memory_space<semaphore_mem>>)
      %dma_start3A_700 = arith.constant 1920 : i32
      %dma_start3A_701 = arith.constant 0 : i32
      %dma_start3A_702 = tpu.memref_slice %arg10[%dma_start3A_700, %dma_start3A_701] : memref<2048x16xf32, #tpu.memory_space<vmem>> -> memref<128x16xf32, #tpu.memory_space<vmem>>
      %dma_start3A_703 = arith.constant 1920 : i32
      %dma_start3A_704 = tpu.memref_slice %arg8[%dma_start3A_703] : memref<2048xi32, #tpu.memory_space<vmem>> -> memref<128xi32, #tpu.memory_space<vmem>>
      %dma_start3A_705 = arith.constant 0 : i32
      %dma_start3A_706 = arith.constant 0 : i32
      %dma_start3A_707 = tpu.memref_slice %arg4[%dma_start3A_705, %dma_start3A_706] : memref<100000x16xf32, #tpu.memory_space<hbm>> -> memref<100000x16xf32, #tpu.memory_space<hbm>>
      tpu.enqueue_indirect_dma source(%dma_start3A_707 : memref<100000x16xf32, #tpu.memory_space<hbm>>) target(%dma_start3A_702 : memref<128x16xf32, #tpu.memory_space<vmem>>) offsets(%dma_start3A_704 : memref<128xi32, #tpu.memory_space<vmem>>) semaphore(%arg14 : memref<!tpu.dma_semaphore, #tpu.memory_space<semaphore_mem>>)
      %dma_wait3A_708 = arith.constant 0 : i32
      %dma_wait3A_709 = arith.constant 0 : i32
      %dma_wait3A_710 = tpu.memref_slice %arg4[%dma_wait3A_708, %dma_wait3A_709] : memref<100000x16xf32, #tpu.memory_space<hbm>> -> memref<2048x16xf32, #tpu.memory_space<hbm>>
      %dma_wait3A_711 = arith.constant 0 : i32
      %dma_wait3A_712 = arith.constant 0 : i32
      %dma_wait3A_713 = tpu.memref_slice %arg4[%dma_wait3A_711, %dma_wait3A_712] : memref<100000x16xf32, #tpu.memory_space<hbm>> -> memref<2048x16xf32, #tpu.memory_space<hbm>>
      tpu.wait_dma2 semaphore(%arg15 : memref<!tpu.dma_semaphore, #tpu.memory_space<semaphore_mem>>) src(%dma_wait3A_713 : memref<2048x16xf32, #tpu.memory_space<hbm>>) dst(%arg11 : memref<2048x16xf32, #tpu.memory_space<vmem>>)
      %add3A_714 = arith.constant 1 : i32
      %add3A_715 = arith.addi %mul3A_245, %add3A_714 : i32
      %mul3A_716 = arith.constant 2048 : i32
      %mul3A_717 = arith.muli %add3A_715, %mul3A_716 : i32
      %add3A_718 = arith.addi %and3A_11, %mul3A_717 : i32
      %min3A_719 = arith.constant 817152 : i32
      %min3A_720 = arith.minsi %add3A_718, %min3A_719 : i32
      %multiple_of3A_721 = tpu.assume_multiple %min3A_720, 8 : i32
      %add3A_722 = arith.constant 2048 : i32
      %add3A_723 = arith.addi %multiple_of3A_721, %add3A_722 : i32
      %min3A_724 = arith.minsi %add3A_723, %squeeze3A_10 : i32
      %get3A_725 = arith.constant 0 : index
      %get3A_726 = tpu.vector_load %arg7[%get3A_725] {strides = array<i32>} : memref<144xi32, #tpu.memory_space<vmem>>, vector<16xi32>,
      %le3A_727 = vector.broadcast %min3A_724 : i32 to vector<16xi32>
      %le3A_728 = arith.cmpi sle, %get3A_726, %le3A_727 : vector<16xi32>
      %lt3A_729 = arith.constant 129 : i32
      %lt3A_730 = vector.broadcast %lt3A_729 : i32 to vector<16xi32>
      %lt3A_731 = arith.cmpi slt, %iota3A, %lt3A_730 : vector<16xi32>
      %and3A_732 = arith.andi %le3A_728, %lt3A_731 : vector<16xi1>
      %all_reduce_population_count3A_733 = tpu.all_reduce %and3A_732 {dim = 0 : i64, kind = #tpu.reduction_kind<sum>} : vector<16xi1> -> vector<16xi32>
      %slice3A_734 = vector.extract_strided_slice %all_reduce_population_count3A_733 {offsets = [0], sizes = [1], strides = [1]} : vector<16xi32> to vector<1xi32>
      %squeeze3A_735 = vector.extract %slice3A_734[0] : i32 from vector<1xi32>
      %add3A_736 = arith.constant 0 : i32
      %add3A_737 = arith.addi %add3A_736, %squeeze3A_735 : i32
      %get3A_738 = arith.constant 16 : index
      %get3A_739 = tpu.vector_load %arg7[%get3A_738] {strides = array<i32>} : memref<144xi32, #tpu.memory_space<vmem>>, vector<16xi32>,
      %le3A_740 = vector.broadcast %min3A_724 : i32 to vector<16xi32>
      %le3A_741 = arith.cmpi sle, %get3A_739, %le3A_740 : vector<16xi32>
      %lt3A_742 = arith.constant 113 : i32
      %lt3A_743 = vector.broadcast %lt3A_742 : i32 to vector<16xi32>
      %lt3A_744 = arith.cmpi slt, %iota3A, %lt3A_743 : vector<16xi32>
      %and3A_745 = arith.andi %le3A_741, %lt3A_744 : vector<16xi1>
      %all_reduce_population_count3A_746 = tpu.all_reduce %and3A_745 {dim = 0 : i64, kind = #tpu.reduction_kind<sum>} : vector<16xi1> -> vector<16xi32>
      %slice3A_747 = vector.extract_strided_slice %all_reduce_population_count3A_746 {offsets = [0], sizes = [1], strides = [1]} : vector<16xi32> to vector<1xi32>
      %squeeze3A_748 = vector.extract %slice3A_747[0] : i32 from vector<1xi32>
      %add3A_749 = arith.addi %add3A_737, %squeeze3A_748 : i32
      %get3A_750 = arith.constant 32 : index
      %get3A_751 = tpu.vector_load %arg7[%get3A_750] {strides = array<i32>} : memref<144xi32, #tpu.memory_space<vmem>>, vector<16xi32>,
      %le3A_752 = vector.broadcast %min3A_724 : i32 to vector<16xi32>
      %le3A_753 = arith.cmpi sle, %get3A_751, %le3A_752 : vector<16xi32>
      %lt3A_754 = arith.constant 97 : i32
      %lt3A_755 = vector.broadcast %lt3A_754 : i32 to vector<16xi32>
      %lt3A_756 = arith.cmpi slt, %iota3A, %lt3A_755 : vector<16xi32>
      %and3A_757 = arith.andi %le3A_753, %lt3A_756 : vector<16xi1>
      %all_reduce_population_count3A_758 = tpu.all_reduce %and3A_757 {dim = 0 : i64, kind = #tpu.reduction_kind<sum>} : vector<16xi1> -> vector<16xi32>
      %slice3A_759 = vector.extract_strided_slice %all_reduce_population_count3A_758 {offsets = [0], sizes = [1], strides = [1]} : vector<16xi32> to vector<1xi32>
      %squeeze3A_760 = vector.extract %slice3A_759[0] : i32 from vector<1xi32>
      %add3A_761 = arith.addi %add3A_749, %squeeze3A_760 : i32
      %get3A_762 = arith.constant 48 : index
      %get3A_763 = tpu.vector_load %arg7[%get3A_762] {strides = array<i32>} : memref<144xi32, #tpu.memory_space<vmem>>, vector<16xi32>,
      %le3A_764 = vector.broadcast %min3A_724 : i32 to vector<16xi32>
      %le3A_765 = arith.cmpi sle, %get3A_763, %le3A_764 : vector<16xi32>
      %lt3A_766 = arith.constant 81 : i32
      %lt3A_767 = vector.broadcast %lt3A_766 : i32 to vector<16xi32>
      %lt3A_768 = arith.cmpi slt, %iota3A, %lt3A_767 : vector<16xi32>
      %and3A_769 = arith.andi %le3A_765, %lt3A_768 : vector<16xi1>
      %all_reduce_population_count3A_770 = tpu.all_reduce %and3A_769 {dim = 0 : i64, kind = #tpu.reduction_kind<sum>} : vector<16xi1> -> vector<16xi32>
      %slice3A_771 = vector.extract_strided_slice %all_reduce_population_count3A_770 {offsets = [0], sizes = [1], strides = [1]} : vector<16xi32> to vector<1xi32>
      %squeeze3A_772 = vector.extract %slice3A_771[0] : i32 from vector<1xi32>
      %add3A_773 = arith.addi %add3A_761, %squeeze3A_772 : i32
      %get3A_774 = arith.constant 64 : index
      %get3A_775 = tpu.vector_load %arg7[%get3A_774] {strides = array<i32>} : memref<144xi32, #tpu.memory_space<vmem>>, vector<16xi32>,
      %le3A_776 = vector.broadcast %min3A_724 : i32 to vector<16xi32>
      %le3A_777 = arith.cmpi sle, %get3A_775, %le3A_776 : vector<16xi32>
      %lt3A_778 = arith.constant 65 : i32
      %lt3A_779 = vector.broadcast %lt3A_778 : i32 to vector<16xi32>
      %lt3A_780 = arith.cmpi slt, %iota3A, %lt3A_779 : vector<16xi32>
      %and3A_781 = arith.andi %le3A_777, %lt3A_780 : vector<16xi1>
      %all_reduce_population_count3A_782 = tpu.all_reduce %and3A_781 {dim = 0 : i64, kind = #tpu.reduction_kind<sum>} : vector<16xi1> -> vector<16xi32>
      %slice3A_783 = vector.extract_strided_slice %all_reduce_population_count3A_782 {offsets = [0], sizes = [1], strides = [1]} : vector<16xi32> to vector<1xi32>
      %squeeze3A_784 = vector.extract %slice3A_783[0] : i32 from vector<1xi32>
      %add3A_785 = arith.addi %add3A_773, %squeeze3A_784 : i32
      %get3A_786 = arith.constant 80 : index
      %get3A_787 = tpu.vector_load %arg7[%get3A_786] {strides = array<i32>} : memref<144xi32, #tpu.memory_space<vmem>>, vector<16xi32>,
      %le3A_788 = vector.broadcast %min3A_724 : i32 to vector<16xi32>
      %le3A_789 = arith.cmpi sle, %get3A_787, %le3A_788 : vector<16xi32>
      %lt3A_790 = arith.constant 49 : i32
      %lt3A_791 = vector.broadcast %lt3A_790 : i32 to vector<16xi32>
      %lt3A_792 = arith.cmpi slt, %iota3A, %lt3A_791 : vector<16xi32>
      %and3A_793 = arith.andi %le3A_789, %lt3A_792 : vector<16xi1>
      %all_reduce_population_count3A_794 = tpu.all_reduce %and3A_793 {dim = 0 : i64, kind = #tpu.reduction_kind<sum>} : vector<16xi1> -> vector<16xi32>
      %slice3A_795 = vector.extract_strided_slice %all_reduce_population_count3A_794 {offsets = [0], sizes = [1], strides = [1]} : vector<16xi32> to vector<1xi32>
      %squeeze3A_796 = vector.extract %slice3A_795[0] : i32 from vector<1xi32>
      %add3A_797 = arith.addi %add3A_785, %squeeze3A_796 : i32
      %get3A_798 = arith.constant 96 : index
      %get3A_799 = tpu.vector_load %arg7[%get3A_798] {strides = array<i32>} : memref<144xi32, #tpu.memory_space<vmem>>, vector<16xi32>,
      %le3A_800 = vector.broadcast %min3A_724 : i32 to vector<16xi32>
      %le3A_801 = arith.cmpi sle, %get3A_799, %le3A_800 : vector<16xi32>
      %lt3A_802 = arith.constant 33 : i32
      %lt3A_803 = vector.broadcast %lt3A_802 : i32 to vector<16xi32>
      %lt3A_804 = arith.cmpi slt, %iota3A, %lt3A_803 : vector<16xi32>
      %and3A_805 = arith.andi %le3A_801, %lt3A_804 : vector<16xi1>
      %all_reduce_population_count3A_806 = tpu.all_reduce %and3A_805 {dim = 0 : i64, kind = #tpu.reduction_kind<sum>} : vector<16xi1> -> vector<16xi32>
      %slice3A_807 = vector.extract_strided_slice %all_reduce_population_count3A_806 {offsets = [0], sizes = [1], strides = [1]} : vector<16xi32> to vector<1xi32>
      %squeeze3A_808 = vector.extract %slice3A_807[0] : i32 from vector<1xi32>
      %add3A_809 = arith.addi %add3A_797, %squeeze3A_808 : i32
      %get3A_810 = arith.constant 112 : index
      %get3A_811 = tpu.vector_load %arg7[%get3A_810] {strides = array<i32>} : memref<144xi32, #tpu.memory_space<vmem>>, vector<16xi32>,
      %le3A_812 = vector.broadcast %min3A_724 : i32 to vector<16xi32>
      %le3A_813 = arith.cmpi sle, %get3A_811, %le3A_812 : vector<16xi32>
      %lt3A_814 = arith.constant 17 : i32
      %lt3A_815 = vector.broadcast %lt3A_814 : i32 to vector<16xi32>
      %lt3A_816 = arith.cmpi slt, %iota3A, %lt3A_815 : vector<16xi32>
      %and3A_817 = arith.andi %le3A_813, %lt3A_816 : vector<16xi1>
      %all_reduce_population_count3A_818 = tpu.all_reduce %and3A_817 {dim = 0 : i64, kind = #tpu.reduction_kind<sum>} : vector<16xi1> -> vector<16xi32>
      %slice3A_819 = vector.extract_strided_slice %all_reduce_population_count3A_818 {offsets = [0], sizes = [1], strides = [1]} : vector<16xi32> to vector<1xi32>
      %squeeze3A_820 = vector.extract %slice3A_819[0] : i32 from vector<1xi32>
      %add3A_821 = arith.addi %add3A_809, %squeeze3A_820 : i32
      %get3A_822 = arith.constant 128 : index
      %get3A_823 = tpu.vector_load %arg7[%get3A_822] {strides = array<i32>} : memref<144xi32, #tpu.memory_space<vmem>>, vector<16xi32>,
      %le3A_824 = vector.broadcast %min3A_724 : i32 to vector<16xi32>
      %le3A_825 = arith.cmpi sle, %get3A_823, %le3A_824 : vector<16xi32>
      %lt3A_826 = arith.constant 1 : i32
      %lt3A_827 = vector.broadcast %lt3A_826 : i32 to vector<16xi32>
      %lt3A_828 = arith.cmpi slt, %iota3A, %lt3A_827 : vector<16xi32>
      %and3A_829 = arith.andi %le3A_825, %lt3A_828 : vector<16xi1>
      %all_reduce_population_count3A_830 = tpu.all_reduce %and3A_829 {dim = 0 : i64, kind = #tpu.reduction_kind<sum>} : vector<16xi1> -> vector<16xi32>
      %slice3A_831 = vector.extract_strided_slice %all_reduce_population_count3A_830 {offsets = [0], sizes = [1], strides = [1]} : vector<16xi32> to vector<1xi32>
      %squeeze3A_832 = vector.extract %slice3A_831[0] : i32 from vector<1xi32>
      %add3A_833 = arith.addi %add3A_821, %squeeze3A_832 : i32
      %sub3A_834 = arith.constant 1 : i32
      %sub3A_835 = arith.subi %add3A_833, %sub3A_834 : i32
      %max3A_836 = arith.maxsi %min3A_396, %multiple_of3A_721 : i32
      %while3A_837 = arith.subi %sub3A_835, %sub3A_504 : i32
      %while3A_838 = arith.addi %sub3A_504, %while3A_837 : i32
      %while3A_839 = arith.constant 1 : i32
      %while3A_840 = arith.divsi %while3A_837, %while3A_839 : i32
      %while3A_841 = arith.muli %while3A_840, %while3A_839 : i32
      %while3A_842 = arith.addi %sub3A_504, %while3A_841 : i32
      %while3A_843 = arith.constant 1 : i32
      %while3A_844:2 = scf.for %while3A_904 = %sub3A_504 to %while3A_842 step %while3A_843 iter_args(%while3A_905 = %max3A_836, %while3A_906 = %while3A_571) -> (i32, vector<16xf32>)  : i32 {
        %get3A_907 = arith.index_cast %while3A_904 : i32 to index
        %get3A_908 = tpu.vector_load %arg7[%get3A_907] {strides = array<i32>} : memref<144xi32, #tpu.memory_space<vmem>>, vector<16xi32>,
        %slice3A_909 = vector.extract_strided_slice %get3A_908 {offsets = [0], sizes = [1], strides = [1]} : vector<16xi32> to vector<1xi32>
        %squeeze3A_910 = vector.extract %slice3A_909[0] : i32 from vector<1xi32>
        %slice3A_911 = vector.extract_strided_slice %get3A_908 {offsets = [1], sizes = [1], strides = [1]} : vector<16xi32> to vector<1xi32>
        %squeeze3A_912 = vector.extract %slice3A_911[0] : i32 from vector<1xi32>
        %sub3A_913 = arith.subi %while3A_905, %multiple_of3A_721 : i32
        %sub3A_914 = arith.subi %squeeze3A_912, %multiple_of3A_721 : i32
        %sub3A_915 = arith.subi %sub3A_914, %sub3A_913 : i32
        %max3A_916 = arith.constant 0 : i32
        %max3A_917 = arith.maxsi %sub3A_915, %max3A_916 : i32
        %jit3A_918 = arith.constant 8 : i32
        %div3A_919 = arith.divsi %max3A_917, %jit3A_918 : i32
        %sign3A_920 = arith.constant 0 : i32
        %sign3A_921 = arith.cmpi sgt, %max3A_917, %sign3A_920 : i32
        %sign3A_922 = arith.extui %sign3A_921 : i1 to i32
        %sign3A_923 = arith.constant 0 : i32
        %sign3A_924 = arith.cmpi slt, %max3A_917, %sign3A_923 : i32
        %sign3A_925 = arith.extui %sign3A_924 : i1 to i32
        %sign3A_926 = arith.subi %sign3A_922, %sign3A_925 : i32
        %sign3A_927 = arith.constant 0 : i32
        %sign3A_928 = arith.cmpi sgt, %jit3A_918, %sign3A_927 : i32
        %sign3A_929 = arith.extui %sign3A_928 : i1 to i32
        %sign3A_930 = arith.constant 0 : i32
        %sign3A_931 = arith.cmpi slt, %jit3A_918, %sign3A_930 : i32
        %sign3A_932 = arith.extui %sign3A_931 : i1 to i32
        %sign3A_933 = arith.subi %sign3A_929, %sign3A_932 : i32
        %ne3A_934 = arith.cmpi ne, %sign3A_926, %sign3A_933 : i32
        %rem3A_935 = arith.remsi %max3A_917, %jit3A_918 : i32
        %ne3A_936 = arith.constant 0 : i32
        %ne3A_937 = arith.cmpi ne, %rem3A_935, %ne3A_936 : i32
        %and3A_938 = arith.andi %ne3A_934, %ne3A_937 : i1
        %sub3A_939 = arith.constant 1 : i32
        %sub3A_940 = arith.subi %div3A_919, %sub3A_939 : i32
        %select_n3A_941 = arith.select %and3A_938, %sub3A_940, %div3A_919 : i32
        %while3A_942 = arith.constant 0 : i32
        %while3A_943 = arith.subi %select_n3A_941, %while3A_942 : i32
        %while3A_944 = arith.addi %while3A_942, %while3A_943 : i32
        %while3A_945 = arith.constant 1 : i32
        %while3A_946 = arith.divsi %while3A_943, %while3A_945 : i32
        %while3A_947 = arith.muli %while3A_946, %while3A_945 : i32
        %while3A_948 = arith.addi %while3A_942, %while3A_947 : i32
        %while3A_949 = arith.constant 1 : i32
        %while3A_950:4 = scf.for %while3A_981 = %while3A_942 to %while3A_948 step %while3A_949 iter_args(%while3A_982 = %while3A_906, %while3A_983 = %broadcast_in_dim3A_4, %while3A_984 = %broadcast_in_dim3A_4, %while3A_985 = %broadcast_in_dim3A_4) -> (vector<16xf32>, vector<16xf32>, vector<16xf32>, vector<16xf32>)  : i32 {
          %mul3A_986 = arith.constant 8 : i32
          %mul3A_987 = arith.muli %while3A_981, %mul3A_986 : i32
          %add3A_988 = arith.addi %sub3A_913, %mul3A_987 : i32
          %get3A_989 = arith.index_cast %add3A_988 : i32 to index
          %get3A_990 = arith.constant 0 : index
          %get3A_991 = tpu.vector_load %arg11[%get3A_989, %get3A_990] {strides = array<i32>} : memref<2048x16xf32, #tpu.memory_space<vmem>>, vector<16xf32>,
          %add3A_992 = arith.addf %while3A_982, %get3A_991 : vector<16xf32>
          %add3A_993 = arith.constant 1 : i32
          %add3A_994 = arith.addi %add3A_988, %add3A_993 : i32
          %get3A_995 = arith.index_cast %add3A_994 : i32 to index
          %get3A_996 = arith.constant 0 : index
          %get3A_997 = tpu.vector_load %arg11[%get3A_995, %get3A_996] {strides = array<i32>} : memref<2048x16xf32, #tpu.memory_space<vmem>>, vector<16xf32>,
          %add3A_998 = arith.addf %while3A_983, %get3A_997 : vector<16xf32>
          %add3A_999 = arith.constant 2 : i32
          %add3A_1000 = arith.addi %add3A_988, %add3A_999 : i32
          %get3A_1001 = arith.index_cast %add3A_1000 : i32 to index
          %get3A_1002 = arith.constant 0 : index
          %get3A_1003 = tpu.vector_load %arg11[%get3A_1001, %get3A_1002] {strides = array<i32>} : memref<2048x16xf32, #tpu.memory_space<vmem>>, vector<16xf32>,
          %add3A_1004 = arith.addf %while3A_984, %get3A_1003 : vector<16xf32>
          %add3A_1005 = arith.constant 3 : i32
          %add3A_1006 = arith.addi %add3A_988, %add3A_1005 : i32
          %get3A_1007 = arith.index_cast %add3A_1006 : i32 to index
          %get3A_1008 = arith.constant 0 : index
          %get3A_1009 = tpu.vector_load %arg11[%get3A_1007, %get3A_1008] {strides = array<i32>} : memref<2048x16xf32, #tpu.memory_space<vmem>>, vector<16xf32>,
          %add3A_1010 = arith.addf %while3A_985, %get3A_1009 : vector<16xf32>
          %add3A_1011 = arith.constant 4 : i32
          %add3A_1012 = arith.addi %add3A_988, %add3A_1011 : i32
          %get3A_1013 = arith.index_cast %add3A_1012 : i32 to index
          %get3A_1014 = arith.constant 0 : index
          %get3A_1015 = tpu.vector_load %arg11[%get3A_1013, %get3A_1014] {strides = array<i32>} : memref<2048x16xf32, #tpu.memory_space<vmem>>, vector<16xf32>,
          %add3A_1016 = arith.addf %add3A_992, %get3A_1015 : vector<16xf32>
          %add3A_1017 = arith.constant 5 : i32
          %add3A_1018 = arith.addi %add3A_988, %add3A_1017 : i32
          %get3A_1019 = arith.index_cast %add3A_1018 : i32 to index
          %get3A_1020 = arith.constant 0 : index
          %get3A_1021 = tpu.vector_load %arg11[%get3A_1019, %get3A_1020] {strides = array<i32>} : memref<2048x16xf32, #tpu.memory_space<vmem>>, vector<16xf32>,
          %add3A_1022 = arith.addf %add3A_998, %get3A_1021 : vector<16xf32>
          %add3A_1023 = arith.constant 6 : i32
          %add3A_1024 = arith.addi %add3A_988, %add3A_1023 : i32
          %get3A_1025 = arith.index_cast %add3A_1024 : i32 to index
          %get3A_1026 = arith.constant 0 : index
          %get3A_1027 = tpu.vector_load %arg11[%get3A_1025, %get3A_1026] {strides = array<i32>} : memref<2048x16xf32, #tpu.memory_space<vmem>>, vector<16xf32>,
          %add3A_1028 = arith.addf %add3A_1004, %get3A_1027 : vector<16xf32>
          %add3A_1029 = arith.constant 7 : i32
          %add3A_1030 = arith.addi %add3A_988, %add3A_1029 : i32
          %get3A_1031 = arith.index_cast %add3A_1030 : i32 to index
          %get3A_1032 = arith.constant 0 : index
          %get3A_1033 = tpu.vector_load %arg11[%get3A_1031, %get3A_1032] {strides = array<i32>} : memref<2048x16xf32, #tpu.memory_space<vmem>>, vector<16xf32>,
          %add3A_1034 = arith.addf %add3A_1010, %get3A_1033 : vector<16xf32>
          scf.yield %add3A_1016, %add3A_1022, %add3A_1028, %add3A_1034 : vector<16xf32>, vector<16xf32>, vector<16xf32>, vector<16xf32>
        }
        %while3A_951 = arith.constant 1 : i32
        %while3A_952:4 = scf.for %while3A_981 = %while3A_948 to %while3A_944 step %while3A_951 iter_args(%while3A_982 = %while3A_950#0, %while3A_983 = %while3A_950#1, %while3A_984 = %while3A_950#2, %while3A_985 = %while3A_950#3) -> (vector<16xf32>, vector<16xf32>, vector<16xf32>, vector<16xf32>)  : i32 {
          %mul3A_986 = arith.constant 8 : i32
          %mul3A_987 = arith.muli %while3A_981, %mul3A_986 : i32
          %add3A_988 = arith.addi %sub3A_913, %mul3A_987 : i32
          %get3A_989 = arith.index_cast %add3A_988 : i32 to index
          %get3A_990 = arith.constant 0 : index
          %get3A_991 = tpu.vector_load %arg11[%get3A_989, %get3A_990] {strides = array<i32>} : memref<2048x16xf32, #tpu.memory_space<vmem>>, vector<16xf32>,
          %add3A_992 = arith.addf %while3A_982, %get3A_991 : vector<16xf32>
          %add3A_993 = arith.constant 1 : i32
          %add3A_994 = arith.addi %add3A_988, %add3A_993 : i32
          %get3A_995 = arith.index_cast %add3A_994 : i32 to index
          %get3A_996 = arith.constant 0 : index
          %get3A_997 = tpu.vector_load %arg11[%get3A_995, %get3A_996] {strides = array<i32>} : memref<2048x16xf32, #tpu.memory_space<vmem>>, vector<16xf32>,
          %add3A_998 = arith.addf %while3A_983, %get3A_997 : vector<16xf32>
          %add3A_999 = arith.constant 2 : i32
          %add3A_1000 = arith.addi %add3A_988, %add3A_999 : i32
          %get3A_1001 = arith.index_cast %add3A_1000 : i32 to index
          %get3A_1002 = arith.constant 0 : index
          %get3A_1003 = tpu.vector_load %arg11[%get3A_1001, %get3A_1002] {strides = array<i32>} : memref<2048x16xf32, #tpu.memory_space<vmem>>, vector<16xf32>,
          %add3A_1004 = arith.addf %while3A_984, %get3A_1003 : vector<16xf32>
          %add3A_1005 = arith.constant 3 : i32
          %add3A_1006 = arith.addi %add3A_988, %add3A_1005 : i32
          %get3A_1007 = arith.index_cast %add3A_1006 : i32 to index
          %get3A_1008 = arith.constant 0 : index
          %get3A_1009 = tpu.vector_load %arg11[%get3A_1007, %get3A_1008] {strides = array<i32>} : memref<2048x16xf32, #tpu.memory_space<vmem>>, vector<16xf32>,
          %add3A_1010 = arith.addf %while3A_985, %get3A_1009 : vector<16xf32>
          %add3A_1011 = arith.constant 4 : i32
          %add3A_1012 = arith.addi %add3A_988, %add3A_1011 : i32
          %get3A_1013 = arith.index_cast %add3A_1012 : i32 to index
          %get3A_1014 = arith.constant 0 : index
          %get3A_1015 = tpu.vector_load %arg11[%get3A_1013, %get3A_1014] {strides = array<i32>} : memref<2048x16xf32, #tpu.memory_space<vmem>>, vector<16xf32>,
          %add3A_1016 = arith.addf %add3A_992, %get3A_1015 : vector<16xf32>
          %add3A_1017 = arith.constant 5 : i32
          %add3A_1018 = arith.addi %add3A_988, %add3A_1017 : i32
          %get3A_1019 = arith.index_cast %add3A_1018 : i32 to index
          %get3A_1020 = arith.constant 0 : index
          %get3A_1021 = tpu.vector_load %arg11[%get3A_1019, %get3A_1020] {strides = array<i32>} : memref<2048x16xf32, #tpu.memory_space<vmem>>, vector<16xf32>,
          %add3A_1022 = arith.addf %add3A_998, %get3A_1021 : vector<16xf32>
          %add3A_1023 = arith.constant 6 : i32
          %add3A_1024 = arith.addi %add3A_988, %add3A_1023 : i32
          %get3A_1025 = arith.index_cast %add3A_1024 : i32 to index
          %get3A_1026 = arith.constant 0 : index
          %get3A_1027 = tpu.vector_load %arg11[%get3A_1025, %get3A_1026] {strides = array<i32>} : memref<2048x16xf32, #tpu.memory_space<vmem>>, vector<16xf32>,
          %add3A_1028 = arith.addf %add3A_1004, %get3A_1027 : vector<16xf32>
          %add3A_1029 = arith.constant 7 : i32
          %add3A_1030 = arith.addi %add3A_988, %add3A_1029 : i32
          %get3A_1031 = arith.index_cast %add3A_1030 : i32 to index
          %get3A_1032 = arith.constant 0 : index
          %get3A_1033 = tpu.vector_load %arg11[%get3A_1031, %get3A_1032] {strides = array<i32>} : memref<2048x16xf32, #tpu.memory_space<vmem>>, vector<16xf32>,
          %add3A_1034 = arith.addf %add3A_1010, %get3A_1033 : vector<16xf32>
          scf.yield %add3A_1016, %add3A_1022, %add3A_1028, %add3A_1034 : vector<16xf32>, vector<16xf32>, vector<16xf32>, vector<16xf32>
        }
        %add3A_953 = arith.addf %while3A_952#0, %while3A_952#1 : vector<16xf32>
        %add3A_954 = arith.addf %while3A_952#2, %while3A_952#3 : vector<16xf32>
        %add3A_955 = arith.addf %add3A_953, %add3A_954 : vector<16xf32>
        %and3A_956 = arith.constant -8 : i32
        %and3A_957 = arith.andi %max3A_917, %and3A_956 : i32
        %add3A_958 = arith.addi %sub3A_913, %and3A_957 : i32
        %while3A_959 = arith.subi %sub3A_914, %add3A_958 : i32
        %while3A_960 = arith.addi %add3A_958, %while3A_959 : i32
        %while3A_961 = arith.constant 1 : i32
        %while3A_962 = arith.divsi %while3A_959, %while3A_961 : i32
        %while3A_963 = arith.muli %while3A_962, %while3A_961 : i32
        %while3A_964 = arith.addi %add3A_958, %while3A_963 : i32
        %while3A_965 = arith.constant 1 : i32
        %while3A_966 = scf.for %while3A_981 = %add3A_958 to %while3A_964 step %while3A_965 iter_args(%while3A_982 = %add3A_955) -> (vector<16xf32>)  : i32 {
          %get3A_983 = arith.index_cast %while3A_981 : i32 to index
          %get3A_984 = arith.constant 0 : index
          %get3A_985 = tpu.vector_load %arg11[%get3A_983, %get3A_984] {strides = array<i32>} : memref<2048x16xf32, #tpu.memory_space<vmem>>, vector<16xf32>,
          %add3A_986 = arith.addf %while3A_982, %get3A_985 : vector<16xf32>
          scf.yield %add3A_986 : vector<16xf32>
        }
        %while3A_967 = arith.constant 1 : i32
        %while3A_968 = scf.for %while3A_981 = %while3A_964 to %while3A_960 step %while3A_967 iter_args(%while3A_982 = %while3A_966) -> (vector<16xf32>)  : i32 {
          %get3A_983 = arith.index_cast %while3A_981 : i32 to index
          %get3A_984 = arith.constant 0 : index
          %get3A_985 = tpu.vector_load %arg11[%get3A_983, %get3A_984] {strides = array<i32>} : memref<2048x16xf32, #tpu.memory_space<vmem>>, vector<16xf32>,
          %add3A_986 = arith.addf %while3A_982, %get3A_985 : vector<16xf32>
          scf.yield %add3A_986 : vector<16xf32>
        }
        %sub3A_969 = arith.subi %squeeze3A_912, %squeeze3A_910 : i32
        %convert_element_type3A = arith.sitofp %sub3A_969 : i32 to f32
        %broadcast_in_dim3A_970 = arith.constant 1.000000e+00 : f32
        %broadcast_in_dim3A_971 = vector.broadcast %broadcast_in_dim3A_970 : f32 to vector<16xf32>
        %mul3A_972 = vector.broadcast %convert_element_type3A : f32 to vector<16xf32>
        %mul3A_973 = arith.mulf %broadcast_in_dim3A_971, %mul3A_972 : vector<16xf32>
        %max3A_974 = arith.constant 1.000000e+00 : f32
        %max3A_975 = vector.broadcast %max3A_974 : f32 to vector<16xf32>
        %max3A_976 = arith.maximumf %mul3A_973, %max3A_975 : vector<16xf32>
        %div3A_977 = arith.divf %while3A_968, %max3A_976 : vector<16xf32>
        %add3A_978 = arith.addf %div3A_977, %get3A_3 : vector<16xf32>
        %swap3A = arith.index_cast %while3A_904 : i32 to index
        %swap3A_979 = arith.constant 0 : index
        %swap3A_980 = tpu.vector_load %arg12[%swap3A, %swap3A_979] {strides = array<i32>} : memref<128x16xf32, #tpu.memory_space<vmem>>, vector<16xf32>,
        tpu.vector_store %arg12[%swap3A, %swap3A_979], %add3A_978 {strides = array<i32>} : memref<128x16xf32, #tpu.memory_space<vmem>>, vector<16xf32>,
        scf.yield %squeeze3A_912, %broadcast_in_dim3A_4 : i32, vector<16xf32>
      }
      %while3A_845 = arith.constant 1 : i32
      %while3A_846:2 = scf.for %while3A_904 = %while3A_842 to %while3A_838 step %while3A_845 iter_args(%while3A_905 = %while3A_844#0, %while3A_906 = %while3A_844#1) -> (i32, vector<16xf32>)  : i32 {
        %get3A_907 = arith.index_cast %while3A_904 : i32 to index
        %get3A_908 = tpu.vector_load %arg7[%get3A_907] {strides = array<i32>} : memref<144xi32, #tpu.memory_space<vmem>>, vector<16xi32>,
        %slice3A_909 = vector.extract_strided_slice %get3A_908 {offsets = [0], sizes = [1], strides = [1]} : vector<16xi32> to vector<1xi32>
        %squeeze3A_910 = vector.extract %slice3A_909[0] : i32 from vector<1xi32>
        %slice3A_911 = vector.extract_strided_slice %get3A_908 {offsets = [1], sizes = [1], strides = [1]} : vector<16xi32> to vector<1xi32>
        %squeeze3A_912 = vector.extract %slice3A_911[0] : i32 from vector<1xi32>
        %sub3A_913 = arith.subi %while3A_905, %multiple_of3A_721 : i32
        %sub3A_914 = arith.subi %squeeze3A_912, %multiple_of3A_721 : i32
        %sub3A_915 = arith.subi %sub3A_914, %sub3A_913 : i32
        %max3A_916 = arith.constant 0 : i32
        %max3A_917 = arith.maxsi %sub3A_915, %max3A_916 : i32
        %jit3A_918 = arith.constant 8 : i32
        %div3A_919 = arith.divsi %max3A_917, %jit3A_918 : i32
        %sign3A_920 = arith.constant 0 : i32
        %sign3A_921 = arith.cmpi sgt, %max3A_917, %sign3A_920 : i32
        %sign3A_922 = arith.extui %sign3A_921 : i1 to i32
        %sign3A_923 = arith.constant 0 : i32
        %sign3A_924 = arith.cmpi slt, %max3A_917, %sign3A_923 : i32
        %sign3A_925 = arith.extui %sign3A_924 : i1 to i32
        %sign3A_926 = arith.subi %sign3A_922, %sign3A_925 : i32
        %sign3A_927 = arith.constant 0 : i32
        %sign3A_928 = arith.cmpi sgt, %jit3A_918, %sign3A_927 : i32
        %sign3A_929 = arith.extui %sign3A_928 : i1 to i32
        %sign3A_930 = arith.constant 0 : i32
        %sign3A_931 = arith.cmpi slt, %jit3A_918, %sign3A_930 : i32
        %sign3A_932 = arith.extui %sign3A_931 : i1 to i32
        %sign3A_933 = arith.subi %sign3A_929, %sign3A_932 : i32
        %ne3A_934 = arith.cmpi ne, %sign3A_926, %sign3A_933 : i32
        %rem3A_935 = arith.remsi %max3A_917, %jit3A_918 : i32
        %ne3A_936 = arith.constant 0 : i32
        %ne3A_937 = arith.cmpi ne, %rem3A_935, %ne3A_936 : i32
        %and3A_938 = arith.andi %ne3A_934, %ne3A_937 : i1
        %sub3A_939 = arith.constant 1 : i32
        %sub3A_940 = arith.subi %div3A_919, %sub3A_939 : i32
        %select_n3A_941 = arith.select %and3A_938, %sub3A_940, %div3A_919 : i32
        %while3A_942 = arith.constant 0 : i32
        %while3A_943 = arith.subi %select_n3A_941, %while3A_942 : i32
        %while3A_944 = arith.addi %while3A_942, %while3A_943 : i32
        %while3A_945 = arith.constant 1 : i32
        %while3A_946 = arith.divsi %while3A_943, %while3A_945 : i32
        %while3A_947 = arith.muli %while3A_946, %while3A_945 : i32
        %while3A_948 = arith.addi %while3A_942, %while3A_947 : i32
        %while3A_949 = arith.constant 1 : i32
        %while3A_950:4 = scf.for %while3A_981 = %while3A_942 to %while3A_948 step %while3A_949 iter_args(%while3A_982 = %while3A_906, %while3A_983 = %broadcast_in_dim3A_4, %while3A_984 = %broadcast_in_dim3A_4, %while3A_985 = %broadcast_in_dim3A_4) -> (vector<16xf32>, vector<16xf32>, vector<16xf32>, vector<16xf32>)  : i32 {
          %mul3A_986 = arith.constant 8 : i32
          %mul3A_987 = arith.muli %while3A_981, %mul3A_986 : i32
          %add3A_988 = arith.addi %sub3A_913, %mul3A_987 : i32
          %get3A_989 = arith.index_cast %add3A_988 : i32 to index
          %get3A_990 = arith.constant 0 : index
          %get3A_991 = tpu.vector_load %arg11[%get3A_989, %get3A_990] {strides = array<i32>} : memref<2048x16xf32, #tpu.memory_space<vmem>>, vector<16xf32>,
          %add3A_992 = arith.addf %while3A_982, %get3A_991 : vector<16xf32>
          %add3A_993 = arith.constant 1 : i32
          %add3A_994 = arith.addi %add3A_988, %add3A_993 : i32
          %get3A_995 = arith.index_cast %add3A_994 : i32 to index
          %get3A_996 = arith.constant 0 : index
          %get3A_997 = tpu.vector_load %arg11[%get3A_995, %get3A_996] {strides = array<i32>} : memref<2048x16xf32, #tpu.memory_space<vmem>>, vector<16xf32>,
          %add3A_998 = arith.addf %while3A_983, %get3A_997 : vector<16xf32>
          %add3A_999 = arith.constant 2 : i32
          %add3A_1000 = arith.addi %add3A_988, %add3A_999 : i32
          %get3A_1001 = arith.index_cast %add3A_1000 : i32 to index
          %get3A_1002 = arith.constant 0 : index
          %get3A_1003 = tpu.vector_load %arg11[%get3A_1001, %get3A_1002] {strides = array<i32>} : memref<2048x16xf32, #tpu.memory_space<vmem>>, vector<16xf32>,
          %add3A_1004 = arith.addf %while3A_984, %get3A_1003 : vector<16xf32>
          %add3A_1005 = arith.constant 3 : i32
          %add3A_1006 = arith.addi %add3A_988, %add3A_1005 : i32
          %get3A_1007 = arith.index_cast %add3A_1006 : i32 to index
          %get3A_1008 = arith.constant 0 : index
          %get3A_1009 = tpu.vector_load %arg11[%get3A_1007, %get3A_1008] {strides = array<i32>} : memref<2048x16xf32, #tpu.memory_space<vmem>>, vector<16xf32>,
          %add3A_1010 = arith.addf %while3A_985, %get3A_1009 : vector<16xf32>
          %add3A_1011 = arith.constant 4 : i32
          %add3A_1012 = arith.addi %add3A_988, %add3A_1011 : i32
          %get3A_1013 = arith.index_cast %add3A_1012 : i32 to index
          %get3A_1014 = arith.constant 0 : index
          %get3A_1015 = tpu.vector_load %arg11[%get3A_1013, %get3A_1014] {strides = array<i32>} : memref<2048x16xf32, #tpu.memory_space<vmem>>, vector<16xf32>,
          %add3A_1016 = arith.addf %add3A_992, %get3A_1015 : vector<16xf32>
          %add3A_1017 = arith.constant 5 : i32
          %add3A_1018 = arith.addi %add3A_988, %add3A_1017 : i32
          %get3A_1019 = arith.index_cast %add3A_1018 : i32 to index
          %get3A_1020 = arith.constant 0 : index
          %get3A_1021 = tpu.vector_load %arg11[%get3A_1019, %get3A_1020] {strides = array<i32>} : memref<2048x16xf32, #tpu.memory_space<vmem>>, vector<16xf32>,
          %add3A_1022 = arith.addf %add3A_998, %get3A_1021 : vector<16xf32>
          %add3A_1023 = arith.constant 6 : i32
          %add3A_1024 = arith.addi %add3A_988, %add3A_1023 : i32
          %get3A_1025 = arith.index_cast %add3A_1024 : i32 to index
          %get3A_1026 = arith.constant 0 : index
          %get3A_1027 = tpu.vector_load %arg11[%get3A_1025, %get3A_1026] {strides = array<i32>} : memref<2048x16xf32, #tpu.memory_space<vmem>>, vector<16xf32>,
          %add3A_1028 = arith.addf %add3A_1004, %get3A_1027 : vector<16xf32>
          %add3A_1029 = arith.constant 7 : i32
          %add3A_1030 = arith.addi %add3A_988, %add3A_1029 : i32
          %get3A_1031 = arith.index_cast %add3A_1030 : i32 to index
          %get3A_1032 = arith.constant 0 : index
          %get3A_1033 = tpu.vector_load %arg11[%get3A_1031, %get3A_1032] {strides = array<i32>} : memref<2048x16xf32, #tpu.memory_space<vmem>>, vector<16xf32>,
          %add3A_1034 = arith.addf %add3A_1010, %get3A_1033 : vector<16xf32>
          scf.yield %add3A_1016, %add3A_1022, %add3A_1028, %add3A_1034 : vector<16xf32>, vector<16xf32>, vector<16xf32>, vector<16xf32>
        }
        %while3A_951 = arith.constant 1 : i32
        %while3A_952:4 = scf.for %while3A_981 = %while3A_948 to %while3A_944 step %while3A_951 iter_args(%while3A_982 = %while3A_950#0, %while3A_983 = %while3A_950#1, %while3A_984 = %while3A_950#2, %while3A_985 = %while3A_950#3) -> (vector<16xf32>, vector<16xf32>, vector<16xf32>, vector<16xf32>)  : i32 {
          %mul3A_986 = arith.constant 8 : i32
          %mul3A_987 = arith.muli %while3A_981, %mul3A_986 : i32
          %add3A_988 = arith.addi %sub3A_913, %mul3A_987 : i32
          %get3A_989 = arith.index_cast %add3A_988 : i32 to index
          %get3A_990 = arith.constant 0 : index
          %get3A_991 = tpu.vector_load %arg11[%get3A_989, %get3A_990] {strides = array<i32>} : memref<2048x16xf32, #tpu.memory_space<vmem>>, vector<16xf32>,
          %add3A_992 = arith.addf %while3A_982, %get3A_991 : vector<16xf32>
          %add3A_993 = arith.constant 1 : i32
          %add3A_994 = arith.addi %add3A_988, %add3A_993 : i32
          %get3A_995 = arith.index_cast %add3A_994 : i32 to index
          %get3A_996 = arith.constant 0 : index
          %get3A_997 = tpu.vector_load %arg11[%get3A_995, %get3A_996] {strides = array<i32>} : memref<2048x16xf32, #tpu.memory_space<vmem>>, vector<16xf32>,
          %add3A_998 = arith.addf %while3A_983, %get3A_997 : vector<16xf32>
          %add3A_999 = arith.constant 2 : i32
          %add3A_1000 = arith.addi %add3A_988, %add3A_999 : i32
          %get3A_1001 = arith.index_cast %add3A_1000 : i32 to index
          %get3A_1002 = arith.constant 0 : index
          %get3A_1003 = tpu.vector_load %arg11[%get3A_1001, %get3A_1002] {strides = array<i32>} : memref<2048x16xf32, #tpu.memory_space<vmem>>, vector<16xf32>,
          %add3A_1004 = arith.addf %while3A_984, %get3A_1003 : vector<16xf32>
          %add3A_1005 = arith.constant 3 : i32
          %add3A_1006 = arith.addi %add3A_988, %add3A_1005 : i32
          %get3A_1007 = arith.index_cast %add3A_1006 : i32 to index
          %get3A_1008 = arith.constant 0 : index
          %get3A_1009 = tpu.vector_load %arg11[%get3A_1007, %get3A_1008] {strides = array<i32>} : memref<2048x16xf32, #tpu.memory_space<vmem>>, vector<16xf32>,
          %add3A_1010 = arith.addf %while3A_985, %get3A_1009 : vector<16xf32>
          %add3A_1011 = arith.constant 4 : i32
          %add3A_1012 = arith.addi %add3A_988, %add3A_1011 : i32
          %get3A_1013 = arith.index_cast %add3A_1012 : i32 to index
          %get3A_1014 = arith.constant 0 : index
          %get3A_1015 = tpu.vector_load %arg11[%get3A_1013, %get3A_1014] {strides = array<i32>} : memref<2048x16xf32, #tpu.memory_space<vmem>>, vector<16xf32>,
          %add3A_1016 = arith.addf %add3A_992, %get3A_1015 : vector<16xf32>
          %add3A_1017 = arith.constant 5 : i32
          %add3A_1018 = arith.addi %add3A_988, %add3A_1017 : i32
          %get3A_1019 = arith.index_cast %add3A_1018 : i32 to index
          %get3A_1020 = arith.constant 0 : index
          %get3A_1021 = tpu.vector_load %arg11[%get3A_1019, %get3A_1020] {strides = array<i32>} : memref<2048x16xf32, #tpu.memory_space<vmem>>, vector<16xf32>,
          %add3A_1022 = arith.addf %add3A_998, %get3A_1021 : vector<16xf32>
          %add3A_1023 = arith.constant 6 : i32
          %add3A_1024 = arith.addi %add3A_988, %add3A_1023 : i32
          %get3A_1025 = arith.index_cast %add3A_1024 : i32 to index
          %get3A_1026 = arith.constant 0 : index
          %get3A_1027 = tpu.vector_load %arg11[%get3A_1025, %get3A_1026] {strides = array<i32>} : memref<2048x16xf32, #tpu.memory_space<vmem>>, vector<16xf32>,
          %add3A_1028 = arith.addf %add3A_1004, %get3A_1027 : vector<16xf32>
          %add3A_1029 = arith.constant 7 : i32
          %add3A_1030 = arith.addi %add3A_988, %add3A_1029 : i32
          %get3A_1031 = arith.index_cast %add3A_1030 : i32 to index
          %get3A_1032 = arith.constant 0 : index
          %get3A_1033 = tpu.vector_load %arg11[%get3A_1031, %get3A_1032] {strides = array<i32>} : memref<2048x16xf32, #tpu.memory_space<vmem>>, vector<16xf32>,
          %add3A_1034 = arith.addf %add3A_1010, %get3A_1033 : vector<16xf32>
          scf.yield %add3A_1016, %add3A_1022, %add3A_1028, %add3A_1034 : vector<16xf32>, vector<16xf32>, vector<16xf32>, vector<16xf32>
        }
        %add3A_953 = arith.addf %while3A_952#0, %while3A_952#1 : vector<16xf32>
        %add3A_954 = arith.addf %while3A_952#2, %while3A_952#3 : vector<16xf32>
        %add3A_955 = arith.addf %add3A_953, %add3A_954 : vector<16xf32>
        %and3A_956 = arith.constant -8 : i32
        %and3A_957 = arith.andi %max3A_917, %and3A_956 : i32
        %add3A_958 = arith.addi %sub3A_913, %and3A_957 : i32
        %while3A_959 = arith.subi %sub3A_914, %add3A_958 : i32
        %while3A_960 = arith.addi %add3A_958, %while3A_959 : i32
        %while3A_961 = arith.constant 1 : i32
        %while3A_962 = arith.divsi %while3A_959, %while3A_961 : i32
        %while3A_963 = arith.muli %while3A_962, %while3A_961 : i32
        %while3A_964 = arith.addi %add3A_958, %while3A_963 : i32
        %while3A_965 = arith.constant 1 : i32
        %while3A_966 = scf.for %while3A_981 = %add3A_958 to %while3A_964 step %while3A_965 iter_args(%while3A_982 = %add3A_955) -> (vector<16xf32>)  : i32 {
          %get3A_983 = arith.index_cast %while3A_981 : i32 to index
          %get3A_984 = arith.constant 0 : index
          %get3A_985 = tpu.vector_load %arg11[%get3A_983, %get3A_984] {strides = array<i32>} : memref<2048x16xf32, #tpu.memory_space<vmem>>, vector<16xf32>,
          %add3A_986 = arith.addf %while3A_982, %get3A_985 : vector<16xf32>
          scf.yield %add3A_986 : vector<16xf32>
        }
        %while3A_967 = arith.constant 1 : i32
        %while3A_968 = scf.for %while3A_981 = %while3A_964 to %while3A_960 step %while3A_967 iter_args(%while3A_982 = %while3A_966) -> (vector<16xf32>)  : i32 {
          %get3A_983 = arith.index_cast %while3A_981 : i32 to index
          %get3A_984 = arith.constant 0 : index
          %get3A_985 = tpu.vector_load %arg11[%get3A_983, %get3A_984] {strides = array<i32>} : memref<2048x16xf32, #tpu.memory_space<vmem>>, vector<16xf32>,
          %add3A_986 = arith.addf %while3A_982, %get3A_985 : vector<16xf32>
          scf.yield %add3A_986 : vector<16xf32>
        }
        %sub3A_969 = arith.subi %squeeze3A_912, %squeeze3A_910 : i32
        %convert_element_type3A = arith.sitofp %sub3A_969 : i32 to f32
        %broadcast_in_dim3A_970 = arith.constant 1.000000e+00 : f32
        %broadcast_in_dim3A_971 = vector.broadcast %broadcast_in_dim3A_970 : f32 to vector<16xf32>
        %mul3A_972 = vector.broadcast %convert_element_type3A : f32 to vector<16xf32>
        %mul3A_973 = arith.mulf %broadcast_in_dim3A_971, %mul3A_972 : vector<16xf32>
        %max3A_974 = arith.constant 1.000000e+00 : f32
        %max3A_975 = vector.broadcast %max3A_974 : f32 to vector<16xf32>
        %max3A_976 = arith.maximumf %mul3A_973, %max3A_975 : vector<16xf32>
        %div3A_977 = arith.divf %while3A_968, %max3A_976 : vector<16xf32>
        %add3A_978 = arith.addf %div3A_977, %get3A_3 : vector<16xf32>
        %swap3A = arith.index_cast %while3A_904 : i32 to index
        %swap3A_979 = arith.constant 0 : index
        %swap3A_980 = tpu.vector_load %arg12[%swap3A, %swap3A_979] {strides = array<i32>} : memref<128x16xf32, #tpu.memory_space<vmem>>, vector<16xf32>,
        tpu.vector_store %arg12[%swap3A, %swap3A_979], %add3A_978 {strides = array<i32>} : memref<128x16xf32, #tpu.memory_space<vmem>>, vector<16xf32>,
        scf.yield %squeeze3A_912, %broadcast_in_dim3A_4 : i32, vector<16xf32>
      }
      %max3A_847 = arith.maxsi %while3A_846#0, %multiple_of3A_721 : i32
      %sub3A_848 = arith.subi %max3A_847, %multiple_of3A_721 : i32
      %sub3A_849 = arith.subi %min3A_724, %multiple_of3A_721 : i32
      %sub3A_850 = arith.subi %sub3A_849, %sub3A_848 : i32
      %max3A_851 = arith.constant 0 : i32
      %max3A_852 = arith.maxsi %sub3A_850, %max3A_851 : i32
      %jit3A_853 = arith.constant 8 : i32
      %div3A_854 = arith.divsi %max3A_852, %jit3A_853 : i32
      %sign3A_855 = arith.constant 0 : i32
      %sign3A_856 = arith.cmpi sgt, %max3A_852, %sign3A_855 : i32
      %sign3A_857 = arith.extui %sign3A_856 : i1 to i32
      %sign3A_858 = arith.constant 0 : i32
      %sign3A_859 = arith.cmpi slt, %max3A_852, %sign3A_858 : i32
      %sign3A_860 = arith.extui %sign3A_859 : i1 to i32
      %sign3A_861 = arith.subi %sign3A_857, %sign3A_860 : i32
      %sign3A_862 = arith.constant 0 : i32
      %sign3A_863 = arith.cmpi sgt, %jit3A_853, %sign3A_862 : i32
      %sign3A_864 = arith.extui %sign3A_863 : i1 to i32
      %sign3A_865 = arith.constant 0 : i32
      %sign3A_866 = arith.cmpi slt, %jit3A_853, %sign3A_865 : i32
      %sign3A_867 = arith.extui %sign3A_866 : i1 to i32
      %sign3A_868 = arith.subi %sign3A_864, %sign3A_867 : i32
      %ne3A_869 = arith.cmpi ne, %sign3A_861, %sign3A_868 : i32
      %rem3A_870 = arith.remsi %max3A_852, %jit3A_853 : i32
      %ne3A_871 = arith.constant 0 : i32
      %ne3A_872 = arith.cmpi ne, %rem3A_870, %ne3A_871 : i32
      %and3A_873 = arith.andi %ne3A_869, %ne3A_872 : i1
      %sub3A_874 = arith.constant 1 : i32
      %sub3A_875 = arith.subi %div3A_854, %sub3A_874 : i32
      %select_n3A_876 = arith.select %and3A_873, %sub3A_875, %div3A_854 : i32
      %while3A_877 = arith.constant 0 : i32
      %while3A_878 = arith.subi %select_n3A_876, %while3A_877 : i32
      %while3A_879 = arith.addi %while3A_877, %while3A_878 : i32
      %while3A_880 = arith.constant 1 : i32
      %while3A_881 = arith.divsi %while3A_878, %while3A_880 : i32
      %while3A_882 = arith.muli %while3A_881, %while3A_880 : i32
      %while3A_883 = arith.addi %while3A_877, %while3A_882 : i32
      %while3A_884 = arith.constant 1 : i32
      %while3A_885:4 = scf.for %while3A_904 = %while3A_877 to %while3A_883 step %while3A_884 iter_args(%while3A_905 = %while3A_846#1, %while3A_906 = %broadcast_in_dim3A_4, %while3A_907 = %broadcast_in_dim3A_4, %while3A_908 = %broadcast_in_dim3A_4) -> (vector<16xf32>, vector<16xf32>, vector<16xf32>, vector<16xf32>)  : i32 {
        %mul3A_909 = arith.constant 8 : i32
        %mul3A_910 = arith.muli %while3A_904, %mul3A_909 : i32
        %add3A_911 = arith.addi %sub3A_848, %mul3A_910 : i32
        %get3A_912 = arith.index_cast %add3A_911 : i32 to index
        %get3A_913 = arith.constant 0 : index
        %get3A_914 = tpu.vector_load %arg11[%get3A_912, %get3A_913] {strides = array<i32>} : memref<2048x16xf32, #tpu.memory_space<vmem>>, vector<16xf32>,
        %add3A_915 = arith.addf %while3A_905, %get3A_914 : vector<16xf32>
        %add3A_916 = arith.constant 1 : i32
        %add3A_917 = arith.addi %add3A_911, %add3A_916 : i32
        %get3A_918 = arith.index_cast %add3A_917 : i32 to index
        %get3A_919 = arith.constant 0 : index
        %get3A_920 = tpu.vector_load %arg11[%get3A_918, %get3A_919] {strides = array<i32>} : memref<2048x16xf32, #tpu.memory_space<vmem>>, vector<16xf32>,
        %add3A_921 = arith.addf %while3A_906, %get3A_920 : vector<16xf32>
        %add3A_922 = arith.constant 2 : i32
        %add3A_923 = arith.addi %add3A_911, %add3A_922 : i32
        %get3A_924 = arith.index_cast %add3A_923 : i32 to index
        %get3A_925 = arith.constant 0 : index
        %get3A_926 = tpu.vector_load %arg11[%get3A_924, %get3A_925] {strides = array<i32>} : memref<2048x16xf32, #tpu.memory_space<vmem>>, vector<16xf32>,
        %add3A_927 = arith.addf %while3A_907, %get3A_926 : vector<16xf32>
        %add3A_928 = arith.constant 3 : i32
        %add3A_929 = arith.addi %add3A_911, %add3A_928 : i32
        %get3A_930 = arith.index_cast %add3A_929 : i32 to index
        %get3A_931 = arith.constant 0 : index
        %get3A_932 = tpu.vector_load %arg11[%get3A_930, %get3A_931] {strides = array<i32>} : memref<2048x16xf32, #tpu.memory_space<vmem>>, vector<16xf32>,
        %add3A_933 = arith.addf %while3A_908, %get3A_932 : vector<16xf32>
        %add3A_934 = arith.constant 4 : i32
        %add3A_935 = arith.addi %add3A_911, %add3A_934 : i32
        %get3A_936 = arith.index_cast %add3A_935 : i32 to index
        %get3A_937 = arith.constant 0 : index
        %get3A_938 = tpu.vector_load %arg11[%get3A_936, %get3A_937] {strides = array<i32>} : memref<2048x16xf32, #tpu.memory_space<vmem>>, vector<16xf32>,
        %add3A_939 = arith.addf %add3A_915, %get3A_938 : vector<16xf32>
        %add3A_940 = arith.constant 5 : i32
        %add3A_941 = arith.addi %add3A_911, %add3A_940 : i32
        %get3A_942 = arith.index_cast %add3A_941 : i32 to index
        %get3A_943 = arith.constant 0 : index
        %get3A_944 = tpu.vector_load %arg11[%get3A_942, %get3A_943] {strides = array<i32>} : memref<2048x16xf32, #tpu.memory_space<vmem>>, vector<16xf32>,
        %add3A_945 = arith.addf %add3A_921, %get3A_944 : vector<16xf32>
        %add3A_946 = arith.constant 6 : i32
        %add3A_947 = arith.addi %add3A_911, %add3A_946 : i32
        %get3A_948 = arith.index_cast %add3A_947 : i32 to index
        %get3A_949 = arith.constant 0 : index
        %get3A_950 = tpu.vector_load %arg11[%get3A_948, %get3A_949] {strides = array<i32>} : memref<2048x16xf32, #tpu.memory_space<vmem>>, vector<16xf32>,
        %add3A_951 = arith.addf %add3A_927, %get3A_950 : vector<16xf32>
        %add3A_952 = arith.constant 7 : i32
        %add3A_953 = arith.addi %add3A_911, %add3A_952 : i32
        %get3A_954 = arith.index_cast %add3A_953 : i32 to index
        %get3A_955 = arith.constant 0 : index
        %get3A_956 = tpu.vector_load %arg11[%get3A_954, %get3A_955] {strides = array<i32>} : memref<2048x16xf32, #tpu.memory_space<vmem>>, vector<16xf32>,
        %add3A_957 = arith.addf %add3A_933, %get3A_956 : vector<16xf32>
        scf.yield %add3A_939, %add3A_945, %add3A_951, %add3A_957 : vector<16xf32>, vector<16xf32>, vector<16xf32>, vector<16xf32>
      }
      %while3A_886 = arith.constant 1 : i32
      %while3A_887:4 = scf.for %while3A_904 = %while3A_883 to %while3A_879 step %while3A_886 iter_args(%while3A_905 = %while3A_885#0, %while3A_906 = %while3A_885#1, %while3A_907 = %while3A_885#2, %while3A_908 = %while3A_885#3) -> (vector<16xf32>, vector<16xf32>, vector<16xf32>, vector<16xf32>)  : i32 {
        %mul3A_909 = arith.constant 8 : i32
        %mul3A_910 = arith.muli %while3A_904, %mul3A_909 : i32
        %add3A_911 = arith.addi %sub3A_848, %mul3A_910 : i32
        %get3A_912 = arith.index_cast %add3A_911 : i32 to index
        %get3A_913 = arith.constant 0 : index
        %get3A_914 = tpu.vector_load %arg11[%get3A_912, %get3A_913] {strides = array<i32>} : memref<2048x16xf32, #tpu.memory_space<vmem>>, vector<16xf32>,
        %add3A_915 = arith.addf %while3A_905, %get3A_914 : vector<16xf32>
        %add3A_916 = arith.constant 1 : i32
        %add3A_917 = arith.addi %add3A_911, %add3A_916 : i32
        %get3A_918 = arith.index_cast %add3A_917 : i32 to index
        %get3A_919 = arith.constant 0 : index
        %get3A_920 = tpu.vector_load %arg11[%get3A_918, %get3A_919] {strides = array<i32>} : memref<2048x16xf32, #tpu.memory_space<vmem>>, vector<16xf32>,
        %add3A_921 = arith.addf %while3A_906, %get3A_920 : vector<16xf32>
        %add3A_922 = arith.constant 2 : i32
        %add3A_923 = arith.addi %add3A_911, %add3A_922 : i32
        %get3A_924 = arith.index_cast %add3A_923 : i32 to index
        %get3A_925 = arith.constant 0 : index
        %get3A_926 = tpu.vector_load %arg11[%get3A_924, %get3A_925] {strides = array<i32>} : memref<2048x16xf32, #tpu.memory_space<vmem>>, vector<16xf32>,
        %add3A_927 = arith.addf %while3A_907, %get3A_926 : vector<16xf32>
        %add3A_928 = arith.constant 3 : i32
        %add3A_929 = arith.addi %add3A_911, %add3A_928 : i32
        %get3A_930 = arith.index_cast %add3A_929 : i32 to index
        %get3A_931 = arith.constant 0 : index
        %get3A_932 = tpu.vector_load %arg11[%get3A_930, %get3A_931] {strides = array<i32>} : memref<2048x16xf32, #tpu.memory_space<vmem>>, vector<16xf32>,
        %add3A_933 = arith.addf %while3A_908, %get3A_932 : vector<16xf32>
        %add3A_934 = arith.constant 4 : i32
        %add3A_935 = arith.addi %add3A_911, %add3A_934 : i32
        %get3A_936 = arith.index_cast %add3A_935 : i32 to index
        %get3A_937 = arith.constant 0 : index
        %get3A_938 = tpu.vector_load %arg11[%get3A_936, %get3A_937] {strides = array<i32>} : memref<2048x16xf32, #tpu.memory_space<vmem>>, vector<16xf32>,
        %add3A_939 = arith.addf %add3A_915, %get3A_938 : vector<16xf32>
        %add3A_940 = arith.constant 5 : i32
        %add3A_941 = arith.addi %add3A_911, %add3A_940 : i32
        %get3A_942 = arith.index_cast %add3A_941 : i32 to index
        %get3A_943 = arith.constant 0 : index
        %get3A_944 = tpu.vector_load %arg11[%get3A_942, %get3A_943] {strides = array<i32>} : memref<2048x16xf32, #tpu.memory_space<vmem>>, vector<16xf32>,
        %add3A_945 = arith.addf %add3A_921, %get3A_944 : vector<16xf32>
        %add3A_946 = arith.constant 6 : i32
        %add3A_947 = arith.addi %add3A_911, %add3A_946 : i32
        %get3A_948 = arith.index_cast %add3A_947 : i32 to index
        %get3A_949 = arith.constant 0 : index
        %get3A_950 = tpu.vector_load %arg11[%get3A_948, %get3A_949] {strides = array<i32>} : memref<2048x16xf32, #tpu.memory_space<vmem>>, vector<16xf32>,
        %add3A_951 = arith.addf %add3A_927, %get3A_950 : vector<16xf32>
        %add3A_952 = arith.constant 7 : i32
        %add3A_953 = arith.addi %add3A_911, %add3A_952 : i32
        %get3A_954 = arith.index_cast %add3A_953 : i32 to index
        %get3A_955 = arith.constant 0 : index
        %get3A_956 = tpu.vector_load %arg11[%get3A_954, %get3A_955] {strides = array<i32>} : memref<2048x16xf32, #tpu.memory_space<vmem>>, vector<16xf32>,
        %add3A_957 = arith.addf %add3A_933, %get3A_956 : vector<16xf32>
        scf.yield %add3A_939, %add3A_945, %add3A_951, %add3A_957 : vector<16xf32>, vector<16xf32>, vector<16xf32>, vector<16xf32>
      }
      %add3A_888 = arith.addf %while3A_887#0, %while3A_887#1 : vector<16xf32>
      %add3A_889 = arith.addf %while3A_887#2, %while3A_887#3 : vector<16xf32>
      %add3A_890 = arith.addf %add3A_888, %add3A_889 : vector<16xf32>
      %and3A_891 = arith.constant -8 : i32
      %and3A_892 = arith.andi %max3A_852, %and3A_891 : i32
      %add3A_893 = arith.addi %sub3A_848, %and3A_892 : i32
      %while3A_894 = arith.subi %sub3A_849, %add3A_893 : i32
      %while3A_895 = arith.addi %add3A_893, %while3A_894 : i32
      %while3A_896 = arith.constant 1 : i32
      %while3A_897 = arith.divsi %while3A_894, %while3A_896 : i32
      %while3A_898 = arith.muli %while3A_897, %while3A_896 : i32
      %while3A_899 = arith.addi %add3A_893, %while3A_898 : i32
      %while3A_900 = arith.constant 1 : i32
      %while3A_901 = scf.for %while3A_904 = %add3A_893 to %while3A_899 step %while3A_900 iter_args(%while3A_905 = %add3A_890) -> (vector<16xf32>)  : i32 {
        %get3A_906 = arith.index_cast %while3A_904 : i32 to index
        %get3A_907 = arith.constant 0 : index
        %get3A_908 = tpu.vector_load %arg11[%get3A_906, %get3A_907] {strides = array<i32>} : memref<2048x16xf32, #tpu.memory_space<vmem>>, vector<16xf32>,
        %add3A_909 = arith.addf %while3A_905, %get3A_908 : vector<16xf32>
        scf.yield %add3A_909 : vector<16xf32>
      }
      %while3A_902 = arith.constant 1 : i32
      %while3A_903 = scf.for %while3A_904 = %while3A_899 to %while3A_895 step %while3A_902 iter_args(%while3A_905 = %while3A_901) -> (vector<16xf32>)  : i32 {
        %get3A_906 = arith.index_cast %while3A_904 : i32 to index
        %get3A_907 = arith.constant 0 : index
        %get3A_908 = tpu.vector_load %arg11[%get3A_906, %get3A_907] {strides = array<i32>} : memref<2048x16xf32, #tpu.memory_space<vmem>>, vector<16xf32>,
        %add3A_909 = arith.addf %while3A_905, %get3A_908 : vector<16xf32>
        scf.yield %add3A_909 : vector<16xf32>
      }
      scf.yield %min3A_724, %sub3A_835, %while3A_903 : i32, i32, vector<16xf32>
    }
    %dma_wait3A = arith.constant 0 : i32
    %dma_wait3A_225 = arith.constant 0 : i32
    %dma_wait3A_226 = tpu.memref_slice %arg4[%dma_wait3A, %dma_wait3A_225] : memref<100000x16xf32, #tpu.memory_space<hbm>> -> memref<2048x16xf32, #tpu.memory_space<hbm>>
    %dma_wait3A_227 = arith.constant 0 : i32
    %dma_wait3A_228 = arith.constant 0 : i32
    %dma_wait3A_229 = tpu.memref_slice %arg4[%dma_wait3A_227, %dma_wait3A_228] : memref<100000x16xf32, #tpu.memory_space<hbm>> -> memref<2048x16xf32, #tpu.memory_space<hbm>>
    tpu.wait_dma2 semaphore(%arg14 : memref<!tpu.dma_semaphore, #tpu.memory_space<semaphore_mem>>) src(%dma_wait3A_229 : memref<2048x16xf32, #tpu.memory_space<hbm>>) dst(%arg10 : memref<2048x16xf32, #tpu.memory_space<vmem>>)
    %while3A_230 = arith.constant 0 : i32
    %while3A_231 = arith.constant 128 : i32
    %while3A_232 = arith.subi %while3A_231, %while3A_224#1 : i32
    %while3A_233 = arith.addi %while3A_224#1, %while3A_232 : i32
    %while3A_234 = arith.constant 1 : i32
    %while3A_235 = arith.divsi %while3A_232, %while3A_234 : i32
    %while3A_236 = arith.muli %while3A_235, %while3A_234 : i32
    %while3A_237 = arith.addi %while3A_224#1, %while3A_236 : i32
    %while3A_238 = arith.constant 1 : i32
    scf.for %while3A_240 = %while3A_224#1 to %while3A_237 step %while3A_238  : i32 {
      %swap3A = arith.index_cast %while3A_240 : i32 to index
      %swap3A_241 = arith.constant 0 : index
      %swap3A_242 = tpu.vector_load %arg12[%swap3A, %swap3A_241] {strides = array<i32>} : memref<128x16xf32, #tpu.memory_space<vmem>>, vector<16xf32>,
      tpu.vector_store %arg12[%swap3A, %swap3A_241], %get3A_3 {strides = array<i32>} : memref<128x16xf32, #tpu.memory_space<vmem>>, vector<16xf32>,
    }
    %while3A_239 = arith.constant 1 : i32
    scf.for %while3A_240 = %while3A_237 to %while3A_233 step %while3A_239  : i32 {
      %swap3A = arith.index_cast %while3A_240 : i32 to index
      %swap3A_241 = arith.constant 0 : index
      %swap3A_242 = tpu.vector_load %arg12[%swap3A, %swap3A_241] {strides = array<i32>} : memref<128x16xf32, #tpu.memory_space<vmem>>, vector<16xf32>,
      tpu.vector_store %arg12[%swap3A, %swap3A_241], %get3A_3 {strides = array<i32>} : memref<128x16xf32, #tpu.memory_space<vmem>>, vector<16xf32>,
    }
    "tpu.region"() ({
      %run_scoped3A = tpu.sem_alloc : memref<!tpu.dma_semaphore, #tpu.memory_space<semaphore_mem>>
      %dma_start3A_240 = arith.constant 0 : i32
      %dma_start3A_241 = tpu.memref_slice %arg6[%mul3A_2, %dma_start3A_240] : memref<4096x16xf32, #tpu.memory_space<hbm>> -> memref<128x16xf32, #tpu.memory_space<hbm>>
      %dma_start3A_242 = arith.constant 0 : i32
      %dma_start3A_243 = tpu.memref_slice %arg6[%mul3A_2, %dma_start3A_242] : memref<4096x16xf32, #tpu.memory_space<hbm>> -> memref<128x16xf32, #tpu.memory_space<hbm>>
      tpu.enqueue_dma source(%arg12 : memref<128x16xf32, #tpu.memory_space<vmem>>) target(%dma_start3A_243 : memref<128x16xf32, #tpu.memory_space<hbm>>) target_semaphore(%run_scoped3A : memref<!tpu.dma_semaphore, #tpu.memory_space<semaphore_mem>>)
      %dma_wait3A_244 = arith.constant 0 : i32
      %dma_wait3A_245 = tpu.memref_slice %arg6[%mul3A_2, %dma_wait3A_244] : memref<4096x16xf32, #tpu.memory_space<hbm>> -> memref<128x16xf32, #tpu.memory_space<hbm>>
      %dma_wait3A_246 = arith.constant 0 : i32
      %dma_wait3A_247 = tpu.memref_slice %arg6[%mul3A_2, %dma_wait3A_246] : memref<4096x16xf32, #tpu.memory_space<hbm>> -> memref<128x16xf32, #tpu.memory_space<hbm>>
      tpu.wait_dma2 semaphore(%run_scoped3A : memref<!tpu.dma_semaphore, #tpu.memory_space<semaphore_mem>>) src(%arg12 : memref<128x16xf32, #tpu.memory_space<vmem>>) dst(%dma_wait3A_247 : memref<128x16xf32, #tpu.memory_space<hbm>>)
      tpu.yield
    }) : () -> ()
    return
  }
}

module attributes {stable_mosaic.version = 14 : i64} {
  func.func @mm_body(%arg0: i32, %arg1: memref<1x3125x512xbf16, #tpu.memory_space<vmem>>, %arg2: memref<512x128xbf16, #tpu.memory_space<vmem>>, %arg3: memref<1x3125x128xf32, #tpu.memory_space<vmem>>) attributes {dimension_semantics = [#tpu.dimension_semantics<arbitrary>], iteration_bounds = array<i64: 4>, scalar_prefetch = 0 : i64, scratch_operands = 0 : i64, tpu.core_type = #tpu.core_type<tc>, window_params = [{transform_indices = @transform_0, window_bounds = array<i64: 1, 3125, 512>}, {pipeline_mode = #tpu.pipeline_mode<synchronous>, transform_indices = @transform_1, window_bounds = array<i64: 512, 128>}, {transform_indices = @transform_2, window_bounds = array<i64: 1, 3125, 128>}]} {
    %get3A = arith.constant 0 : index
    %get3A_0 = arith.constant 0 : index
    %get3A_1 = arith.constant 0 : index
    %get3A_2 = vector.load %arg1[%get3A, %get3A_0, %get3A_1] : memref<1x3125x512xbf16, #tpu.memory_space<vmem>>, vector<1x3125x512xbf16>
    %get3A_3 = vector.shape_cast %get3A_2 : vector<1x3125x512xbf16> to vector<3125x512xbf16>
    %get3A_4 = arith.constant 0 : index
    %get3A_5 = arith.constant 0 : index
    %get3A_6 = vector.load %arg2[%get3A_4, %get3A_5] : memref<512x128xbf16, #tpu.memory_space<vmem>>, vector<512x128xbf16>
    %dot_general3A = arith.constant dense<0.000000e+00> : vector<3125x128xf32>
    %dot_general3A_7 = tpu.matmul %get3A_3, %get3A_6, %dot_general3A {dimension_numbers = #tpu.dot_dimension_numbers<[1], [0], [0], [1], [0, 0, 1, 1], [], []>, transpose_lhs_hint = false} : vector<3125x512xbf16>, vector<512x128xbf16>, vector<3125x128xf32> -> vector<3125x128xf32>
    %reshape3A = vector.shape_cast %dot_general3A_7 : vector<3125x128xf32> to vector<1x3125x128xf32>
    %swap3A = arith.constant 0 : index
    %swap3A_8 = arith.constant 0 : index
    %swap3A_9 = arith.constant 0 : index
    %swap3A_10 = vector.load %arg3[%swap3A, %swap3A_8, %swap3A_9] : memref<1x3125x128xf32, #tpu.memory_space<vmem>>, vector<1x3125x128xf32>
    tpu.vector_store %arg3[%swap3A, %swap3A_8, %swap3A_9], %reshape3A {strides = array<i32>} : memref<1x3125x128xf32, #tpu.memory_space<vmem>>, vector<1x3125x128xf32>,
    return
  }
  func.func @transform_0(%arg0: i32) -> (i32, i32, i32) {
    %c0_i32 = arith.constant 0 : i32
    %c0_i32_0 = arith.constant 0 : i32
    %c0_i32_1 = arith.constant 0 : i32
    return %arg0, %c0_i32, %c0_i32_0 : i32, i32, i32
  }
  func.func @transform_1(%arg0: i32) -> (i32, i32) {
    %c0_i32 = arith.constant 0 : i32
    %c0_i32_0 = arith.constant 0 : i32
    %c0_i32_1 = arith.constant 0 : i32
    return %c0_i32, %c0_i32_0 : i32, i32
  }
  func.func @transform_2(%arg0: i32) -> (i32, i32, i32) {
    %c0_i32 = arith.constant 0 : i32
    %c0_i32_0 = arith.constant 0 : i32
    %c0_i32_1 = arith.constant 0 : i32
    return %arg0, %c0_i32, %c0_i32_0 : i32, i32, i32
  }
}

</mosaic_0001>

<sc_bundles>
// kernel: kernel.4.cloned.1.call-start
scs
__scs_entry_jumppad:
0x0: {  	(pc) =	sbr.rel $0x88, $3  }
0x1: {  	(tag) =	ssettag $0x0;
	lr =	simm.s32 $0x1  }
0x2: {  	[smem:$0x3F9C] =	sst lr;
	_ =	strace $0xD0000000  }
0x3: {  	_ = 	snop  }
0x4: {  	_ = 	snop  }
0x5: {  	_ = 	snop  }
0x6: {  	_ = 	snop  }
0x7: {  	_ = 	snop  }
__scs_overlays_trampoline_lowered:
0x8: {  	[smem:$0x3FAB] =	sst s0  }
0x9: {  	[smem:$0x3FAC] =	sst s1  }
0xa: {  	[smem:$0x3FAD] =	sst s2  }
0xb: {  	[smem:$0x3FAE] =	sst s3  }
0xc: {  	[smem:$0x3FAF] =	sst s4  }
0xd: {  	[smem:$0x3FB0] =	sst s5  }
0xe: {  	[smem:$0x3FB1] =	sst s6  }
0xf: {  	[smem:$0x3FB2] =	sst s7  }
0x10: {  	[smem:$0x3FB3] =	sst s8  }
0x11: {  	[smem:$0x3FB4] =	sst s9;
	s0 =	simm.s32 @!p0 $0x0  }
0x12: {  	s1 =	sld [smem:$0x3F9A];
	s0 =	simm.s32 @p0 $0x1  }
0x13: {  	[smem:$0x3FB5] =	sst s0;
	s0 =	simm.s32 @!p1 $0x0  }
0x14: {  	s2 =	sld [smem:$0x3F99];
	s0 =	simm.s32 @p1 $0x1  }
0x15: {  	[smem:$0x3FB6] =	sst s0;
	s0 =	simm.s32 @!p2 $0x0  }
0x16: {  	s3 =	sld [smem:$0x3FDB];
	s0 =	simm.s32 @p2 $0x1  }
0x17: {  	s4 =	simm.s32 $0x1BF5;
	[smem:$0x3FB8] =	sst s0  }
0x18: {  	s0 =	sld [smem:$0x3F9B];
	_ =	swait.ge [sflag:s4], $0x0  }
0x19: {  	s7 =	sld [smem:$0x3F9C]  }
0x1a: {  	s8 =	sadd.s32 $0xFFFFE003, lr  }
0x1b: {  	s9 =	sadd.s32 $0xFFFFFEF7, lr;
	s5 =	simm.s32 $0xFFFFFFFF;
	p2 =	slt.u32 s8, $0xFFFFF086  }
0x1c: {  	p1 =	slt.u32 s9, $0xF7A;
	s5 =	simm.s32 @!p2 $0x0  }
0x1d: {  	s5 =	simm.s32 @p1 $0x1;
	p0 =	seq.s32 s7, s2  }
0x1e: {  	s7 =	smul.u32 @!p0 $0xF7A, s2;
	p2 =	seq.s32 @!p0 s5, $0x0  }
0x1f: {  	s9 =	smul.u32 $0xF7A, s1;
	s8 =	simm.s32 @!p0 $0x1BF5;
	p2 =	por !p2, p0  }
0x20: {  	[sflag:s8] =	ssyncset.s32 @!p0 $0xFFFFF086;
	s6 =	sadd.s32 @!p0 s3, s7;
	s7 =	simm.s32 @!p0 $0x108  }
0x21: {  	s3 =	sadd.s32 s3, s9;
	s6 =	sadd.s32 @!p0 $0x88, s6;
	s7 =	simm.s32 @p2 $0x1082  }
0x22: {  	[simem:s7], [sflag:s8] =	dma.local @!p0 [hbm:s6], $0xF7A  }
0x23: {  	s9 =	sor.u32 $0xD0000000, s2;
	s6 =	simm.s32 $0x108;
	_ =	swait.ge @!p0 [sflag:s8], $0x0  }
0x24: {  	s3 =	sadd.s32 $0x88, s3;
	s6 =	simm.s32 @!p1 $0x1082;
	[sflag:s4] =	ssyncset.s32 $0xFFFFF086  }
0x25: {  	[simem:s6], [sflag:s4] =	dma.local [hbm:s3], $0xF7A  }
0x26: {  	[smem:$0x3F9C] =	sst s1;
	(tag) =	ssettag s2;
	_ =	strace s9  }
0x27: {  	s1 =	sld [smem:$0x3FAC]  }
0x28: {  	s2 =	sld [smem:$0x3FAD]  }
0x29: {  	s4 =	sld [smem:$0x3FAF]  }
0x2a: {  	p0 =	seq.s32 s5, $0x0;
	s5 =	sld [smem:$0x3FB0]  }
0x2b: {  	s6 =	sld [smem:$0x3FB1]  }
0x2c: {  	s7 =	sld [smem:$0x3FB2]  }
0x2d: {  	s3 =	simm.s32 $0x108;
	s8 =	sld [smem:$0x3FB3]  }
0x2e: {  	s3 =	simm.s32 @!p0 $0x1082;
	s9 =	sld [smem:$0x3FB4]  }
0x2f: {  	lr =	sadd.s32 s0, s3;
	s0 =	sld [smem:$0x3FAB]  }
0x30: {  	s3 =	sld [smem:$0x3FAE]  }
0x31: {  	[smem:$0x3FB7] =	sst s10  }
0x32: {  	s10 =	sld [smem:$0x3FB5];
	_ =	sdelay $0x3  }
0x33: {  	p0 =	seq.s32 s10, $0x1;
	s10 =	sld [smem:$0x3FB7];
	_ =	sdelay $0x3  }
0x34: {  	[smem:$0x3FB7] =	sst s10  }
0x35: {  	s10 =	sld [smem:$0x3FB6];
	_ =	sdelay $0x3  }
0x36: {  	p1 =	seq.s32 s10, $0x1;
	s10 =	sld [smem:$0x3FB7];
	_ =	sdelay $0x3  }
0x37: {  	[smem:$0x3FB7] =	sst s10  }
0x38: {  	s10 =	sld [smem:$0x3FB8]  }
0x39: {  	_ = 	snop;
	(pc) =	sbr.ind lr, $3  }
0x3a: {  	_ = 	snop  }
0x3b: {  	_ = 	snop  }
0x3c: {  	p2 =	seq.s32 s10, $0x1;
	s10 =	sld [smem:$0x3FB7]  }
0x3d: {  	_ =	shalt  }
0x3e: {  	_ =	shalt  }
0x3f: {  	_ =	shalt  }
0x40: {  	_ =	shalt  }
0x41: {  	_ =	shalt  }
0x42: {  	_ =	shalt  }
0x43: {  	_ =	shalt  }
0x44: {  	_ =	shalt  }
0x45: {  	_ =	shalt  }
0x46: {  	_ =	shalt  }
0x47: {  	_ =	shalt  }
0x48: {  	_ =	shalt  }
0x49: {  	_ =	shalt  }
0x4a: {  	_ =	shalt  }
0x4b: {  	_ =	shalt  }
0x4c: {  	_ =	shalt  }
0x4d: {  	_ =	shalt  }
0x4e: {  	_ =	shalt  }
0x4f: {  	_ =	shalt  }
0x50: {  	_ =	shalt  }
0x51: {  	_ =	shalt  }
0x52: {  	_ =	shalt  }
0x53: {  	_ =	shalt  }
0x54: {  	_ =	shalt  }
0x55: {  	_ =	shalt  }
0x56: {  	_ =	shalt  }
0x57: {  	_ =	shalt  }
0x58: {  	_ =	shalt  }
0x59: {  	_ =	shalt  }
0x5a: {  	_ =	shalt  }
0x5b: {  	_ =	shalt  }
0x5c: {  	_ =	shalt  }
0x5d: {  	_ =	shalt  }
0x5e: {  	_ =	shalt  }
0x5f: {  	_ =	shalt  }
0x60: {  	_ =	shalt  }
0x61: {  	_ =	shalt  }
0x62: {  	_ =	shalt  }
0x63: {  	_ =	shalt  }
0x64: {  	_ =	shalt  }
0x65: {  	_ =	shalt  }
0x66: {  	_ =	shalt  }
0x67: {  	_ =	shalt  }
0x68: {  	_ =	shalt  }
0x69: {  	_ =	shalt  }
0x6a: {  	_ =	shalt  }
0x6b: {  	_ =	shalt  }
0x6c: {  	_ =	shalt  }
0x6d: {  	_ =	shalt  }
0x6e: {  	_ =	shalt  }
0x6f: {  	_ =	shalt  }
0x70: {  	_ =	shalt  }
0x71: {  	_ =	shalt  }
0x72: {  	_ =	shalt  }
0x73: {  	_ =	shalt  }
0x74: {  	_ =	shalt  }
0x75: {  	_ =	shalt  }
0x76: {  	_ =	shalt  }
0x77: {  	_ =	shalt  }
0x78: {  	_ =	shalt  }
0x79: {  	_ =	shalt  }
0x7a: {  	_ =	shalt  }
0x7b: {  	_ =	shalt  }
0x7c: {  	_ =	shalt  }
0x7d: {  	_ =	shalt  }
0x7e: {  	_ =	shalt  }
0x7f: {  	_ =	shalt  }
0x80: {  	_ =	shalt  }
0x81: {  	_ =	shalt  }
0x82: {  	_ =	shalt  }
0x83: {  	_ =	shalt  }
0x84: {  	_ =	shalt  }
0x85: {  	_ =	shalt  }
0x86: {  	_ =	shalt  }
0x87: {  	_ =	shalt  }
.Lfunc_end0:
.L_simem_size_0:
called_computation_lowered:
.L_overlay_start_0:
0x88: {  	s2 =	sld [smem:$0x3FD9]  }
0x89: {  	s3 =	sld [smem:$0x3FFE];
	_ =	sdelay $0x1  }
0x8a: {  	s1 =	srdreg.scid  }
0x8b: {  	s0 =	sand.u32 $0x1, s1  }
0x8c: {  	s17 =	sshll.u32 s0, $0xA;
	s2 =	sadd.s32 s3, s2  }
0x8d: {  	s2 =	sadd.s32 s2, s17  }
0x8e: {  	[smem:$0x3FC3] =	sst s2  }
0x8f: {  	_ = 	snop  }
0x90: {  	s2 =	sld [smem:$0x3FC9]  }
0x91: {  	s18 =	sld [smem:$0x3FD0];
	(tm) =	ssettm $0x1  }
0x92: {  	s4 =	sld [smem:$0x3FFB];
	_ =	sdelay $0x3  }
0x93: {  	_ =	strace s4  }
0x94: {  	s4 =	sld [smem:$0x3FFC];
	_ =	sdelay $0x3  }
0x95: {  	_ =	strace s4  }
0x96: {  	s4 =	sld [smem:$0x3FFD];
	_ =	sdelay $0x3  }
0x97: {  	_ =	strace s4  }
0x98: {  	_ =	strace $0x8FFFFFFF  }
0x99: {  	s19 =	sld [smem:$0x3FDB];
	_ =	sdelay $0x1  }
0x9a: {  	s5 =	simm.s32 $_scs_section_size  }
0x9b: {  	s6 =	simm.s32 $_size__tile_overlayer_lowered;
	s7 =	simm.s32 $_tile_overlayer_lowered  }
0x9c: {  	s22 =	simm.s32 $0x1BFF;
	s21 =	sshll.u32 s7, $0x1;
	s4 =	sadd.s32 s5, s19  }
0x9d: {  	s8 =	simm.s32 $0x0;
	s20 =	sshll.u32 s6, $0x1;
	s6 =	sadd.s32 s21, s4  }
0x9e: {  	[timem:s8], [sflag:s22] =	dma.local [hbm:s6], s20  }
0x9f: {  	_ =	swait.ge [sflag:s22], s20  }
0xa0: {  	s5 =	ssub.s32 $0x0, s20;
	[sflag:s22] =	ssyncset.done $0x0  }
0xa1: {  	[sflag:s22] =	ssyncadd.s32 s5;
	_ =	sdelay $0x1  }
0xa2: {  	s23 =	simm.s32 $0x1B8B  }
0xa3: {  	_ =	swait.ge [sflag:s23], $0x1  }
0xa4: {  	[sflag:s23] =	ssyncset.done $0x0  }
0xa5: {  	s25 =	simm.s32 $0x1B8E;
	s24 =	sld [smem:$0x3FFE];
	[sflag:s23] =	ssyncadd.s32 $0xFFFFFFFF  }
0xa6: {  	s26 =	simm.s32 $execute0_lowered;
	[smem:$0x3FD2] =	sst s25  }
0xa7: {  	s6 =	sshll.u32 s26, $0x1;
	_ =	strace $0x80000046;
	[dreg:$0x1] =	wrdreg $0xFFFFFFFF  }
0xa8: {  	s28 =	simm.s32 $_size_execute0_lowered;
	s4 =	sadd.s32 s4, s6;
	[dreg:$0x0] =	wrdreg $0x0  }
0xa9: {  	s6 =	sshll.u32 s28, $0x1;
	[dreg:$0x2] =	wrdreg s4  }
0xaa: {  	[dreg:$0x3] =	wrdreg s6  }
0xab: {  	[dreg:$0x4] =	wrdreg $0xC0  }
0xac: {  	_ =	task [dreg:s8], $0x5FFFF  }
0xad: {  	[dreg:$0x1] =	wrdreg $0xFFFFFFFF  }
0xae: {  	[dreg:$0x0] =	wrdreg $0x60  }
0xaf: {  	[dreg:$0x2] =	wrdreg s2  }
0xb0: {  	[dreg:$0x3] =	wrdreg s18  }
0xb1: {  	[dreg:$0x4] =	wrdreg s24  }
0xb2: {  	[dreg:$0x5] =	wrdreg $0x9  }
0xb3: {  	_ =	task.clear_ibuf [dreg:s8], $0x6FFFF;
	_ =	strace $0x90000046  }
0xb4: {  	s29 =	simm.s32 $0x9;
	_ =	strace $0x80000048  }
0xb5: {  	_ =	swait.ge [sflag:s29], $0x1  }
0xb6: {  	[sflag:s29] =	ssyncadd.s32 $0xFFFFFFFF  }
0xb7: {  	_ =	strace $0x90000048  }
0xb8: {  	_ =	sfence  }
0xb9: {  	s30 =	sld [smem:$0x0];
	_ =	sdelay $0x2  }
0xba: {  	s31 =	sshll.u32 s1, $0xD;
	s1 =	sshrl.u32 s1, $0x2  }
0xbb: {  	s3 =	sand.u32 $0x4000, s31;
	s1 =	sadd.s32 s1, s30  }
0xbc: {  	s0 =	sor.u32 s3, s0;
	s1 =	sshll.u32 s1, $0x11  }
0xbd: {  	s0 =	sor.u32 s1, s0  }
0xbe: {  	s0 =	sadd.s32 $0x8F2B, s0  }
0xbf: {  	[sflag:s0] =	ssyncadd.remote.s32 $0x1  }
0xc0: {  	_ =	sfence.sel $0xFFFF  }
0xc1: {  	[dreg:$0x0] =	wrdreg $0xFFFFFFFF;
	(pc) =	sbr.abs _section_cstart, $3  }
0xc2: {  	[dreg:$0x1] =	wrdreg $0xFFFFFFFF  }
0xc3: {  	_ =	task.clear_ibuf [dreg:s8], $0x2FFFF;
	_ =	strace $0x9FFFFFFF  }
0xc4: {  	(tm) =	ssettm $0x7FFFFFFF  }
0xc5: {  	_ =	shalt  }
tec
execute0_lowered:
.L_overlay_start_1:
0x0: {  	(tag) =	ssettag $0x1  }
0x1: {  	s17 =	rddreg [dreg:$0x0]  }
0x2: {  	s0 =	rddreg [dreg:$0x1]  }
0x3: {  	s1 =	rddreg [dreg:$0x2]  }
0x4: {  	s2 =	srdreg.scid;
	s19 =	simm.s32 $0x0;
	s3 =	stileid.u32  }
0x5: {  	s9 =	simm.s32 $0x3;
	s11 =	simm.s32 $0x1;
	s2 =	sand.u32 $0x1, s2  }
0x6: {  	[smem:$0x7FF] =	sst s19;
	s3 =	sshll.u32 s3, $0x8;
	s4 =	sadd.s32 $0x600, s1  }
0x7: {  	s26 =	sadd.s32 $0x31400, s1;
	s5 =	sshll.u32 s2, $0x7;
	s2 =	ssub.s32 $0x2, s2  }
0x8: {  	_ =	strace $0x80000047;
	s3 =	sor.u32 s5, s3;
	s29 =	sshrl.u32 s2, $0x1  }
.Ltmp0:
0x9: {  	s28 =	sshll.u32 s3, $0x1;
	s3 =	sshrl.u32 s3, $0x3;
	(pc) =	sbr.rel .LBB2_1-.Ltmp0, $4  }
0xa: {  	[dreg:$0x4] =	wrdreg s26;
	s2 =	ssub.s32 s2, s29;
	s0 =	sadd.s32 s0, s3  }
0xb: {  	s1 =	sadd.s32 s28, s1;
	s31 =	smax.u32 s2, $0x1;
	[dreg:$0x5] =	wrdreg s0  }
0xc: {  	s13 =	simm.s32 $0x80;
	s30 =	sadd.s32 $0x31600, s1;
	[dreg:$0x7] =	wrdreg s31  }
0xd: {  	vm0 =	vmmov $0x1;
	s24 =	simm.s32 $0x2;
	s3 =	simm.s32 $0x0;
	[dreg:$0x6] =	wrdreg s30  }
.LBB2_51:
0xe: {  	s3 =	rddreg [dreg:$0x8]  }
.LBB2_52:
0xf: {  	s0 =	rddreg [dreg:$0x6];
	s1 =	simm.s32 $0x11090  }
0x10: {  	[hbm4b:s0+s19] =	stream.linear.scatter [tilespmem:s1], [sflag:$0x3], $0x800, $0x38;
	[tilespmem:$0x118A0] =	vst v63  }
0x11: {  	_ =	swait.ge [sflag:s9], $0x800  }
0x12: {  	s3 =	sadd.s32 $0x1, s3;
	s31 =	rddreg [dreg:$0x7]  }
0x13: {  	p0 =	sne.s32 s3, s31  }
.Ltmp1:
0x14: {  	_ = 	snop;
	(pc) =	sbr.rel @!p0 .LBB2_53-.Ltmp1, $3  }
0x15: {  	_ =	sdelay $0x1  }
0x16: {  	[sflag:s9] =	ssyncset.done $0x0  }
0x17: {  	[sflag:s9] =	ssyncadd.s32 $0xFFFFF800  }
.LBB2_1:
0x18: {  	[dreg:$0x8] =	wrdreg s3  }
0x19: {  	s0 =	rddreg [dreg:$0x5]  }
0x1a: {  	[tilespmem:s19], [sflag:$0x3] =	stream.linear.gather [hbm4b:s0+s19], $0x90, $0x38;
	[tilespmem:$0x118A0] =	vst v63  }
0x1b: {  	_ =	swait.ge [sflag:s9], $0x90  }
0x1c: {  	[sflag:s9] =	ssyncset.done $0x0  }
0x1d: {  	s1 =	simm.s32 $0x11890;
	s25 =	rddreg [dreg:$0x4];
	[sflag:s9] =	ssyncadd.s32 $0xFFFFFF70  }
0x1e: {  	[tilespmem:s1], [sflag:$0x3] =	stream.linear.gather [hbm4b:s25+s19], $0x10, $0x38;
	[tilespmem:$0x118A0] =	vst v63  }
0x1f: {  	_ =	swait.ge [sflag:s9], $0x10  }
0x20: {  	[sflag:s9] =	ssyncset.done $0x0  }
0x21: {  	[sflag:s9] =	ssyncadd.s32 $0xFFFFFFF0  }
0x22: {  	v0 =	vld [tilespmem:$0x0];
	_ =	sdelay $0x4  }
0x23: {  	(v2sf) =	vpush v0, $0x0;
	v0 =	vld [tilespmem:$0x80];
	_ =	sdelay $0x4  }
0x24: {  	(v2sf) =	vpush v0, $0x0;
	_ =	sdelay $0x9  }
0x25: {  	s26 =	simm.s32 $0x90;
	s28 =	simm.s32 $0x1090;
	s23 =	spop (v2sf)  }
0x26: {  	s31 =	simm.s32 $0x110;
	s2 =	simm.s32 $0x1890;
	s8 =	sand.u32 $0xFFFFFFF8, s23  }
0x27: {  	s3 =	simm.s32 $0x2090;
	p0 =	slt.s32 s8, $0xC7800;
	s0 =	smov.u32 s8  }
0x28: {  	s7 =	simm.s32 $0x210;
	s10 =	simm.s32 $0x2890;
	s0 =	simm.s32 @!p0 $0xC7800  }
0x29: {  	s14 =	simm.s32 $0x290;
	s15 =	simm.s32 $0x3090;
	s0 =	sshrl.u32 s0, $0x3  }
0x2a: {  	s18 =	simm.s32 $0x310;
	s6 =	spop (v2sf);
	s0 =	sadd.s32 s17, s0  }
0x2b: {  	v0 =	vld [tilespmem:$0x11890];
	[tilespmem:s26], [sflag:$0x3] =	stream.linear.gather [hbm4b:s0+s19], $0x800, $0x38  }
0x2c: {  	s20 =	simm.s32 $0x3890;
	s30 =	ssub.s32 s6, s8;
	_ =	swait.ge [sflag:s9], $0x800  }
0x2d: {  	s21 =	simm.s32 $0x390;
	s0 =	sadd.s32 $0x7FF, s30;
	[sflag:s9] =	ssyncset.done $0x0  }
0x2e: {  	s22 =	simm.s32 $0x4090;
	s5 =	sand.u32 $0x7FF, s0;
	[sflag:s9] =	ssyncadd.s32 $0xFFFFF800  }
0x2f: {  	[tilespmem:s28], [sflag:$0x1] =	stream.indirect.gather [hbm4b:s4+s13], $0x10, s26, s13, $0xb8;
	[tilespmem:$0x118A0] =	vst v63  }
0x30: {  	s12 =	sshra.s32 s0, $0x1F;
	p4 =	slt.s32 s0, $0x1;
	p1 =	sne.s32 s5, $0x0  }
0x31: {  	[tilespmem:s2], [sflag:$0x1] =	stream.indirect.gather [hbm4b:s4+s13], $0x10, s31, s13, $0xb8;
	[tilespmem:$0x118A0] =	vst v63  }
0x32: {  	s16 =	sshrl.u32 s12, $0x15;
	p0 =	por !p4, !p1;
	s2 =	simm.s32 $0x190  }
0x33: {  	[tilespmem:s3], [sflag:$0x1] =	stream.indirect.gather [hbm4b:s4+s13], $0x10, s2, s13, $0xb8;
	[tilespmem:$0x118A0] =	vst v63  }
0x34: {  	s1 =	simm.s32 $0x1;
	s0 =	sadd.s32 s16, s0;
	p0 =	por !p0, !p0  }
0x35: {  	[tilespmem:s10], [sflag:$0x1] =	stream.indirect.gather [hbm4b:s4+s13], $0x10, s7, s13, $0xb8;
	[tilespmem:$0x118A0] =	vst v63  }
0x36: {  	s25 =	simm.s32 $0x410;
	s0 =	sshra.s32 s0, $0xB;
	s1 =	simm.s32 @!p0 $0x0  }
0x37: {  	[tilespmem:s15], [sflag:$0x1] =	stream.indirect.gather [hbm4b:s4+s13], $0x10, s14, s13, $0xb8;
	[tilespmem:$0x118A0] =	vst v63  }
0x38: {  	s30 =	simm.s32 $0x5090;
	s5 =	simm.s32 $0x6090;
	s0 =	ssub.s32 s0, s1  }
0x39: {  	[tilespmem:s20], [sflag:$0x1] =	stream.indirect.gather [hbm4b:s4+s13], $0x10, s18, s13, $0xb8;
	[tilespmem:$0x118A0] =	vst v63  }
0x3a: {  	s26 =	simm.s32 $0x4890;
	s28 =	simm.s32 $0x490;
	s31 =	sadd.s32 $0x1, s0  }
0x3b: {  	[tilespmem:s22], [sflag:$0x1] =	stream.indirect.gather [hbm4b:s4+s13], $0x10, s21, s13, $0xb8;
	[tilespmem:$0x118A0] =	vst v63  }
0x3c: {  	s16 =	simm.s32 $0x6890;
	s1 =	simm.s32 $0x1;
	s12 =	sand.u32 $0x1, s31  }
0x3d: {  	[tilespmem:s26], [sflag:$0x1] =	stream.indirect.gather [hbm4b:s4+s13], $0x10, s25, s13, $0xb8;
	[tilespmem:$0x118A0] =	vst v63  }
0x3e: {  	p5 =	slt.s32 s0, $0x0;
	s7 =	simm.s32 $0x510;
	p6 =	seq.s32 s12, $0x1  }
0x3f: {  	[tilespmem:s30], [sflag:$0x1] =	stream.indirect.gather [hbm4b:s4+s13], $0x10, s28, s13, $0xb8;
	[tilespmem:$0x118A0] =	vst v63  }
0x40: {  	s10 =	simm.s32 $0x5890;
	p0 =	por !p5, !p6;
	s18 =	sshrl.u32 s31, $0x1F  }
0x41: {  	[tilespmem:s10], [sflag:$0x1] =	stream.indirect.gather [hbm4b:s4+s13], $0x10, s7, s13, $0xb8;
	[tilespmem:$0x118A0] =	vst v63  }
0x42: {  	s14 =	simm.s32 $0x590;
	p0 =	por !p0, !p0;
	s0 =	sadd.s32 s18, s31  }
0x43: {  	[tilespmem:s5], [sflag:$0x1] =	stream.indirect.gather [hbm4b:s4+s13], $0x10, s14, s13, $0xb8;
	[tilespmem:$0x118A0] =	vst v63  }
0x44: {  	s15 =	simm.s32 $0x610;
	s1 =	simm.s32 @!p0 $0x0;
	s0 =	sshra.s32 s0, $0x1  }
0x45: {  	[tilespmem:s16], [sflag:$0x1] =	stream.indirect.gather [hbm4b:s4+s13], $0x10, s15, s13, $0xb8;
	[tilespmem:$0x118A0] =	vst v63  }
0x46: {  	s20 =	simm.s32 $0x690;
	s21 =	simm.s32 $0x7090;
	s29 =	ssub.s32 s0, s1  }
0x47: {  	[tilespmem:s21], [sflag:$0x1] =	stream.indirect.gather [hbm4b:s4+s13], $0x10, s20, s13, $0xb8;
	[tilespmem:$0x118A0] =	vst v63  }
0x48: {  	s22 =	simm.s32 $0x710;
	s25 =	simm.s32 $0x7890;
	p0 =	slt.s32 s29, $0x1  }
0x49: {  	[tilespmem:s25], [sflag:$0x1] =	stream.indirect.gather [hbm4b:s4+s13], $0x10, s22, s13, $0xb8;
	[tilespmem:$0x118A0] =	vst v63  }
.Ltmp2:
0x4a: {  	_ = 	snop;
	(pc) =	sbr.rel @p0 .LBB2_48-.Ltmp2, $4  }
0x4b: {  	s26 =	simm.s32 $0x790;
	s28 =	simm.s32 $0x8090  }
0x4c: {  	[tilespmem:s28], [sflag:$0x1] =	stream.indirect.gather [hbm4b:s4+s13], $0x10, s26, s13, $0xb8;
	[tilespmem:$0x118A0] =	vst v63  }
0x4d: {  	s2 =	simm.s32 $0x0;
	s31 =	simm.s32 $0x8890;
	s30 =	simm.s32 $0x810  }
0x4e: {  	[tilespmem:s31], [sflag:$0x1] =	stream.indirect.gather [hbm4b:s4+s13], $0x10, s30, s13, $0xb8;
	[tilespmem:$0x118A0] =	vst v63  }
.Ltmp3:
0x4f: {  	(pc) =	sbr.rel .LBB2_3-.Ltmp3, $3  }
0x50: {  	_ =	sdelay $0x1  }
0x51: {  	s22 =	sadd.s32 $0x800, s8;
	s30 =	sadd.s32 $0x1000, s8;
	s2 =	simm.s32 $0x0  }
0x52: {  	v1 =	vimm.f32 $0.0e+00;
	s31 =	smov.u32 s8;
	s26 =	simm.s32 $0x0;
	s25 =	smov.u32 s22  }
.LBB2_46:
0x53: {  	v1 =	vadd.f32 v2, v1  }
.LBB2_47:
0x54: {  	s26 =	sadd.s32 $0x1, s26  }
0x55: {  	p0 =	sne.s32 s26, s29  }
.Ltmp4:
0x56: {  	_ = 	snop;
	(pc) =	sbr.rel @!p0 .LBB2_48-.Ltmp4, $2  }
0x57: {  	_ =	sdelay $0x2  }
0x58: {  	s31 =	sadd.s32 $0x1000, s31;
	s25 =	sadd.s32 $0x1000, s25  }
.LBB2_3:
0x59: {  	s7 =	sshll.u32 s26, $0xC  }
0x5a: {  	s0 =	sadd.s32 s7, s22  }
0x5b: {  	p0 =	slt.s32 s0, $0xC7800  }
0x5c: {  	s0 =	simm.s32 @!p0 $0xC7800  }
0x5d: {  	s1 =	sshrl.u32 s0, $0x3  }
0x5e: {  	s3 =	simm.s32 $0x890;
	s1 =	sadd.s32 s17, s1  }
0x5f: {  	[tilespmem:s3], [sflag:$0x3] =	stream.linear.gather [hbm4b:s1+s19], $0x800, $0x38;
	[tilespmem:$0x118A0] =	vst v63  }
0x60: {  	_ =	swait.ge [sflag:s9], $0x800  }
0x61: {  	[sflag:s9] =	ssyncset.done $0x0  }
0x62: {  	s18 =	simm.s32 $0x9090;
	[sflag:s9] =	ssyncadd.s32 $0xFFFFF800  }
0x63: {  	[tilespmem:s18], [sflag:$0x2] =	stream.indirect.gather [hbm4b:s4+s13], $0x10, s3, s13, $0xb8;
	[tilespmem:$0x118A0] =	vst v63  }
0x64: {  	s20 =	simm.s32 $0x910;
	s21 =	simm.s32 $0x9890  }
0x65: {  	[tilespmem:s21], [sflag:$0x2] =	stream.indirect.gather [hbm4b:s4+s13], $0x10, s20, s13, $0xb8;
	[tilespmem:$0x118A0] =	vst v63  }
0x66: {  	s5 =	simm.s32 $0xA090;
	s3 =	simm.s32 $0x990  }
0x67: {  	[tilespmem:s5], [sflag:$0x2] =	stream.indirect.gather [hbm4b:s4+s13], $0x10, s3, s13, $0xb8;
	[tilespmem:$0x118A0] =	vst v63  }
0x68: {  	s10 =	simm.s32 $0xA10;
	s12 =	simm.s32 $0xA890  }
0x69: {  	[tilespmem:s12], [sflag:$0x2] =	stream.indirect.gather [hbm4b:s4+s13], $0x10, s10, s13, $0xb8;
	[tilespmem:$0x118A0] =	vst v63  }
0x6a: {  	s14 =	simm.s32 $0xA90;
	s15 =	simm.s32 $0xB090  }
0x6b: {  	[tilespmem:s15], [sflag:$0x2] =	stream.indirect.gather [hbm4b:s4+s13], $0x10, s14, s13, $0xb8;
	[tilespmem:$0x118A0] =	vst v63  }
0x6c: {  	s16 =	simm.s32 $0xB10;
	s18 =	simm.s32 $0xB890  }
0x6d: {  	[tilespmem:s18], [sflag:$0x2] =	stream.indirect.gather [hbm4b:s4+s13], $0x10, s16, s13, $0xb8;
	[tilespmem:$0x118A0] =	vst v63  }
0x6e: {  	s20 =	simm.s32 $0xB90;
	s21 =	simm.s32 $0xC090  }
0x6f: {  	[tilespmem:s21], [sflag:$0x2] =	stream.indirect.gather [hbm4b:s4+s13], $0x10, s20, s13, $0xb8;
	[tilespmem:$0x118A0] =	vst v63  }
0x70: {  	s3 =	simm.s32 $0xC10;
	s5 =	simm.s32 $0xC890  }
0x71: {  	[tilespmem:s5], [sflag:$0x2] =	stream.indirect.gather [hbm4b:s4+s13], $0x10, s3, s13, $0xb8;
	[tilespmem:$0x118A0] =	vst v63  }
0x72: {  	s10 =	simm.s32 $0xC90;
	s12 =	simm.s32 $0xD090  }
0x73: {  	[tilespmem:s12], [sflag:$0x2] =	stream.indirect.gather [hbm4b:s4+s13], $0x10, s10, s13, $0xb8;
	[tilespmem:$0x118A0] =	vst v63  }
0x74: {  	s14 =	simm.s32 $0xD10;
	s15 =	simm.s32 $0xD890  }
0x75: {  	[tilespmem:s15], [sflag:$0x2] =	stream.indirect.gather [hbm4b:s4+s13], $0x10, s14, s13, $0xb8;
	[tilespmem:$0x118A0] =	vst v63  }
0x76: {  	s16 =	simm.s32 $0xD90;
	s18 =	simm.s32 $0xE090  }
0x77: {  	[tilespmem:s18], [sflag:$0x2] =	stream.indirect.gather [hbm4b:s4+s13], $0x10, s16, s13, $0xb8;
	[tilespmem:$0x118A0] =	vst v63  }
0x78: {  	s20 =	simm.s32 $0xE10;
	s21 =	simm.s32 $0xE890  }
0x79: {  	[tilespmem:s21], [sflag:$0x2] =	stream.indirect.gather [hbm4b:s4+s13], $0x10, s20, s13, $0xb8;
	[tilespmem:$0x118A0] =	vst v63  }
0x7a: {  	s3 =	simm.s32 $0xE90;
	s5 =	simm.s32 $0xF090  }
0x7b: {  	[tilespmem:s5], [sflag:$0x2] =	stream.indirect.gather [hbm4b:s4+s13], $0x10, s3, s13, $0xb8;
	[tilespmem:$0x118A0] =	vst v63  }
0x7c: {  	s10 =	simm.s32 $0xF10;
	s12 =	simm.s32 $0xF890  }
0x7d: {  	[tilespmem:s12], [sflag:$0x2] =	stream.indirect.gather [hbm4b:s4+s13], $0x10, s10, s13, $0xb8;
	[tilespmem:$0x118A0] =	vst v63  }
0x7e: {  	s14 =	simm.s32 $0xF90;
	s15 =	simm.s32 $0x10090  }
0x7f: {  	[tilespmem:s15], [sflag:$0x2] =	stream.indirect.gather [hbm4b:s4+s13], $0x10, s14, s13, $0xb8;
	[tilespmem:$0x118A0] =	vst v63  }
0x80: {  	s16 =	simm.s32 $0x1010;
	s18 =	simm.s32 $0x10890  }
0x81: {  	[tilespmem:s18], [sflag:$0x2] =	stream.indirect.gather [hbm4b:s4+s13], $0x10, s16, s13, $0xb8;
	[tilespmem:$0x118A0] =	vst v63  }
0x82: {  	_ =	swait.ge [sflag:s11], $0x8000  }
0x83: {  	[sflag:s11] =	ssyncset.done $0x0  }
0x84: {  	s18 =	sadd.s32 s8, s7;
	[sflag:s11] =	ssyncadd.s32 $0xFFFF8000  }
0x85: {  	p0 =	slt.s32 s18, $0xC7800;
	v2 =	vld [tilespmem:$0x0]  }
0x86: {  	s18 =	simm.s32 @!p0 $0xC7800;
	v3 =	vld [tilespmem:$0x10]  }
0x87: {  	s1 =	sadd.s32 $0x800, s18;
	v4 =	vld [tilespmem:$0x20]  }
0x88: {  	s5 =	smov.u32 s6;
	p0 =	slt.s32 s1, s6;
	v5 =	vld [tilespmem:$0x30]  }
0x89: {  	v6 =	vld [tilespmem:$0x40];
	s5 =	smov.u32 @p0 s1  }
0x8a: {  	v59 =	vld [tilespmem:$0x70];
	vm1 =	vle.s32 v2, s5  }
0x8b: {  	v2 =	vld [tilespmem:$0x50];
	v7 =	vmpcnt.ones.xlane vm1;
	vm1 =	vle.s32 v3, s5  }
0x8c: {  	v3 =	vld [tilespmem:$0x60];
	v8 =	vmpcnt.ones.xlane vm1;
	vm1 =	vle.s32 v4, s5  }
0x8d: {  	v61 =	vld [tilespmem:$0x80];
	(v2sf) =	vpush v7, $0x0;
	v60 =	vmpcnt.ones.xlane vm1;
	vm1 =	vle.s32 v5, s5  }
0x8e: {  	(v2sf) =	vpush v8, $0x0;
	v62 =	vmpcnt.ones.xlane vm1  }
0x8f: {  	vm2 =	vle.s32 v6, s5;
	(v2sf) =	vpush v60, $0x0  }
0x90: {  	v63 =	vmpcnt.ones.xlane vm2;
	vm1 =	vle.s32 v2, s5;
	(v2sf) =	vpush v62, $0x0  }
0x91: {  	vm2 =	vle.s32 v3, s5;
	v2 =	vmpcnt.ones.xlane vm1;
	vm1 =	vle.s32 v59, s5  }
0x92: {  	(v2sf) =	vpush v63, $0x0;
	v3 =	vmpcnt.ones.xlane vm2;
	vm2 =	vle.s32 v61, s5  }
0x93: {  	v4 =	vmpcnt.ones.xlane vm1;
	(v2sf) =	vpush v2, $0x0;
	vm1 =	vmand vm2, vm0  }
0x94: {  	(v2sf) =	vpush v3, $0x0;
	v2 =	vmpcnt.ones.xlane vm1  }
0x95: {  	(v2sf) =	vpush v4, $0x0  }
0x96: {  	(v2sf) =	vpush v2, $0x0;
	_ =	sdelay $0x6  }
0x97: {  	s20 =	spop (v2sf)  }
0x98: {  	s21 =	spop (v2sf)  }
0x99: {  	s10 =	spop (v2sf);
	s1 =	sadd.s32 s21, s20  }
0x9a: {  	s12 =	spop (v2sf);
	s1 =	sadd.s32 s10, s1  }
0x9b: {  	s14 =	spop (v2sf);
	s1 =	sadd.s32 s12, s1  }
0x9c: {  	s15 =	spop (v2sf);
	s1 =	sadd.s32 s14, s1  }
0x9d: {  	s16 =	spop (v2sf);
	s1 =	sadd.s32 s15, s1  }
0x9e: {  	s20 =	spop (v2sf);
	s1 =	sadd.s32 s16, s1  }
0x9f: {  	s21 =	spop (v2sf);
	s1 =	sadd.s32 s20, s1  }
0xa0: {  	s1 =	sadd.s32 s21, s1  }
0xa1: {  	s10 =	sadd.s32 $0xFFFFFFFF, s1  }
0xa2: {  	p1 =	sge.s32 s2, s10  }
.Ltmp5:
0xa3: {  	_ = 	snop;
	(pc) =	sbr.rel @p1 .LBB2_16-.Ltmp5, $4  }
0xa4: {  	_ = 	snop  }
0xa5: {  	s28 =	smov.u32 s31;
	p0 =	slt.s32 s31, $0xC7800  }
0xa6: {  	s28 =	simm.s32 @!p0 $0xC7800;
	p0 =	sgt.s32 s23, s18;
	s15 =	smov.u32 s18  }
0xa7: {  	s15 =	smov.u32 @p0 s23;
	s23 =	sshll.u32 s28, $0x6  }
.Ltmp6:
0xa8: {  	(pc) =	sbr.rel .LBB2_5-.Ltmp6, $4  }
0xa9: {  	_ = 	snop  }
0xaa: {  	s1 =	ssub.s32 $0x0, s23  }
0xab: {  	s1 =	sshra.s32 s1, $0x2  }
0xac: {  	s16 =	ssub.s32 $0x0, s28;
	s17 =	sadd.s32 $0x10D0, s1  }
.LBB2_13:
0xad: {  	v1 =	vadd.f32 v2, v1  }
.LBB2_14:
0xae: {  	s1 =	ssub.s32 s14, s19  }
0xaf: {  	s1 =	scvt.s32.f32 s1;
	_ =	sdelay $0x1  }
0xb0: {  	v2 =	vmov s1  }
0xb1: {  	v2 =	vmax.f32 v2, $1.000000000e+00  }
0xb2: {  	v2 =	vbroadcast v2, $0x0;
	_ =	sdelay $0x1  }
0xb3: {  	(erf) = vrcp.f32 v2;
	_ =	sdelay $0x7  }
0xb4: {  	s21 =	sshll.u32 s2, $0x6;
	s2 =	sadd.s32 $0x1, s2  }
0xb5: {  	p0 =	slt.s32 s2, s10;
	v2 =	vpop (erf)  }
.Ltmp7:
0xb6: {  	v1 =	vmul.f32 v1, v2;
	(pc) =	sbr.rel @!p0 .LBB2_15-.Ltmp7, $4  }
0xb7: {  	_ = 	snop  }
0xb8: {  	v1 =	vadd.f32 v1, v0  }
0xb9: {  	s1 =	sshra.s32 s21, $0x2  }
0xba: {  	s15 =	smov.u32 s14;
	[tilespmem:s1+$0x11090] =	vst v1;
	v1 =	vimm.f32 $0.0e+00  }
.LBB2_5:
0xbb: {  	v2 =	vld [tilespmem:s2+$0x0];
	_ =	sdelay $0x4  }
0xbc: {  	(v2sf) =	vpush v2, $0x0  }
0xbd: {  	(v2sf) =	vpush v2, $0x1;
	_ =	sdelay $0xd  }
0xbe: {  	s19 =	spop (v2sf)  }
0xbf: {  	s14 =	spop (v2sf)  }
0xc0: {  	s1 =	ssub.s32 s15, s18;
	s20 =	ssub.s32 s14, s18  }
0xc1: {  	s21 =	ssub.s32 s20, s1  }
0xc2: {  	p0 =	sgt.s32 s21, $0x0  }
0xc3: {  	p1 =	slt.s32 s21, $0x1;
	s21 =	simm.s32 @!p0 $0x0  }
0xc4: {  	s3 =	sand.u32 $0x7, s21  }
0xc5: {  	p6 =	sne.s32 s3, $0x0  }
0xc6: {  	p0 =	por !p1, !p6  }
0xc7: {  	s3 =	simm.s32 $0x1;
	p0 =	por !p0, !p0  }
0xc8: {  	s12 =	sshrl.u32 s21, $0x3;
	s3 =	simm.s32 @!p0 $0x0  }
0xc9: {  	s3 =	ssub.s32 s12, s3  }
0xca: {  	p0 =	slt.s32 s3, $0x1  }
.Ltmp8:
0xcb: {  	_ = 	snop;
	(pc) =	sbr.rel @p0 .LBB2_6-.Ltmp8, $1  }
0xcc: {  	_ =	sdelay $0x3  }
0xcd: {  	s12 =	sshll.u32 s15, $0x6  }
0xce: {  	s12 =	sshra.s32 s12, $0x2  }
0xcf: {  	s12 =	sadd.s32 s12, s17  }
0xd0: {  	p0 =	sne.s32 s3, $0x1;
	v3 =	vld [tilespmem:s12+$0x0]  }
.Ltmp9:
0xd1: {  	v2 =	vld [tilespmem:s12+$0x10];
	(pc) =	sbr.rel @!p0 .LBB2_9-.Ltmp9, $4  }
0xd2: {  	v4 =	vld [tilespmem:s12+$0xFFFFFFC0]  }
0xd3: {  	v5 =	vld [tilespmem:s12+$0xFFFFFFD0]  }
0xd4: {  	v7 =	vld [tilespmem:s12+$0xFFFFFFE0]  }
0xd5: {  	v6 =	vimm.f32 $0.0e+00;
	s3 =	sadd.s32 $0xFFFFFFFF, s3;
	v9 =	vimm.f32 $0.0e+00;
	v10 =	vimm.f32 $0.0e+00;
	v8 =	vld [tilespmem:s12+$0xFFFFFFF0]  }
.LBB2_8:
0xd6: {  	p0 =	sne.s32 s3, $0x1;
	v11 =	vld [tilespmem:s12+$0x20];
	v12 =	vmov v2  }
0xd7: {  	v13 =	vld [tilespmem:s12+$0x30];
	s12 =	sadd.s32 $0x80, s12  }
0xd8: {  	v14 =	vld [tilespmem:s12+$0x0]  }
.Ltmp10:
0xd9: {  	v1 =	vadd.f32 v4, v1;
	v6 =	vadd.f32 v5, v6;
	v2 =	vld [tilespmem:s12+$0x10];
	(pc) =	sbr.rel @p0 .LBB2_8-.Ltmp10, $4  }
0xda: {  	v9 =	vadd.f32 v7, v9;
	v4 =	vld [tilespmem:s12+$0xFFFFFFC0];
	v8 =	vadd.f32 v8, v10  }
0xdb: {  	v1 =	vadd.f32 v3, v1;
	v6 =	vadd.f32 v12, v6;
	v5 =	vld [tilespmem:s12+$0xFFFFFFD0]  }
0xdc: {  	v9 =	vadd.f32 v11, v9;
	v7 =	vld [tilespmem:s12+$0xFFFFFFE0];
	v10 =	vadd.f32 v13, v8  }
0xdd: {  	s3 =	sadd.s32 $0xFFFFFFFF, s3;
	v8 =	vld [tilespmem:s12+$0xFFFFFFF0];
	v3 =	vmov v14  }
.LBB2_9:
0xde: {  	v11 =	vld [tilespmem:s12+$0x20]  }
0xdf: {  	v12 =	vld [tilespmem:s12+$0x30];
	_ =	sdelay $0x2  }
.Ltmp11:
0xe0: {  	v7 =	vadd.f32 v7, v9;
	v8 =	vadd.f32 v8, v10;
	(pc) =	sbr.rel .LBB2_10-.Ltmp11, $4  }
0xe1: {  	v1 =	vadd.f32 v4, v1;
	v4 =	vadd.f32 v5, v6  }
0xe2: {  	v5 =	vadd.f32 v11, v7;
	v63 =	vadd.f32 v12, v8  }
0xe3: {  	v1 =	vadd.f32 v3, v1  }
0xe4: {  	v3 =	vadd.f32 v2, v4;
	v2 =	vadd.f32 v63, v5  }
.LBB2_6:
0xe5: {  	v3 =	vimm.f32 $0.0e+00;
	v2 =	vimm.f32 $0.0e+00  }
.LBB2_10:
0xe6: {  	s3 =	sand.u32 $0x7FFFFFF8, s21  }
0xe7: {  	s1 =	sadd.s32 s1, s3  }
0xe8: {  	p0 =	sge.s32 s1, s20  }
.Ltmp12:
0xe9: {  	_ = 	snop;
	(pc) =	sbr.rel @p0 .LBB2_14-.Ltmp12, $3  }
0xea: {  	_ = 	snop  }
0xeb: {  	v1 =	vadd.f32 v3, v1;
	_ =	sdelay $0x1  }
0xec: {  	v1 =	vadd.f32 v2, v1  }
0xed: {  	s12 =	sadd.s32 s15, s16  }
0xee: {  	s3 =	sadd.s32 s3, s12  }
0xef: {  	s3 =	sshll.u32 s3, $0x6  }
0xf0: {  	s1 =	sadd.s32 $0x1, s1;
	s3 =	sshra.s32 s3, $0x2  }
0xf1: {  	p0 =	slt.s32 s1, s20;
	s3 =	sadd.s32 $0x1090, s3  }
.Ltmp13:
0xf2: {  	v2 =	vld [tilespmem:s3+$0x0];
	(pc) =	sbr.rel @!p0 .LBB2_13-.Ltmp13, $1  }
0xf3: {  	_ =	sdelay $0x3  }
.LBB2_12:
0xf4: {  	s1 =	sadd.s32 $0x1, s1  }
0xf5: {  	p0 =	slt.s32 s1, s20  }
.Ltmp14:
0xf6: {  	_ = 	snop;
	(pc) =	sbr.rel @p0 .LBB2_12-.Ltmp14, $3  }
0xf7: {  	_ =	sdelay $0x1  }
0xf8: {  	v1 =	vadd.f32 v2, v1;
	s3 =	sadd.s32 $0x10, s3  }
0xf9: {  	v2 =	vld [tilespmem:s3+$0x0]  }
.Ltmp15:
0xfa: {  	_ = 	snop;
	(pc) =	sbr.rel .LBB2_13-.Ltmp15, $1  }
0xfb: {  	_ =	sdelay $0x3  }
.LBB2_15:
0xfc: {  	p0 =	sgt.s32 s14, s18;
	s15 =	smov.u32 s18  }
0xfd: {  	v1 =	vimm.f32 $0.0e+00;
	s17 =	rddreg [dreg:$0x0];
	s19 =	simm.s32 $0x0;
	s15 =	smov.u32 @p0 s14  }
.LBB2_16:
0xfe: {  	s14 =	ssub.s32 s15, s18;
	s2 =	ssub.s32 s5, s18  }
0xff: {  	s1 =	ssub.s32 s2, s14  }
0x100: {  	p0 =	sgt.s32 s1, $0x0  }
0x101: {  	p1 =	slt.s32 s1, $0x1;
	s1 =	simm.s32 @!p0 $0x0  }
0x102: {  	s3 =	sand.u32 $0x7, s1  }
0x103: {  	p6 =	sne.s32 s3, $0x0  }
0x104: {  	p0 =	por !p1, !p6  }
0x105: {  	s3 =	simm.s32 $0x1;
	p0 =	por !p0, !p0  }
0x106: {  	s12 =	sshrl.u32 s1, $0x3;
	s3 =	simm.s32 @!p0 $0x0  }
0x107: {  	s16 =	ssub.s32 s12, s3  }
0x108: {  	p0 =	slt.s32 s16, $0x1  }
.Ltmp16:
0x109: {  	_ = 	snop;
	(pc) =	sbr.rel @p0 .LBB2_17-.Ltmp16, $1  }
0x10a: {  	_ =	sdelay $0x3  }
0x10b: {  	s3 =	sshll.u32 s15, $0x6  }
0x10c: {  	s3 =	ssub.s32 s3, s23  }
0x10d: {  	s3 =	sshra.s32 s3, $0x2  }
0x10e: {  	s3 =	sadd.s32 $0x10D0, s3  }
0x10f: {  	v2 =	vld [tilespmem:s3+$0x0]  }
0x110: {  	v4 =	vld [tilespmem:s3+$0x10]  }
0x111: {  	p0 =	sgt.s32 s16, $0x1;
	v3 =	vld [tilespmem:s3+$0xFFFFFFC0]  }
.Ltmp17:
0x112: {  	v5 =	vld [tilespmem:s3+$0xFFFFFFD0];
	(pc) =	sbr.rel @!p0 .LBB2_20-.Ltmp17, $4  }
0x113: {  	v7 =	vld [tilespmem:s3+$0xFFFFFFE0]  }
0x114: {  	v9 =	vld [tilespmem:s3+$0xFFFFFFF0]  }
0x115: {  	v6 =	vld [tilespmem:s3+$0x20]  }
0x116: {  	v8 =	vimm.f32 $0.0e+00;
	s12 =	simm.s32 $0x1;
	v11 =	vimm.f32 $0.0e+00;
	v12 =	vimm.f32 $0.0e+00;
	v10 =	vld [tilespmem:s3+$0x30];
	s3 =	sadd.s32 $0x80, s3  }
.LBB2_19:
0x117: {  	v13 =	vld [tilespmem:s3+$0x0]  }
0x118: {  	v1 =	vadd.f32 v3, v1;
	v8 =	vadd.f32 v5, v8;
	s12 =	sadd.s32 $0x1, s12;
	v14 =	vld [tilespmem:s3+$0x10]  }
0x119: {  	v11 =	vadd.f32 v7, v11;
	p0 =	slt.s32 s12, s16;
	v3 =	vld [tilespmem:s3+$0xFFFFFFC0];
	v9 =	vadd.f32 v9, v12  }
.Ltmp18:
0x11a: {  	v1 =	vadd.f32 v2, v1;
	v8 =	vadd.f32 v4, v8;
	v5 =	vld [tilespmem:s3+$0xFFFFFFD0];
	(pc) =	sbr.rel @p0 .LBB2_19-.Ltmp18, $4  }
0x11b: {  	v11 =	vadd.f32 v6, v11;
	v7 =	vld [tilespmem:s3+$0xFFFFFFE0];
	v12 =	vadd.f32 v10, v9  }
0x11c: {  	v9 =	vld [tilespmem:s3+$0xFFFFFFF0];
	v2 =	vmov v13  }
0x11d: {  	v6 =	vld [tilespmem:s3+$0x20];
	v4 =	vmov v14  }
0x11e: {  	v10 =	vld [tilespmem:s3+$0x30];
	s3 =	sadd.s32 $0x80, s3  }
.LBB2_20:
0x11f: {  	_ =	sdelay $0x1  }
.Ltmp19:
0x120: {  	v7 =	vadd.f32 v7, v11;
	v9 =	vadd.f32 v9, v12;
	(pc) =	sbr.rel .LBB2_21-.Ltmp19, $4  }
0x121: {  	v1 =	vadd.f32 v3, v1;
	v3 =	vadd.f32 v5, v8  }
0x122: {  	v5 =	vadd.f32 v6, v7;
	v63 =	vadd.f32 v10, v9  }
0x123: {  	v1 =	vadd.f32 v2, v1  }
0x124: {  	v3 =	vadd.f32 v4, v3;
	v2 =	vadd.f32 v63, v5  }
.LBB2_17:
0x125: {  	v3 =	vimm.f32 $0.0e+00;
	v2 =	vimm.f32 $0.0e+00  }
.LBB2_21:
0x126: {  	s1 =	sand.u32 $0x7FFFFFF8, s1  }
0x127: {  	s1 =	sadd.s32 s14, s1  }
0x128: {  	p0 =	sge.s32 s1, s2  }
.Ltmp20:
0x129: {  	_ = 	snop;
	(pc) =	sbr.rel @p0 .LBB2_25-.Ltmp20, $3  }
0x12a: {  	_ = 	snop  }
0x12b: {  	v1 =	vadd.f32 v3, v1;
	_ =	sdelay $0x1  }
0x12c: {  	v1 =	vadd.f32 v2, v1  }
0x12d: {  	s3 =	sadd.s32 $0x800, s28  }
0x12e: {  	p0 =	slt.s32 s6, s3  }
0x12f: {  	s3 =	smov.u32 @p0 s6  }
0x130: {  	s3 =	ssub.s32 s3, s15  }
0x131: {  	p0 =	sgt.s32 s3, $0x0  }
0x132: {  	s3 =	simm.s32 @!p0 $0x0  }
0x133: {  	s1 =	sadd.s32 $0x1, s1;
	s3 =	sand.u32 $0x3FFFFF8, s3  }
0x134: {  	p0 =	slt.s32 s1, s2;
	s3 =	sadd.s32 s3, s15  }
.Ltmp21:
0x135: {  	s3 =	ssub.s32 s3, s28;
	(pc) =	sbr.rel @!p0 .LBB2_24-.Ltmp21, $4  }
0x136: {  	s3 =	sshll.u32 s3, $0x6  }
0x137: {  	s3 =	sshra.s32 s3, $0x2  }
0x138: {  	s3 =	sadd.s32 $0x1090, s3  }
0x139: {  	v2 =	vld [tilespmem:s3+$0x0]  }
.LBB2_23:
0x13a: {  	s1 =	sadd.s32 $0x1, s1  }
0x13b: {  	p0 =	slt.s32 s1, s2  }
.Ltmp22:
0x13c: {  	_ = 	snop;
	(pc) =	sbr.rel @p0 .LBB2_23-.Ltmp22, $3  }
0x13d: {  	_ =	sdelay $0x1  }
0x13e: {  	s3 =	sadd.s32 $0x10, s3;
	v1 =	vadd.f32 v2, v1  }
0x13f: {  	v2 =	vld [tilespmem:s3+$0x0]  }
.LBB2_24:
0x140: {  	_ =	sdelay $0x3  }
0x141: {  	v1 =	vadd.f32 v2, v1  }
.LBB2_25:
0x142: {  	s1 =	sadd.s32 s7, s30  }
0x143: {  	p0 =	slt.s32 s1, $0xC7800  }
0x144: {  	s1 =	simm.s32 @!p0 $0xC7800  }
0x145: {  	s1 =	sshrl.u32 s1, $0x3  }
0x146: {  	s2 =	simm.s32 $0x90;
	s1 =	sadd.s32 s17, s1  }
0x147: {  	[tilespmem:s2], [sflag:$0x3] =	stream.linear.gather [hbm4b:s1+s19], $0x800, $0x38;
	[tilespmem:$0x118A0] =	vst v63  }
0x148: {  	_ =	swait.ge [sflag:s9], $0x800  }
0x149: {  	[sflag:s9] =	ssyncset.done $0x0  }
0x14a: {  	s18 =	simm.s32 $0x1090;
	[sflag:s9] =	ssyncadd.s32 $0xFFFFF800  }
0x14b: {  	[tilespmem:s18], [sflag:$0x1] =	stream.indirect.gather [hbm4b:s4+s13], $0x10, s2, s13, $0xb8;
	[tilespmem:$0x118A0] =	vst v63  }
0x14c: {  	s20 =	simm.s32 $0x110;
	s21 =	simm.s32 $0x1890  }
0x14d: {  	[tilespmem:s21], [sflag:$0x1] =	stream.indirect.gather [hbm4b:s4+s13], $0x10, s20, s13, $0xb8;
	[tilespmem:$0x118A0] =	vst v63  }
0x14e: {  	s23 =	simm.s32 $0x190;
	s28 =	simm.s32 $0x2090  }
0x14f: {  	[tilespmem:s28], [sflag:$0x1] =	stream.indirect.gather [hbm4b:s4+s13], $0x10, s23, s13, $0xb8;
	[tilespmem:$0x118A0] =	vst v63  }
0x150: {  	s3 =	simm.s32 $0x2890;
	s2 =	simm.s32 $0x210  }
0x151: {  	[tilespmem:s3], [sflag:$0x1] =	stream.indirect.gather [hbm4b:s4+s13], $0x10, s2, s13, $0xb8;
	[tilespmem:$0x118A0] =	vst v63  }
0x152: {  	s7 =	simm.s32 $0x290;
	s12 =	simm.s32 $0x3090  }
0x153: {  	[tilespmem:s12], [sflag:$0x1] =	stream.indirect.gather [hbm4b:s4+s13], $0x10, s7, s13, $0xb8;
	[tilespmem:$0x118A0] =	vst v63  }
0x154: {  	s14 =	simm.s32 $0x310;
	s15 =	simm.s32 $0x3890  }
0x155: {  	[tilespmem:s15], [sflag:$0x1] =	stream.indirect.gather [hbm4b:s4+s13], $0x10, s14, s13, $0xb8;
	[tilespmem:$0x118A0] =	vst v63  }
0x156: {  	s16 =	simm.s32 $0x390;
	s18 =	simm.s32 $0x4090  }
0x157: {  	[tilespmem:s18], [sflag:$0x1] =	stream.indirect.gather [hbm4b:s4+s13], $0x10, s16, s13, $0xb8;
	[tilespmem:$0x118A0] =	vst v63  }
0x158: {  	s20 =	simm.s32 $0x410;
	s21 =	simm.s32 $0x4890  }
0x159: {  	[tilespmem:s21], [sflag:$0x1] =	stream.indirect.gather [hbm4b:s4+s13], $0x10, s20, s13, $0xb8;
	[tilespmem:$0x118A0] =	vst v63  }
0x15a: {  	s23 =	simm.s32 $0x490;
	s28 =	simm.s32 $0x5090  }
0x15b: {  	[tilespmem:s28], [sflag:$0x1] =	stream.indirect.gather [hbm4b:s4+s13], $0x10, s23, s13, $0xb8;
	[tilespmem:$0x118A0] =	vst v63  }
0x15c: {  	s2 =	simm.s32 $0x510;
	s3 =	simm.s32 $0x5890  }
0x15d: {  	[tilespmem:s3], [sflag:$0x1] =	stream.indirect.gather [hbm4b:s4+s13], $0x10, s2, s13, $0xb8;
	[tilespmem:$0x118A0] =	vst v63  }
0x15e: {  	s7 =	simm.s32 $0x590;
	s12 =	simm.s32 $0x6090  }
0x15f: {  	[tilespmem:s12], [sflag:$0x1] =	stream.indirect.gather [hbm4b:s4+s13], $0x10, s7, s13, $0xb8;
	[tilespmem:$0x118A0] =	vst v63  }
0x160: {  	s14 =	simm.s32 $0x610;
	s15 =	simm.s32 $0x6890  }
0x161: {  	[tilespmem:s15], [sflag:$0x1] =	stream.indirect.gather [hbm4b:s4+s13], $0x10, s14, s13, $0xb8;
	[tilespmem:$0x118A0] =	vst v63  }
0x162: {  	s16 =	simm.s32 $0x690;
	s18 =	simm.s32 $0x7090  }
0x163: {  	[tilespmem:s18], [sflag:$0x1] =	stream.indirect.gather [hbm4b:s4+s13], $0x10, s16, s13, $0xb8;
	[tilespmem:$0x118A0] =	vst v63  }
0x164: {  	s20 =	simm.s32 $0x710;
	s21 =	simm.s32 $0x7890  }
0x165: {  	[tilespmem:s21], [sflag:$0x1] =	stream.indirect.gather [hbm4b:s4+s13], $0x10, s20, s13, $0xb8;
	[tilespmem:$0x118A0] =	vst v63  }
0x166: {  	s23 =	simm.s32 $0x790;
	s28 =	simm.s32 $0x8090  }
0x167: {  	[tilespmem:s28], [sflag:$0x1] =	stream.indirect.gather [hbm4b:s4+s13], $0x10, s23, s13, $0xb8;
	[tilespmem:$0x118A0] =	vst v63  }
0x168: {  	s3 =	simm.s32 $0x810;
	s7 =	simm.s32 $0x8890  }
0x169: {  	[tilespmem:s7], [sflag:$0x1] =	stream.indirect.gather [hbm4b:s4+s13], $0x10, s3, s13, $0xb8;
	[tilespmem:$0x118A0] =	vst v63  }
0x16a: {  	_ =	swait.ge [sflag:s24], $0x8000  }
0x16b: {  	[sflag:s24] =	ssyncset.done $0x0  }
0x16c: {  	[sflag:s24] =	ssyncadd.s32 $0xFFFF8000  }
0x16d: {  	v2 =	vld [tilespmem:$0x0]  }
0x16e: {  	v3 =	vld [tilespmem:$0x10]  }
0x16f: {  	s1 =	sadd.s32 $0x800, s0;
	v4 =	vld [tilespmem:$0x20]  }
0x170: {  	p0 =	slt.s32 s1, s6;
	s23 =	smov.u32 s6;
	v5 =	vld [tilespmem:$0x30]  }
0x171: {  	s23 =	smov.u32 @p0 s1;
	v6 =	vld [tilespmem:$0x40]  }
0x172: {  	v59 =	vld [tilespmem:$0x70];
	vm1 =	vle.s32 v2, s23  }
0x173: {  	v2 =	vld [tilespmem:$0x50];
	v7 =	vmpcnt.ones.xlane vm1;
	vm1 =	vle.s32 v3, s23  }
0x174: {  	v3 =	vld [tilespmem:$0x60];
	v8 =	vmpcnt.ones.xlane vm1;
	vm1 =	vle.s32 v4, s23  }
0x175: {  	v61 =	vld [tilespmem:$0x80];
	(v2sf) =	vpush v7, $0x0;
	v60 =	vmpcnt.ones.xlane vm1;
	vm1 =	vle.s32 v5, s23  }
0x176: {  	(v2sf) =	vpush v8, $0x0;
	v62 =	vmpcnt.ones.xlane vm1  }
0x177: {  	vm2 =	vle.s32 v6, s23;
	(v2sf) =	vpush v60, $0x0  }
0x178: {  	v63 =	vmpcnt.ones.xlane vm2;
	vm1 =	vle.s32 v2, s23;
	(v2sf) =	vpush v62, $0x0  }
0x179: {  	vm2 =	vle.s32 v3, s23;
	v2 =	vmpcnt.ones.xlane vm1;
	vm1 =	vle.s32 v59, s23  }
0x17a: {  	(v2sf) =	vpush v63, $0x0;
	v3 =	vmpcnt.ones.xlane vm2;
	vm2 =	vle.s32 v61, s23  }
0x17b: {  	v4 =	vmpcnt.ones.xlane vm1;
	(v2sf) =	vpush v2, $0x0;
	vm1 =	vmand vm2, vm0  }
0x17c: {  	(v2sf) =	vpush v3, $0x0;
	v2 =	vmpcnt.ones.xlane vm1  }
0x17d: {  	(v2sf) =	vpush v4, $0x0  }
0x17e: {  	(v2sf) =	vpush v2, $0x0;
	_ =	sdelay $0x6  }
0x17f: {  	s12 =	spop (v2sf)  }
0x180: {  	s14 =	spop (v2sf)  }
0x181: {  	s3 =	spop (v2sf);
	s1 =	sadd.s32 s14, s12  }
0x182: {  	s15 =	spop (v2sf);
	s1 =	sadd.s32 s3, s1  }
0x183: {  	s16 =	spop (v2sf);
	s1 =	sadd.s32 s15, s1  }
0x184: {  	s18 =	spop (v2sf);
	s1 =	sadd.s32 s16, s1  }
0x185: {  	s20 =	spop (v2sf);
	s1 =	sadd.s32 s18, s1  }
0x186: {  	s21 =	spop (v2sf);
	s1 =	sadd.s32 s20, s1  }
0x187: {  	s28 =	spop (v2sf);
	s1 =	sadd.s32 s21, s1  }
0x188: {  	s1 =	sadd.s32 s28, s1  }
0x189: {  	s2 =	sadd.s32 $0xFFFFFFFF, s1  }
0x18a: {  	p1 =	sge.s32 s10, s2  }
.Ltmp23:
0x18b: {  	_ = 	snop;
	(pc) =	sbr.rel @p1 .LBB2_38-.Ltmp23, $4  }
0x18c: {  	_ = 	snop  }
0x18d: {  	p0 =	slt.s32 s25, $0xC7800;
	s7 =	smov.u32 s25  }
0x18e: {  	s7 =	simm.s32 @!p0 $0xC7800;
	p0 =	sgt.s32 s5, s0;
	s14 =	smov.u32 s0  }
0x18f: {  	s14 =	smov.u32 @p0 s5;
	s5 =	sshll.u32 s7, $0x6  }
.Ltmp24:
0x190: {  	(pc) =	sbr.rel .LBB2_27-.Ltmp24, $4  }
0x191: {  	_ = 	snop  }
0x192: {  	s1 =	ssub.s32 $0x0, s5  }
0x193: {  	s1 =	sshra.s32 s1, $0x2  }
0x194: {  	s15 =	ssub.s32 $0x0, s7;
	s16 =	sadd.s32 $0x90D0, s1  }
.LBB2_35:
0x195: {  	v1 =	vadd.f32 v2, v1  }
.LBB2_36:
0x196: {  	s1 =	ssub.s32 s17, s18  }
0x197: {  	s1 =	scvt.s32.f32 s1;
	_ =	sdelay $0x1  }
0x198: {  	v2 =	vmov s1  }
0x199: {  	v2 =	vmax.f32 v2, $1.000000000e+00  }
0x19a: {  	v2 =	vbroadcast v2, $0x0;
	_ =	sdelay $0x1  }
0x19b: {  	(erf) = vrcp.f32 v2;
	_ =	sdelay $0x7  }
0x19c: {  	s28 =	sshll.u32 s10, $0x6;
	s10 =	sadd.s32 $0x1, s10  }
0x19d: {  	p0 =	slt.s32 s10, s2;
	v2 =	vpop (erf)  }
.Ltmp25:
0x19e: {  	v1 =	vmul.f32 v1, v2;
	(pc) =	sbr.rel @!p0 .LBB2_37-.Ltmp25, $4  }
0x19f: {  	_ = 	snop  }
0x1a0: {  	v1 =	vadd.f32 v1, v0  }
0x1a1: {  	s1 =	sshra.s32 s28, $0x2  }
0x1a2: {  	s14 =	smov.u32 s17;
	[tilespmem:s1+$0x11090] =	vst v1;
	v1 =	vimm.f32 $0.0e+00  }
.LBB2_27:
0x1a3: {  	v2 =	vld [tilespmem:s10+$0x0];
	_ =	sdelay $0x4  }
0x1a4: {  	(v2sf) =	vpush v2, $0x0  }
0x1a5: {  	(v2sf) =	vpush v2, $0x1;
	_ =	sdelay $0xd  }
0x1a6: {  	s18 =	spop (v2sf)  }
0x1a7: {  	s17 =	spop (v2sf)  }
0x1a8: {  	s1 =	ssub.s32 s14, s0;
	s19 =	ssub.s32 s17, s0  }
0x1a9: {  	s20 =	ssub.s32 s19, s1  }
0x1aa: {  	p0 =	sgt.s32 s20, $0x0  }
0x1ab: {  	p1 =	slt.s32 s20, $0x1;
	s20 =	simm.s32 @!p0 $0x0  }
0x1ac: {  	s3 =	sand.u32 $0x7, s20  }
0x1ad: {  	p6 =	sne.s32 s3, $0x0  }
0x1ae: {  	p0 =	por !p1, !p6  }
0x1af: {  	s3 =	simm.s32 $0x1;
	p0 =	por !p0, !p0  }
0x1b0: {  	s12 =	sshrl.u32 s20, $0x3;
	s3 =	simm.s32 @!p0 $0x0  }
0x1b1: {  	s3 =	ssub.s32 s12, s3  }
0x1b2: {  	p0 =	slt.s32 s3, $0x1  }
.Ltmp26:
0x1b3: {  	_ = 	snop;
	(pc) =	sbr.rel @p0 .LBB2_28-.Ltmp26, $1  }
0x1b4: {  	_ =	sdelay $0x3  }
0x1b5: {  	s12 =	sshll.u32 s14, $0x6  }
0x1b6: {  	s12 =	sshra.s32 s12, $0x2  }
0x1b7: {  	s12 =	sadd.s32 s12, s16  }
0x1b8: {  	p0 =	sne.s32 s3, $0x1;
	v3 =	vld [tilespmem:s12+$0x0]  }
.Ltmp27:
0x1b9: {  	v2 =	vld [tilespmem:s12+$0x10];
	(pc) =	sbr.rel @!p0 .LBB2_31-.Ltmp27, $4  }
0x1ba: {  	v4 =	vld [tilespmem:s12+$0xFFFFFFC0]  }
0x1bb: {  	v5 =	vld [tilespmem:s12+$0xFFFFFFD0]  }
0x1bc: {  	v7 =	vld [tilespmem:s12+$0xFFFFFFE0]  }
0x1bd: {  	v6 =	vimm.f32 $0.0e+00;
	s3 =	sadd.s32 $0xFFFFFFFF, s3;
	v9 =	vimm.f32 $0.0e+00;
	v10 =	vimm.f32 $0.0e+00;
	v8 =	vld [tilespmem:s12+$0xFFFFFFF0]  }
.LBB2_30:
0x1be: {  	p0 =	sne.s32 s3, $0x1;
	v11 =	vld [tilespmem:s12+$0x20];
	v12 =	vmov v2  }
0x1bf: {  	v13 =	vld [tilespmem:s12+$0x30];
	s12 =	sadd.s32 $0x80, s12  }
0x1c0: {  	v14 =	vld [tilespmem:s12+$0x0]  }
.Ltmp28:
0x1c1: {  	v1 =	vadd.f32 v4, v1;
	v6 =	vadd.f32 v5, v6;
	v2 =	vld [tilespmem:s12+$0x10];
	(pc) =	sbr.rel @p0 .LBB2_30-.Ltmp28, $4  }
0x1c2: {  	v9 =	vadd.f32 v7, v9;
	v4 =	vld [tilespmem:s12+$0xFFFFFFC0];
	v8 =	vadd.f32 v8, v10  }
0x1c3: {  	v1 =	vadd.f32 v3, v1;
	v6 =	vadd.f32 v12, v6;
	v5 =	vld [tilespmem:s12+$0xFFFFFFD0]  }
0x1c4: {  	v9 =	vadd.f32 v11, v9;
	v7 =	vld [tilespmem:s12+$0xFFFFFFE0];
	v10 =	vadd.f32 v13, v8  }
0x1c5: {  	s3 =	sadd.s32 $0xFFFFFFFF, s3;
	v8 =	vld [tilespmem:s12+$0xFFFFFFF0];
	v3 =	vmov v14  }
.LBB2_31:
0x1c6: {  	v11 =	vld [tilespmem:s12+$0x20]  }
0x1c7: {  	v12 =	vld [tilespmem:s12+$0x30];
	_ =	sdelay $0x2  }
.Ltmp29:
0x1c8: {  	v7 =	vadd.f32 v7, v9;
	v8 =	vadd.f32 v8, v10;
	(pc) =	sbr.rel .LBB2_32-.Ltmp29, $4  }
0x1c9: {  	v1 =	vadd.f32 v4, v1;
	v4 =	vadd.f32 v5, v6  }
0x1ca: {  	v5 =	vadd.f32 v11, v7;
	v63 =	vadd.f32 v12, v8  }
0x1cb: {  	v1 =	vadd.f32 v3, v1  }
0x1cc: {  	v3 =	vadd.f32 v2, v4;
	v2 =	vadd.f32 v63, v5  }
.LBB2_28:
0x1cd: {  	v3 =	vimm.f32 $0.0e+00;
	v2 =	vimm.f32 $0.0e+00  }
.LBB2_32:
0x1ce: {  	s3 =	sand.u32 $0x7FFFFFF8, s20  }
0x1cf: {  	s1 =	sadd.s32 s1, s3  }
0x1d0: {  	p0 =	sge.s32 s1, s19  }
.Ltmp30:
0x1d1: {  	_ = 	snop;
	(pc) =	sbr.rel @p0 .LBB2_36-.Ltmp30, $3  }
0x1d2: {  	_ = 	snop  }
0x1d3: {  	v1 =	vadd.f32 v3, v1;
	_ =	sdelay $0x1  }
0x1d4: {  	v1 =	vadd.f32 v2, v1  }
0x1d5: {  	s12 =	sadd.s32 s14, s15  }
0x1d6: {  	s3 =	sadd.s32 s3, s12  }
0x1d7: {  	s3 =	sshll.u32 s3, $0x6  }
0x1d8: {  	s1 =	sadd.s32 $0x1, s1;
	s3 =	sshra.s32 s3, $0x2  }
0x1d9: {  	p0 =	slt.s32 s1, s19;
	s3 =	sadd.s32 $0x9090, s3  }
.Ltmp31:
0x1da: {  	v2 =	vld [tilespmem:s3+$0x0];
	(pc) =	sbr.rel @!p0 .LBB2_35-.Ltmp31, $1  }
0x1db: {  	_ =	sdelay $0x3  }
.LBB2_34:
0x1dc: {  	s1 =	sadd.s32 $0x1, s1  }
0x1dd: {  	p0 =	slt.s32 s1, s19  }
.Ltmp32:
0x1de: {  	_ = 	snop;
	(pc) =	sbr.rel @p0 .LBB2_34-.Ltmp32, $3  }
0x1df: {  	_ =	sdelay $0x1  }
0x1e0: {  	v1 =	vadd.f32 v2, v1;
	s3 =	sadd.s32 $0x10, s3  }
0x1e1: {  	v2 =	vld [tilespmem:s3+$0x0]  }
.Ltmp33:
0x1e2: {  	_ = 	snop;
	(pc) =	sbr.rel .LBB2_35-.Ltmp33, $1  }
0x1e3: {  	_ =	sdelay $0x3  }
.LBB2_37:
0x1e4: {  	p0 =	sgt.s32 s17, s0;
	s14 =	smov.u32 s0  }
0x1e5: {  	v1 =	vimm.f32 $0.0e+00;
	s19 =	simm.s32 $0x0;
	s14 =	smov.u32 @p0 s17;
	s17 =	rddreg [dreg:$0x0]  }
.LBB2_38:
0x1e6: {  	s10 =	ssub.s32 s14, s0;
	s0 =	ssub.s32 s23, s0  }
0x1e7: {  	s1 =	ssub.s32 s0, s10  }
0x1e8: {  	p0 =	sgt.s32 s1, $0x0  }
0x1e9: {  	p1 =	slt.s32 s1, $0x1;
	s1 =	simm.s32 @!p0 $0x0  }
0x1ea: {  	s3 =	sand.u32 $0x7, s1  }
0x1eb: {  	p6 =	sne.s32 s3, $0x0  }
0x1ec: {  	p0 =	por !p1, !p6  }
0x1ed: {  	s3 =	simm.s32 $0x1;
	p0 =	por !p0, !p0  }
0x1ee: {  	s12 =	sshrl.u32 s1, $0x3;
	s3 =	simm.s32 @!p0 $0x0  }
0x1ef: {  	s15 =	ssub.s32 s12, s3  }
0x1f0: {  	p0 =	slt.s32 s15, $0x1  }
.Ltmp34:
0x1f1: {  	_ = 	snop;
	(pc) =	sbr.rel @p0 .LBB2_39-.Ltmp34, $1  }
0x1f2: {  	_ =	sdelay $0x3  }
0x1f3: {  	s3 =	sshll.u32 s14, $0x6  }
0x1f4: {  	s3 =	ssub.s32 s3, s5  }
0x1f5: {  	s3 =	sshra.s32 s3, $0x2  }
0x1f6: {  	s3 =	sadd.s32 $0x90D0, s3  }
0x1f7: {  	v2 =	vld [tilespmem:s3+$0x0]  }
0x1f8: {  	v4 =	vld [tilespmem:s3+$0x10]  }
0x1f9: {  	p0 =	sgt.s32 s15, $0x1;
	v3 =	vld [tilespmem:s3+$0xFFFFFFC0]  }
.Ltmp35:
0x1fa: {  	v5 =	vld [tilespmem:s3+$0xFFFFFFD0];
	(pc) =	sbr.rel @!p0 .LBB2_42-.Ltmp35, $4  }
0x1fb: {  	v7 =	vld [tilespmem:s3+$0xFFFFFFE0]  }
0x1fc: {  	v9 =	vld [tilespmem:s3+$0xFFFFFFF0]  }
0x1fd: {  	v6 =	vld [tilespmem:s3+$0x20]  }
0x1fe: {  	v8 =	vimm.f32 $0.0e+00;
	v11 =	vimm.f32 $0.0e+00;
	v12 =	vimm.f32 $0.0e+00;
	s5 =	simm.s32 $0x1;
	v10 =	vld [tilespmem:s3+$0x30];
	s3 =	sadd.s32 $0x80, s3  }
.LBB2_41:
0x1ff: {  	v13 =	vld [tilespmem:s3+$0x0]  }
0x200: {  	v1 =	vadd.f32 v3, v1;
	v8 =	vadd.f32 v5, v8;
	s5 =	sadd.s32 $0x1, s5;
	v14 =	vld [tilespmem:s3+$0x10]  }
0x201: {  	v11 =	vadd.f32 v7, v11;
	p0 =	slt.s32 s5, s15;
	v3 =	vld [tilespmem:s3+$0xFFFFFFC0];
	v9 =	vadd.f32 v9, v12  }
.Ltmp36:
0x202: {  	v1 =	vadd.f32 v2, v1;
	v8 =	vadd.f32 v4, v8;
	v5 =	vld [tilespmem:s3+$0xFFFFFFD0];
	(pc) =	sbr.rel @p0 .LBB2_41-.Ltmp36, $4  }
0x203: {  	v11 =	vadd.f32 v6, v11;
	v7 =	vld [tilespmem:s3+$0xFFFFFFE0];
	v12 =	vadd.f32 v10, v9  }
0x204: {  	v9 =	vld [tilespmem:s3+$0xFFFFFFF0];
	v2 =	vmov v13  }
0x205: {  	v6 =	vld [tilespmem:s3+$0x20];
	v4 =	vmov v14  }
0x206: {  	v10 =	vld [tilespmem:s3+$0x30];
	s3 =	sadd.s32 $0x80, s3  }
.LBB2_42:
0x207: {  	_ =	sdelay $0x1  }
.Ltmp37:
0x208: {  	v7 =	vadd.f32 v7, v11;
	v9 =	vadd.f32 v9, v12;
	(pc) =	sbr.rel .LBB2_43-.Ltmp37, $4  }
0x209: {  	v1 =	vadd.f32 v3, v1;
	v3 =	vadd.f32 v5, v8  }
0x20a: {  	v5 =	vadd.f32 v6, v7;
	v63 =	vadd.f32 v10, v9  }
0x20b: {  	v1 =	vadd.f32 v2, v1  }
0x20c: {  	v3 =	vadd.f32 v4, v3;
	v2 =	vadd.f32 v63, v5  }
.LBB2_39:
0x20d: {  	v3 =	vimm.f32 $0.0e+00;
	v2 =	vimm.f32 $0.0e+00  }
.LBB2_43:
0x20e: {  	s1 =	sand.u32 $0x7FFFFFF8, s1  }
0x20f: {  	s1 =	sadd.s32 s10, s1  }
0x210: {  	p0 =	sge.s32 s1, s0  }
.Ltmp38:
0x211: {  	_ = 	snop;
	(pc) =	sbr.rel @p0 .LBB2_47-.Ltmp38, $3  }
0x212: {  	_ = 	snop  }
0x213: {  	v1 =	vadd.f32 v3, v1;
	_ =	sdelay $0x1  }
0x214: {  	v1 =	vadd.f32 v2, v1  }
0x215: {  	s3 =	sadd.s32 $0x800, s7  }
0x216: {  	p0 =	slt.s32 s6, s3  }
0x217: {  	s3 =	smov.u32 @p0 s6  }
0x218: {  	s3 =	ssub.s32 s3, s14  }
0x219: {  	p0 =	sgt.s32 s3, $0x0  }
0x21a: {  	s3 =	simm.s32 @!p0 $0x0  }
0x21b: {  	s3 =	sand.u32 $0x3FFFFF8, s3  }
0x21c: {  	s3 =	sadd.s32 s3, s14  }
0x21d: {  	s3 =	ssub.s32 s3, s7  }
0x21e: {  	s3 =	sshll.u32 s3, $0x6  }
0x21f: {  	s1 =	sadd.s32 $0x1, s1;
	s3 =	sshra.s32 s3, $0x2  }
0x220: {  	p0 =	slt.s32 s1, s0;
	s3 =	sadd.s32 $0x9090, s3  }
.Ltmp39:
0x221: {  	v2 =	vld [tilespmem:s3+$0x0];
	(pc) =	sbr.rel @!p0 .LBB2_46-.Ltmp39, $1  }
0x222: {  	_ =	sdelay $0x3  }
.LBB2_45:
0x223: {  	s1 =	sadd.s32 $0x1, s1  }
0x224: {  	p0 =	slt.s32 s1, s0  }
.Ltmp40:
0x225: {  	_ = 	snop;
	(pc) =	sbr.rel @p0 .LBB2_45-.Ltmp40, $3  }
0x226: {  	_ =	sdelay $0x1  }
0x227: {  	v1 =	vadd.f32 v2, v1;
	s3 =	sadd.s32 $0x10, s3  }
0x228: {  	v2 =	vld [tilespmem:s3+$0x0]  }
.Ltmp41:
0x229: {  	_ = 	snop;
	(pc) =	sbr.rel .LBB2_46-.Ltmp41, $1  }
0x22a: {  	_ =	sdelay $0x3  }
.LBB2_48:
0x22b: {  	p0 =	sgt.s32 s2, $0x7F  }
.Ltmp42:
0x22c: {  	_ = 	snop;
	(pc) =	sbr.rel @p0 .LBB2_52-.Ltmp42, $4  }
0x22d: {  	_ = 	snop  }
0x22e: {  	_ =	swait.ge [sflag:s11], $0x8000  }
0x22f: {  	[sflag:s11] =	ssyncset.done $0x0  }
0x230: {  	s3 =	rddreg [dreg:$0x8];
	[sflag:s11] =	ssyncadd.s32 $0xFFFF8000  }
0x231: {  	s1 =	ssub.s32 $0x80, s2  }
0x232: {  	p0 =	sne.s32 s1, $0x1  }
.Ltmp43:
0x233: {  	_ = 	snop;
	(pc) =	sbr.rel @!p0 .LBB2_51-.Ltmp43, $4  }
0x234: {  	s0 =	sshll.u32 s2, $0x6  }
0x235: {  	s0 =	sshra.s32 s0, $0x2  }
0x236: {  	s0 =	sadd.s32 $0x11090, s0  }
0x237: {  	s1 =	sadd.s32 $0xFFFFFFFF, s1;
	[tilespmem:s0+$0x0] =	vst v0  }
.LBB2_50:
0x238: {  	p0 =	sne.s32 s1, $0x1  }
.Ltmp44:
0x239: {  	_ = 	snop;
	(pc) =	sbr.rel @p0 .LBB2_50-.Ltmp44, $3  }
0x23a: {  	_ =	sdelay $0x1  }
0x23b: {  	s1 =	sadd.s32 $0xFFFFFFFF, s1;
	s0 =	sadd.s32 $0x10, s0  }
0x23c: {  	[tilespmem:s0+$0x0] =	vst v0  }
.Ltmp45:
0x23d: {  	_ = 	snop;
	(pc) =	sbr.rel .LBB2_51-.Ltmp45, $1  }
0x23e: {  	_ =	sdelay $0x3  }
.LBB2_53:
0x23f: {  	_ =	sfence.sel $0x180000  }
0x240: {  	[bflag:$0x0] =	sbarrier.arrive $0xFFFF  }
0x241: {  	_ =	strace $0x90000047  }
0x242: {  	s0 =	stileid.u32;
	[bflag:$0x2] =	sbarrier.arrive $0xFFFF  }
0x243: {  	p0 =	sne.s32 s0, $0x0;
	s0 =	rddreg [dreg:$0x3]  }
0x244: {  	s0 =	sadd.s32 @!p0 $0x100000, s0  }
0x245: {  	[sflag:s0] =	ssyncadd.tile.s32 @!p0 $0x1;
	_ =	shalt  }
.Lfunc_end2:
_tile_overlayer_lowered:
.L_overlay_start_2:
0x246: {  	(tag) =	ssettag $0x2  }
0x247: {  	s0 =	rddreg [dreg:$0x0];
	s2 =	stileid.u32  }
0x248: {  	s1 =	rddreg [dreg:$0x1];
	p0 =	sne.s32 s2, $0x0  }
0x249: {  	s3 =	rddreg [dreg:$0x2];
	[bflag:$0x3] =	sbarrier.arrive $0xFFFF;
	s2 =	simm.s32 @!p0 $0x1C03  }
0x24a: {  	[timem:s3], [sflag:s2] =	dma.local @!p0 [hbm:s0], s1  }
0x24b: {  	s0 =	simm.s32 @!p0 $0x3  }
0x24c: {  	_ =	swait.ge @!p0 [sflag:s0], s1  }
0x24d: {  	s1 =	ssub.s32 @!p0 $0x0, s1;
	[sflag:s0] =	ssyncset.done @!p0 $0x0  }
0x24e: {  	[sflag:s0] =	ssyncadd.s32 @!p0 s1  }
0x24f: {  	[bflag:$0x3] =	sbarrier.arrive $0xFFFF  }
0x250: {  	_ =	shalt  }

</sc_bundles>
